<compile_context>
chip_gen: v7x
topology: tpu7x:2x2x1
jax: 0.10.2.dev20260603
libtpu: 0.0.44.dev20260713+nightly
codegen_flags: <defaults>
</compile_context>

<pallas_src>
import functools

import jax
import jax.numpy as jnp
from jax.experimental import pallas as pl
from jax.experimental.pallas import tpu as pltpu
from jax.experimental.pallas import tpu_sc as plsc

E = 8
K = 2
R = 16
DIN = 2048
DOUT = 2048
ER = E * R
SCALING = 32.0 / 16.0

N_TOK = 4096
_NC = 2
_NS = 16
_NW = _NC * _NS
_TOKS_PER_W = N_TOK // _NW
_GROUPS = _TOKS_PER_W // 16


def _expand_eye_matrix():
    col = jax.lax.broadcasted_iota(jnp.int32, (E, ER + E), 1)
    row = jax.lax.broadcasted_iota(jnp.int32, (E, ER + E), 0)
    expand = jnp.logical_and(col < ER, col // R == row)
    eye = col - ER == row
    return jnp.logical_or(expand, eye).astype(jnp.float32)


def _haux_kernel(x_ref, aw_ref, h_ref, gate_ref, gatet_ref):
    xt = x_ref[...]
    haux = jax.lax.dot_general(
        xt, aw_ref[...], (((1,), (1,)), ((), ())),
        preferred_element_type=jnp.float32)
    h_ref[...] = haux[:, :ER]
    gate_ref[...] = haux[:, ER:ER + E]
    gatet_ref[...] = jax.lax.dot_general(
        aw_ref[ER:ER + E, :], xt, (((1,), (1,)), ((), ())),
        preferred_element_type=jnp.float32)


def _sc_routing_kernel(gatet_hbm, rwt_hbm, g_v, o_v):
    wid = jax.lax.axis_index("s") * _NC + jax.lax.axis_index("c")
    base = wid * _TOKS_PER_W
    pltpu.sync_copy(gatet_hbm.at[:, pl.ds(base, _TOKS_PER_W)], g_v)
    for grp in range(_GROUPS):
        sl = pl.ds(grp * 16, 16)
        g = [g_v[e, sl] for e in range(E)]
        m = g[0]
        for e in range(1, E):
            m = jnp.maximum(m, g[e])
        p = [jnp.exp(g[e] - m) for e in range(E)]
        s = p[0]
        for e in range(1, E):
            s = s + p[e]
        probs = [p[e] / s for e in range(E)]
        m1 = probs[0]
        for e in range(1, E):
            m1 = jnp.maximum(m1, probs[e])
        i1 = jnp.full((16,), E, jnp.int32)
        for e in range(E - 1, -1, -1):
            i1 = jnp.where(probs[e] == m1, e, i1)
        p2 = [jnp.where(i1 == e, jnp.float32(-1.0), probs[e])
              for e in range(E)]
        m2 = p2[0]
        for e in range(1, E):
            m2 = jnp.maximum(m2, p2[e])
        i2 = jnp.full((16,), E, jnp.int32)
        for e in range(E - 1, -1, -1):
            i2 = jnp.where(p2[e] == m2, e, i2)
        denom = m1 + m2 + jnp.float32(1e-9)
        r1 = m1 / denom
        r2 = m2 / denom
        zero = jnp.zeros((16,), jnp.float32)
        for e in range(E):
            o_v[e, sl] = (jnp.where(i1 == e, r1, zero)
                          + jnp.where(i2 == e, r2, zero))
    pltpu.sync_copy(o_v, rwt_hbm.at[:, pl.ds(base, _TOKS_PER_W)])


_sc_routing = functools.partial(
    pl.kernel,
    out_type=jax.ShapeDtypeStruct((E, N_TOK), jnp.float32),
    mesh=plsc.VectorSubcoreMesh(core_axis_name="c", subcore_axis_name="s"),
    scratch_types=[
        pltpu.VMEM((E, _TOKS_PER_W), jnp.float32),
        pltpu.VMEM((E, _TOKS_PER_W), jnp.float32),
    ],
)(_sc_routing_kernel)


def _main_kernel(x_ref, w_ref, b_ref, h_ref, rwt_ref, b3_ref,
                 out_ref, rw_ref):
    rwx = jax.lax.dot_general(
        rwt_ref[...], _expand_eye_matrix(), (((0,), (0,)), ((), ())),
        preferred_element_type=jnp.float32)
    rw_ref[...] = rwx[:, ER:ER + E]
    hp = h_ref[...] * rwx[:, :ER] * SCALING
    out = jax.lax.dot_general(
        x_ref[...], w_ref[...], (((1,), (1,)), ((), ())),
        preferred_element_type=jnp.float32)
    out += b_ref[...]
    out += jax.lax.dot_general(
        hp, b3_ref[...], (((1,), (0,)), ((), ())),
        preferred_element_type=jnp.float32)
    out_ref[...] = out


@jax.jit
def kernel(x, W, b, Wr, A, Bm):
    Bsz, S, _ = x.shape
    N = Bsz * S
    x_flat = x.reshape(N, DIN)
    A2 = A.reshape(ER, DIN)
    AW = jnp.concatenate([A2, Wr], axis=0)
    B3 = Bm.transpose(0, 2, 1).reshape(ER, DOUT)
    b2d = b.reshape(1, DOUT)

    TN = 512
    grid = (N // TN,)

    h, gate, gate_t = pl.pallas_call(
        _haux_kernel,
        grid=grid,
        in_specs=[
            pl.BlockSpec((TN, DIN), lambda i: (i, 0)),
            pl.BlockSpec((ER + E, DIN), lambda i: (0, 0)),
        ],
        out_specs=[
            pl.BlockSpec((TN, ER), lambda i: (i, 0)),
            pl.BlockSpec((TN, E), lambda i: (i, 0)),
            pl.BlockSpec((E, TN), lambda i: (0, i)),
        ],
        out_shape=[
            jax.ShapeDtypeStruct((N, ER), jnp.float32),
            jax.ShapeDtypeStruct((N, E), jnp.float32),
            jax.ShapeDtypeStruct((E, N), jnp.float32),
        ],
        compiler_params=pltpu.CompilerParams(
            dimension_semantics=("parallel",)),
    )(x_flat, AW)

    rw_t = _sc_routing(gate_t)

    out, rw = pl.pallas_call(
        _main_kernel,
        grid=grid,
        in_specs=[
            pl.BlockSpec((TN, DIN), lambda i: (i, 0)),
            pl.BlockSpec((DOUT, DIN), lambda i: (0, 0)),
            pl.BlockSpec((1, DOUT), lambda i: (0, 0)),
            pl.BlockSpec((TN, ER), lambda i: (i, 0)),
            pl.BlockSpec((E, TN), lambda i: (0, i)),
            pl.BlockSpec((ER, DOUT), lambda i: (0, 0)),
        ],
        out_specs=[
            pl.BlockSpec((TN, DOUT), lambda i: (i, 0)),
            pl.BlockSpec((TN, E), lambda i: (i, 0)),
        ],
        out_shape=[
            jax.ShapeDtypeStruct((N, DOUT), jnp.float32),
            jax.ShapeDtypeStruct((N, E), jnp.float32),
        ],
        compiler_params=pltpu.CompilerParams(
            dimension_semantics=("parallel",)),
    )(x_flat, W, b2d, h, rw_t, B3)

    return (out.reshape(Bsz, S, DOUT),
            rw.reshape(Bsz, S, E),
            gate.reshape(Bsz, S, E))

# --- scband reference (transcript-rebuilt; emitter-appended) ---
"""Pipeline reference for scband-lora-model-51677046505966 (READ-ONLY COPY).

The authoritative reference and input builder live on the scoring server;
editing this copy changes nothing except your own understanding.
"""

import jax, jax.numpy as jnp
import numpy as np

E = 8
K = 2
R = 16
DIN = 2048
DOUT = 2048
SCALING = 32.0 / 16.0


def setup_inputs(seed: int = 0) -> dict:
    key = jax.random.key(seed)
    ks = jax.random.split(key, 6)
    x = jax.random.normal(ks[0], (2, 2048, DIN), dtype=jnp.float32)
    W = jax.random.normal(ks[1], (DOUT, DIN), dtype=jnp.float32) * 0.02
    b = jnp.zeros((DOUT,), dtype=jnp.float32)
    Wr = jax.random.normal(ks[2], (E, DIN), dtype=jnp.float32) * 0.02
    A = jax.random.normal(ks[3], (E, R, DIN), dtype=jnp.float32) * 0.02
    Bm = jax.random.normal(ks[4], (E, DOUT, R), dtype=jnp.float32) * 0.02
    return {"x": x, "W": W, "b": b, "Wr": Wr, "A": A, "Bm": Bm}


def reference(x, W, b, Wr, A, Bm):
    # base = F.linear(x, weight, bias)
    base = jnp.einsum('bsi,oi->bso', x, W) + b
    # router: gate_score = lora_route(x)
    gate = jnp.einsum('bsi,ei->bse', x, Wr)
    probs = jax.nn.softmax(gate.astype(jnp.float32), axis=-1)
    topk_vals, topk_idx = jax.lax.top_k(probs, K)
    # topk_renorm (k < lora_nums)
    topk_vals = topk_vals / (jnp.sum(topk_vals, axis=-1, keepdims=True) + 1e-9)
    # dense routing_weight via scatter of topk vals (indices are distinct -> sum of one-hots == scatter set)
    routing_weight = jnp.sum(jax.nn.one_hot(topk_idx, E, dtype=base.dtype) * topk_vals[..., None].astype(base.dtype), axis=-2)
    Bsz, S, _ = x.shape
    N = Bsz * S
    x_flat = x.reshape(N, DIN).astype(jnp.float32)
    rw_flat = routing_weight.reshape(N, E).astype(jnp.float32)
    # per-expert weighted accumulation; tokens with zero routing weight contribute zero
    accum = jnp.zeros((N, DOUT), dtype=jnp.float32)
    for e in range(E):
        h = jnp.einsum('ni,ri->nr', x_flat, A[e])
        out_e = jnp.einsum('nr,or->no', h, Bm[e])
        accum = accum + out_e * rw_flat[:, e:e + 1]
    result = base + accum.reshape(Bsz, S, DOUT).astype(base.dtype) * SCALING
    return result, routing_weight, gate

if __name__ == "__main__":
    import jax
    _d = setup_inputs()
    print(jax.jit(kernel)(*tuple(_d.values())))

</pallas_src>

<mosaic_0001>
#map = affine_map<(d0, d1) -> (0, 0)>
module attributes {stable_mosaic.version = 14 : i64} {
  func.func @_sc_routing_kernel(%arg0: i32, %arg1: i32, %arg2: memref<8x4096xf32, #tpu.memory_space<hbm>>, %arg3: memref<8x4096xf32, #tpu.memory_space<hbm>>, %arg4: memref<8x128xf32, #tpu.memory_space<vmem>>, %arg5: memref<8x128xf32, #tpu.memory_space<vmem>>) attributes {dimension_semantics = [#tpu.dimension_semantics<core_parallel>, #tpu.dimension_semantics<subcore_parallel>], iteration_bounds = array<i64: 2, 16>, scalar_prefetch = 0 : i64, scratch_operands = 2 : i64, tpu.core_type = #tpu.core_type<sc_vector_subcore>, window_params = [{transform_indices = #map}, {transform_indices = #map}]} {
    %mul3A = arith.constant 2 : i32
    %mul3A_0 = arith.muli %arg1, %mul3A : i32
    %add3A = arith.addi %mul3A_0, %arg0 : i32
    %mul3A_1 = arith.constant 128 : i32
    %mul3A_2 = arith.muli %add3A, %mul3A_1 : i32
    "tpu.region"() ({
      %run_scoped3A = tpu.sem_alloc : memref<!tpu.dma_semaphore, #tpu.memory_space<semaphore_mem>>
      %dma_start3A = arith.constant 0 : i32
      %dma_start3A_2681 = tpu.memref_slice %arg2[%dma_start3A, %mul3A_2] : memref<8x4096xf32, #tpu.memory_space<hbm>> -> memref<8x128xf32, #tpu.memory_space<hbm>>
      %dma_start3A_2682 = arith.constant 0 : i32
      %dma_start3A_2683 = tpu.memref_slice %arg2[%dma_start3A_2682, %mul3A_2] : memref<8x4096xf32, #tpu.memory_space<hbm>> -> memref<8x128xf32, #tpu.memory_space<hbm>>
      tpu.enqueue_dma source(%dma_start3A_2683 : memref<8x128xf32, #tpu.memory_space<hbm>>) target(%arg4 : memref<8x128xf32, #tpu.memory_space<vmem>>) target_semaphore(%run_scoped3A : memref<!tpu.dma_semaphore, #tpu.memory_space<semaphore_mem>>)
      %dma_wait3A = arith.constant 0 : i32
      %dma_wait3A_2684 = tpu.memref_slice %arg2[%dma_wait3A, %mul3A_2] : memref<8x4096xf32, #tpu.memory_space<hbm>> -> memref<8x128xf32, #tpu.memory_space<hbm>>
      %dma_wait3A_2685 = arith.constant 0 : i32
      %dma_wait3A_2686 = tpu.memref_slice %arg2[%dma_wait3A_2685, %mul3A_2] : memref<8x4096xf32, #tpu.memory_space<hbm>> -> memref<8x128xf32, #tpu.memory_space<hbm>>
      tpu.wait_dma2 semaphore(%run_scoped3A : memref<!tpu.dma_semaphore, #tpu.memory_space<semaphore_mem>>) src(%dma_wait3A_2686 : memref<8x128xf32, #tpu.memory_space<hbm>>) dst(%arg4 : memref<8x128xf32, #tpu.memory_space<vmem>>)
      tpu.yield
    }) : () -> ()
    %get3A = arith.constant 0 : i32
    %get3A_3 = arith.index_cast %get3A : i32 to index
    %get3A_4 = arith.constant 0 : index
    %get3A_5 = tpu.vector_load %arg4[%get3A_3, %get3A_4] {strides = array<i32>} : memref<8x128xf32, #tpu.memory_space<vmem>>, vector<1x16xf32>,
    %get3A_6 = vector.shape_cast %get3A_5 : vector<1x16xf32> to vector<16xf32>
    %get3A_7 = arith.constant 1 : i32
    %get3A_8 = arith.index_cast %get3A_7 : i32 to index
    %get3A_9 = arith.constant 0 : index
    %get3A_10 = tpu.vector_load %arg4[%get3A_8, %get3A_9] {strides = array<i32>} : memref<8x128xf32, #tpu.memory_space<vmem>>, vector<1x16xf32>,
    %get3A_11 = vector.shape_cast %get3A_10 : vector<1x16xf32> to vector<16xf32>
    %get3A_12 = arith.constant 2 : i32
    %get3A_13 = arith.index_cast %get3A_12 : i32 to index
    %get3A_14 = arith.constant 0 : index
    %get3A_15 = tpu.vector_load %arg4[%get3A_13, %get3A_14] {strides = array<i32>} : memref<8x128xf32, #tpu.memory_space<vmem>>, vector<1x16xf32>,
    %get3A_16 = vector.shape_cast %get3A_15 : vector<1x16xf32> to vector<16xf32>
    %get3A_17 = arith.constant 3 : i32
    %get3A_18 = arith.index_cast %get3A_17 : i32 to index
    %get3A_19 = arith.constant 0 : index
    %get3A_20 = tpu.vector_load %arg4[%get3A_18, %get3A_19] {strides = array<i32>} : memref<8x128xf32, #tpu.memory_space<vmem>>, vector<1x16xf32>,
    %get3A_21 = vector.shape_cast %get3A_20 : vector<1x16xf32> to vector<16xf32>
    %get3A_22 = arith.constant 4 : i32
    %get3A_23 = arith.index_cast %get3A_22 : i32 to index
    %get3A_24 = arith.constant 0 : index
    %get3A_25 = tpu.vector_load %arg4[%get3A_23, %get3A_24] {strides = array<i32>} : memref<8x128xf32, #tpu.memory_space<vmem>>, vector<1x16xf32>,
    %get3A_26 = vector.shape_cast %get3A_25 : vector<1x16xf32> to vector<16xf32>
    %get3A_27 = arith.constant 5 : i32
    %get3A_28 = arith.index_cast %get3A_27 : i32 to index
    %get3A_29 = arith.constant 0 : index
    %get3A_30 = tpu.vector_load %arg4[%get3A_28, %get3A_29] {strides = array<i32>} : memref<8x128xf32, #tpu.memory_space<vmem>>, vector<1x16xf32>,
    %get3A_31 = vector.shape_cast %get3A_30 : vector<1x16xf32> to vector<16xf32>
    %get3A_32 = arith.constant 6 : i32
    %get3A_33 = arith.index_cast %get3A_32 : i32 to index
    %get3A_34 = arith.constant 0 : index
    %get3A_35 = tpu.vector_load %arg4[%get3A_33, %get3A_34] {strides = array<i32>} : memref<8x128xf32, #tpu.memory_space<vmem>>, vector<1x16xf32>,
    %get3A_36 = vector.shape_cast %get3A_35 : vector<1x16xf32> to vector<16xf32>
    %get3A_37 = arith.constant 7 : i32
    %get3A_38 = arith.index_cast %get3A_37 : i32 to index
    %get3A_39 = arith.constant 0 : index
    %get3A_40 = tpu.vector_load %arg4[%get3A_38, %get3A_39] {strides = array<i32>} : memref<8x128xf32, #tpu.memory_space<vmem>>, vector<1x16xf32>,
    %get3A_41 = vector.shape_cast %get3A_40 : vector<1x16xf32> to vector<16xf32>
    %max3A = arith.maximumf %get3A_6, %get3A_11 : vector<16xf32>
    %max3A_42 = arith.maximumf %max3A, %get3A_16 : vector<16xf32>
    %max3A_43 = arith.maximumf %max3A_42, %get3A_21 : vector<16xf32>
    %max3A_44 = arith.maximumf %max3A_43, %get3A_26 : vector<16xf32>
    %max3A_45 = arith.maximumf %max3A_44, %get3A_31 : vector<16xf32>
    %max3A_46 = arith.maximumf %max3A_45, %get3A_36 : vector<16xf32>
    %max3A_47 = arith.maximumf %max3A_46, %get3A_41 : vector<16xf32>
    %sub3A = arith.subf %get3A_6, %max3A_47 : vector<16xf32>
    %exp3A = math.exp %sub3A : vector<16xf32>
    %sub3A_48 = arith.subf %get3A_11, %max3A_47 : vector<16xf32>
    %exp3A_49 = math.exp %sub3A_48 : vector<16xf32>
    %sub3A_50 = arith.subf %get3A_16, %max3A_47 : vector<16xf32>
    %exp3A_51 = math.exp %sub3A_50 : vector<16xf32>
    %sub3A_52 = arith.subf %get3A_21, %max3A_47 : vector<16xf32>
    %exp3A_53 = math.exp %sub3A_52 : vector<16xf32>
    %sub3A_54 = arith.subf %get3A_26, %max3A_47 : vector<16xf32>
    %exp3A_55 = math.exp %sub3A_54 : vector<16xf32>
    %sub3A_56 = arith.subf %get3A_31, %max3A_47 : vector<16xf32>
    %exp3A_57 = math.exp %sub3A_56 : vector<16xf32>
    %sub3A_58 = arith.subf %get3A_36, %max3A_47 : vector<16xf32>
    %exp3A_59 = math.exp %sub3A_58 : vector<16xf32>
    %sub3A_60 = arith.subf %get3A_41, %max3A_47 : vector<16xf32>
    %exp3A_61 = math.exp %sub3A_60 : vector<16xf32>
    %add3A_62 = arith.addf %exp3A, %exp3A_49 : vector<16xf32>
    %add3A_63 = arith.addf %add3A_62, %exp3A_51 : vector<16xf32>
    %add3A_64 = arith.addf %add3A_63, %exp3A_53 : vector<16xf32>
    %add3A_65 = arith.addf %add3A_64, %exp3A_55 : vector<16xf32>
    %add3A_66 = arith.addf %add3A_65, %exp3A_57 : vector<16xf32>
    %add3A_67 = arith.addf %add3A_66, %exp3A_59 : vector<16xf32>
    %add3A_68 = arith.addf %add3A_67, %exp3A_61 : vector<16xf32>
    %div3A = arith.divf %exp3A, %add3A_68 : vector<16xf32>
    %div3A_69 = arith.divf %exp3A_49, %add3A_68 : vector<16xf32>
    %div3A_70 = arith.divf %exp3A_51, %add3A_68 : vector<16xf32>
    %div3A_71 = arith.divf %exp3A_53, %add3A_68 : vector<16xf32>
    %div3A_72 = arith.divf %exp3A_55, %add3A_68 : vector<16xf32>
    %div3A_73 = arith.divf %exp3A_57, %add3A_68 : vector<16xf32>
    %div3A_74 = arith.divf %exp3A_59, %add3A_68 : vector<16xf32>
    %div3A_75 = arith.divf %exp3A_61, %add3A_68 : vector<16xf32>
    %max3A_76 = arith.maximumf %div3A, %div3A_69 : vector<16xf32>
    %max3A_77 = arith.maximumf %max3A_76, %div3A_70 : vector<16xf32>
    %max3A_78 = arith.maximumf %max3A_77, %div3A_71 : vector<16xf32>
    %max3A_79 = arith.maximumf %max3A_78, %div3A_72 : vector<16xf32>
    %max3A_80 = arith.maximumf %max3A_79, %div3A_73 : vector<16xf32>
    %max3A_81 = arith.maximumf %max3A_80, %div3A_74 : vector<16xf32>
    %max3A_82 = arith.maximumf %max3A_81, %div3A_75 : vector<16xf32>
    %broadcast_in_dim3A = arith.constant 8 : i32
    %broadcast_in_dim3A_83 = vector.broadcast %broadcast_in_dim3A : i32 to vector<16xi32>
    %eq3A = arith.cmpf oeq, %div3A_75, %max3A_82 : vector<16xf32>
    %jit3A = arith.constant 7 : i32
    %broadcast_in_dim3A_84 = vector.broadcast %jit3A : i32 to vector<16xi32>
    %select_n3A = arith.select %eq3A, %broadcast_in_dim3A_84, %broadcast_in_dim3A_83 : vector<16xi1>, vector<16xi32>
    %eq3A_85 = arith.cmpf oeq, %div3A_74, %max3A_82 : vector<16xf32>
    %jit3A_86 = arith.constant 6 : i32
    %broadcast_in_dim3A_87 = vector.broadcast %jit3A_86 : i32 to vector<16xi32>
    %select_n3A_88 = arith.select %eq3A_85, %broadcast_in_dim3A_87, %select_n3A : vector<16xi1>, vector<16xi32>
    %eq3A_89 = arith.cmpf oeq, %div3A_73, %max3A_82 : vector<16xf32>
    %jit3A_90 = arith.constant 5 : i32
    %broadcast_in_dim3A_91 = vector.broadcast %jit3A_90 : i32 to vector<16xi32>
    %select_n3A_92 = arith.select %eq3A_89, %broadcast_in_dim3A_91, %select_n3A_88 : vector<16xi1>, vector<16xi32>
    %eq3A_93 = arith.cmpf oeq, %div3A_72, %max3A_82 : vector<16xf32>
    %jit3A_94 = arith.constant 4 : i32
    %broadcast_in_dim3A_95 = vector.broadcast %jit3A_94 : i32 to vector<16xi32>
    %select_n3A_96 = arith.select %eq3A_93, %broadcast_in_dim3A_95, %select_n3A_92 : vector<16xi1>, vector<16xi32>
    %eq3A_97 = arith.cmpf oeq, %div3A_71, %max3A_82 : vector<16xf32>
    %jit3A_98 = arith.constant 3 : i32
    %broadcast_in_dim3A_99 = vector.broadcast %jit3A_98 : i32 to vector<16xi32>
    %select_n3A_100 = arith.select %eq3A_97, %broadcast_in_dim3A_99, %select_n3A_96 : vector<16xi1>, vector<16xi32>
    %eq3A_101 = arith.cmpf oeq, %div3A_70, %max3A_82 : vector<16xf32>
    %jit3A_102 = arith.constant 2 : i32
    %broadcast_in_dim3A_103 = vector.broadcast %jit3A_102 : i32 to vector<16xi32>
    %select_n3A_104 = arith.select %eq3A_101, %broadcast_in_dim3A_103, %select_n3A_100 : vector<16xi1>, vector<16xi32>
    %eq3A_105 = arith.cmpf oeq, %div3A_69, %max3A_82 : vector<16xf32>
    %jit3A_106 = arith.constant 1 : i32
    %broadcast_in_dim3A_107 = vector.broadcast %jit3A_106 : i32 to vector<16xi32>
    %select_n3A_108 = arith.select %eq3A_105, %broadcast_in_dim3A_107, %select_n3A_104 : vector<16xi1>, vector<16xi32>
    %eq3A_109 = arith.cmpf oeq, %div3A, %max3A_82 : vector<16xf32>
    %jit3A_110 = arith.constant 0 : i32
    %broadcast_in_dim3A_111 = vector.broadcast %jit3A_110 : i32 to vector<16xi32>
    %select_n3A_112 = arith.select %eq3A_109, %broadcast_in_dim3A_111, %select_n3A_108 : vector<16xi1>, vector<16xi32>
    %eq3A_113 = arith.constant 0 : i32
    %eq3A_114 = vector.broadcast %eq3A_113 : i32 to vector<16xi32>
    %eq3A_115 = arith.cmpi eq, %select_n3A_112, %eq3A_114 : vector<16xi32>
    %jit3A_116 = arith.constant -1.000000e+00 : f32
    %broadcast_in_dim3A_117 = vector.broadcast %jit3A_116 : f32 to vector<16xf32>
    %select_n3A_118 = arith.select %eq3A_115, %broadcast_in_dim3A_117, %div3A : vector<16xi1>, vector<16xf32>
    %eq3A_119 = arith.constant 1 : i32
    %eq3A_120 = vector.broadcast %eq3A_119 : i32 to vector<16xi32>
    %eq3A_121 = arith.cmpi eq, %select_n3A_112, %eq3A_120 : vector<16xi32>
    %jit3A_122 = arith.constant -1.000000e+00 : f32
    %broadcast_in_dim3A_123 = vector.broadcast %jit3A_122 : f32 to vector<16xf32>
    %select_n3A_124 = arith.select %eq3A_121, %broadcast_in_dim3A_123, %div3A_69 : vector<16xi1>, vector<16xf32>
    %eq3A_125 = arith.constant 2 : i32
    %eq3A_126 = vector.broadcast %eq3A_125 : i32 to vector<16xi32>
    %eq3A_127 = arith.cmpi eq, %select_n3A_112, %eq3A_126 : vector<16xi32>
    %jit3A_128 = arith.constant -1.000000e+00 : f32
    %broadcast_in_dim3A_129 = vector.broadcast %jit3A_128 : f32 to vector<16xf32>
    %select_n3A_130 = arith.select %eq3A_127, %broadcast_in_dim3A_129, %div3A_70 : vector<16xi1>, vector<16xf32>
    %eq3A_131 = arith.constant 3 : i32
    %eq3A_132 = vector.broadcast %eq3A_131 : i32 to vector<16xi32>
    %eq3A_133 = arith.cmpi eq, %select_n3A_112, %eq3A_132 : vector<16xi32>
    %jit3A_134 = arith.constant -1.000000e+00 : f32
    %broadcast_in_dim3A_135 = vector.broadcast %jit3A_134 : f32 to vector<16xf32>
    %select_n3A_136 = arith.select %eq3A_133, %broadcast_in_dim3A_135, %div3A_71 : vector<16xi1>, vector<16xf32>
    %eq3A_137 = arith.constant 4 : i32
    %eq3A_138 = vector.broadcast %eq3A_137 : i32 to vector<16xi32>
    %eq3A_139 = arith.cmpi eq, %select_n3A_112, %eq3A_138 : vector<16xi32>
    %jit3A_140 = arith.constant -1.000000e+00 : f32
    %broadcast_in_dim3A_141 = vector.broadcast %jit3A_140 : f32 to vector<16xf32>
    %select_n3A_142 = arith.select %eq3A_139, %broadcast_in_dim3A_141, %div3A_72 : vector<16xi1>, vector<16xf32>
    %eq3A_143 = arith.constant 5 : i32
    %eq3A_144 = vector.broadcast %eq3A_143 : i32 to vector<16xi32>
    %eq3A_145 = arith.cmpi eq, %select_n3A_112, %eq3A_144 : vector<16xi32>
    %jit3A_146 = arith.constant -1.000000e+00 : f32
    %broadcast_in_dim3A_147 = vector.broadcast %jit3A_146 : f32 to vector<16xf32>
    %select_n3A_148 = arith.select %eq3A_145, %broadcast_in_dim3A_147, %div3A_73 : vector<16xi1>, vector<16xf32>
    %eq3A_149 = arith.constant 6 : i32
    %eq3A_150 = vector.broadcast %eq3A_149 : i32 to vector<16xi32>
    %eq3A_151 = arith.cmpi eq, %select_n3A_112, %eq3A_150 : vector<16xi32>
    %jit3A_152 = arith.constant -1.000000e+00 : f32
    %broadcast_in_dim3A_153 = vector.broadcast %jit3A_152 : f32 to vector<16xf32>
    %select_n3A_154 = arith.select %eq3A_151, %broadcast_in_dim3A_153, %div3A_74 : vector<16xi1>, vector<16xf32>
    %eq3A_155 = arith.constant 7 : i32
    %eq3A_156 = vector.broadcast %eq3A_155 : i32 to vector<16xi32>
    %eq3A_157 = arith.cmpi eq, %select_n3A_112, %eq3A_156 : vector<16xi32>
    %jit3A_158 = arith.constant -1.000000e+00 : f32
    %broadcast_in_dim3A_159 = vector.broadcast %jit3A_158 : f32 to vector<16xf32>
    %select_n3A_160 = arith.select %eq3A_157, %broadcast_in_dim3A_159, %div3A_75 : vector<16xi1>, vector<16xf32>
    %max3A_161 = arith.maximumf %select_n3A_118, %select_n3A_124 : vector<16xf32>
    %max3A_162 = arith.maximumf %max3A_161, %select_n3A_130 : vector<16xf32>
    %max3A_163 = arith.maximumf %max3A_162, %select_n3A_136 : vector<16xf32>
    %max3A_164 = arith.maximumf %max3A_163, %select_n3A_142 : vector<16xf32>
    %max3A_165 = arith.maximumf %max3A_164, %select_n3A_148 : vector<16xf32>
    %max3A_166 = arith.maximumf %max3A_165, %select_n3A_154 : vector<16xf32>
    %max3A_167 = arith.maximumf %max3A_166, %select_n3A_160 : vector<16xf32>
    %broadcast_in_dim3A_168 = arith.constant 8 : i32
    %broadcast_in_dim3A_169 = vector.broadcast %broadcast_in_dim3A_168 : i32 to vector<16xi32>
    %eq3A_170 = arith.cmpf oeq, %select_n3A_160, %max3A_167 : vector<16xf32>
    %jit3A_171 = arith.constant 7 : i32
    %broadcast_in_dim3A_172 = vector.broadcast %jit3A_171 : i32 to vector<16xi32>
    %select_n3A_173 = arith.select %eq3A_170, %broadcast_in_dim3A_172, %broadcast_in_dim3A_169 : vector<16xi1>, vector<16xi32>
    %eq3A_174 = arith.cmpf oeq, %select_n3A_154, %max3A_167 : vector<16xf32>
    %jit3A_175 = arith.constant 6 : i32
    %broadcast_in_dim3A_176 = vector.broadcast %jit3A_175 : i32 to vector<16xi32>
    %select_n3A_177 = arith.select %eq3A_174, %broadcast_in_dim3A_176, %select_n3A_173 : vector<16xi1>, vector<16xi32>
    %eq3A_178 = arith.cmpf oeq, %select_n3A_148, %max3A_167 : vector<16xf32>
    %jit3A_179 = arith.constant 5 : i32
    %broadcast_in_dim3A_180 = vector.broadcast %jit3A_179 : i32 to vector<16xi32>
    %select_n3A_181 = arith.select %eq3A_178, %broadcast_in_dim3A_180, %select_n3A_177 : vector<16xi1>, vector<16xi32>
    %eq3A_182 = arith.cmpf oeq, %select_n3A_142, %max3A_167 : vector<16xf32>
    %jit3A_183 = arith.constant 4 : i32
    %broadcast_in_dim3A_184 = vector.broadcast %jit3A_183 : i32 to vector<16xi32>
    %select_n3A_185 = arith.select %eq3A_182, %broadcast_in_dim3A_184, %select_n3A_181 : vector<16xi1>, vector<16xi32>
    %eq3A_186 = arith.cmpf oeq, %select_n3A_136, %max3A_167 : vector<16xf32>
    %jit3A_187 = arith.constant 3 : i32
    %broadcast_in_dim3A_188 = vector.broadcast %jit3A_187 : i32 to vector<16xi32>
    %select_n3A_189 = arith.select %eq3A_186, %broadcast_in_dim3A_188, %select_n3A_185 : vector<16xi1>, vector<16xi32>
    %eq3A_190 = arith.cmpf oeq, %select_n3A_130, %max3A_167 : vector<16xf32>
    %jit3A_191 = arith.constant 2 : i32
    %broadcast_in_dim3A_192 = vector.broadcast %jit3A_191 : i32 to vector<16xi32>
    %select_n3A_193 = arith.select %eq3A_190, %broadcast_in_dim3A_192, %select_n3A_189 : vector<16xi1>, vector<16xi32>
    %eq3A_194 = arith.cmpf oeq, %select_n3A_124, %max3A_167 : vector<16xf32>
    %jit3A_195 = arith.constant 1 : i32
    %broadcast_in_dim3A_196 = vector.broadcast %jit3A_195 : i32 to vector<16xi32>
    %select_n3A_197 = arith.select %eq3A_194, %broadcast_in_dim3A_196, %select_n3A_193 : vector<16xi1>, vector<16xi32>
    %eq3A_198 = arith.cmpf oeq, %select_n3A_118, %max3A_167 : vector<16xf32>
    %jit3A_199 = arith.constant 0 : i32
    %broadcast_in_dim3A_200 = vector.broadcast %jit3A_199 : i32 to vector<16xi32>
    %select_n3A_201 = arith.select %eq3A_198, %broadcast_in_dim3A_200, %select_n3A_197 : vector<16xi1>, vector<16xi32>
    %add3A_202 = arith.addf %max3A_82, %max3A_167 : vector<16xf32>
    %add3A_203 = arith.constant 9.99999971E-10 : f32
    %add3A_204 = vector.broadcast %add3A_203 : f32 to vector<16xf32>
    %add3A_205 = arith.addf %add3A_202, %add3A_204 : vector<16xf32>
    %div3A_206 = arith.divf %max3A_82, %add3A_205 : vector<16xf32>
    %div3A_207 = arith.divf %max3A_167, %add3A_205 : vector<16xf32>
    %broadcast_in_dim3A_208 = arith.constant 0.000000e+00 : f32
    %broadcast_in_dim3A_209 = vector.broadcast %broadcast_in_dim3A_208 : f32 to vector<16xf32>
    %eq3A_210 = arith.constant 0 : i32
    %eq3A_211 = vector.broadcast %eq3A_210 : i32 to vector<16xi32>
    %eq3A_212 = arith.cmpi eq, %select_n3A_112, %eq3A_211 : vector<16xi32>
    %select_n3A_213 = arith.select %eq3A_212, %div3A_206, %broadcast_in_dim3A_209 : vector<16xi1>, vector<16xf32>
    %eq3A_214 = arith.constant 0 : i32
    %eq3A_215 = vector.broadcast %eq3A_214 : i32 to vector<16xi32>
    %eq3A_216 = arith.cmpi eq, %select_n3A_201, %eq3A_215 : vector<16xi32>
    %select_n3A_217 = arith.select %eq3A_216, %div3A_207, %broadcast_in_dim3A_209 : vector<16xi1>, vector<16xf32>
    %add3A_218 = arith.addf %select_n3A_213, %select_n3A_217 : vector<16xf32>
    %swap3A = arith.constant 0 : i32
    %swap3A_219 = arith.index_cast %swap3A : i32 to index
    %swap3A_220 = arith.constant 0 : index
    %swap3A_221 = tpu.vector_load %arg5[%swap3A_219, %swap3A_220] {strides = array<i32>} : memref<8x128xf32, #tpu.memory_space<vmem>>, vector<1x16xf32>,
    %swap3A_222 = vector.shape_cast %swap3A_221 : vector<1x16xf32> to vector<16xf32>
    %swap3A_223 = vector.shape_cast %add3A_218 : vector<16xf32> to vector<1x16xf32>
    tpu.vector_store %arg5[%swap3A_219, %swap3A_220], %swap3A_223 {strides = array<i32>} : memref<8x128xf32, #tpu.memory_space<vmem>>, vector<1x16xf32>,
    %eq3A_224 = arith.constant 1 : i32
    %eq3A_225 = vector.broadcast %eq3A_224 : i32 to vector<16xi32>
    %eq3A_226 = arith.cmpi eq, %select_n3A_112, %eq3A_225 : vector<16xi32>
    %select_n3A_227 = arith.select %eq3A_226, %div3A_206, %broadcast_in_dim3A_209 : vector<16xi1>, vector<16xf32>
    %eq3A_228 = arith.constant 1 : i32
    %eq3A_229 = vector.broadcast %eq3A_228 : i32 to vector<16xi32>
    %eq3A_230 = arith.cmpi eq, %select_n3A_201, %eq3A_229 : vector<16xi32>
    %select_n3A_231 = arith.select %eq3A_230, %div3A_207, %broadcast_in_dim3A_209 : vector<16xi1>, vector<16xf32>
    %add3A_232 = arith.addf %select_n3A_227, %select_n3A_231 : vector<16xf32>
    %swap3A_233 = arith.constant 1 : i32
    %swap3A_234 = arith.index_cast %swap3A_233 : i32 to index
    %swap3A_235 = arith.constant 0 : index
    %swap3A_236 = tpu.vector_load %arg5[%swap3A_234, %swap3A_235] {strides = array<i32>} : memref<8x128xf32, #tpu.memory_space<vmem>>, vector<1x16xf32>,
    %swap3A_237 = vector.shape_cast %swap3A_236 : vector<1x16xf32> to vector<16xf32>
    %swap3A_238 = vector.shape_cast %add3A_232 : vector<16xf32> to vector<1x16xf32>
    tpu.vector_store %arg5[%swap3A_234, %swap3A_235], %swap3A_238 {strides = array<i32>} : memref<8x128xf32, #tpu.memory_space<vmem>>, vector<1x16xf32>,
    %eq3A_239 = arith.constant 2 : i32
    %eq3A_240 = vector.broadcast %eq3A_239 : i32 to vector<16xi32>
    %eq3A_241 = arith.cmpi eq, %select_n3A_112, %eq3A_240 : vector<16xi32>
    %select_n3A_242 = arith.select %eq3A_241, %div3A_206, %broadcast_in_dim3A_209 : vector<16xi1>, vector<16xf32>
    %eq3A_243 = arith.constant 2 : i32
    %eq3A_244 = vector.broadcast %eq3A_243 : i32 to vector<16xi32>
    %eq3A_245 = arith.cmpi eq, %select_n3A_201, %eq3A_244 : vector<16xi32>
    %select_n3A_246 = arith.select %eq3A_245, %div3A_207, %broadcast_in_dim3A_209 : vector<16xi1>, vector<16xf32>
    %add3A_247 = arith.addf %select_n3A_242, %select_n3A_246 : vector<16xf32>
    %swap3A_248 = arith.constant 2 : i32
    %swap3A_249 = arith.index_cast %swap3A_248 : i32 to index
    %swap3A_250 = arith.constant 0 : index
    %swap3A_251 = tpu.vector_load %arg5[%swap3A_249, %swap3A_250] {strides = array<i32>} : memref<8x128xf32, #tpu.memory_space<vmem>>, vector<1x16xf32>,
    %swap3A_252 = vector.shape_cast %swap3A_251 : vector<1x16xf32> to vector<16xf32>
    %swap3A_253 = vector.shape_cast %add3A_247 : vector<16xf32> to vector<1x16xf32>
    tpu.vector_store %arg5[%swap3A_249, %swap3A_250], %swap3A_253 {strides = array<i32>} : memref<8x128xf32, #tpu.memory_space<vmem>>, vector<1x16xf32>,
    %eq3A_254 = arith.constant 3 : i32
    %eq3A_255 = vector.broadcast %eq3A_254 : i32 to vector<16xi32>
    %eq3A_256 = arith.cmpi eq, %select_n3A_112, %eq3A_255 : vector<16xi32>
    %select_n3A_257 = arith.select %eq3A_256, %div3A_206, %broadcast_in_dim3A_209 : vector<16xi1>, vector<16xf32>
    %eq3A_258 = arith.constant 3 : i32
    %eq3A_259 = vector.broadcast %eq3A_258 : i32 to vector<16xi32>
    %eq3A_260 = arith.cmpi eq, %select_n3A_201, %eq3A_259 : vector<16xi32>
    %select_n3A_261 = arith.select %eq3A_260, %div3A_207, %broadcast_in_dim3A_209 : vector<16xi1>, vector<16xf32>
    %add3A_262 = arith.addf %select_n3A_257, %select_n3A_261 : vector<16xf32>
    %swap3A_263 = arith.constant 3 : i32
    %swap3A_264 = arith.index_cast %swap3A_263 : i32 to index
    %swap3A_265 = arith.constant 0 : index
    %swap3A_266 = tpu.vector_load %arg5[%swap3A_264, %swap3A_265] {strides = array<i32>} : memref<8x128xf32, #tpu.memory_space<vmem>>, vector<1x16xf32>,
    %swap3A_267 = vector.shape_cast %swap3A_266 : vector<1x16xf32> to vector<16xf32>
    %swap3A_268 = vector.shape_cast %add3A_262 : vector<16xf32> to vector<1x16xf32>
    tpu.vector_store %arg5[%swap3A_264, %swap3A_265], %swap3A_268 {strides = array<i32>} : memref<8x128xf32, #tpu.memory_space<vmem>>, vector<1x16xf32>,
    %eq3A_269 = arith.constant 4 : i32
    %eq3A_270 = vector.broadcast %eq3A_269 : i32 to vector<16xi32>
    %eq3A_271 = arith.cmpi eq, %select_n3A_112, %eq3A_270 : vector<16xi32>
    %select_n3A_272 = arith.select %eq3A_271, %div3A_206, %broadcast_in_dim3A_209 : vector<16xi1>, vector<16xf32>
    %eq3A_273 = arith.constant 4 : i32
    %eq3A_274 = vector.broadcast %eq3A_273 : i32 to vector<16xi32>
    %eq3A_275 = arith.cmpi eq, %select_n3A_201, %eq3A_274 : vector<16xi32>
    %select_n3A_276 = arith.select %eq3A_275, %div3A_207, %broadcast_in_dim3A_209 : vector<16xi1>, vector<16xf32>
    %add3A_277 = arith.addf %select_n3A_272, %select_n3A_276 : vector<16xf32>
    %swap3A_278 = arith.constant 4 : i32
    %swap3A_279 = arith.index_cast %swap3A_278 : i32 to index
    %swap3A_280 = arith.constant 0 : index
    %swap3A_281 = tpu.vector_load %arg5[%swap3A_279, %swap3A_280] {strides = array<i32>} : memref<8x128xf32, #tpu.memory_space<vmem>>, vector<1x16xf32>,
    %swap3A_282 = vector.shape_cast %swap3A_281 : vector<1x16xf32> to vector<16xf32>
    %swap3A_283 = vector.shape_cast %add3A_277 : vector<16xf32> to vector<1x16xf32>
    tpu.vector_store %arg5[%swap3A_279, %swap3A_280], %swap3A_283 {strides = array<i32>} : memref<8x128xf32, #tpu.memory_space<vmem>>, vector<1x16xf32>,
    %eq3A_284 = arith.constant 5 : i32
    %eq3A_285 = vector.broadcast %eq3A_284 : i32 to vector<16xi32>
    %eq3A_286 = arith.cmpi eq, %select_n3A_112, %eq3A_285 : vector<16xi32>
    %select_n3A_287 = arith.select %eq3A_286, %div3A_206, %broadcast_in_dim3A_209 : vector<16xi1>, vector<16xf32>
    %eq3A_288 = arith.constant 5 : i32
    %eq3A_289 = vector.broadcast %eq3A_288 : i32 to vector<16xi32>
    %eq3A_290 = arith.cmpi eq, %select_n3A_201, %eq3A_289 : vector<16xi32>
    %select_n3A_291 = arith.select %eq3A_290, %div3A_207, %broadcast_in_dim3A_209 : vector<16xi1>, vector<16xf32>
    %add3A_292 = arith.addf %select_n3A_287, %select_n3A_291 : vector<16xf32>
    %swap3A_293 = arith.constant 5 : i32
    %swap3A_294 = arith.index_cast %swap3A_293 : i32 to index
    %swap3A_295 = arith.constant 0 : index
    %swap3A_296 = tpu.vector_load %arg5[%swap3A_294, %swap3A_295] {strides = array<i32>} : memref<8x128xf32, #tpu.memory_space<vmem>>, vector<1x16xf32>,
    %swap3A_297 = vector.shape_cast %swap3A_296 : vector<1x16xf32> to vector<16xf32>
    %swap3A_298 = vector.shape_cast %add3A_292 : vector<16xf32> to vector<1x16xf32>
    tpu.vector_store %arg5[%swap3A_294, %swap3A_295], %swap3A_298 {strides = array<i32>} : memref<8x128xf32, #tpu.memory_space<vmem>>, vector<1x16xf32>,
    %eq3A_299 = arith.constant 6 : i32
    %eq3A_300 = vector.broadcast %eq3A_299 : i32 to vector<16xi32>
    %eq3A_301 = arith.cmpi eq, %select_n3A_112, %eq3A_300 : vector<16xi32>
    %select_n3A_302 = arith.select %eq3A_301, %div3A_206, %broadcast_in_dim3A_209 : vector<16xi1>, vector<16xf32>
    %eq3A_303 = arith.constant 6 : i32
    %eq3A_304 = vector.broadcast %eq3A_303 : i32 to vector<16xi32>
    %eq3A_305 = arith.cmpi eq, %select_n3A_201, %eq3A_304 : vector<16xi32>
    %select_n3A_306 = arith.select %eq3A_305, %div3A_207, %broadcast_in_dim3A_209 : vector<16xi1>, vector<16xf32>
    %add3A_307 = arith.addf %select_n3A_302, %select_n3A_306 : vector<16xf32>
    %swap3A_308 = arith.constant 6 : i32
    %swap3A_309 = arith.index_cast %swap3A_308 : i32 to index
    %swap3A_310 = arith.constant 0 : index
    %swap3A_311 = tpu.vector_load %arg5[%swap3A_309, %swap3A_310] {strides = array<i32>} : memref<8x128xf32, #tpu.memory_space<vmem>>, vector<1x16xf32>,
    %swap3A_312 = vector.shape_cast %swap3A_311 : vector<1x16xf32> to vector<16xf32>
    %swap3A_313 = vector.shape_cast %add3A_307 : vector<16xf32> to vector<1x16xf32>
    tpu.vector_store %arg5[%swap3A_309, %swap3A_310], %swap3A_313 {strides = array<i32>} : memref<8x128xf32, #tpu.memory_space<vmem>>, vector<1x16xf32>,
    %eq3A_314 = arith.constant 7 : i32
    %eq3A_315 = vector.broadcast %eq3A_314 : i32 to vector<16xi32>
    %eq3A_316 = arith.cmpi eq, %select_n3A_112, %eq3A_315 : vector<16xi32>
    %select_n3A_317 = arith.select %eq3A_316, %div3A_206, %broadcast_in_dim3A_209 : vector<16xi1>, vector<16xf32>
    %eq3A_318 = arith.constant 7 : i32
    %eq3A_319 = vector.broadcast %eq3A_318 : i32 to vector<16xi32>
    %eq3A_320 = arith.cmpi eq, %select_n3A_201, %eq3A_319 : vector<16xi32>
    %select_n3A_321 = arith.select %eq3A_320, %div3A_207, %broadcast_in_dim3A_209 : vector<16xi1>, vector<16xf32>
    %add3A_322 = arith.addf %select_n3A_317, %select_n3A_321 : vector<16xf32>
    %swap3A_323 = arith.constant 7 : i32
    %swap3A_324 = arith.index_cast %swap3A_323 : i32 to index
    %swap3A_325 = arith.constant 0 : index
    %swap3A_326 = tpu.vector_load %arg5[%swap3A_324, %swap3A_325] {strides = array<i32>} : memref<8x128xf32, #tpu.memory_space<vmem>>, vector<1x16xf32>,
    %swap3A_327 = vector.shape_cast %swap3A_326 : vector<1x16xf32> to vector<16xf32>
    %swap3A_328 = vector.shape_cast %add3A_322 : vector<16xf32> to vector<1x16xf32>
    tpu.vector_store %arg5[%swap3A_324, %swap3A_325], %swap3A_328 {strides = array<i32>} : memref<8x128xf32, #tpu.memory_space<vmem>>, vector<1x16xf32>,
    %get3A_329 = arith.constant 0 : i32
    %get3A_330 = arith.index_cast %get3A_329 : i32 to index
    %get3A_331 = arith.constant 16 : index
    %get3A_332 = tpu.vector_load %arg4[%get3A_330, %get3A_331] {strides = array<i32>} : memref<8x128xf32, #tpu.memory_space<vmem>>, vector<1x16xf32>,
    %get3A_333 = vector.shape_cast %get3A_332 : vector<1x16xf32> to vector<16xf32>
    %get3A_334 = arith.constant 1 : i32
    %get3A_335 = arith.index_cast %get3A_334 : i32 to index
    %get3A_336 = arith.constant 16 : index
    %get3A_337 = tpu.vector_load %arg4[%get3A_335, %get3A_336] {strides = array<i32>} : memref<8x128xf32, #tpu.memory_space<vmem>>, vector<1x16xf32>,
    %get3A_338 = vector.shape_cast %get3A_337 : vector<1x16xf32> to vector<16xf32>
    %get3A_339 = arith.constant 2 : i32
    %get3A_340 = arith.index_cast %get3A_339 : i32 to index
    %get3A_341 = arith.constant 16 : index
    %get3A_342 = tpu.vector_load %arg4[%get3A_340, %get3A_341] {strides = array<i32>} : memref<8x128xf32, #tpu.memory_space<vmem>>, vector<1x16xf32>,
    %get3A_343 = vector.shape_cast %get3A_342 : vector<1x16xf32> to vector<16xf32>
    %get3A_344 = arith.constant 3 : i32
    %get3A_345 = arith.index_cast %get3A_344 : i32 to index
    %get3A_346 = arith.constant 16 : index
    %get3A_347 = tpu.vector_load %arg4[%get3A_345, %get3A_346] {strides = array<i32>} : memref<8x128xf32, #tpu.memory_space<vmem>>, vector<1x16xf32>,
    %get3A_348 = vector.shape_cast %get3A_347 : vector<1x16xf32> to vector<16xf32>
    %get3A_349 = arith.constant 4 : i32
    %get3A_350 = arith.index_cast %get3A_349 : i32 to index
    %get3A_351 = arith.constant 16 : index
    %get3A_352 = tpu.vector_load %arg4[%get3A_350, %get3A_351] {strides = array<i32>} : memref<8x128xf32, #tpu.memory_space<vmem>>, vector<1x16xf32>,
    %get3A_353 = vector.shape_cast %get3A_352 : vector<1x16xf32> to vector<16xf32>
    %get3A_354 = arith.constant 5 : i32
    %get3A_355 = arith.index_cast %get3A_354 : i32 to index
    %get3A_356 = arith.constant 16 : index
    %get3A_357 = tpu.vector_load %arg4[%get3A_355, %get3A_356] {strides = array<i32>} : memref<8x128xf32, #tpu.memory_space<vmem>>, vector<1x16xf32>,
    %get3A_358 = vector.shape_cast %get3A_357 : vector<1x16xf32> to vector<16xf32>
    %get3A_359 = arith.constant 6 : i32
    %get3A_360 = arith.index_cast %get3A_359 : i32 to index
    %get3A_361 = arith.constant 16 : index
    %get3A_362 = tpu.vector_load %arg4[%get3A_360, %get3A_361] {strides = array<i32>} : memref<8x128xf32, #tpu.memory_space<vmem>>, vector<1x16xf32>,
    %get3A_363 = vector.shape_cast %get3A_362 : vector<1x16xf32> to vector<16xf32>
    %get3A_364 = arith.constant 7 : i32
    %get3A_365 = arith.index_cast %get3A_364 : i32 to index
    %get3A_366 = arith.constant 16 : index
    %get3A_367 = tpu.vector_load %arg4[%get3A_365, %get3A_366] {strides = array<i32>} : memref<8x128xf32, #tpu.memory_space<vmem>>, vector<1x16xf32>,
    %get3A_368 = vector.shape_cast %get3A_367 : vector<1x16xf32> to vector<16xf32>
    %max3A_369 = arith.maximumf %get3A_333, %get3A_338 : vector<16xf32>
    %max3A_370 = arith.maximumf %max3A_369, %get3A_343 : vector<16xf32>
    %max3A_371 = arith.maximumf %max3A_370, %get3A_348 : vector<16xf32>
    %max3A_372 = arith.maximumf %max3A_371, %get3A_353 : vector<16xf32>
    %max3A_373 = arith.maximumf %max3A_372, %get3A_358 : vector<16xf32>
    %max3A_374 = arith.maximumf %max3A_373, %get3A_363 : vector<16xf32>
    %max3A_375 = arith.maximumf %max3A_374, %get3A_368 : vector<16xf32>
    %sub3A_376 = arith.subf %get3A_333, %max3A_375 : vector<16xf32>
    %exp3A_377 = math.exp %sub3A_376 : vector<16xf32>
    %sub3A_378 = arith.subf %get3A_338, %max3A_375 : vector<16xf32>
    %exp3A_379 = math.exp %sub3A_378 : vector<16xf32>
    %sub3A_380 = arith.subf %get3A_343, %max3A_375 : vector<16xf32>
    %exp3A_381 = math.exp %sub3A_380 : vector<16xf32>
    %sub3A_382 = arith.subf %get3A_348, %max3A_375 : vector<16xf32>
    %exp3A_383 = math.exp %sub3A_382 : vector<16xf32>
    %sub3A_384 = arith.subf %get3A_353, %max3A_375 : vector<16xf32>
    %exp3A_385 = math.exp %sub3A_384 : vector<16xf32>
    %sub3A_386 = arith.subf %get3A_358, %max3A_375 : vector<16xf32>
    %exp3A_387 = math.exp %sub3A_386 : vector<16xf32>
    %sub3A_388 = arith.subf %get3A_363, %max3A_375 : vector<16xf32>
    %exp3A_389 = math.exp %sub3A_388 : vector<16xf32>
    %sub3A_390 = arith.subf %get3A_368, %max3A_375 : vector<16xf32>
    %exp3A_391 = math.exp %sub3A_390 : vector<16xf32>
    %add3A_392 = arith.addf %exp3A_377, %exp3A_379 : vector<16xf32>
    %add3A_393 = arith.addf %add3A_392, %exp3A_381 : vector<16xf32>
    %add3A_394 = arith.addf %add3A_393, %exp3A_383 : vector<16xf32>
    %add3A_395 = arith.addf %add3A_394, %exp3A_385 : vector<16xf32>
    %add3A_396 = arith.addf %add3A_395, %exp3A_387 : vector<16xf32>
    %add3A_397 = arith.addf %add3A_396, %exp3A_389 : vector<16xf32>
    %add3A_398 = arith.addf %add3A_397, %exp3A_391 : vector<16xf32>
    %div3A_399 = arith.divf %exp3A_377, %add3A_398 : vector<16xf32>
    %div3A_400 = arith.divf %exp3A_379, %add3A_398 : vector<16xf32>
    %div3A_401 = arith.divf %exp3A_381, %add3A_398 : vector<16xf32>
    %div3A_402 = arith.divf %exp3A_383, %add3A_398 : vector<16xf32>
    %div3A_403 = arith.divf %exp3A_385, %add3A_398 : vector<16xf32>
    %div3A_404 = arith.divf %exp3A_387, %add3A_398 : vector<16xf32>
    %div3A_405 = arith.divf %exp3A_389, %add3A_398 : vector<16xf32>
    %div3A_406 = arith.divf %exp3A_391, %add3A_398 : vector<16xf32>
    %max3A_407 = arith.maximumf %div3A_399, %div3A_400 : vector<16xf32>
    %max3A_408 = arith.maximumf %max3A_407, %div3A_401 : vector<16xf32>
    %max3A_409 = arith.maximumf %max3A_408, %div3A_402 : vector<16xf32>
    %max3A_410 = arith.maximumf %max3A_409, %div3A_403 : vector<16xf32>
    %max3A_411 = arith.maximumf %max3A_410, %div3A_404 : vector<16xf32>
    %max3A_412 = arith.maximumf %max3A_411, %div3A_405 : vector<16xf32>
    %max3A_413 = arith.maximumf %max3A_412, %div3A_406 : vector<16xf32>
    %broadcast_in_dim3A_414 = arith.constant 8 : i32
    %broadcast_in_dim3A_415 = vector.broadcast %broadcast_in_dim3A_414 : i32 to vector<16xi32>
    %eq3A_416 = arith.cmpf oeq, %div3A_406, %max3A_413 : vector<16xf32>
    %jit3A_417 = arith.constant 7 : i32
    %broadcast_in_dim3A_418 = vector.broadcast %jit3A_417 : i32 to vector<16xi32>
    %select_n3A_419 = arith.select %eq3A_416, %broadcast_in_dim3A_418, %broadcast_in_dim3A_415 : vector<16xi1>, vector<16xi32>
    %eq3A_420 = arith.cmpf oeq, %div3A_405, %max3A_413 : vector<16xf32>
    %jit3A_421 = arith.constant 6 : i32
    %broadcast_in_dim3A_422 = vector.broadcast %jit3A_421 : i32 to vector<16xi32>
    %select_n3A_423 = arith.select %eq3A_420, %broadcast_in_dim3A_422, %select_n3A_419 : vector<16xi1>, vector<16xi32>
    %eq3A_424 = arith.cmpf oeq, %div3A_404, %max3A_413 : vector<16xf32>
    %jit3A_425 = arith.constant 5 : i32
    %broadcast_in_dim3A_426 = vector.broadcast %jit3A_425 : i32 to vector<16xi32>
    %select_n3A_427 = arith.select %eq3A_424, %broadcast_in_dim3A_426, %select_n3A_423 : vector<16xi1>, vector<16xi32>
    %eq3A_428 = arith.cmpf oeq, %div3A_403, %max3A_413 : vector<16xf32>
    %jit3A_429 = arith.constant 4 : i32
    %broadcast_in_dim3A_430 = vector.broadcast %jit3A_429 : i32 to vector<16xi32>
    %select_n3A_431 = arith.select %eq3A_428, %broadcast_in_dim3A_430, %select_n3A_427 : vector<16xi1>, vector<16xi32>
    %eq3A_432 = arith.cmpf oeq, %div3A_402, %max3A_413 : vector<16xf32>
    %jit3A_433 = arith.constant 3 : i32
    %broadcast_in_dim3A_434 = vector.broadcast %jit3A_433 : i32 to vector<16xi32>
    %select_n3A_435 = arith.select %eq3A_432, %broadcast_in_dim3A_434, %select_n3A_431 : vector<16xi1>, vector<16xi32>
    %eq3A_436 = arith.cmpf oeq, %div3A_401, %max3A_413 : vector<16xf32>
    %jit3A_437 = arith.constant 2 : i32
    %broadcast_in_dim3A_438 = vector.broadcast %jit3A_437 : i32 to vector<16xi32>
    %select_n3A_439 = arith.select %eq3A_436, %broadcast_in_dim3A_438, %select_n3A_435 : vector<16xi1>, vector<16xi32>
    %eq3A_440 = arith.cmpf oeq, %div3A_400, %max3A_413 : vector<16xf32>
    %jit3A_441 = arith.constant 1 : i32
    %broadcast_in_dim3A_442 = vector.broadcast %jit3A_441 : i32 to vector<16xi32>
    %select_n3A_443 = arith.select %eq3A_440, %broadcast_in_dim3A_442, %select_n3A_439 : vector<16xi1>, vector<16xi32>
    %eq3A_444 = arith.cmpf oeq, %div3A_399, %max3A_413 : vector<16xf32>
    %jit3A_445 = arith.constant 0 : i32
    %broadcast_in_dim3A_446 = vector.broadcast %jit3A_445 : i32 to vector<16xi32>
    %select_n3A_447 = arith.select %eq3A_444, %broadcast_in_dim3A_446, %select_n3A_443 : vector<16xi1>, vector<16xi32>
    %eq3A_448 = arith.constant 0 : i32
    %eq3A_449 = vector.broadcast %eq3A_448 : i32 to vector<16xi32>
    %eq3A_450 = arith.cmpi eq, %select_n3A_447, %eq3A_449 : vector<16xi32>
    %jit3A_451 = arith.constant -1.000000e+00 : f32
    %broadcast_in_dim3A_452 = vector.broadcast %jit3A_451 : f32 to vector<16xf32>
    %select_n3A_453 = arith.select %eq3A_450, %broadcast_in_dim3A_452, %div3A_399 : vector<16xi1>, vector<16xf32>
    %eq3A_454 = arith.constant 1 : i32
    %eq3A_455 = vector.broadcast %eq3A_454 : i32 to vector<16xi32>
    %eq3A_456 = arith.cmpi eq, %select_n3A_447, %eq3A_455 : vector<16xi32>
    %jit3A_457 = arith.constant -1.000000e+00 : f32
    %broadcast_in_dim3A_458 = vector.broadcast %jit3A_457 : f32 to vector<16xf32>
    %select_n3A_459 = arith.select %eq3A_456, %broadcast_in_dim3A_458, %div3A_400 : vector<16xi1>, vector<16xf32>
    %eq3A_460 = arith.constant 2 : i32
    %eq3A_461 = vector.broadcast %eq3A_460 : i32 to vector<16xi32>
    %eq3A_462 = arith.cmpi eq, %select_n3A_447, %eq3A_461 : vector<16xi32>
    %jit3A_463 = arith.constant -1.000000e+00 : f32
    %broadcast_in_dim3A_464 = vector.broadcast %jit3A_463 : f32 to vector<16xf32>
    %select_n3A_465 = arith.select %eq3A_462, %broadcast_in_dim3A_464, %div3A_401 : vector<16xi1>, vector<16xf32>
    %eq3A_466 = arith.constant 3 : i32
    %eq3A_467 = vector.broadcast %eq3A_466 : i32 to vector<16xi32>
    %eq3A_468 = arith.cmpi eq, %select_n3A_447, %eq3A_467 : vector<16xi32>
    %jit3A_469 = arith.constant -1.000000e+00 : f32
    %broadcast_in_dim3A_470 = vector.broadcast %jit3A_469 : f32 to vector<16xf32>
    %select_n3A_471 = arith.select %eq3A_468, %broadcast_in_dim3A_470, %div3A_402 : vector<16xi1>, vector<16xf32>
    %eq3A_472 = arith.constant 4 : i32
    %eq3A_473 = vector.broadcast %eq3A_472 : i32 to vector<16xi32>
    %eq3A_474 = arith.cmpi eq, %select_n3A_447, %eq3A_473 : vector<16xi32>
    %jit3A_475 = arith.constant -1.000000e+00 : f32
    %broadcast_in_dim3A_476 = vector.broadcast %jit3A_475 : f32 to vector<16xf32>
    %select_n3A_477 = arith.select %eq3A_474, %broadcast_in_dim3A_476, %div3A_403 : vector<16xi1>, vector<16xf32>
    %eq3A_478 = arith.constant 5 : i32
    %eq3A_479 = vector.broadcast %eq3A_478 : i32 to vector<16xi32>
    %eq3A_480 = arith.cmpi eq, %select_n3A_447, %eq3A_479 : vector<16xi32>
    %jit3A_481 = arith.constant -1.000000e+00 : f32
    %broadcast_in_dim3A_482 = vector.broadcast %jit3A_481 : f32 to vector<16xf32>
    %select_n3A_483 = arith.select %eq3A_480, %broadcast_in_dim3A_482, %div3A_404 : vector<16xi1>, vector<16xf32>
    %eq3A_484 = arith.constant 6 : i32
    %eq3A_485 = vector.broadcast %eq3A_484 : i32 to vector<16xi32>
    %eq3A_486 = arith.cmpi eq, %select_n3A_447, %eq3A_485 : vector<16xi32>
    %jit3A_487 = arith.constant -1.000000e+00 : f32
    %broadcast_in_dim3A_488 = vector.broadcast %jit3A_487 : f32 to vector<16xf32>
    %select_n3A_489 = arith.select %eq3A_486, %broadcast_in_dim3A_488, %div3A_405 : vector<16xi1>, vector<16xf32>
    %eq3A_490 = arith.constant 7 : i32
    %eq3A_491 = vector.broadcast %eq3A_490 : i32 to vector<16xi32>
    %eq3A_492 = arith.cmpi eq, %select_n3A_447, %eq3A_491 : vector<16xi32>
    %jit3A_493 = arith.constant -1.000000e+00 : f32
    %broadcast_in_dim3A_494 = vector.broadcast %jit3A_493 : f32 to vector<16xf32>
    %select_n3A_495 = arith.select %eq3A_492, %broadcast_in_dim3A_494, %div3A_406 : vector<16xi1>, vector<16xf32>
    %max3A_496 = arith.maximumf %select_n3A_453, %select_n3A_459 : vector<16xf32>
    %max3A_497 = arith.maximumf %max3A_496, %select_n3A_465 : vector<16xf32>
    %max3A_498 = arith.maximumf %max3A_497, %select_n3A_471 : vector<16xf32>
    %max3A_499 = arith.maximumf %max3A_498, %select_n3A_477 : vector<16xf32>
    %max3A_500 = arith.maximumf %max3A_499, %select_n3A_483 : vector<16xf32>
    %max3A_501 = arith.maximumf %max3A_500, %select_n3A_489 : vector<16xf32>
    %max3A_502 = arith.maximumf %max3A_501, %select_n3A_495 : vector<16xf32>
    %broadcast_in_dim3A_503 = arith.constant 8 : i32
    %broadcast_in_dim3A_504 = vector.broadcast %broadcast_in_dim3A_503 : i32 to vector<16xi32>
    %eq3A_505 = arith.cmpf oeq, %select_n3A_495, %max3A_502 : vector<16xf32>
    %jit3A_506 = arith.constant 7 : i32
    %broadcast_in_dim3A_507 = vector.broadcast %jit3A_506 : i32 to vector<16xi32>
    %select_n3A_508 = arith.select %eq3A_505, %broadcast_in_dim3A_507, %broadcast_in_dim3A_504 : vector<16xi1>, vector<16xi32>
    %eq3A_509 = arith.cmpf oeq, %select_n3A_489, %max3A_502 : vector<16xf32>
    %jit3A_510 = arith.constant 6 : i32
    %broadcast_in_dim3A_511 = vector.broadcast %jit3A_510 : i32 to vector<16xi32>
    %select_n3A_512 = arith.select %eq3A_509, %broadcast_in_dim3A_511, %select_n3A_508 : vector<16xi1>, vector<16xi32>
    %eq3A_513 = arith.cmpf oeq, %select_n3A_483, %max3A_502 : vector<16xf32>
    %jit3A_514 = arith.constant 5 : i32
    %broadcast_in_dim3A_515 = vector.broadcast %jit3A_514 : i32 to vector<16xi32>
    %select_n3A_516 = arith.select %eq3A_513, %broadcast_in_dim3A_515, %select_n3A_512 : vector<16xi1>, vector<16xi32>
    %eq3A_517 = arith.cmpf oeq, %select_n3A_477, %max3A_502 : vector<16xf32>
    %jit3A_518 = arith.constant 4 : i32
    %broadcast_in_dim3A_519 = vector.broadcast %jit3A_518 : i32 to vector<16xi32>
    %select_n3A_520 = arith.select %eq3A_517, %broadcast_in_dim3A_519, %select_n3A_516 : vector<16xi1>, vector<16xi32>
    %eq3A_521 = arith.cmpf oeq, %select_n3A_471, %max3A_502 : vector<16xf32>
    %jit3A_522 = arith.constant 3 : i32
    %broadcast_in_dim3A_523 = vector.broadcast %jit3A_522 : i32 to vector<16xi32>
    %select_n3A_524 = arith.select %eq3A_521, %broadcast_in_dim3A_523, %select_n3A_520 : vector<16xi1>, vector<16xi32>
    %eq3A_525 = arith.cmpf oeq, %select_n3A_465, %max3A_502 : vector<16xf32>
    %jit3A_526 = arith.constant 2 : i32
    %broadcast_in_dim3A_527 = vector.broadcast %jit3A_526 : i32 to vector<16xi32>
    %select_n3A_528 = arith.select %eq3A_525, %broadcast_in_dim3A_527, %select_n3A_524 : vector<16xi1>, vector<16xi32>
    %eq3A_529 = arith.cmpf oeq, %select_n3A_459, %max3A_502 : vector<16xf32>
    %jit3A_530 = arith.constant 1 : i32
    %broadcast_in_dim3A_531 = vector.broadcast %jit3A_530 : i32 to vector<16xi32>
    %select_n3A_532 = arith.select %eq3A_529, %broadcast_in_dim3A_531, %select_n3A_528 : vector<16xi1>, vector<16xi32>
    %eq3A_533 = arith.cmpf oeq, %select_n3A_453, %max3A_502 : vector<16xf32>
    %jit3A_534 = arith.constant 0 : i32
    %broadcast_in_dim3A_535 = vector.broadcast %jit3A_534 : i32 to vector<16xi32>
    %select_n3A_536 = arith.select %eq3A_533, %broadcast_in_dim3A_535, %select_n3A_532 : vector<16xi1>, vector<16xi32>
    %add3A_537 = arith.addf %max3A_413, %max3A_502 : vector<16xf32>
    %add3A_538 = arith.constant 9.99999971E-10 : f32
    %add3A_539 = vector.broadcast %add3A_538 : f32 to vector<16xf32>
    %add3A_540 = arith.addf %add3A_537, %add3A_539 : vector<16xf32>
    %div3A_541 = arith.divf %max3A_413, %add3A_540 : vector<16xf32>
    %div3A_542 = arith.divf %max3A_502, %add3A_540 : vector<16xf32>
    %broadcast_in_dim3A_543 = arith.constant 0.000000e+00 : f32
    %broadcast_in_dim3A_544 = vector.broadcast %broadcast_in_dim3A_543 : f32 to vector<16xf32>
    %eq3A_545 = arith.constant 0 : i32
    %eq3A_546 = vector.broadcast %eq3A_545 : i32 to vector<16xi32>
    %eq3A_547 = arith.cmpi eq, %select_n3A_447, %eq3A_546 : vector<16xi32>
    %select_n3A_548 = arith.select %eq3A_547, %div3A_541, %broadcast_in_dim3A_544 : vector<16xi1>, vector<16xf32>
    %eq3A_549 = arith.constant 0 : i32
    %eq3A_550 = vector.broadcast %eq3A_549 : i32 to vector<16xi32>
    %eq3A_551 = arith.cmpi eq, %select_n3A_536, %eq3A_550 : vector<16xi32>
    %select_n3A_552 = arith.select %eq3A_551, %div3A_542, %broadcast_in_dim3A_544 : vector<16xi1>, vector<16xf32>
    %add3A_553 = arith.addf %select_n3A_548, %select_n3A_552 : vector<16xf32>
    %swap3A_554 = arith.constant 0 : i32
    %swap3A_555 = arith.index_cast %swap3A_554 : i32 to index
    %swap3A_556 = arith.constant 16 : index
    %swap3A_557 = tpu.vector_load %arg5[%swap3A_555, %swap3A_556] {strides = array<i32>} : memref<8x128xf32, #tpu.memory_space<vmem>>, vector<1x16xf32>,
    %swap3A_558 = vector.shape_cast %swap3A_557 : vector<1x16xf32> to vector<16xf32>
    %swap3A_559 = vector.shape_cast %add3A_553 : vector<16xf32> to vector<1x16xf32>
    tpu.vector_store %arg5[%swap3A_555, %swap3A_556], %swap3A_559 {strides = array<i32>} : memref<8x128xf32, #tpu.memory_space<vmem>>, vector<1x16xf32>,
    %eq3A_560 = arith.constant 1 : i32
    %eq3A_561 = vector.broadcast %eq3A_560 : i32 to vector<16xi32>
    %eq3A_562 = arith.cmpi eq, %select_n3A_447, %eq3A_561 : vector<16xi32>
    %select_n3A_563 = arith.select %eq3A_562, %div3A_541, %broadcast_in_dim3A_544 : vector<16xi1>, vector<16xf32>
    %eq3A_564 = arith.constant 1 : i32
    %eq3A_565 = vector.broadcast %eq3A_564 : i32 to vector<16xi32>
    %eq3A_566 = arith.cmpi eq, %select_n3A_536, %eq3A_565 : vector<16xi32>
    %select_n3A_567 = arith.select %eq3A_566, %div3A_542, %broadcast_in_dim3A_544 : vector<16xi1>, vector<16xf32>
    %add3A_568 = arith.addf %select_n3A_563, %select_n3A_567 : vector<16xf32>
    %swap3A_569 = arith.constant 1 : i32
    %swap3A_570 = arith.index_cast %swap3A_569 : i32 to index
    %swap3A_571 = arith.constant 16 : index
    %swap3A_572 = tpu.vector_load %arg5[%swap3A_570, %swap3A_571] {strides = array<i32>} : memref<8x128xf32, #tpu.memory_space<vmem>>, vector<1x16xf32>,
    %swap3A_573 = vector.shape_cast %swap3A_572 : vector<1x16xf32> to vector<16xf32>
    %swap3A_574 = vector.shape_cast %add3A_568 : vector<16xf32> to vector<1x16xf32>
    tpu.vector_store %arg5[%swap3A_570, %swap3A_571], %swap3A_574 {strides = array<i32>} : memref<8x128xf32, #tpu.memory_space<vmem>>, vector<1x16xf32>,
    %eq3A_575 = arith.constant 2 : i32
    %eq3A_576 = vector.broadcast %eq3A_575 : i32 to vector<16xi32>
    %eq3A_577 = arith.cmpi eq, %select_n3A_447, %eq3A_576 : vector<16xi32>
    %select_n3A_578 = arith.select %eq3A_577, %div3A_541, %broadcast_in_dim3A_544 : vector<16xi1>, vector<16xf32>
    %eq3A_579 = arith.constant 2 : i32
    %eq3A_580 = vector.broadcast %eq3A_579 : i32 to vector<16xi32>
    %eq3A_581 = arith.cmpi eq, %select_n3A_536, %eq3A_580 : vector<16xi32>
    %select_n3A_582 = arith.select %eq3A_581, %div3A_542, %broadcast_in_dim3A_544 : vector<16xi1>, vector<16xf32>
    %add3A_583 = arith.addf %select_n3A_578, %select_n3A_582 : vector<16xf32>
    %swap3A_584 = arith.constant 2 : i32
    %swap3A_585 = arith.index_cast %swap3A_584 : i32 to index
    %swap3A_586 = arith.constant 16 : index
    %swap3A_587 = tpu.vector_load %arg5[%swap3A_585, %swap3A_586] {strides = array<i32>} : memref<8x128xf32, #tpu.memory_space<vmem>>, vector<1x16xf32>,
    %swap3A_588 = vector.shape_cast %swap3A_587 : vector<1x16xf32> to vector<16xf32>
    %swap3A_589 = vector.shape_cast %add3A_583 : vector<16xf32> to vector<1x16xf32>
    tpu.vector_store %arg5[%swap3A_585, %swap3A_586], %swap3A_589 {strides = array<i32>} : memref<8x128xf32, #tpu.memory_space<vmem>>, vector<1x16xf32>,
    %eq3A_590 = arith.constant 3 : i32
    %eq3A_591 = vector.broadcast %eq3A_590 : i32 to vector<16xi32>
    %eq3A_592 = arith.cmpi eq, %select_n3A_447, %eq3A_591 : vector<16xi32>
    %select_n3A_593 = arith.select %eq3A_592, %div3A_541, %broadcast_in_dim3A_544 : vector<16xi1>, vector<16xf32>
    %eq3A_594 = arith.constant 3 : i32
    %eq3A_595 = vector.broadcast %eq3A_594 : i32 to vector<16xi32>
    %eq3A_596 = arith.cmpi eq, %select_n3A_536, %eq3A_595 : vector<16xi32>
    %select_n3A_597 = arith.select %eq3A_596, %div3A_542, %broadcast_in_dim3A_544 : vector<16xi1>, vector<16xf32>
    %add3A_598 = arith.addf %select_n3A_593, %select_n3A_597 : vector<16xf32>
    %swap3A_599 = arith.constant 3 : i32
    %swap3A_600 = arith.index_cast %swap3A_599 : i32 to index
    %swap3A_601 = arith.constant 16 : index
    %swap3A_602 = tpu.vector_load %arg5[%swap3A_600, %swap3A_601] {strides = array<i32>} : memref<8x128xf32, #tpu.memory_space<vmem>>, vector<1x16xf32>,
    %swap3A_603 = vector.shape_cast %swap3A_602 : vector<1x16xf32> to vector<16xf32>
    %swap3A_604 = vector.shape_cast %add3A_598 : vector<16xf32> to vector<1x16xf32>
    tpu.vector_store %arg5[%swap3A_600, %swap3A_601], %swap3A_604 {strides = array<i32>} : memref<8x128xf32, #tpu.memory_space<vmem>>, vector<1x16xf32>,
    %eq3A_605 = arith.constant 4 : i32
    %eq3A_606 = vector.broadcast %eq3A_605 : i32 to vector<16xi32>
    %eq3A_607 = arith.cmpi eq, %select_n3A_447, %eq3A_606 : vector<16xi32>
    %select_n3A_608 = arith.select %eq3A_607, %div3A_541, %broadcast_in_dim3A_544 : vector<16xi1>, vector<16xf32>
    %eq3A_609 = arith.constant 4 : i32
    %eq3A_610 = vector.broadcast %eq3A_609 : i32 to vector<16xi32>
    %eq3A_611 = arith.cmpi eq, %select_n3A_536, %eq3A_610 : vector<16xi32>
    %select_n3A_612 = arith.select %eq3A_611, %div3A_542, %broadcast_in_dim3A_544 : vector<16xi1>, vector<16xf32>
    %add3A_613 = arith.addf %select_n3A_608, %select_n3A_612 : vector<16xf32>
    %swap3A_614 = arith.constant 4 : i32
    %swap3A_615 = arith.index_cast %swap3A_614 : i32 to index
    %swap3A_616 = arith.constant 16 : index
    %swap3A_617 = tpu.vector_load %arg5[%swap3A_615, %swap3A_616] {strides = array<i32>} : memref<8x128xf32, #tpu.memory_space<vmem>>, vector<1x16xf32>,
    %swap3A_618 = vector.shape_cast %swap3A_617 : vector<1x16xf32> to vector<16xf32>
    %swap3A_619 = vector.shape_cast %add3A_613 : vector<16xf32> to vector<1x16xf32>
    tpu.vector_store %arg5[%swap3A_615, %swap3A_616], %swap3A_619 {strides = array<i32>} : memref<8x128xf32, #tpu.memory_space<vmem>>, vector<1x16xf32>,
    %eq3A_620 = arith.constant 5 : i32
    %eq3A_621 = vector.broadcast %eq3A_620 : i32 to vector<16xi32>
    %eq3A_622 = arith.cmpi eq, %select_n3A_447, %eq3A_621 : vector<16xi32>
    %select_n3A_623 = arith.select %eq3A_622, %div3A_541, %broadcast_in_dim3A_544 : vector<16xi1>, vector<16xf32>
    %eq3A_624 = arith.constant 5 : i32
    %eq3A_625 = vector.broadcast %eq3A_624 : i32 to vector<16xi32>
    %eq3A_626 = arith.cmpi eq, %select_n3A_536, %eq3A_625 : vector<16xi32>
    %select_n3A_627 = arith.select %eq3A_626, %div3A_542, %broadcast_in_dim3A_544 : vector<16xi1>, vector<16xf32>
    %add3A_628 = arith.addf %select_n3A_623, %select_n3A_627 : vector<16xf32>
    %swap3A_629 = arith.constant 5 : i32
    %swap3A_630 = arith.index_cast %swap3A_629 : i32 to index
    %swap3A_631 = arith.constant 16 : index
    %swap3A_632 = tpu.vector_load %arg5[%swap3A_630, %swap3A_631] {strides = array<i32>} : memref<8x128xf32, #tpu.memory_space<vmem>>, vector<1x16xf32>,
    %swap3A_633 = vector.shape_cast %swap3A_632 : vector<1x16xf32> to vector<16xf32>
    %swap3A_634 = vector.shape_cast %add3A_628 : vector<16xf32> to vector<1x16xf32>
    tpu.vector_store %arg5[%swap3A_630, %swap3A_631], %swap3A_634 {strides = array<i32>} : memref<8x128xf32, #tpu.memory_space<vmem>>, vector<1x16xf32>,
    %eq3A_635 = arith.constant 6 : i32
    %eq3A_636 = vector.broadcast %eq3A_635 : i32 to vector<16xi32>
    %eq3A_637 = arith.cmpi eq, %select_n3A_447, %eq3A_636 : vector<16xi32>
    %select_n3A_638 = arith.select %eq3A_637, %div3A_541, %broadcast_in_dim3A_544 : vector<16xi1>, vector<16xf32>
    %eq3A_639 = arith.constant 6 : i32
    %eq3A_640 = vector.broadcast %eq3A_639 : i32 to vector<16xi32>
    %eq3A_641 = arith.cmpi eq, %select_n3A_536, %eq3A_640 : vector<16xi32>
    %select_n3A_642 = arith.select %eq3A_641, %div3A_542, %broadcast_in_dim3A_544 : vector<16xi1>, vector<16xf32>
    %add3A_643 = arith.addf %select_n3A_638, %select_n3A_642 : vector<16xf32>
    %swap3A_644 = arith.constant 6 : i32
    %swap3A_645 = arith.index_cast %swap3A_644 : i32 to index
    %swap3A_646 = arith.constant 16 : index
    %swap3A_647 = tpu.vector_load %arg5[%swap3A_645, %swap3A_646] {strides = array<i32>} : memref<8x128xf32, #tpu.memory_space<vmem>>, vector<1x16xf32>,
    %swap3A_648 = vector.shape_cast %swap3A_647 : vector<1x16xf32> to vector<16xf32>
    %swap3A_649 = vector.shape_cast %add3A_643 : vector<16xf32> to vector<1x16xf32>
    tpu.vector_store %arg5[%swap3A_645, %swap3A_646], %swap3A_649 {strides = array<i32>} : memref<8x128xf32, #tpu.memory_space<vmem>>, vector<1x16xf32>,
    %eq3A_650 = arith.constant 7 : i32
    %eq3A_651 = vector.broadcast %eq3A_650 : i32 to vector<16xi32>
    %eq3A_652 = arith.cmpi eq, %select_n3A_447, %eq3A_651 : vector<16xi32>
    %select_n3A_653 = arith.select %eq3A_652, %div3A_541, %broadcast_in_dim3A_544 : vector<16xi1>, vector<16xf32>
    %eq3A_654 = arith.constant 7 : i32
    %eq3A_655 = vector.broadcast %eq3A_654 : i32 to vector<16xi32>
    %eq3A_656 = arith.cmpi eq, %select_n3A_536, %eq3A_655 : vector<16xi32>
    %select_n3A_657 = arith.select %eq3A_656, %div3A_542, %broadcast_in_dim3A_544 : vector<16xi1>, vector<16xf32>
    %add3A_658 = arith.addf %select_n3A_653, %select_n3A_657 : vector<16xf32>
    %swap3A_659 = arith.constant 7 : i32
    %swap3A_660 = arith.index_cast %swap3A_659 : i32 to index
    %swap3A_661 = arith.constant 16 : index
    %swap3A_662 = tpu.vector_load %arg5[%swap3A_660, %swap3A_661] {strides = array<i32>} : memref<8x128xf32, #tpu.memory_space<vmem>>, vector<1x16xf32>,
    %swap3A_663 = vector.shape_cast %swap3A_662 : vector<1x16xf32> to vector<16xf32>
    %swap3A_664 = vector.shape_cast %add3A_658 : vector<16xf32> to vector<1x16xf32>
    tpu.vector_store %arg5[%swap3A_660, %swap3A_661], %swap3A_664 {strides = array<i32>} : memref<8x128xf32, #tpu.memory_space<vmem>>, vector<1x16xf32>,
    %get3A_665 = arith.constant 0 : i32
    %get3A_666 = arith.index_cast %get3A_665 : i32 to index
    %get3A_667 = arith.constant 32 : index
    %get3A_668 = tpu.vector_load %arg4[%get3A_666, %get3A_667] {strides = array<i32>} : memref<8x128xf32, #tpu.memory_space<vmem>>, vector<1x16xf32>,
    %get3A_669 = vector.shape_cast %get3A_668 : vector<1x16xf32> to vector<16xf32>
    %get3A_670 = arith.constant 1 : i32
    %get3A_671 = arith.index_cast %get3A_670 : i32 to index
    %get3A_672 = arith.constant 32 : index
    %get3A_673 = tpu.vector_load %arg4[%get3A_671, %get3A_672] {strides = array<i32>} : memref<8x128xf32, #tpu.memory_space<vmem>>, vector<1x16xf32>,
    %get3A_674 = vector.shape_cast %get3A_673 : vector<1x16xf32> to vector<16xf32>
    %get3A_675 = arith.constant 2 : i32
    %get3A_676 = arith.index_cast %get3A_675 : i32 to index
    %get3A_677 = arith.constant 32 : index
    %get3A_678 = tpu.vector_load %arg4[%get3A_676, %get3A_677] {strides = array<i32>} : memref<8x128xf32, #tpu.memory_space<vmem>>, vector<1x16xf32>,
    %get3A_679 = vector.shape_cast %get3A_678 : vector<1x16xf32> to vector<16xf32>
    %get3A_680 = arith.constant 3 : i32
    %get3A_681 = arith.index_cast %get3A_680 : i32 to index
    %get3A_682 = arith.constant 32 : index
    %get3A_683 = tpu.vector_load %arg4[%get3A_681, %get3A_682] {strides = array<i32>} : memref<8x128xf32, #tpu.memory_space<vmem>>, vector<1x16xf32>,
    %get3A_684 = vector.shape_cast %get3A_683 : vector<1x16xf32> to vector<16xf32>
    %get3A_685 = arith.constant 4 : i32
    %get3A_686 = arith.index_cast %get3A_685 : i32 to index
    %get3A_687 = arith.constant 32 : index
    %get3A_688 = tpu.vector_load %arg4[%get3A_686, %get3A_687] {strides = array<i32>} : memref<8x128xf32, #tpu.memory_space<vmem>>, vector<1x16xf32>,
    %get3A_689 = vector.shape_cast %get3A_688 : vector<1x16xf32> to vector<16xf32>
    %get3A_690 = arith.constant 5 : i32
    %get3A_691 = arith.index_cast %get3A_690 : i32 to index
    %get3A_692 = arith.constant 32 : index
    %get3A_693 = tpu.vector_load %arg4[%get3A_691, %get3A_692] {strides = array<i32>} : memref<8x128xf32, #tpu.memory_space<vmem>>, vector<1x16xf32>,
    %get3A_694 = vector.shape_cast %get3A_693 : vector<1x16xf32> to vector<16xf32>
    %get3A_695 = arith.constant 6 : i32
    %get3A_696 = arith.index_cast %get3A_695 : i32 to index
    %get3A_697 = arith.constant 32 : index
    %get3A_698 = tpu.vector_load %arg4[%get3A_696, %get3A_697] {strides = array<i32>} : memref<8x128xf32, #tpu.memory_space<vmem>>, vector<1x16xf32>,
    %get3A_699 = vector.shape_cast %get3A_698 : vector<1x16xf32> to vector<16xf32>
    %get3A_700 = arith.constant 7 : i32
    %get3A_701 = arith.index_cast %get3A_700 : i32 to index
    %get3A_702 = arith.constant 32 : index
    %get3A_703 = tpu.vector_load %arg4[%get3A_701, %get3A_702] {strides = array<i32>} : memref<8x128xf32, #tpu.memory_space<vmem>>, vector<1x16xf32>,
    %get3A_704 = vector.shape_cast %get3A_703 : vector<1x16xf32> to vector<16xf32>
    %max3A_705 = arith.maximumf %get3A_669, %get3A_674 : vector<16xf32>
    %max3A_706 = arith.maximumf %max3A_705, %get3A_679 : vector<16xf32>
    %max3A_707 = arith.maximumf %max3A_706, %get3A_684 : vector<16xf32>
    %max3A_708 = arith.maximumf %max3A_707, %get3A_689 : vector<16xf32>
    %max3A_709 = arith.maximumf %max3A_708, %get3A_694 : vector<16xf32>
    %max3A_710 = arith.maximumf %max3A_709, %get3A_699 : vector<16xf32>
    %max3A_711 = arith.maximumf %max3A_710, %get3A_704 : vector<16xf32>
    %sub3A_712 = arith.subf %get3A_669, %max3A_711 : vector<16xf32>
    %exp3A_713 = math.exp %sub3A_712 : vector<16xf32>
    %sub3A_714 = arith.subf %get3A_674, %max3A_711 : vector<16xf32>
    %exp3A_715 = math.exp %sub3A_714 : vector<16xf32>
    %sub3A_716 = arith.subf %get3A_679, %max3A_711 : vector<16xf32>
    %exp3A_717 = math.exp %sub3A_716 : vector<16xf32>
    %sub3A_718 = arith.subf %get3A_684, %max3A_711 : vector<16xf32>
    %exp3A_719 = math.exp %sub3A_718 : vector<16xf32>
    %sub3A_720 = arith.subf %get3A_689, %max3A_711 : vector<16xf32>
    %exp3A_721 = math.exp %sub3A_720 : vector<16xf32>
    %sub3A_722 = arith.subf %get3A_694, %max3A_711 : vector<16xf32>
    %exp3A_723 = math.exp %sub3A_722 : vector<16xf32>
    %sub3A_724 = arith.subf %get3A_699, %max3A_711 : vector<16xf32>
    %exp3A_725 = math.exp %sub3A_724 : vector<16xf32>
    %sub3A_726 = arith.subf %get3A_704, %max3A_711 : vector<16xf32>
    %exp3A_727 = math.exp %sub3A_726 : vector<16xf32>
    %add3A_728 = arith.addf %exp3A_713, %exp3A_715 : vector<16xf32>
    %add3A_729 = arith.addf %add3A_728, %exp3A_717 : vector<16xf32>
    %add3A_730 = arith.addf %add3A_729, %exp3A_719 : vector<16xf32>
    %add3A_731 = arith.addf %add3A_730, %exp3A_721 : vector<16xf32>
    %add3A_732 = arith.addf %add3A_731, %exp3A_723 : vector<16xf32>
    %add3A_733 = arith.addf %add3A_732, %exp3A_725 : vector<16xf32>
    %add3A_734 = arith.addf %add3A_733, %exp3A_727 : vector<16xf32>
    %div3A_735 = arith.divf %exp3A_713, %add3A_734 : vector<16xf32>
    %div3A_736 = arith.divf %exp3A_715, %add3A_734 : vector<16xf32>
    %div3A_737 = arith.divf %exp3A_717, %add3A_734 : vector<16xf32>
    %div3A_738 = arith.divf %exp3A_719, %add3A_734 : vector<16xf32>
    %div3A_739 = arith.divf %exp3A_721, %add3A_734 : vector<16xf32>
    %div3A_740 = arith.divf %exp3A_723, %add3A_734 : vector<16xf32>
    %div3A_741 = arith.divf %exp3A_725, %add3A_734 : vector<16xf32>
    %div3A_742 = arith.divf %exp3A_727, %add3A_734 : vector<16xf32>
    %max3A_743 = arith.maximumf %div3A_735, %div3A_736 : vector<16xf32>
    %max3A_744 = arith.maximumf %max3A_743, %div3A_737 : vector<16xf32>
    %max3A_745 = arith.maximumf %max3A_744, %div3A_738 : vector<16xf32>
    %max3A_746 = arith.maximumf %max3A_745, %div3A_739 : vector<16xf32>
    %max3A_747 = arith.maximumf %max3A_746, %div3A_740 : vector<16xf32>
    %max3A_748 = arith.maximumf %max3A_747, %div3A_741 : vector<16xf32>
    %max3A_749 = arith.maximumf %max3A_748, %div3A_742 : vector<16xf32>
    %broadcast_in_dim3A_750 = arith.constant 8 : i32
    %broadcast_in_dim3A_751 = vector.broadcast %broadcast_in_dim3A_750 : i32 to vector<16xi32>
    %eq3A_752 = arith.cmpf oeq, %div3A_742, %max3A_749 : vector<16xf32>
    %jit3A_753 = arith.constant 7 : i32
    %broadcast_in_dim3A_754 = vector.broadcast %jit3A_753 : i32 to vector<16xi32>
    %select_n3A_755 = arith.select %eq3A_752, %broadcast_in_dim3A_754, %broadcast_in_dim3A_751 : vector<16xi1>, vector<16xi32>
    %eq3A_756 = arith.cmpf oeq, %div3A_741, %max3A_749 : vector<16xf32>
    %jit3A_757 = arith.constant 6 : i32
    %broadcast_in_dim3A_758 = vector.broadcast %jit3A_757 : i32 to vector<16xi32>
    %select_n3A_759 = arith.select %eq3A_756, %broadcast_in_dim3A_758, %select_n3A_755 : vector<16xi1>, vector<16xi32>
    %eq3A_760 = arith.cmpf oeq, %div3A_740, %max3A_749 : vector<16xf32>
    %jit3A_761 = arith.constant 5 : i32
    %broadcast_in_dim3A_762 = vector.broadcast %jit3A_761 : i32 to vector<16xi32>
    %select_n3A_763 = arith.select %eq3A_760, %broadcast_in_dim3A_762, %select_n3A_759 : vector<16xi1>, vector<16xi32>
    %eq3A_764 = arith.cmpf oeq, %div3A_739, %max3A_749 : vector<16xf32>
    %jit3A_765 = arith.constant 4 : i32
    %broadcast_in_dim3A_766 = vector.broadcast %jit3A_765 : i32 to vector<16xi32>
    %select_n3A_767 = arith.select %eq3A_764, %broadcast_in_dim3A_766, %select_n3A_763 : vector<16xi1>, vector<16xi32>
    %eq3A_768 = arith.cmpf oeq, %div3A_738, %max3A_749 : vector<16xf32>
    %jit3A_769 = arith.constant 3 : i32
    %broadcast_in_dim3A_770 = vector.broadcast %jit3A_769 : i32 to vector<16xi32>
    %select_n3A_771 = arith.select %eq3A_768, %broadcast_in_dim3A_770, %select_n3A_767 : vector<16xi1>, vector<16xi32>
    %eq3A_772 = arith.cmpf oeq, %div3A_737, %max3A_749 : vector<16xf32>
    %jit3A_773 = arith.constant 2 : i32
    %broadcast_in_dim3A_774 = vector.broadcast %jit3A_773 : i32 to vector<16xi32>
    %select_n3A_775 = arith.select %eq3A_772, %broadcast_in_dim3A_774, %select_n3A_771 : vector<16xi1>, vector<16xi32>
    %eq3A_776 = arith.cmpf oeq, %div3A_736, %max3A_749 : vector<16xf32>
    %jit3A_777 = arith.constant 1 : i32
    %broadcast_in_dim3A_778 = vector.broadcast %jit3A_777 : i32 to vector<16xi32>
    %select_n3A_779 = arith.select %eq3A_776, %broadcast_in_dim3A_778, %select_n3A_775 : vector<16xi1>, vector<16xi32>
    %eq3A_780 = arith.cmpf oeq, %div3A_735, %max3A_749 : vector<16xf32>
    %jit3A_781 = arith.constant 0 : i32
    %broadcast_in_dim3A_782 = vector.broadcast %jit3A_781 : i32 to vector<16xi32>
    %select_n3A_783 = arith.select %eq3A_780, %broadcast_in_dim3A_782, %select_n3A_779 : vector<16xi1>, vector<16xi32>
    %eq3A_784 = arith.constant 0 : i32
    %eq3A_785 = vector.broadcast %eq3A_784 : i32 to vector<16xi32>
    %eq3A_786 = arith.cmpi eq, %select_n3A_783, %eq3A_785 : vector<16xi32>
    %jit3A_787 = arith.constant -1.000000e+00 : f32
    %broadcast_in_dim3A_788 = vector.broadcast %jit3A_787 : f32 to vector<16xf32>
    %select_n3A_789 = arith.select %eq3A_786, %broadcast_in_dim3A_788, %div3A_735 : vector<16xi1>, vector<16xf32>
    %eq3A_790 = arith.constant 1 : i32
    %eq3A_791 = vector.broadcast %eq3A_790 : i32 to vector<16xi32>
    %eq3A_792 = arith.cmpi eq, %select_n3A_783, %eq3A_791 : vector<16xi32>
    %jit3A_793 = arith.constant -1.000000e+00 : f32
    %broadcast_in_dim3A_794 = vector.broadcast %jit3A_793 : f32 to vector<16xf32>
    %select_n3A_795 = arith.select %eq3A_792, %broadcast_in_dim3A_794, %div3A_736 : vector<16xi1>, vector<16xf32>
    %eq3A_796 = arith.constant 2 : i32
    %eq3A_797 = vector.broadcast %eq3A_796 : i32 to vector<16xi32>
    %eq3A_798 = arith.cmpi eq, %select_n3A_783, %eq3A_797 : vector<16xi32>
    %jit3A_799 = arith.constant -1.000000e+00 : f32
    %broadcast_in_dim3A_800 = vector.broadcast %jit3A_799 : f32 to vector<16xf32>
    %select_n3A_801 = arith.select %eq3A_798, %broadcast_in_dim3A_800, %div3A_737 : vector<16xi1>, vector<16xf32>
    %eq3A_802 = arith.constant 3 : i32
    %eq3A_803 = vector.broadcast %eq3A_802 : i32 to vector<16xi32>
    %eq3A_804 = arith.cmpi eq, %select_n3A_783, %eq3A_803 : vector<16xi32>
    %jit3A_805 = arith.constant -1.000000e+00 : f32
    %broadcast_in_dim3A_806 = vector.broadcast %jit3A_805 : f32 to vector<16xf32>
    %select_n3A_807 = arith.select %eq3A_804, %broadcast_in_dim3A_806, %div3A_738 : vector<16xi1>, vector<16xf32>
    %eq3A_808 = arith.constant 4 : i32
    %eq3A_809 = vector.broadcast %eq3A_808 : i32 to vector<16xi32>
    %eq3A_810 = arith.cmpi eq, %select_n3A_783, %eq3A_809 : vector<16xi32>
    %jit3A_811 = arith.constant -1.000000e+00 : f32
    %broadcast_in_dim3A_812 = vector.broadcast %jit3A_811 : f32 to vector<16xf32>
    %select_n3A_813 = arith.select %eq3A_810, %broadcast_in_dim3A_812, %div3A_739 : vector<16xi1>, vector<16xf32>
    %eq3A_814 = arith.constant 5 : i32
    %eq3A_815 = vector.broadcast %eq3A_814 : i32 to vector<16xi32>
    %eq3A_816 = arith.cmpi eq, %select_n3A_783, %eq3A_815 : vector<16xi32>
    %jit3A_817 = arith.constant -1.000000e+00 : f32
    %broadcast_in_dim3A_818 = vector.broadcast %jit3A_817 : f32 to vector<16xf32>
    %select_n3A_819 = arith.select %eq3A_816, %broadcast_in_dim3A_818, %div3A_740 : vector<16xi1>, vector<16xf32>
    %eq3A_820 = arith.constant 6 : i32
    %eq3A_821 = vector.broadcast %eq3A_820 : i32 to vector<16xi32>
    %eq3A_822 = arith.cmpi eq, %select_n3A_783, %eq3A_821 : vector<16xi32>
    %jit3A_823 = arith.constant -1.000000e+00 : f32
    %broadcast_in_dim3A_824 = vector.broadcast %jit3A_823 : f32 to vector<16xf32>
    %select_n3A_825 = arith.select %eq3A_822, %broadcast_in_dim3A_824, %div3A_741 : vector<16xi1>, vector<16xf32>
    %eq3A_826 = arith.constant 7 : i32
    %eq3A_827 = vector.broadcast %eq3A_826 : i32 to vector<16xi32>
    %eq3A_828 = arith.cmpi eq, %select_n3A_783, %eq3A_827 : vector<16xi32>
    %jit3A_829 = arith.constant -1.000000e+00 : f32
    %broadcast_in_dim3A_830 = vector.broadcast %jit3A_829 : f32 to vector<16xf32>
    %select_n3A_831 = arith.select %eq3A_828, %broadcast_in_dim3A_830, %div3A_742 : vector<16xi1>, vector<16xf32>
    %max3A_832 = arith.maximumf %select_n3A_789, %select_n3A_795 : vector<16xf32>
    %max3A_833 = arith.maximumf %max3A_832, %select_n3A_801 : vector<16xf32>
    %max3A_834 = arith.maximumf %max3A_833, %select_n3A_807 : vector<16xf32>
    %max3A_835 = arith.maximumf %max3A_834, %select_n3A_813 : vector<16xf32>
    %max3A_836 = arith.maximumf %max3A_835, %select_n3A_819 : vector<16xf32>
    %max3A_837 = arith.maximumf %max3A_836, %select_n3A_825 : vector<16xf32>
    %max3A_838 = arith.maximumf %max3A_837, %select_n3A_831 : vector<16xf32>
    %broadcast_in_dim3A_839 = arith.constant 8 : i32
    %broadcast_in_dim3A_840 = vector.broadcast %broadcast_in_dim3A_839 : i32 to vector<16xi32>
    %eq3A_841 = arith.cmpf oeq, %select_n3A_831, %max3A_838 : vector<16xf32>
    %jit3A_842 = arith.constant 7 : i32
    %broadcast_in_dim3A_843 = vector.broadcast %jit3A_842 : i32 to vector<16xi32>
    %select_n3A_844 = arith.select %eq3A_841, %broadcast_in_dim3A_843, %broadcast_in_dim3A_840 : vector<16xi1>, vector<16xi32>
    %eq3A_845 = arith.cmpf oeq, %select_n3A_825, %max3A_838 : vector<16xf32>
    %jit3A_846 = arith.constant 6 : i32
    %broadcast_in_dim3A_847 = vector.broadcast %jit3A_846 : i32 to vector<16xi32>
    %select_n3A_848 = arith.select %eq3A_845, %broadcast_in_dim3A_847, %select_n3A_844 : vector<16xi1>, vector<16xi32>
    %eq3A_849 = arith.cmpf oeq, %select_n3A_819, %max3A_838 : vector<16xf32>
    %jit3A_850 = arith.constant 5 : i32
    %broadcast_in_dim3A_851 = vector.broadcast %jit3A_850 : i32 to vector<16xi32>
    %select_n3A_852 = arith.select %eq3A_849, %broadcast_in_dim3A_851, %select_n3A_848 : vector<16xi1>, vector<16xi32>
    %eq3A_853 = arith.cmpf oeq, %select_n3A_813, %max3A_838 : vector<16xf32>
    %jit3A_854 = arith.constant 4 : i32
    %broadcast_in_dim3A_855 = vector.broadcast %jit3A_854 : i32 to vector<16xi32>
    %select_n3A_856 = arith.select %eq3A_853, %broadcast_in_dim3A_855, %select_n3A_852 : vector<16xi1>, vector<16xi32>
    %eq3A_857 = arith.cmpf oeq, %select_n3A_807, %max3A_838 : vector<16xf32>
    %jit3A_858 = arith.constant 3 : i32
    %broadcast_in_dim3A_859 = vector.broadcast %jit3A_858 : i32 to vector<16xi32>
    %select_n3A_860 = arith.select %eq3A_857, %broadcast_in_dim3A_859, %select_n3A_856 : vector<16xi1>, vector<16xi32>
    %eq3A_861 = arith.cmpf oeq, %select_n3A_801, %max3A_838 : vector<16xf32>
    %jit3A_862 = arith.constant 2 : i32
    %broadcast_in_dim3A_863 = vector.broadcast %jit3A_862 : i32 to vector<16xi32>
    %select_n3A_864 = arith.select %eq3A_861, %broadcast_in_dim3A_863, %select_n3A_860 : vector<16xi1>, vector<16xi32>
    %eq3A_865 = arith.cmpf oeq, %select_n3A_795, %max3A_838 : vector<16xf32>
    %jit3A_866 = arith.constant 1 : i32
    %broadcast_in_dim3A_867 = vector.broadcast %jit3A_866 : i32 to vector<16xi32>
    %select_n3A_868 = arith.select %eq3A_865, %broadcast_in_dim3A_867, %select_n3A_864 : vector<16xi1>, vector<16xi32>
    %eq3A_869 = arith.cmpf oeq, %select_n3A_789, %max3A_838 : vector<16xf32>
    %jit3A_870 = arith.constant 0 : i32
    %broadcast_in_dim3A_871 = vector.broadcast %jit3A_870 : i32 to vector<16xi32>
    %select_n3A_872 = arith.select %eq3A_869, %broadcast_in_dim3A_871, %select_n3A_868 : vector<16xi1>, vector<16xi32>
    %add3A_873 = arith.addf %max3A_749, %max3A_838 : vector<16xf32>
    %add3A_874 = arith.constant 9.99999971E-10 : f32
    %add3A_875 = vector.broadcast %add3A_874 : f32 to vector<16xf32>
    %add3A_876 = arith.addf %add3A_873, %add3A_875 : vector<16xf32>
    %div3A_877 = arith.divf %max3A_749, %add3A_876 : vector<16xf32>
    %div3A_878 = arith.divf %max3A_838, %add3A_876 : vector<16xf32>
    %broadcast_in_dim3A_879 = arith.constant 0.000000e+00 : f32
    %broadcast_in_dim3A_880 = vector.broadcast %broadcast_in_dim3A_879 : f32 to vector<16xf32>
    %eq3A_881 = arith.constant 0 : i32
    %eq3A_882 = vector.broadcast %eq3A_881 : i32 to vector<16xi32>
    %eq3A_883 = arith.cmpi eq, %select_n3A_783, %eq3A_882 : vector<16xi32>
    %select_n3A_884 = arith.select %eq3A_883, %div3A_877, %broadcast_in_dim3A_880 : vector<16xi1>, vector<16xf32>
    %eq3A_885 = arith.constant 0 : i32
    %eq3A_886 = vector.broadcast %eq3A_885 : i32 to vector<16xi32>
    %eq3A_887 = arith.cmpi eq, %select_n3A_872, %eq3A_886 : vector<16xi32>
    %select_n3A_888 = arith.select %eq3A_887, %div3A_878, %broadcast_in_dim3A_880 : vector<16xi1>, vector<16xf32>
    %add3A_889 = arith.addf %select_n3A_884, %select_n3A_888 : vector<16xf32>
    %swap3A_890 = arith.constant 0 : i32
    %swap3A_891 = arith.index_cast %swap3A_890 : i32 to index
    %swap3A_892 = arith.constant 32 : index
    %swap3A_893 = tpu.vector_load %arg5[%swap3A_891, %swap3A_892] {strides = array<i32>} : memref<8x128xf32, #tpu.memory_space<vmem>>, vector<1x16xf32>,
    %swap3A_894 = vector.shape_cast %swap3A_893 : vector<1x16xf32> to vector<16xf32>
    %swap3A_895 = vector.shape_cast %add3A_889 : vector<16xf32> to vector<1x16xf32>
    tpu.vector_store %arg5[%swap3A_891, %swap3A_892], %swap3A_895 {strides = array<i32>} : memref<8x128xf32, #tpu.memory_space<vmem>>, vector<1x16xf32>,
    %eq3A_896 = arith.constant 1 : i32
    %eq3A_897 = vector.broadcast %eq3A_896 : i32 to vector<16xi32>
    %eq3A_898 = arith.cmpi eq, %select_n3A_783, %eq3A_897 : vector<16xi32>
    %select_n3A_899 = arith.select %eq3A_898, %div3A_877, %broadcast_in_dim3A_880 : vector<16xi1>, vector<16xf32>
    %eq3A_900 = arith.constant 1 : i32
    %eq3A_901 = vector.broadcast %eq3A_900 : i32 to vector<16xi32>
    %eq3A_902 = arith.cmpi eq, %select_n3A_872, %eq3A_901 : vector<16xi32>
    %select_n3A_903 = arith.select %eq3A_902, %div3A_878, %broadcast_in_dim3A_880 : vector<16xi1>, vector<16xf32>
    %add3A_904 = arith.addf %select_n3A_899, %select_n3A_903 : vector<16xf32>
    %swap3A_905 = arith.constant 1 : i32
    %swap3A_906 = arith.index_cast %swap3A_905 : i32 to index
    %swap3A_907 = arith.constant 32 : index
    %swap3A_908 = tpu.vector_load %arg5[%swap3A_906, %swap3A_907] {strides = array<i32>} : memref<8x128xf32, #tpu.memory_space<vmem>>, vector<1x16xf32>,
    %swap3A_909 = vector.shape_cast %swap3A_908 : vector<1x16xf32> to vector<16xf32>
    %swap3A_910 = vector.shape_cast %add3A_904 : vector<16xf32> to vector<1x16xf32>
    tpu.vector_store %arg5[%swap3A_906, %swap3A_907], %swap3A_910 {strides = array<i32>} : memref<8x128xf32, #tpu.memory_space<vmem>>, vector<1x16xf32>,
    %eq3A_911 = arith.constant 2 : i32
    %eq3A_912 = vector.broadcast %eq3A_911 : i32 to vector<16xi32>
    %eq3A_913 = arith.cmpi eq, %select_n3A_783, %eq3A_912 : vector<16xi32>
    %select_n3A_914 = arith.select %eq3A_913, %div3A_877, %broadcast_in_dim3A_880 : vector<16xi1>, vector<16xf32>
    %eq3A_915 = arith.constant 2 : i32
    %eq3A_916 = vector.broadcast %eq3A_915 : i32 to vector<16xi32>
    %eq3A_917 = arith.cmpi eq, %select_n3A_872, %eq3A_916 : vector<16xi32>
    %select_n3A_918 = arith.select %eq3A_917, %div3A_878, %broadcast_in_dim3A_880 : vector<16xi1>, vector<16xf32>
    %add3A_919 = arith.addf %select_n3A_914, %select_n3A_918 : vector<16xf32>
    %swap3A_920 = arith.constant 2 : i32
    %swap3A_921 = arith.index_cast %swap3A_920 : i32 to index
    %swap3A_922 = arith.constant 32 : index
    %swap3A_923 = tpu.vector_load %arg5[%swap3A_921, %swap3A_922] {strides = array<i32>} : memref<8x128xf32, #tpu.memory_space<vmem>>, vector<1x16xf32>,
    %swap3A_924 = vector.shape_cast %swap3A_923 : vector<1x16xf32> to vector<16xf32>
    %swap3A_925 = vector.shape_cast %add3A_919 : vector<16xf32> to vector<1x16xf32>
    tpu.vector_store %arg5[%swap3A_921, %swap3A_922], %swap3A_925 {strides = array<i32>} : memref<8x128xf32, #tpu.memory_space<vmem>>, vector<1x16xf32>,
    %eq3A_926 = arith.constant 3 : i32
    %eq3A_927 = vector.broadcast %eq3A_926 : i32 to vector<16xi32>
    %eq3A_928 = arith.cmpi eq, %select_n3A_783, %eq3A_927 : vector<16xi32>
    %select_n3A_929 = arith.select %eq3A_928, %div3A_877, %broadcast_in_dim3A_880 : vector<16xi1>, vector<16xf32>
    %eq3A_930 = arith.constant 3 : i32
    %eq3A_931 = vector.broadcast %eq3A_930 : i32 to vector<16xi32>
    %eq3A_932 = arith.cmpi eq, %select_n3A_872, %eq3A_931 : vector<16xi32>
    %select_n3A_933 = arith.select %eq3A_932, %div3A_878, %broadcast_in_dim3A_880 : vector<16xi1>, vector<16xf32>
    %add3A_934 = arith.addf %select_n3A_929, %select_n3A_933 : vector<16xf32>
    %swap3A_935 = arith.constant 3 : i32
    %swap3A_936 = arith.index_cast %swap3A_935 : i32 to index
    %swap3A_937 = arith.constant 32 : index
    %swap3A_938 = tpu.vector_load %arg5[%swap3A_936, %swap3A_937] {strides = array<i32>} : memref<8x128xf32, #tpu.memory_space<vmem>>, vector<1x16xf32>,
    %swap3A_939 = vector.shape_cast %swap3A_938 : vector<1x16xf32> to vector<16xf32>
    %swap3A_940 = vector.shape_cast %add3A_934 : vector<16xf32> to vector<1x16xf32>
    tpu.vector_store %arg5[%swap3A_936, %swap3A_937], %swap3A_940 {strides = array<i32>} : memref<8x128xf32, #tpu.memory_space<vmem>>, vector<1x16xf32>,
    %eq3A_941 = arith.constant 4 : i32
    %eq3A_942 = vector.broadcast %eq3A_941 : i32 to vector<16xi32>
    %eq3A_943 = arith.cmpi eq, %select_n3A_783, %eq3A_942 : vector<16xi32>
    %select_n3A_944 = arith.select %eq3A_943, %div3A_877, %broadcast_in_dim3A_880 : vector<16xi1>, vector<16xf32>
    %eq3A_945 = arith.constant 4 : i32
    %eq3A_946 = vector.broadcast %eq3A_945 : i32 to vector<16xi32>
    %eq3A_947 = arith.cmpi eq, %select_n3A_872, %eq3A_946 : vector<16xi32>
    %select_n3A_948 = arith.select %eq3A_947, %div3A_878, %broadcast_in_dim3A_880 : vector<16xi1>, vector<16xf32>
    %add3A_949 = arith.addf %select_n3A_944, %select_n3A_948 : vector<16xf32>
    %swap3A_950 = arith.constant 4 : i32
    %swap3A_951 = arith.index_cast %swap3A_950 : i32 to index
    %swap3A_952 = arith.constant 32 : index
    %swap3A_953 = tpu.vector_load %arg5[%swap3A_951, %swap3A_952] {strides = array<i32>} : memref<8x128xf32, #tpu.memory_space<vmem>>, vector<1x16xf32>,
    %swap3A_954 = vector.shape_cast %swap3A_953 : vector<1x16xf32> to vector<16xf32>
    %swap3A_955 = vector.shape_cast %add3A_949 : vector<16xf32> to vector<1x16xf32>
    tpu.vector_store %arg5[%swap3A_951, %swap3A_952], %swap3A_955 {strides = array<i32>} : memref<8x128xf32, #tpu.memory_space<vmem>>, vector<1x16xf32>,
    %eq3A_956 = arith.constant 5 : i32
    %eq3A_957 = vector.broadcast %eq3A_956 : i32 to vector<16xi32>
    %eq3A_958 = arith.cmpi eq, %select_n3A_783, %eq3A_957 : vector<16xi32>
    %select_n3A_959 = arith.select %eq3A_958, %div3A_877, %broadcast_in_dim3A_880 : vector<16xi1>, vector<16xf32>
    %eq3A_960 = arith.constant 5 : i32
    %eq3A_961 = vector.broadcast %eq3A_960 : i32 to vector<16xi32>
    %eq3A_962 = arith.cmpi eq, %select_n3A_872, %eq3A_961 : vector<16xi32>
    %select_n3A_963 = arith.select %eq3A_962, %div3A_878, %broadcast_in_dim3A_880 : vector<16xi1>, vector<16xf32>
    %add3A_964 = arith.addf %select_n3A_959, %select_n3A_963 : vector<16xf32>
    %swap3A_965 = arith.constant 5 : i32
    %swap3A_966 = arith.index_cast %swap3A_965 : i32 to index
    %swap3A_967 = arith.constant 32 : index
    %swap3A_968 = tpu.vector_load %arg5[%swap3A_966, %swap3A_967] {strides = array<i32>} : memref<8x128xf32, #tpu.memory_space<vmem>>, vector<1x16xf32>,
    %swap3A_969 = vector.shape_cast %swap3A_968 : vector<1x16xf32> to vector<16xf32>
    %swap3A_970 = vector.shape_cast %add3A_964 : vector<16xf32> to vector<1x16xf32>
    tpu.vector_store %arg5[%swap3A_966, %swap3A_967], %swap3A_970 {strides = array<i32>} : memref<8x128xf32, #tpu.memory_space<vmem>>, vector<1x16xf32>,
    %eq3A_971 = arith.constant 6 : i32
    %eq3A_972 = vector.broadcast %eq3A_971 : i32 to vector<16xi32>
    %eq3A_973 = arith.cmpi eq, %select_n3A_783, %eq3A_972 : vector<16xi32>
    %select_n3A_974 = arith.select %eq3A_973, %div3A_877, %broadcast_in_dim3A_880 : vector<16xi1>, vector<16xf32>
    %eq3A_975 = arith.constant 6 : i32
    %eq3A_976 = vector.broadcast %eq3A_975 : i32 to vector<16xi32>
    %eq3A_977 = arith.cmpi eq, %select_n3A_872, %eq3A_976 : vector<16xi32>
    %select_n3A_978 = arith.select %eq3A_977, %div3A_878, %broadcast_in_dim3A_880 : vector<16xi1>, vector<16xf32>
    %add3A_979 = arith.addf %select_n3A_974, %select_n3A_978 : vector<16xf32>
    %swap3A_980 = arith.constant 6 : i32
    %swap3A_981 = arith.index_cast %swap3A_980 : i32 to index
    %swap3A_982 = arith.constant 32 : index
    %swap3A_983 = tpu.vector_load %arg5[%swap3A_981, %swap3A_982] {strides = array<i32>} : memref<8x128xf32, #tpu.memory_space<vmem>>, vector<1x16xf32>,
    %swap3A_984 = vector.shape_cast %swap3A_983 : vector<1x16xf32> to vector<16xf32>
    %swap3A_985 = vector.shape_cast %add3A_979 : vector<16xf32> to vector<1x16xf32>
    tpu.vector_store %arg5[%swap3A_981, %swap3A_982], %swap3A_985 {strides = array<i32>} : memref<8x128xf32, #tpu.memory_space<vmem>>, vector<1x16xf32>,
    %eq3A_986 = arith.constant 7 : i32
    %eq3A_987 = vector.broadcast %eq3A_986 : i32 to vector<16xi32>
    %eq3A_988 = arith.cmpi eq, %select_n3A_783, %eq3A_987 : vector<16xi32>
    %select_n3A_989 = arith.select %eq3A_988, %div3A_877, %broadcast_in_dim3A_880 : vector<16xi1>, vector<16xf32>
    %eq3A_990 = arith.constant 7 : i32
    %eq3A_991 = vector.broadcast %eq3A_990 : i32 to vector<16xi32>
    %eq3A_992 = arith.cmpi eq, %select_n3A_872, %eq3A_991 : vector<16xi32>
    %select_n3A_993 = arith.select %eq3A_992, %div3A_878, %broadcast_in_dim3A_880 : vector<16xi1>, vector<16xf32>
    %add3A_994 = arith.addf %select_n3A_989, %select_n3A_993 : vector<16xf32>
    %swap3A_995 = arith.constant 7 : i32
    %swap3A_996 = arith.index_cast %swap3A_995 : i32 to index
    %swap3A_997 = arith.constant 32 : index
    %swap3A_998 = tpu.vector_load %arg5[%swap3A_996, %swap3A_997] {strides = array<i32>} : memref<8x128xf32, #tpu.memory_space<vmem>>, vector<1x16xf32>,
    %swap3A_999 = vector.shape_cast %swap3A_998 : vector<1x16xf32> to vector<16xf32>
    %swap3A_1000 = vector.shape_cast %add3A_994 : vector<16xf32> to vector<1x16xf32>
    tpu.vector_store %arg5[%swap3A_996, %swap3A_997], %swap3A_1000 {strides = array<i32>} : memref<8x128xf32, #tpu.memory_space<vmem>>, vector<1x16xf32>,
    %get3A_1001 = arith.constant 0 : i32
    %get3A_1002 = arith.index_cast %get3A_1001 : i32 to index
    %get3A_1003 = arith.constant 48 : index
    %get3A_1004 = tpu.vector_load %arg4[%get3A_1002, %get3A_1003] {strides = array<i32>} : memref<8x128xf32, #tpu.memory_space<vmem>>, vector<1x16xf32>,
    %get3A_1005 = vector.shape_cast %get3A_1004 : vector<1x16xf32> to vector<16xf32>
    %get3A_1006 = arith.constant 1 : i32
    %get3A_1007 = arith.index_cast %get3A_1006 : i32 to index
    %get3A_1008 = arith.constant 48 : index
    %get3A_1009 = tpu.vector_load %arg4[%get3A_1007, %get3A_1008] {strides = array<i32>} : memref<8x128xf32, #tpu.memory_space<vmem>>, vector<1x16xf32>,
    %get3A_1010 = vector.shape_cast %get3A_1009 : vector<1x16xf32> to vector<16xf32>
    %get3A_1011 = arith.constant 2 : i32
    %get3A_1012 = arith.index_cast %get3A_1011 : i32 to index
    %get3A_1013 = arith.constant 48 : index
    %get3A_1014 = tpu.vector_load %arg4[%get3A_1012, %get3A_1013] {strides = array<i32>} : memref<8x128xf32, #tpu.memory_space<vmem>>, vector<1x16xf32>,
    %get3A_1015 = vector.shape_cast %get3A_1014 : vector<1x16xf32> to vector<16xf32>
    %get3A_1016 = arith.constant 3 : i32
    %get3A_1017 = arith.index_cast %get3A_1016 : i32 to index
    %get3A_1018 = arith.constant 48 : index
    %get3A_1019 = tpu.vector_load %arg4[%get3A_1017, %get3A_1018] {strides = array<i32>} : memref<8x128xf32, #tpu.memory_space<vmem>>, vector<1x16xf32>,
    %get3A_1020 = vector.shape_cast %get3A_1019 : vector<1x16xf32> to vector<16xf32>
    %get3A_1021 = arith.constant 4 : i32
    %get3A_1022 = arith.index_cast %get3A_1021 : i32 to index
    %get3A_1023 = arith.constant 48 : index
    %get3A_1024 = tpu.vector_load %arg4[%get3A_1022, %get3A_1023] {strides = array<i32>} : memref<8x128xf32, #tpu.memory_space<vmem>>, vector<1x16xf32>,
    %get3A_1025 = vector.shape_cast %get3A_1024 : vector<1x16xf32> to vector<16xf32>
    %get3A_1026 = arith.constant 5 : i32
    %get3A_1027 = arith.index_cast %get3A_1026 : i32 to index
    %get3A_1028 = arith.constant 48 : index
    %get3A_1029 = tpu.vector_load %arg4[%get3A_1027, %get3A_1028] {strides = array<i32>} : memref<8x128xf32, #tpu.memory_space<vmem>>, vector<1x16xf32>,
    %get3A_1030 = vector.shape_cast %get3A_1029 : vector<1x16xf32> to vector<16xf32>
    %get3A_1031 = arith.constant 6 : i32
    %get3A_1032 = arith.index_cast %get3A_1031 : i32 to index
    %get3A_1033 = arith.constant 48 : index
    %get3A_1034 = tpu.vector_load %arg4[%get3A_1032, %get3A_1033] {strides = array<i32>} : memref<8x128xf32, #tpu.memory_space<vmem>>, vector<1x16xf32>,
    %get3A_1035 = vector.shape_cast %get3A_1034 : vector<1x16xf32> to vector<16xf32>
    %get3A_1036 = arith.constant 7 : i32
    %get3A_1037 = arith.index_cast %get3A_1036 : i32 to index
    %get3A_1038 = arith.constant 48 : index
    %get3A_1039 = tpu.vector_load %arg4[%get3A_1037, %get3A_1038] {strides = array<i32>} : memref<8x128xf32, #tpu.memory_space<vmem>>, vector<1x16xf32>,
    %get3A_1040 = vector.shape_cast %get3A_1039 : vector<1x16xf32> to vector<16xf32>
    %max3A_1041 = arith.maximumf %get3A_1005, %get3A_1010 : vector<16xf32>
    %max3A_1042 = arith.maximumf %max3A_1041, %get3A_1015 : vector<16xf32>
    %max3A_1043 = arith.maximumf %max3A_1042, %get3A_1020 : vector<16xf32>
    %max3A_1044 = arith.maximumf %max3A_1043, %get3A_1025 : vector<16xf32>
    %max3A_1045 = arith.maximumf %max3A_1044, %get3A_1030 : vector<16xf32>
    %max3A_1046 = arith.maximumf %max3A_1045, %get3A_1035 : vector<16xf32>
    %max3A_1047 = arith.maximumf %max3A_1046, %get3A_1040 : vector<16xf32>
    %sub3A_1048 = arith.subf %get3A_1005, %max3A_1047 : vector<16xf32>
    %exp3A_1049 = math.exp %sub3A_1048 : vector<16xf32>
    %sub3A_1050 = arith.subf %get3A_1010, %max3A_1047 : vector<16xf32>
    %exp3A_1051 = math.exp %sub3A_1050 : vector<16xf32>
    %sub3A_1052 = arith.subf %get3A_1015, %max3A_1047 : vector<16xf32>
    %exp3A_1053 = math.exp %sub3A_1052 : vector<16xf32>
    %sub3A_1054 = arith.subf %get3A_1020, %max3A_1047 : vector<16xf32>
    %exp3A_1055 = math.exp %sub3A_1054 : vector<16xf32>
    %sub3A_1056 = arith.subf %get3A_1025, %max3A_1047 : vector<16xf32>
    %exp3A_1057 = math.exp %sub3A_1056 : vector<16xf32>
    %sub3A_1058 = arith.subf %get3A_1030, %max3A_1047 : vector<16xf32>
    %exp3A_1059 = math.exp %sub3A_1058 : vector<16xf32>
    %sub3A_1060 = arith.subf %get3A_1035, %max3A_1047 : vector<16xf32>
    %exp3A_1061 = math.exp %sub3A_1060 : vector<16xf32>
    %sub3A_1062 = arith.subf %get3A_1040, %max3A_1047 : vector<16xf32>
    %exp3A_1063 = math.exp %sub3A_1062 : vector<16xf32>
    %add3A_1064 = arith.addf %exp3A_1049, %exp3A_1051 : vector<16xf32>
    %add3A_1065 = arith.addf %add3A_1064, %exp3A_1053 : vector<16xf32>
    %add3A_1066 = arith.addf %add3A_1065, %exp3A_1055 : vector<16xf32>
    %add3A_1067 = arith.addf %add3A_1066, %exp3A_1057 : vector<16xf32>
    %add3A_1068 = arith.addf %add3A_1067, %exp3A_1059 : vector<16xf32>
    %add3A_1069 = arith.addf %add3A_1068, %exp3A_1061 : vector<16xf32>
    %add3A_1070 = arith.addf %add3A_1069, %exp3A_1063 : vector<16xf32>
    %div3A_1071 = arith.divf %exp3A_1049, %add3A_1070 : vector<16xf32>
    %div3A_1072 = arith.divf %exp3A_1051, %add3A_1070 : vector<16xf32>
    %div3A_1073 = arith.divf %exp3A_1053, %add3A_1070 : vector<16xf32>
    %div3A_1074 = arith.divf %exp3A_1055, %add3A_1070 : vector<16xf32>
    %div3A_1075 = arith.divf %exp3A_1057, %add3A_1070 : vector<16xf32>
    %div3A_1076 = arith.divf %exp3A_1059, %add3A_1070 : vector<16xf32>
    %div3A_1077 = arith.divf %exp3A_1061, %add3A_1070 : vector<16xf32>
    %div3A_1078 = arith.divf %exp3A_1063, %add3A_1070 : vector<16xf32>
    %max3A_1079 = arith.maximumf %div3A_1071, %div3A_1072 : vector<16xf32>
    %max3A_1080 = arith.maximumf %max3A_1079, %div3A_1073 : vector<16xf32>
    %max3A_1081 = arith.maximumf %max3A_1080, %div3A_1074 : vector<16xf32>
    %max3A_1082 = arith.maximumf %max3A_1081, %div3A_1075 : vector<16xf32>
    %max3A_1083 = arith.maximumf %max3A_1082, %div3A_1076 : vector<16xf32>
    %max3A_1084 = arith.maximumf %max3A_1083, %div3A_1077 : vector<16xf32>
    %max3A_1085 = arith.maximumf %max3A_1084, %div3A_1078 : vector<16xf32>
    %broadcast_in_dim3A_1086 = arith.constant 8 : i32
    %broadcast_in_dim3A_1087 = vector.broadcast %broadcast_in_dim3A_1086 : i32 to vector<16xi32>
    %eq3A_1088 = arith.cmpf oeq, %div3A_1078, %max3A_1085 : vector<16xf32>
    %jit3A_1089 = arith.constant 7 : i32
    %broadcast_in_dim3A_1090 = vector.broadcast %jit3A_1089 : i32 to vector<16xi32>
    %select_n3A_1091 = arith.select %eq3A_1088, %broadcast_in_dim3A_1090, %broadcast_in_dim3A_1087 : vector<16xi1>, vector<16xi32>
    %eq3A_1092 = arith.cmpf oeq, %div3A_1077, %max3A_1085 : vector<16xf32>
    %jit3A_1093 = arith.constant 6 : i32
    %broadcast_in_dim3A_1094 = vector.broadcast %jit3A_1093 : i32 to vector<16xi32>
    %select_n3A_1095 = arith.select %eq3A_1092, %broadcast_in_dim3A_1094, %select_n3A_1091 : vector<16xi1>, vector<16xi32>
    %eq3A_1096 = arith.cmpf oeq, %div3A_1076, %max3A_1085 : vector<16xf32>
    %jit3A_1097 = arith.constant 5 : i32
    %broadcast_in_dim3A_1098 = vector.broadcast %jit3A_1097 : i32 to vector<16xi32>
    %select_n3A_1099 = arith.select %eq3A_1096, %broadcast_in_dim3A_1098, %select_n3A_1095 : vector<16xi1>, vector<16xi32>
    %eq3A_1100 = arith.cmpf oeq, %div3A_1075, %max3A_1085 : vector<16xf32>
    %jit3A_1101 = arith.constant 4 : i32
    %broadcast_in_dim3A_1102 = vector.broadcast %jit3A_1101 : i32 to vector<16xi32>
    %select_n3A_1103 = arith.select %eq3A_1100, %broadcast_in_dim3A_1102, %select_n3A_1099 : vector<16xi1>, vector<16xi32>
    %eq3A_1104 = arith.cmpf oeq, %div3A_1074, %max3A_1085 : vector<16xf32>
    %jit3A_1105 = arith.constant 3 : i32
    %broadcast_in_dim3A_1106 = vector.broadcast %jit3A_1105 : i32 to vector<16xi32>
    %select_n3A_1107 = arith.select %eq3A_1104, %broadcast_in_dim3A_1106, %select_n3A_1103 : vector<16xi1>, vector<16xi32>
    %eq3A_1108 = arith.cmpf oeq, %div3A_1073, %max3A_1085 : vector<16xf32>
    %jit3A_1109 = arith.constant 2 : i32
    %broadcast_in_dim3A_1110 = vector.broadcast %jit3A_1109 : i32 to vector<16xi32>
    %select_n3A_1111 = arith.select %eq3A_1108, %broadcast_in_dim3A_1110, %select_n3A_1107 : vector<16xi1>, vector<16xi32>
    %eq3A_1112 = arith.cmpf oeq, %div3A_1072, %max3A_1085 : vector<16xf32>
    %jit3A_1113 = arith.constant 1 : i32
    %broadcast_in_dim3A_1114 = vector.broadcast %jit3A_1113 : i32 to vector<16xi32>
    %select_n3A_1115 = arith.select %eq3A_1112, %broadcast_in_dim3A_1114, %select_n3A_1111 : vector<16xi1>, vector<16xi32>
    %eq3A_1116 = arith.cmpf oeq, %div3A_1071, %max3A_1085 : vector<16xf32>
    %jit3A_1117 = arith.constant 0 : i32
    %broadcast_in_dim3A_1118 = vector.broadcast %jit3A_1117 : i32 to vector<16xi32>
    %select_n3A_1119 = arith.select %eq3A_1116, %broadcast_in_dim3A_1118, %select_n3A_1115 : vector<16xi1>, vector<16xi32>
    %eq3A_1120 = arith.constant 0 : i32
    %eq3A_1121 = vector.broadcast %eq3A_1120 : i32 to vector<16xi32>
    %eq3A_1122 = arith.cmpi eq, %select_n3A_1119, %eq3A_1121 : vector<16xi32>
    %jit3A_1123 = arith.constant -1.000000e+00 : f32
    %broadcast_in_dim3A_1124 = vector.broadcast %jit3A_1123 : f32 to vector<16xf32>
    %select_n3A_1125 = arith.select %eq3A_1122, %broadcast_in_dim3A_1124, %div3A_1071 : vector<16xi1>, vector<16xf32>
    %eq3A_1126 = arith.constant 1 : i32
    %eq3A_1127 = vector.broadcast %eq3A_1126 : i32 to vector<16xi32>
    %eq3A_1128 = arith.cmpi eq, %select_n3A_1119, %eq3A_1127 : vector<16xi32>
    %jit3A_1129 = arith.constant -1.000000e+00 : f32
    %broadcast_in_dim3A_1130 = vector.broadcast %jit3A_1129 : f32 to vector<16xf32>
    %select_n3A_1131 = arith.select %eq3A_1128, %broadcast_in_dim3A_1130, %div3A_1072 : vector<16xi1>, vector<16xf32>
    %eq3A_1132 = arith.constant 2 : i32
    %eq3A_1133 = vector.broadcast %eq3A_1132 : i32 to vector<16xi32>
    %eq3A_1134 = arith.cmpi eq, %select_n3A_1119, %eq3A_1133 : vector<16xi32>
    %jit3A_1135 = arith.constant -1.000000e+00 : f32
    %broadcast_in_dim3A_1136 = vector.broadcast %jit3A_1135 : f32 to vector<16xf32>
    %select_n3A_1137 = arith.select %eq3A_1134, %broadcast_in_dim3A_1136, %div3A_1073 : vector<16xi1>, vector<16xf32>
    %eq3A_1138 = arith.constant 3 : i32
    %eq3A_1139 = vector.broadcast %eq3A_1138 : i32 to vector<16xi32>
    %eq3A_1140 = arith.cmpi eq, %select_n3A_1119, %eq3A_1139 : vector<16xi32>
    %jit3A_1141 = arith.constant -1.000000e+00 : f32
    %broadcast_in_dim3A_1142 = vector.broadcast %jit3A_1141 : f32 to vector<16xf32>
    %select_n3A_1143 = arith.select %eq3A_1140, %broadcast_in_dim3A_1142, %div3A_1074 : vector<16xi1>, vector<16xf32>
    %eq3A_1144 = arith.constant 4 : i32
    %eq3A_1145 = vector.broadcast %eq3A_1144 : i32 to vector<16xi32>
    %eq3A_1146 = arith.cmpi eq, %select_n3A_1119, %eq3A_1145 : vector<16xi32>
    %jit3A_1147 = arith.constant -1.000000e+00 : f32
    %broadcast_in_dim3A_1148 = vector.broadcast %jit3A_1147 : f32 to vector<16xf32>
    %select_n3A_1149 = arith.select %eq3A_1146, %broadcast_in_dim3A_1148, %div3A_1075 : vector<16xi1>, vector<16xf32>
    %eq3A_1150 = arith.constant 5 : i32
    %eq3A_1151 = vector.broadcast %eq3A_1150 : i32 to vector<16xi32>
    %eq3A_1152 = arith.cmpi eq, %select_n3A_1119, %eq3A_1151 : vector<16xi32>
    %jit3A_1153 = arith.constant -1.000000e+00 : f32
    %broadcast_in_dim3A_1154 = vector.broadcast %jit3A_1153 : f32 to vector<16xf32>
    %select_n3A_1155 = arith.select %eq3A_1152, %broadcast_in_dim3A_1154, %div3A_1076 : vector<16xi1>, vector<16xf32>
    %eq3A_1156 = arith.constant 6 : i32
    %eq3A_1157 = vector.broadcast %eq3A_1156 : i32 to vector<16xi32>
    %eq3A_1158 = arith.cmpi eq, %select_n3A_1119, %eq3A_1157 : vector<16xi32>
    %jit3A_1159 = arith.constant -1.000000e+00 : f32
    %broadcast_in_dim3A_1160 = vector.broadcast %jit3A_1159 : f32 to vector<16xf32>
    %select_n3A_1161 = arith.select %eq3A_1158, %broadcast_in_dim3A_1160, %div3A_1077 : vector<16xi1>, vector<16xf32>
    %eq3A_1162 = arith.constant 7 : i32
    %eq3A_1163 = vector.broadcast %eq3A_1162 : i32 to vector<16xi32>
    %eq3A_1164 = arith.cmpi eq, %select_n3A_1119, %eq3A_1163 : vector<16xi32>
    %jit3A_1165 = arith.constant -1.000000e+00 : f32
    %broadcast_in_dim3A_1166 = vector.broadcast %jit3A_1165 : f32 to vector<16xf32>
    %select_n3A_1167 = arith.select %eq3A_1164, %broadcast_in_dim3A_1166, %div3A_1078 : vector<16xi1>, vector<16xf32>
    %max3A_1168 = arith.maximumf %select_n3A_1125, %select_n3A_1131 : vector<16xf32>
    %max3A_1169 = arith.maximumf %max3A_1168, %select_n3A_1137 : vector<16xf32>
    %max3A_1170 = arith.maximumf %max3A_1169, %select_n3A_1143 : vector<16xf32>
    %max3A_1171 = arith.maximumf %max3A_1170, %select_n3A_1149 : vector<16xf32>
    %max3A_1172 = arith.maximumf %max3A_1171, %select_n3A_1155 : vector<16xf32>
    %max3A_1173 = arith.maximumf %max3A_1172, %select_n3A_1161 : vector<16xf32>
    %max3A_1174 = arith.maximumf %max3A_1173, %select_n3A_1167 : vector<16xf32>
    %broadcast_in_dim3A_1175 = arith.constant 8 : i32
    %broadcast_in_dim3A_1176 = vector.broadcast %broadcast_in_dim3A_1175 : i32 to vector<16xi32>
    %eq3A_1177 = arith.cmpf oeq, %select_n3A_1167, %max3A_1174 : vector<16xf32>
    %jit3A_1178 = arith.constant 7 : i32
    %broadcast_in_dim3A_1179 = vector.broadcast %jit3A_1178 : i32 to vector<16xi32>
    %select_n3A_1180 = arith.select %eq3A_1177, %broadcast_in_dim3A_1179, %broadcast_in_dim3A_1176 : vector<16xi1>, vector<16xi32>
    %eq3A_1181 = arith.cmpf oeq, %select_n3A_1161, %max3A_1174 : vector<16xf32>
    %jit3A_1182 = arith.constant 6 : i32
    %broadcast_in_dim3A_1183 = vector.broadcast %jit3A_1182 : i32 to vector<16xi32>
    %select_n3A_1184 = arith.select %eq3A_1181, %broadcast_in_dim3A_1183, %select_n3A_1180 : vector<16xi1>, vector<16xi32>
    %eq3A_1185 = arith.cmpf oeq, %select_n3A_1155, %max3A_1174 : vector<16xf32>
    %jit3A_1186 = arith.constant 5 : i32
    %broadcast_in_dim3A_1187 = vector.broadcast %jit3A_1186 : i32 to vector<16xi32>
    %select_n3A_1188 = arith.select %eq3A_1185, %broadcast_in_dim3A_1187, %select_n3A_1184 : vector<16xi1>, vector<16xi32>
    %eq3A_1189 = arith.cmpf oeq, %select_n3A_1149, %max3A_1174 : vector<16xf32>
    %jit3A_1190 = arith.constant 4 : i32
    %broadcast_in_dim3A_1191 = vector.broadcast %jit3A_1190 : i32 to vector<16xi32>
    %select_n3A_1192 = arith.select %eq3A_1189, %broadcast_in_dim3A_1191, %select_n3A_1188 : vector<16xi1>, vector<16xi32>
    %eq3A_1193 = arith.cmpf oeq, %select_n3A_1143, %max3A_1174 : vector<16xf32>
    %jit3A_1194 = arith.constant 3 : i32
    %broadcast_in_dim3A_1195 = vector.broadcast %jit3A_1194 : i32 to vector<16xi32>
    %select_n3A_1196 = arith.select %eq3A_1193, %broadcast_in_dim3A_1195, %select_n3A_1192 : vector<16xi1>, vector<16xi32>
    %eq3A_1197 = arith.cmpf oeq, %select_n3A_1137, %max3A_1174 : vector<16xf32>
    %jit3A_1198 = arith.constant 2 : i32
    %broadcast_in_dim3A_1199 = vector.broadcast %jit3A_1198 : i32 to vector<16xi32>
    %select_n3A_1200 = arith.select %eq3A_1197, %broadcast_in_dim3A_1199, %select_n3A_1196 : vector<16xi1>, vector<16xi32>
    %eq3A_1201 = arith.cmpf oeq, %select_n3A_1131, %max3A_1174 : vector<16xf32>
    %jit3A_1202 = arith.constant 1 : i32
    %broadcast_in_dim3A_1203 = vector.broadcast %jit3A_1202 : i32 to vector<16xi32>
    %select_n3A_1204 = arith.select %eq3A_1201, %broadcast_in_dim3A_1203, %select_n3A_1200 : vector<16xi1>, vector<16xi32>
    %eq3A_1205 = arith.cmpf oeq, %select_n3A_1125, %max3A_1174 : vector<16xf32>
    %jit3A_1206 = arith.constant 0 : i32
    %broadcast_in_dim3A_1207 = vector.broadcast %jit3A_1206 : i32 to vector<16xi32>
    %select_n3A_1208 = arith.select %eq3A_1205, %broadcast_in_dim3A_1207, %select_n3A_1204 : vector<16xi1>, vector<16xi32>
    %add3A_1209 = arith.addf %max3A_1085, %max3A_1174 : vector<16xf32>
    %add3A_1210 = arith.constant 9.99999971E-10 : f32
    %add3A_1211 = vector.broadcast %add3A_1210 : f32 to vector<16xf32>
    %add3A_1212 = arith.addf %add3A_1209, %add3A_1211 : vector<16xf32>
    %div3A_1213 = arith.divf %max3A_1085, %add3A_1212 : vector<16xf32>
    %div3A_1214 = arith.divf %max3A_1174, %add3A_1212 : vector<16xf32>
    %broadcast_in_dim3A_1215 = arith.constant 0.000000e+00 : f32
    %broadcast_in_dim3A_1216 = vector.broadcast %broadcast_in_dim3A_1215 : f32 to vector<16xf32>
    %eq3A_1217 = arith.constant 0 : i32
    %eq3A_1218 = vector.broadcast %eq3A_1217 : i32 to vector<16xi32>
    %eq3A_1219 = arith.cmpi eq, %select_n3A_1119, %eq3A_1218 : vector<16xi32>
    %select_n3A_1220 = arith.select %eq3A_1219, %div3A_1213, %broadcast_in_dim3A_1216 : vector<16xi1>, vector<16xf32>
    %eq3A_1221 = arith.constant 0 : i32
    %eq3A_1222 = vector.broadcast %eq3A_1221 : i32 to vector<16xi32>
    %eq3A_1223 = arith.cmpi eq, %select_n3A_1208, %eq3A_1222 : vector<16xi32>
    %select_n3A_1224 = arith.select %eq3A_1223, %div3A_1214, %broadcast_in_dim3A_1216 : vector<16xi1>, vector<16xf32>
    %add3A_1225 = arith.addf %select_n3A_1220, %select_n3A_1224 : vector<16xf32>
    %swap3A_1226 = arith.constant 0 : i32
    %swap3A_1227 = arith.index_cast %swap3A_1226 : i32 to index
    %swap3A_1228 = arith.constant 48 : index
    %swap3A_1229 = tpu.vector_load %arg5[%swap3A_1227, %swap3A_1228] {strides = array<i32>} : memref<8x128xf32, #tpu.memory_space<vmem>>, vector<1x16xf32>,
    %swap3A_1230 = vector.shape_cast %swap3A_1229 : vector<1x16xf32> to vector<16xf32>
    %swap3A_1231 = vector.shape_cast %add3A_1225 : vector<16xf32> to vector<1x16xf32>
    tpu.vector_store %arg5[%swap3A_1227, %swap3A_1228], %swap3A_1231 {strides = array<i32>} : memref<8x128xf32, #tpu.memory_space<vmem>>, vector<1x16xf32>,
    %eq3A_1232 = arith.constant 1 : i32
    %eq3A_1233 = vector.broadcast %eq3A_1232 : i32 to vector<16xi32>
    %eq3A_1234 = arith.cmpi eq, %select_n3A_1119, %eq3A_1233 : vector<16xi32>
    %select_n3A_1235 = arith.select %eq3A_1234, %div3A_1213, %broadcast_in_dim3A_1216 : vector<16xi1>, vector<16xf32>
    %eq3A_1236 = arith.constant 1 : i32
    %eq3A_1237 = vector.broadcast %eq3A_1236 : i32 to vector<16xi32>
    %eq3A_1238 = arith.cmpi eq, %select_n3A_1208, %eq3A_1237 : vector<16xi32>
    %select_n3A_1239 = arith.select %eq3A_1238, %div3A_1214, %broadcast_in_dim3A_1216 : vector<16xi1>, vector<16xf32>
    %add3A_1240 = arith.addf %select_n3A_1235, %select_n3A_1239 : vector<16xf32>
    %swap3A_1241 = arith.constant 1 : i32
    %swap3A_1242 = arith.index_cast %swap3A_1241 : i32 to index
    %swap3A_1243 = arith.constant 48 : index
    %swap3A_1244 = tpu.vector_load %arg5[%swap3A_1242, %swap3A_1243] {strides = array<i32>} : memref<8x128xf32, #tpu.memory_space<vmem>>, vector<1x16xf32>,
    %swap3A_1245 = vector.shape_cast %swap3A_1244 : vector<1x16xf32> to vector<16xf32>
    %swap3A_1246 = vector.shape_cast %add3A_1240 : vector<16xf32> to vector<1x16xf32>
    tpu.vector_store %arg5[%swap3A_1242, %swap3A_1243], %swap3A_1246 {strides = array<i32>} : memref<8x128xf32, #tpu.memory_space<vmem>>, vector<1x16xf32>,
    %eq3A_1247 = arith.constant 2 : i32
    %eq3A_1248 = vector.broadcast %eq3A_1247 : i32 to vector<16xi32>
    %eq3A_1249 = arith.cmpi eq, %select_n3A_1119, %eq3A_1248 : vector<16xi32>
    %select_n3A_1250 = arith.select %eq3A_1249, %div3A_1213, %broadcast_in_dim3A_1216 : vector<16xi1>, vector<16xf32>
    %eq3A_1251 = arith.constant 2 : i32
    %eq3A_1252 = vector.broadcast %eq3A_1251 : i32 to vector<16xi32>
    %eq3A_1253 = arith.cmpi eq, %select_n3A_1208, %eq3A_1252 : vector<16xi32>
    %select_n3A_1254 = arith.select %eq3A_1253, %div3A_1214, %broadcast_in_dim3A_1216 : vector<16xi1>, vector<16xf32>
    %add3A_1255 = arith.addf %select_n3A_1250, %select_n3A_1254 : vector<16xf32>
    %swap3A_1256 = arith.constant 2 : i32
    %swap3A_1257 = arith.index_cast %swap3A_1256 : i32 to index
    %swap3A_1258 = arith.constant 48 : index
    %swap3A_1259 = tpu.vector_load %arg5[%swap3A_1257, %swap3A_1258] {strides = array<i32>} : memref<8x128xf32, #tpu.memory_space<vmem>>, vector<1x16xf32>,
    %swap3A_1260 = vector.shape_cast %swap3A_1259 : vector<1x16xf32> to vector<16xf32>
    %swap3A_1261 = vector.shape_cast %add3A_1255 : vector<16xf32> to vector<1x16xf32>
    tpu.vector_store %arg5[%swap3A_1257, %swap3A_1258], %swap3A_1261 {strides = array<i32>} : memref<8x128xf32, #tpu.memory_space<vmem>>, vector<1x16xf32>,
    %eq3A_1262 = arith.constant 3 : i32
    %eq3A_1263 = vector.broadcast %eq3A_1262 : i32 to vector<16xi32>
    %eq3A_1264 = arith.cmpi eq, %select_n3A_1119, %eq3A_1263 : vector<16xi32>
    %select_n3A_1265 = arith.select %eq3A_1264, %div3A_1213, %broadcast_in_dim3A_1216 : vector<16xi1>, vector<16xf32>
    %eq3A_1266 = arith.constant 3 : i32
    %eq3A_1267 = vector.broadcast %eq3A_1266 : i32 to vector<16xi32>
    %eq3A_1268 = arith.cmpi eq, %select_n3A_1208, %eq3A_1267 : vector<16xi32>
    %select_n3A_1269 = arith.select %eq3A_1268, %div3A_1214, %broadcast_in_dim3A_1216 : vector<16xi1>, vector<16xf32>
    %add3A_1270 = arith.addf %select_n3A_1265, %select_n3A_1269 : vector<16xf32>
    %swap3A_1271 = arith.constant 3 : i32
    %swap3A_1272 = arith.index_cast %swap3A_1271 : i32 to index
    %swap3A_1273 = arith.constant 48 : index
    %swap3A_1274 = tpu.vector_load %arg5[%swap3A_1272, %swap3A_1273] {strides = array<i32>} : memref<8x128xf32, #tpu.memory_space<vmem>>, vector<1x16xf32>,
    %swap3A_1275 = vector.shape_cast %swap3A_1274 : vector<1x16xf32> to vector<16xf32>
    %swap3A_1276 = vector.shape_cast %add3A_1270 : vector<16xf32> to vector<1x16xf32>
    tpu.vector_store %arg5[%swap3A_1272, %swap3A_1273], %swap3A_1276 {strides = array<i32>} : memref<8x128xf32, #tpu.memory_space<vmem>>, vector<1x16xf32>,
    %eq3A_1277 = arith.constant 4 : i32
    %eq3A_1278 = vector.broadcast %eq3A_1277 : i32 to vector<16xi32>
    %eq3A_1279 = arith.cmpi eq, %select_n3A_1119, %eq3A_1278 : vector<16xi32>
    %select_n3A_1280 = arith.select %eq3A_1279, %div3A_1213, %broadcast_in_dim3A_1216 : vector<16xi1>, vector<16xf32>
    %eq3A_1281 = arith.constant 4 : i32
    %eq3A_1282 = vector.broadcast %eq3A_1281 : i32 to vector<16xi32>
    %eq3A_1283 = arith.cmpi eq, %select_n3A_1208, %eq3A_1282 : vector<16xi32>
    %select_n3A_1284 = arith.select %eq3A_1283, %div3A_1214, %broadcast_in_dim3A_1216 : vector<16xi1>, vector<16xf32>
    %add3A_1285 = arith.addf %select_n3A_1280, %select_n3A_1284 : vector<16xf32>
    %swap3A_1286 = arith.constant 4 : i32
    %swap3A_1287 = arith.index_cast %swap3A_1286 : i32 to index
    %swap3A_1288 = arith.constant 48 : index
    %swap3A_1289 = tpu.vector_load %arg5[%swap3A_1287, %swap3A_1288] {strides = array<i32>} : memref<8x128xf32, #tpu.memory_space<vmem>>, vector<1x16xf32>,
    %swap3A_1290 = vector.shape_cast %swap3A_1289 : vector<1x16xf32> to vector<16xf32>
    %swap3A_1291 = vector.shape_cast %add3A_1285 : vector<16xf32> to vector<1x16xf32>
    tpu.vector_store %arg5[%swap3A_1287, %swap3A_1288], %swap3A_1291 {strides = array<i32>} : memref<8x128xf32, #tpu.memory_space<vmem>>, vector<1x16xf32>,
    %eq3A_1292 = arith.constant 5 : i32
    %eq3A_1293 = vector.broadcast %eq3A_1292 : i32 to vector<16xi32>
    %eq3A_1294 = arith.cmpi eq, %select_n3A_1119, %eq3A_1293 : vector<16xi32>
    %select_n3A_1295 = arith.select %eq3A_1294, %div3A_1213, %broadcast_in_dim3A_1216 : vector<16xi1>, vector<16xf32>
    %eq3A_1296 = arith.constant 5 : i32
    %eq3A_1297 = vector.broadcast %eq3A_1296 : i32 to vector<16xi32>
    %eq3A_1298 = arith.cmpi eq, %select_n3A_1208, %eq3A_1297 : vector<16xi32>
    %select_n3A_1299 = arith.select %eq3A_1298, %div3A_1214, %broadcast_in_dim3A_1216 : vector<16xi1>, vector<16xf32>
    %add3A_1300 = arith.addf %select_n3A_1295, %select_n3A_1299 : vector<16xf32>
    %swap3A_1301 = arith.constant 5 : i32
    %swap3A_1302 = arith.index_cast %swap3A_1301 : i32 to index
    %swap3A_1303 = arith.constant 48 : index
    %swap3A_1304 = tpu.vector_load %arg5[%swap3A_1302, %swap3A_1303] {strides = array<i32>} : memref<8x128xf32, #tpu.memory_space<vmem>>, vector<1x16xf32>,
    %swap3A_1305 = vector.shape_cast %swap3A_1304 : vector<1x16xf32> to vector<16xf32>
    %swap3A_1306 = vector.shape_cast %add3A_1300 : vector<16xf32> to vector<1x16xf32>
    tpu.vector_store %arg5[%swap3A_1302, %swap3A_1303], %swap3A_1306 {strides = array<i32>} : memref<8x128xf32, #tpu.memory_space<vmem>>, vector<1x16xf32>,
    %eq3A_1307 = arith.constant 6 : i32
    %eq3A_1308 = vector.broadcast %eq3A_1307 : i32 to vector<16xi32>
    %eq3A_1309 = arith.cmpi eq, %select_n3A_1119, %eq3A_1308 : vector<16xi32>
    %select_n3A_1310 = arith.select %eq3A_1309, %div3A_1213, %broadcast_in_dim3A_1216 : vector<16xi1>, vector<16xf32>
    %eq3A_1311 = arith.constant 6 : i32
    %eq3A_1312 = vector.broadcast %eq3A_1311 : i32 to vector<16xi32>
    %eq3A_1313 = arith.cmpi eq, %select_n3A_1208, %eq3A_1312 : vector<16xi32>
    %select_n3A_1314 = arith.select %eq3A_1313, %div3A_1214, %broadcast_in_dim3A_1216 : vector<16xi1>, vector<16xf32>
    %add3A_1315 = arith.addf %select_n3A_1310, %select_n3A_1314 : vector<16xf32>
    %swap3A_1316 = arith.constant 6 : i32
    %swap3A_1317 = arith.index_cast %swap3A_1316 : i32 to index
    %swap3A_1318 = arith.constant 48 : index
    %swap3A_1319 = tpu.vector_load %arg5[%swap3A_1317, %swap3A_1318] {strides = array<i32>} : memref<8x128xf32, #tpu.memory_space<vmem>>, vector<1x16xf32>,
    %swap3A_1320 = vector.shape_cast %swap3A_1319 : vector<1x16xf32> to vector<16xf32>
    %swap3A_1321 = vector.shape_cast %add3A_1315 : vector<16xf32> to vector<1x16xf32>
    tpu.vector_store %arg5[%swap3A_1317, %swap3A_1318], %swap3A_1321 {strides = array<i32>} : memref<8x128xf32, #tpu.memory_space<vmem>>, vector<1x16xf32>,
    %eq3A_1322 = arith.constant 7 : i32
    %eq3A_1323 = vector.broadcast %eq3A_1322 : i32 to vector<16xi32>
    %eq3A_1324 = arith.cmpi eq, %select_n3A_1119, %eq3A_1323 : vector<16xi32>
    %select_n3A_1325 = arith.select %eq3A_1324, %div3A_1213, %broadcast_in_dim3A_1216 : vector<16xi1>, vector<16xf32>
    %eq3A_1326 = arith.constant 7 : i32
    %eq3A_1327 = vector.broadcast %eq3A_1326 : i32 to vector<16xi32>
    %eq3A_1328 = arith.cmpi eq, %select_n3A_1208, %eq3A_1327 : vector<16xi32>
    %select_n3A_1329 = arith.select %eq3A_1328, %div3A_1214, %broadcast_in_dim3A_1216 : vector<16xi1>, vector<16xf32>
    %add3A_1330 = arith.addf %select_n3A_1325, %select_n3A_1329 : vector<16xf32>
    %swap3A_1331 = arith.constant 7 : i32
    %swap3A_1332 = arith.index_cast %swap3A_1331 : i32 to index
    %swap3A_1333 = arith.constant 48 : index
    %swap3A_1334 = tpu.vector_load %arg5[%swap3A_1332, %swap3A_1333] {strides = array<i32>} : memref<8x128xf32, #tpu.memory_space<vmem>>, vector<1x16xf32>,
    %swap3A_1335 = vector.shape_cast %swap3A_1334 : vector<1x16xf32> to vector<16xf32>
    %swap3A_1336 = vector.shape_cast %add3A_1330 : vector<16xf32> to vector<1x16xf32>
    tpu.vector_store %arg5[%swap3A_1332, %swap3A_1333], %swap3A_1336 {strides = array<i32>} : memref<8x128xf32, #tpu.memory_space<vmem>>, vector<1x16xf32>,
    %get3A_1337 = arith.constant 0 : i32
    %get3A_1338 = arith.index_cast %get3A_1337 : i32 to index
    %get3A_1339 = arith.constant 64 : index
    %get3A_1340 = tpu.vector_load %arg4[%get3A_1338, %get3A_1339] {strides = array<i32>} : memref<8x128xf32, #tpu.memory_space<vmem>>, vector<1x16xf32>,
    %get3A_1341 = vector.shape_cast %get3A_1340 : vector<1x16xf32> to vector<16xf32>
    %get3A_1342 = arith.constant 1 : i32
    %get3A_1343 = arith.index_cast %get3A_1342 : i32 to index
    %get3A_1344 = arith.constant 64 : index
    %get3A_1345 = tpu.vector_load %arg4[%get3A_1343, %get3A_1344] {strides = array<i32>} : memref<8x128xf32, #tpu.memory_space<vmem>>, vector<1x16xf32>,
    %get3A_1346 = vector.shape_cast %get3A_1345 : vector<1x16xf32> to vector<16xf32>
    %get3A_1347 = arith.constant 2 : i32
    %get3A_1348 = arith.index_cast %get3A_1347 : i32 to index
    %get3A_1349 = arith.constant 64 : index
    %get3A_1350 = tpu.vector_load %arg4[%get3A_1348, %get3A_1349] {strides = array<i32>} : memref<8x128xf32, #tpu.memory_space<vmem>>, vector<1x16xf32>,
    %get3A_1351 = vector.shape_cast %get3A_1350 : vector<1x16xf32> to vector<16xf32>
    %get3A_1352 = arith.constant 3 : i32
    %get3A_1353 = arith.index_cast %get3A_1352 : i32 to index
    %get3A_1354 = arith.constant 64 : index
    %get3A_1355 = tpu.vector_load %arg4[%get3A_1353, %get3A_1354] {strides = array<i32>} : memref<8x128xf32, #tpu.memory_space<vmem>>, vector<1x16xf32>,
    %get3A_1356 = vector.shape_cast %get3A_1355 : vector<1x16xf32> to vector<16xf32>
    %get3A_1357 = arith.constant 4 : i32
    %get3A_1358 = arith.index_cast %get3A_1357 : i32 to index
    %get3A_1359 = arith.constant 64 : index
    %get3A_1360 = tpu.vector_load %arg4[%get3A_1358, %get3A_1359] {strides = array<i32>} : memref<8x128xf32, #tpu.memory_space<vmem>>, vector<1x16xf32>,
    %get3A_1361 = vector.shape_cast %get3A_1360 : vector<1x16xf32> to vector<16xf32>
    %get3A_1362 = arith.constant 5 : i32
    %get3A_1363 = arith.index_cast %get3A_1362 : i32 to index
    %get3A_1364 = arith.constant 64 : index
    %get3A_1365 = tpu.vector_load %arg4[%get3A_1363, %get3A_1364] {strides = array<i32>} : memref<8x128xf32, #tpu.memory_space<vmem>>, vector<1x16xf32>,
    %get3A_1366 = vector.shape_cast %get3A_1365 : vector<1x16xf32> to vector<16xf32>
    %get3A_1367 = arith.constant 6 : i32
    %get3A_1368 = arith.index_cast %get3A_1367 : i32 to index
    %get3A_1369 = arith.constant 64 : index
    %get3A_1370 = tpu.vector_load %arg4[%get3A_1368, %get3A_1369] {strides = array<i32>} : memref<8x128xf32, #tpu.memory_space<vmem>>, vector<1x16xf32>,
    %get3A_1371 = vector.shape_cast %get3A_1370 : vector<1x16xf32> to vector<16xf32>
    %get3A_1372 = arith.constant 7 : i32
    %get3A_1373 = arith.index_cast %get3A_1372 : i32 to index
    %get3A_1374 = arith.constant 64 : index
    %get3A_1375 = tpu.vector_load %arg4[%get3A_1373, %get3A_1374] {strides = array<i32>} : memref<8x128xf32, #tpu.memory_space<vmem>>, vector<1x16xf32>,
    %get3A_1376 = vector.shape_cast %get3A_1375 : vector<1x16xf32> to vector<16xf32>
    %max3A_1377 = arith.maximumf %get3A_1341, %get3A_1346 : vector<16xf32>
    %max3A_1378 = arith.maximumf %max3A_1377, %get3A_1351 : vector<16xf32>
    %max3A_1379 = arith.maximumf %max3A_1378, %get3A_1356 : vector<16xf32>
    %max3A_1380 = arith.maximumf %max3A_1379, %get3A_1361 : vector<16xf32>
    %max3A_1381 = arith.maximumf %max3A_1380, %get3A_1366 : vector<16xf32>
    %max3A_1382 = arith.maximumf %max3A_1381, %get3A_1371 : vector<16xf32>
    %max3A_1383 = arith.maximumf %max3A_1382, %get3A_1376 : vector<16xf32>
    %sub3A_1384 = arith.subf %get3A_1341, %max3A_1383 : vector<16xf32>
    %exp3A_1385 = math.exp %sub3A_1384 : vector<16xf32>
    %sub3A_1386 = arith.subf %get3A_1346, %max3A_1383 : vector<16xf32>
    %exp3A_1387 = math.exp %sub3A_1386 : vector<16xf32>
    %sub3A_1388 = arith.subf %get3A_1351, %max3A_1383 : vector<16xf32>
    %exp3A_1389 = math.exp %sub3A_1388 : vector<16xf32>
    %sub3A_1390 = arith.subf %get3A_1356, %max3A_1383 : vector<16xf32>
    %exp3A_1391 = math.exp %sub3A_1390 : vector<16xf32>
    %sub3A_1392 = arith.subf %get3A_1361, %max3A_1383 : vector<16xf32>
    %exp3A_1393 = math.exp %sub3A_1392 : vector<16xf32>
    %sub3A_1394 = arith.subf %get3A_1366, %max3A_1383 : vector<16xf32>
    %exp3A_1395 = math.exp %sub3A_1394 : vector<16xf32>
    %sub3A_1396 = arith.subf %get3A_1371, %max3A_1383 : vector<16xf32>
    %exp3A_1397 = math.exp %sub3A_1396 : vector<16xf32>
    %sub3A_1398 = arith.subf %get3A_1376, %max3A_1383 : vector<16xf32>
    %exp3A_1399 = math.exp %sub3A_1398 : vector<16xf32>
    %add3A_1400 = arith.addf %exp3A_1385, %exp3A_1387 : vector<16xf32>
    %add3A_1401 = arith.addf %add3A_1400, %exp3A_1389 : vector<16xf32>
    %add3A_1402 = arith.addf %add3A_1401, %exp3A_1391 : vector<16xf32>
    %add3A_1403 = arith.addf %add3A_1402, %exp3A_1393 : vector<16xf32>
    %add3A_1404 = arith.addf %add3A_1403, %exp3A_1395 : vector<16xf32>
    %add3A_1405 = arith.addf %add3A_1404, %exp3A_1397 : vector<16xf32>
    %add3A_1406 = arith.addf %add3A_1405, %exp3A_1399 : vector<16xf32>
    %div3A_1407 = arith.divf %exp3A_1385, %add3A_1406 : vector<16xf32>
    %div3A_1408 = arith.divf %exp3A_1387, %add3A_1406 : vector<16xf32>
    %div3A_1409 = arith.divf %exp3A_1389, %add3A_1406 : vector<16xf32>
    %div3A_1410 = arith.divf %exp3A_1391, %add3A_1406 : vector<16xf32>
    %div3A_1411 = arith.divf %exp3A_1393, %add3A_1406 : vector<16xf32>
    %div3A_1412 = arith.divf %exp3A_1395, %add3A_1406 : vector<16xf32>
    %div3A_1413 = arith.divf %exp3A_1397, %add3A_1406 : vector<16xf32>
    %div3A_1414 = arith.divf %exp3A_1399, %add3A_1406 : vector<16xf32>
    %max3A_1415 = arith.maximumf %div3A_1407, %div3A_1408 : vector<16xf32>
    %max3A_1416 = arith.maximumf %max3A_1415, %div3A_1409 : vector<16xf32>
    %max3A_1417 = arith.maximumf %max3A_1416, %div3A_1410 : vector<16xf32>
    %max3A_1418 = arith.maximumf %max3A_1417, %div3A_1411 : vector<16xf32>
    %max3A_1419 = arith.maximumf %max3A_1418, %div3A_1412 : vector<16xf32>
    %max3A_1420 = arith.maximumf %max3A_1419, %div3A_1413 : vector<16xf32>
    %max3A_1421 = arith.maximumf %max3A_1420, %div3A_1414 : vector<16xf32>
    %broadcast_in_dim3A_1422 = arith.constant 8 : i32
    %broadcast_in_dim3A_1423 = vector.broadcast %broadcast_in_dim3A_1422 : i32 to vector<16xi32>
    %eq3A_1424 = arith.cmpf oeq, %div3A_1414, %max3A_1421 : vector<16xf32>
    %jit3A_1425 = arith.constant 7 : i32
    %broadcast_in_dim3A_1426 = vector.broadcast %jit3A_1425 : i32 to vector<16xi32>
    %select_n3A_1427 = arith.select %eq3A_1424, %broadcast_in_dim3A_1426, %broadcast_in_dim3A_1423 : vector<16xi1>, vector<16xi32>
    %eq3A_1428 = arith.cmpf oeq, %div3A_1413, %max3A_1421 : vector<16xf32>
    %jit3A_1429 = arith.constant 6 : i32
    %broadcast_in_dim3A_1430 = vector.broadcast %jit3A_1429 : i32 to vector<16xi32>
    %select_n3A_1431 = arith.select %eq3A_1428, %broadcast_in_dim3A_1430, %select_n3A_1427 : vector<16xi1>, vector<16xi32>
    %eq3A_1432 = arith.cmpf oeq, %div3A_1412, %max3A_1421 : vector<16xf32>
    %jit3A_1433 = arith.constant 5 : i32
    %broadcast_in_dim3A_1434 = vector.broadcast %jit3A_1433 : i32 to vector<16xi32>
    %select_n3A_1435 = arith.select %eq3A_1432, %broadcast_in_dim3A_1434, %select_n3A_1431 : vector<16xi1>, vector<16xi32>
    %eq3A_1436 = arith.cmpf oeq, %div3A_1411, %max3A_1421 : vector<16xf32>
    %jit3A_1437 = arith.constant 4 : i32
    %broadcast_in_dim3A_1438 = vector.broadcast %jit3A_1437 : i32 to vector<16xi32>
    %select_n3A_1439 = arith.select %eq3A_1436, %broadcast_in_dim3A_1438, %select_n3A_1435 : vector<16xi1>, vector<16xi32>
    %eq3A_1440 = arith.cmpf oeq, %div3A_1410, %max3A_1421 : vector<16xf32>
    %jit3A_1441 = arith.constant 3 : i32
    %broadcast_in_dim3A_1442 = vector.broadcast %jit3A_1441 : i32 to vector<16xi32>
    %select_n3A_1443 = arith.select %eq3A_1440, %broadcast_in_dim3A_1442, %select_n3A_1439 : vector<16xi1>, vector<16xi32>
    %eq3A_1444 = arith.cmpf oeq, %div3A_1409, %max3A_1421 : vector<16xf32>
    %jit3A_1445 = arith.constant 2 : i32
    %broadcast_in_dim3A_1446 = vector.broadcast %jit3A_1445 : i32 to vector<16xi32>
    %select_n3A_1447 = arith.select %eq3A_1444, %broadcast_in_dim3A_1446, %select_n3A_1443 : vector<16xi1>, vector<16xi32>
    %eq3A_1448 = arith.cmpf oeq, %div3A_1408, %max3A_1421 : vector<16xf32>
    %jit3A_1449 = arith.constant 1 : i32
    %broadcast_in_dim3A_1450 = vector.broadcast %jit3A_1449 : i32 to vector<16xi32>
    %select_n3A_1451 = arith.select %eq3A_1448, %broadcast_in_dim3A_1450, %select_n3A_1447 : vector<16xi1>, vector<16xi32>
    %eq3A_1452 = arith.cmpf oeq, %div3A_1407, %max3A_1421 : vector<16xf32>
    %jit3A_1453 = arith.constant 0 : i32
    %broadcast_in_dim3A_1454 = vector.broadcast %jit3A_1453 : i32 to vector<16xi32>
    %select_n3A_1455 = arith.select %eq3A_1452, %broadcast_in_dim3A_1454, %select_n3A_1451 : vector<16xi1>, vector<16xi32>
    %eq3A_1456 = arith.constant 0 : i32
    %eq3A_1457 = vector.broadcast %eq3A_1456 : i32 to vector<16xi32>
    %eq3A_1458 = arith.cmpi eq, %select_n3A_1455, %eq3A_1457 : vector<16xi32>
    %jit3A_1459 = arith.constant -1.000000e+00 : f32
    %broadcast_in_dim3A_1460 = vector.broadcast %jit3A_1459 : f32 to vector<16xf32>
    %select_n3A_1461 = arith.select %eq3A_1458, %broadcast_in_dim3A_1460, %div3A_1407 : vector<16xi1>, vector<16xf32>
    %eq3A_1462 = arith.constant 1 : i32
    %eq3A_1463 = vector.broadcast %eq3A_1462 : i32 to vector<16xi32>
    %eq3A_1464 = arith.cmpi eq, %select_n3A_1455, %eq3A_1463 : vector<16xi32>
    %jit3A_1465 = arith.constant -1.000000e+00 : f32
    %broadcast_in_dim3A_1466 = vector.broadcast %jit3A_1465 : f32 to vector<16xf32>
    %select_n3A_1467 = arith.select %eq3A_1464, %broadcast_in_dim3A_1466, %div3A_1408 : vector<16xi1>, vector<16xf32>
    %eq3A_1468 = arith.constant 2 : i32
    %eq3A_1469 = vector.broadcast %eq3A_1468 : i32 to vector<16xi32>
    %eq3A_1470 = arith.cmpi eq, %select_n3A_1455, %eq3A_1469 : vector<16xi32>
    %jit3A_1471 = arith.constant -1.000000e+00 : f32
    %broadcast_in_dim3A_1472 = vector.broadcast %jit3A_1471 : f32 to vector<16xf32>
    %select_n3A_1473 = arith.select %eq3A_1470, %broadcast_in_dim3A_1472, %div3A_1409 : vector<16xi1>, vector<16xf32>
    %eq3A_1474 = arith.constant 3 : i32
    %eq3A_1475 = vector.broadcast %eq3A_1474 : i32 to vector<16xi32>
    %eq3A_1476 = arith.cmpi eq, %select_n3A_1455, %eq3A_1475 : vector<16xi32>
    %jit3A_1477 = arith.constant -1.000000e+00 : f32
    %broadcast_in_dim3A_1478 = vector.broadcast %jit3A_1477 : f32 to vector<16xf32>
    %select_n3A_1479 = arith.select %eq3A_1476, %broadcast_in_dim3A_1478, %div3A_1410 : vector<16xi1>, vector<16xf32>
    %eq3A_1480 = arith.constant 4 : i32
    %eq3A_1481 = vector.broadcast %eq3A_1480 : i32 to vector<16xi32>
    %eq3A_1482 = arith.cmpi eq, %select_n3A_1455, %eq3A_1481 : vector<16xi32>
    %jit3A_1483 = arith.constant -1.000000e+00 : f32
    %broadcast_in_dim3A_1484 = vector.broadcast %jit3A_1483 : f32 to vector<16xf32>
    %select_n3A_1485 = arith.select %eq3A_1482, %broadcast_in_dim3A_1484, %div3A_1411 : vector<16xi1>, vector<16xf32>
    %eq3A_1486 = arith.constant 5 : i32
    %eq3A_1487 = vector.broadcast %eq3A_1486 : i32 to vector<16xi32>
    %eq3A_1488 = arith.cmpi eq, %select_n3A_1455, %eq3A_1487 : vector<16xi32>
    %jit3A_1489 = arith.constant -1.000000e+00 : f32
    %broadcast_in_dim3A_1490 = vector.broadcast %jit3A_1489 : f32 to vector<16xf32>
    %select_n3A_1491 = arith.select %eq3A_1488, %broadcast_in_dim3A_1490, %div3A_1412 : vector<16xi1>, vector<16xf32>
    %eq3A_1492 = arith.constant 6 : i32
    %eq3A_1493 = vector.broadcast %eq3A_1492 : i32 to vector<16xi32>
    %eq3A_1494 = arith.cmpi eq, %select_n3A_1455, %eq3A_1493 : vector<16xi32>
    %jit3A_1495 = arith.constant -1.000000e+00 : f32
    %broadcast_in_dim3A_1496 = vector.broadcast %jit3A_1495 : f32 to vector<16xf32>
    %select_n3A_1497 = arith.select %eq3A_1494, %broadcast_in_dim3A_1496, %div3A_1413 : vector<16xi1>, vector<16xf32>
    %eq3A_1498 = arith.constant 7 : i32
    %eq3A_1499 = vector.broadcast %eq3A_1498 : i32 to vector<16xi32>
    %eq3A_1500 = arith.cmpi eq, %select_n3A_1455, %eq3A_1499 : vector<16xi32>
    %jit3A_1501 = arith.constant -1.000000e+00 : f32
    %broadcast_in_dim3A_1502 = vector.broadcast %jit3A_1501 : f32 to vector<16xf32>
    %select_n3A_1503 = arith.select %eq3A_1500, %broadcast_in_dim3A_1502, %div3A_1414 : vector<16xi1>, vector<16xf32>
    %max3A_1504 = arith.maximumf %select_n3A_1461, %select_n3A_1467 : vector<16xf32>
    %max3A_1505 = arith.maximumf %max3A_1504, %select_n3A_1473 : vector<16xf32>
    %max3A_1506 = arith.maximumf %max3A_1505, %select_n3A_1479 : vector<16xf32>
    %max3A_1507 = arith.maximumf %max3A_1506, %select_n3A_1485 : vector<16xf32>
    %max3A_1508 = arith.maximumf %max3A_1507, %select_n3A_1491 : vector<16xf32>
    %max3A_1509 = arith.maximumf %max3A_1508, %select_n3A_1497 : vector<16xf32>
    %max3A_1510 = arith.maximumf %max3A_1509, %select_n3A_1503 : vector<16xf32>
    %broadcast_in_dim3A_1511 = arith.constant 8 : i32
    %broadcast_in_dim3A_1512 = vector.broadcast %broadcast_in_dim3A_1511 : i32 to vector<16xi32>
    %eq3A_1513 = arith.cmpf oeq, %select_n3A_1503, %max3A_1510 : vector<16xf32>
    %jit3A_1514 = arith.constant 7 : i32
    %broadcast_in_dim3A_1515 = vector.broadcast %jit3A_1514 : i32 to vector<16xi32>
    %select_n3A_1516 = arith.select %eq3A_1513, %broadcast_in_dim3A_1515, %broadcast_in_dim3A_1512 : vector<16xi1>, vector<16xi32>
    %eq3A_1517 = arith.cmpf oeq, %select_n3A_1497, %max3A_1510 : vector<16xf32>
    %jit3A_1518 = arith.constant 6 : i32
    %broadcast_in_dim3A_1519 = vector.broadcast %jit3A_1518 : i32 to vector<16xi32>
    %select_n3A_1520 = arith.select %eq3A_1517, %broadcast_in_dim3A_1519, %select_n3A_1516 : vector<16xi1>, vector<16xi32>
    %eq3A_1521 = arith.cmpf oeq, %select_n3A_1491, %max3A_1510 : vector<16xf32>
    %jit3A_1522 = arith.constant 5 : i32
    %broadcast_in_dim3A_1523 = vector.broadcast %jit3A_1522 : i32 to vector<16xi32>
    %select_n3A_1524 = arith.select %eq3A_1521, %broadcast_in_dim3A_1523, %select_n3A_1520 : vector<16xi1>, vector<16xi32>
    %eq3A_1525 = arith.cmpf oeq, %select_n3A_1485, %max3A_1510 : vector<16xf32>
    %jit3A_1526 = arith.constant 4 : i32
    %broadcast_in_dim3A_1527 = vector.broadcast %jit3A_1526 : i32 to vector<16xi32>
    %select_n3A_1528 = arith.select %eq3A_1525, %broadcast_in_dim3A_1527, %select_n3A_1524 : vector<16xi1>, vector<16xi32>
    %eq3A_1529 = arith.cmpf oeq, %select_n3A_1479, %max3A_1510 : vector<16xf32>
    %jit3A_1530 = arith.constant 3 : i32
    %broadcast_in_dim3A_1531 = vector.broadcast %jit3A_1530 : i32 to vector<16xi32>
    %select_n3A_1532 = arith.select %eq3A_1529, %broadcast_in_dim3A_1531, %select_n3A_1528 : vector<16xi1>, vector<16xi32>
    %eq3A_1533 = arith.cmpf oeq, %select_n3A_1473, %max3A_1510 : vector<16xf32>
    %jit3A_1534 = arith.constant 2 : i32
    %broadcast_in_dim3A_1535 = vector.broadcast %jit3A_1534 : i32 to vector<16xi32>
    %select_n3A_1536 = arith.select %eq3A_1533, %broadcast_in_dim3A_1535, %select_n3A_1532 : vector<16xi1>, vector<16xi32>
    %eq3A_1537 = arith.cmpf oeq, %select_n3A_1467, %max3A_1510 : vector<16xf32>
    %jit3A_1538 = arith.constant 1 : i32
    %broadcast_in_dim3A_1539 = vector.broadcast %jit3A_1538 : i32 to vector<16xi32>
    %select_n3A_1540 = arith.select %eq3A_1537, %broadcast_in_dim3A_1539, %select_n3A_1536 : vector<16xi1>, vector<16xi32>
    %eq3A_1541 = arith.cmpf oeq, %select_n3A_1461, %max3A_1510 : vector<16xf32>
    %jit3A_1542 = arith.constant 0 : i32
    %broadcast_in_dim3A_1543 = vector.broadcast %jit3A_1542 : i32 to vector<16xi32>
    %select_n3A_1544 = arith.select %eq3A_1541, %broadcast_in_dim3A_1543, %select_n3A_1540 : vector<16xi1>, vector<16xi32>
    %add3A_1545 = arith.addf %max3A_1421, %max3A_1510 : vector<16xf32>
    %add3A_1546 = arith.constant 9.99999971E-10 : f32
    %add3A_1547 = vector.broadcast %add3A_1546 : f32 to vector<16xf32>
    %add3A_1548 = arith.addf %add3A_1545, %add3A_1547 : vector<16xf32>
    %div3A_1549 = arith.divf %max3A_1421, %add3A_1548 : vector<16xf32>
    %div3A_1550 = arith.divf %max3A_1510, %add3A_1548 : vector<16xf32>
    %broadcast_in_dim3A_1551 = arith.constant 0.000000e+00 : f32
    %broadcast_in_dim3A_1552 = vector.broadcast %broadcast_in_dim3A_1551 : f32 to vector<16xf32>
    %eq3A_1553 = arith.constant 0 : i32
    %eq3A_1554 = vector.broadcast %eq3A_1553 : i32 to vector<16xi32>
    %eq3A_1555 = arith.cmpi eq, %select_n3A_1455, %eq3A_1554 : vector<16xi32>
    %select_n3A_1556 = arith.select %eq3A_1555, %div3A_1549, %broadcast_in_dim3A_1552 : vector<16xi1>, vector<16xf32>
    %eq3A_1557 = arith.constant 0 : i32
    %eq3A_1558 = vector.broadcast %eq3A_1557 : i32 to vector<16xi32>
    %eq3A_1559 = arith.cmpi eq, %select_n3A_1544, %eq3A_1558 : vector<16xi32>
    %select_n3A_1560 = arith.select %eq3A_1559, %div3A_1550, %broadcast_in_dim3A_1552 : vector<16xi1>, vector<16xf32>
    %add3A_1561 = arith.addf %select_n3A_1556, %select_n3A_1560 : vector<16xf32>
    %swap3A_1562 = arith.constant 0 : i32
    %swap3A_1563 = arith.index_cast %swap3A_1562 : i32 to index
    %swap3A_1564 = arith.constant 64 : index
    %swap3A_1565 = tpu.vector_load %arg5[%swap3A_1563, %swap3A_1564] {strides = array<i32>} : memref<8x128xf32, #tpu.memory_space<vmem>>, vector<1x16xf32>,
    %swap3A_1566 = vector.shape_cast %swap3A_1565 : vector<1x16xf32> to vector<16xf32>
    %swap3A_1567 = vector.shape_cast %add3A_1561 : vector<16xf32> to vector<1x16xf32>
    tpu.vector_store %arg5[%swap3A_1563, %swap3A_1564], %swap3A_1567 {strides = array<i32>} : memref<8x128xf32, #tpu.memory_space<vmem>>, vector<1x16xf32>,
    %eq3A_1568 = arith.constant 1 : i32
    %eq3A_1569 = vector.broadcast %eq3A_1568 : i32 to vector<16xi32>
    %eq3A_1570 = arith.cmpi eq, %select_n3A_1455, %eq3A_1569 : vector<16xi32>
    %select_n3A_1571 = arith.select %eq3A_1570, %div3A_1549, %broadcast_in_dim3A_1552 : vector<16xi1>, vector<16xf32>
    %eq3A_1572 = arith.constant 1 : i32
    %eq3A_1573 = vector.broadcast %eq3A_1572 : i32 to vector<16xi32>
    %eq3A_1574 = arith.cmpi eq, %select_n3A_1544, %eq3A_1573 : vector<16xi32>
    %select_n3A_1575 = arith.select %eq3A_1574, %div3A_1550, %broadcast_in_dim3A_1552 : vector<16xi1>, vector<16xf32>
    %add3A_1576 = arith.addf %select_n3A_1571, %select_n3A_1575 : vector<16xf32>
    %swap3A_1577 = arith.constant 1 : i32
    %swap3A_1578 = arith.index_cast %swap3A_1577 : i32 to index
    %swap3A_1579 = arith.constant 64 : index
    %swap3A_1580 = tpu.vector_load %arg5[%swap3A_1578, %swap3A_1579] {strides = array<i32>} : memref<8x128xf32, #tpu.memory_space<vmem>>, vector<1x16xf32>,
    %swap3A_1581 = vector.shape_cast %swap3A_1580 : vector<1x16xf32> to vector<16xf32>
    %swap3A_1582 = vector.shape_cast %add3A_1576 : vector<16xf32> to vector<1x16xf32>
    tpu.vector_store %arg5[%swap3A_1578, %swap3A_1579], %swap3A_1582 {strides = array<i32>} : memref<8x128xf32, #tpu.memory_space<vmem>>, vector<1x16xf32>,
    %eq3A_1583 = arith.constant 2 : i32
    %eq3A_1584 = vector.broadcast %eq3A_1583 : i32 to vector<16xi32>
    %eq3A_1585 = arith.cmpi eq, %select_n3A_1455, %eq3A_1584 : vector<16xi32>
    %select_n3A_1586 = arith.select %eq3A_1585, %div3A_1549, %broadcast_in_dim3A_1552 : vector<16xi1>, vector<16xf32>
    %eq3A_1587 = arith.constant 2 : i32
    %eq3A_1588 = vector.broadcast %eq3A_1587 : i32 to vector<16xi32>
    %eq3A_1589 = arith.cmpi eq, %select_n3A_1544, %eq3A_1588 : vector<16xi32>
    %select_n3A_1590 = arith.select %eq3A_1589, %div3A_1550, %broadcast_in_dim3A_1552 : vector<16xi1>, vector<16xf32>
    %add3A_1591 = arith.addf %select_n3A_1586, %select_n3A_1590 : vector<16xf32>
    %swap3A_1592 = arith.constant 2 : i32
    %swap3A_1593 = arith.index_cast %swap3A_1592 : i32 to index
    %swap3A_1594 = arith.constant 64 : index
    %swap3A_1595 = tpu.vector_load %arg5[%swap3A_1593, %swap3A_1594] {strides = array<i32>} : memref<8x128xf32, #tpu.memory_space<vmem>>, vector<1x16xf32>,
    %swap3A_1596 = vector.shape_cast %swap3A_1595 : vector<1x16xf32> to vector<16xf32>
    %swap3A_1597 = vector.shape_cast %add3A_1591 : vector<16xf32> to vector<1x16xf32>
    tpu.vector_store %arg5[%swap3A_1593, %swap3A_1594], %swap3A_1597 {strides = array<i32>} : memref<8x128xf32, #tpu.memory_space<vmem>>, vector<1x16xf32>,
    %eq3A_1598 = arith.constant 3 : i32
    %eq3A_1599 = vector.broadcast %eq3A_1598 : i32 to vector<16xi32>
    %eq3A_1600 = arith.cmpi eq, %select_n3A_1455, %eq3A_1599 : vector<16xi32>
    %select_n3A_1601 = arith.select %eq3A_1600, %div3A_1549, %broadcast_in_dim3A_1552 : vector<16xi1>, vector<16xf32>
    %eq3A_1602 = arith.constant 3 : i32
    %eq3A_1603 = vector.broadcast %eq3A_1602 : i32 to vector<16xi32>
    %eq3A_1604 = arith.cmpi eq, %select_n3A_1544, %eq3A_1603 : vector<16xi32>
    %select_n3A_1605 = arith.select %eq3A_1604, %div3A_1550, %broadcast_in_dim3A_1552 : vector<16xi1>, vector<16xf32>
    %add3A_1606 = arith.addf %select_n3A_1601, %select_n3A_1605 : vector<16xf32>
    %swap3A_1607 = arith.constant 3 : i32
    %swap3A_1608 = arith.index_cast %swap3A_1607 : i32 to index
    %swap3A_1609 = arith.constant 64 : index
    %swap3A_1610 = tpu.vector_load %arg5[%swap3A_1608, %swap3A_1609] {strides = array<i32>} : memref<8x128xf32, #tpu.memory_space<vmem>>, vector<1x16xf32>,
    %swap3A_1611 = vector.shape_cast %swap3A_1610 : vector<1x16xf32> to vector<16xf32>
    %swap3A_1612 = vector.shape_cast %add3A_1606 : vector<16xf32> to vector<1x16xf32>
    tpu.vector_store %arg5[%swap3A_1608, %swap3A_1609], %swap3A_1612 {strides = array<i32>} : memref<8x128xf32, #tpu.memory_space<vmem>>, vector<1x16xf32>,
    %eq3A_1613 = arith.constant 4 : i32
    %eq3A_1614 = vector.broadcast %eq3A_1613 : i32 to vector<16xi32>
    %eq3A_1615 = arith.cmpi eq, %select_n3A_1455, %eq3A_1614 : vector<16xi32>
    %select_n3A_1616 = arith.select %eq3A_1615, %div3A_1549, %broadcast_in_dim3A_1552 : vector<16xi1>, vector<16xf32>
    %eq3A_1617 = arith.constant 4 : i32
    %eq3A_1618 = vector.broadcast %eq3A_1617 : i32 to vector<16xi32>
    %eq3A_1619 = arith.cmpi eq, %select_n3A_1544, %eq3A_1618 : vector<16xi32>
    %select_n3A_1620 = arith.select %eq3A_1619, %div3A_1550, %broadcast_in_dim3A_1552 : vector<16xi1>, vector<16xf32>
    %add3A_1621 = arith.addf %select_n3A_1616, %select_n3A_1620 : vector<16xf32>
    %swap3A_1622 = arith.constant 4 : i32
    %swap3A_1623 = arith.index_cast %swap3A_1622 : i32 to index
    %swap3A_1624 = arith.constant 64 : index
    %swap3A_1625 = tpu.vector_load %arg5[%swap3A_1623, %swap3A_1624] {strides = array<i32>} : memref<8x128xf32, #tpu.memory_space<vmem>>, vector<1x16xf32>,
    %swap3A_1626 = vector.shape_cast %swap3A_1625 : vector<1x16xf32> to vector<16xf32>
    %swap3A_1627 = vector.shape_cast %add3A_1621 : vector<16xf32> to vector<1x16xf32>
    tpu.vector_store %arg5[%swap3A_1623, %swap3A_1624], %swap3A_1627 {strides = array<i32>} : memref<8x128xf32, #tpu.memory_space<vmem>>, vector<1x16xf32>,
    %eq3A_1628 = arith.constant 5 : i32
    %eq3A_1629 = vector.broadcast %eq3A_1628 : i32 to vector<16xi32>
    %eq3A_1630 = arith.cmpi eq, %select_n3A_1455, %eq3A_1629 : vector<16xi32>
    %select_n3A_1631 = arith.select %eq3A_1630, %div3A_1549, %broadcast_in_dim3A_1552 : vector<16xi1>, vector<16xf32>
    %eq3A_1632 = arith.constant 5 : i32
    %eq3A_1633 = vector.broadcast %eq3A_1632 : i32 to vector<16xi32>
    %eq3A_1634 = arith.cmpi eq, %select_n3A_1544, %eq3A_1633 : vector<16xi32>
    %select_n3A_1635 = arith.select %eq3A_1634, %div3A_1550, %broadcast_in_dim3A_1552 : vector<16xi1>, vector<16xf32>
    %add3A_1636 = arith.addf %select_n3A_1631, %select_n3A_1635 : vector<16xf32>
    %swap3A_1637 = arith.constant 5 : i32
    %swap3A_1638 = arith.index_cast %swap3A_1637 : i32 to index
    %swap3A_1639 = arith.constant 64 : index
    %swap3A_1640 = tpu.vector_load %arg5[%swap3A_1638, %swap3A_1639] {strides = array<i32>} : memref<8x128xf32, #tpu.memory_space<vmem>>, vector<1x16xf32>,
    %swap3A_1641 = vector.shape_cast %swap3A_1640 : vector<1x16xf32> to vector<16xf32>
    %swap3A_1642 = vector.shape_cast %add3A_1636 : vector<16xf32> to vector<1x16xf32>
    tpu.vector_store %arg5[%swap3A_1638, %swap3A_1639], %swap3A_1642 {strides = array<i32>} : memref<8x128xf32, #tpu.memory_space<vmem>>, vector<1x16xf32>,
    %eq3A_1643 = arith.constant 6 : i32
    %eq3A_1644 = vector.broadcast %eq3A_1643 : i32 to vector<16xi32>
    %eq3A_1645 = arith.cmpi eq, %select_n3A_1455, %eq3A_1644 : vector<16xi32>
    %select_n3A_1646 = arith.select %eq3A_1645, %div3A_1549, %broadcast_in_dim3A_1552 : vector<16xi1>, vector<16xf32>
    %eq3A_1647 = arith.constant 6 : i32
    %eq3A_1648 = vector.broadcast %eq3A_1647 : i32 to vector<16xi32>
    %eq3A_1649 = arith.cmpi eq, %select_n3A_1544, %eq3A_1648 : vector<16xi32>
    %select_n3A_1650 = arith.select %eq3A_1649, %div3A_1550, %broadcast_in_dim3A_1552 : vector<16xi1>, vector<16xf32>
    %add3A_1651 = arith.addf %select_n3A_1646, %select_n3A_1650 : vector<16xf32>
    %swap3A_1652 = arith.constant 6 : i32
    %swap3A_1653 = arith.index_cast %swap3A_1652 : i32 to index
    %swap3A_1654 = arith.constant 64 : index
    %swap3A_1655 = tpu.vector_load %arg5[%swap3A_1653, %swap3A_1654] {strides = array<i32>} : memref<8x128xf32, #tpu.memory_space<vmem>>, vector<1x16xf32>,
    %swap3A_1656 = vector.shape_cast %swap3A_1655 : vector<1x16xf32> to vector<16xf32>
    %swap3A_1657 = vector.shape_cast %add3A_1651 : vector<16xf32> to vector<1x16xf32>
    tpu.vector_store %arg5[%swap3A_1653, %swap3A_1654], %swap3A_1657 {strides = array<i32>} : memref<8x128xf32, #tpu.memory_space<vmem>>, vector<1x16xf32>,
    %eq3A_1658 = arith.constant 7 : i32
    %eq3A_1659 = vector.broadcast %eq3A_1658 : i32 to vector<16xi32>
    %eq3A_1660 = arith.cmpi eq, %select_n3A_1455, %eq3A_1659 : vector<16xi32>
    %select_n3A_1661 = arith.select %eq3A_1660, %div3A_1549, %broadcast_in_dim3A_1552 : vector<16xi1>, vector<16xf32>
    %eq3A_1662 = arith.constant 7 : i32
    %eq3A_1663 = vector.broadcast %eq3A_1662 : i32 to vector<16xi32>
    %eq3A_1664 = arith.cmpi eq, %select_n3A_1544, %eq3A_1663 : vector<16xi32>
    %select_n3A_1665 = arith.select %eq3A_1664, %div3A_1550, %broadcast_in_dim3A_1552 : vector<16xi1>, vector<16xf32>
    %add3A_1666 = arith.addf %select_n3A_1661, %select_n3A_1665 : vector<16xf32>
    %swap3A_1667 = arith.constant 7 : i32
    %swap3A_1668 = arith.index_cast %swap3A_1667 : i32 to index
    %swap3A_1669 = arith.constant 64 : index
    %swap3A_1670 = tpu.vector_load %arg5[%swap3A_1668, %swap3A_1669] {strides = array<i32>} : memref<8x128xf32, #tpu.memory_space<vmem>>, vector<1x16xf32>,
    %swap3A_1671 = vector.shape_cast %swap3A_1670 : vector<1x16xf32> to vector<16xf32>
    %swap3A_1672 = vector.shape_cast %add3A_1666 : vector<16xf32> to vector<1x16xf32>
    tpu.vector_store %arg5[%swap3A_1668, %swap3A_1669], %swap3A_1672 {strides = array<i32>} : memref<8x128xf32, #tpu.memory_space<vmem>>, vector<1x16xf32>,
    %get3A_1673 = arith.constant 0 : i32
    %get3A_1674 = arith.index_cast %get3A_1673 : i32 to index
    %get3A_1675 = arith.constant 80 : index
    %get3A_1676 = tpu.vector_load %arg4[%get3A_1674, %get3A_1675] {strides = array<i32>} : memref<8x128xf32, #tpu.memory_space<vmem>>, vector<1x16xf32>,
    %get3A_1677 = vector.shape_cast %get3A_1676 : vector<1x16xf32> to vector<16xf32>
    %get3A_1678 = arith.constant 1 : i32
    %get3A_1679 = arith.index_cast %get3A_1678 : i32 to index
    %get3A_1680 = arith.constant 80 : index
    %get3A_1681 = tpu.vector_load %arg4[%get3A_1679, %get3A_1680] {strides = array<i32>} : memref<8x128xf32, #tpu.memory_space<vmem>>, vector<1x16xf32>,
    %get3A_1682 = vector.shape_cast %get3A_1681 : vector<1x16xf32> to vector<16xf32>
    %get3A_1683 = arith.constant 2 : i32
    %get3A_1684 = arith.index_cast %get3A_1683 : i32 to index
    %get3A_1685 = arith.constant 80 : index
    %get3A_1686 = tpu.vector_load %arg4[%get3A_1684, %get3A_1685] {strides = array<i32>} : memref<8x128xf32, #tpu.memory_space<vmem>>, vector<1x16xf32>,
    %get3A_1687 = vector.shape_cast %get3A_1686 : vector<1x16xf32> to vector<16xf32>
    %get3A_1688 = arith.constant 3 : i32
    %get3A_1689 = arith.index_cast %get3A_1688 : i32 to index
    %get3A_1690 = arith.constant 80 : index
    %get3A_1691 = tpu.vector_load %arg4[%get3A_1689, %get3A_1690] {strides = array<i32>} : memref<8x128xf32, #tpu.memory_space<vmem>>, vector<1x16xf32>,
    %get3A_1692 = vector.shape_cast %get3A_1691 : vector<1x16xf32> to vector<16xf32>
    %get3A_1693 = arith.constant 4 : i32
    %get3A_1694 = arith.index_cast %get3A_1693 : i32 to index
    %get3A_1695 = arith.constant 80 : index
    %get3A_1696 = tpu.vector_load %arg4[%get3A_1694, %get3A_1695] {strides = array<i32>} : memref<8x128xf32, #tpu.memory_space<vmem>>, vector<1x16xf32>,
    %get3A_1697 = vector.shape_cast %get3A_1696 : vector<1x16xf32> to vector<16xf32>
    %get3A_1698 = arith.constant 5 : i32
    %get3A_1699 = arith.index_cast %get3A_1698 : i32 to index
    %get3A_1700 = arith.constant 80 : index
    %get3A_1701 = tpu.vector_load %arg4[%get3A_1699, %get3A_1700] {strides = array<i32>} : memref<8x128xf32, #tpu.memory_space<vmem>>, vector<1x16xf32>,
    %get3A_1702 = vector.shape_cast %get3A_1701 : vector<1x16xf32> to vector<16xf32>
    %get3A_1703 = arith.constant 6 : i32
    %get3A_1704 = arith.index_cast %get3A_1703 : i32 to index
    %get3A_1705 = arith.constant 80 : index
    %get3A_1706 = tpu.vector_load %arg4[%get3A_1704, %get3A_1705] {strides = array<i32>} : memref<8x128xf32, #tpu.memory_space<vmem>>, vector<1x16xf32>,
    %get3A_1707 = vector.shape_cast %get3A_1706 : vector<1x16xf32> to vector<16xf32>
    %get3A_1708 = arith.constant 7 : i32
    %get3A_1709 = arith.index_cast %get3A_1708 : i32 to index
    %get3A_1710 = arith.constant 80 : index
    %get3A_1711 = tpu.vector_load %arg4[%get3A_1709, %get3A_1710] {strides = array<i32>} : memref<8x128xf32, #tpu.memory_space<vmem>>, vector<1x16xf32>,
    %get3A_1712 = vector.shape_cast %get3A_1711 : vector<1x16xf32> to vector<16xf32>
    %max3A_1713 = arith.maximumf %get3A_1677, %get3A_1682 : vector<16xf32>
    %max3A_1714 = arith.maximumf %max3A_1713, %get3A_1687 : vector<16xf32>
    %max3A_1715 = arith.maximumf %max3A_1714, %get3A_1692 : vector<16xf32>
    %max3A_1716 = arith.maximumf %max3A_1715, %get3A_1697 : vector<16xf32>
    %max3A_1717 = arith.maximumf %max3A_1716, %get3A_1702 : vector<16xf32>
    %max3A_1718 = arith.maximumf %max3A_1717, %get3A_1707 : vector<16xf32>
    %max3A_1719 = arith.maximumf %max3A_1718, %get3A_1712 : vector<16xf32>
    %sub3A_1720 = arith.subf %get3A_1677, %max3A_1719 : vector<16xf32>
    %exp3A_1721 = math.exp %sub3A_1720 : vector<16xf32>
    %sub3A_1722 = arith.subf %get3A_1682, %max3A_1719 : vector<16xf32>
    %exp3A_1723 = math.exp %sub3A_1722 : vector<16xf32>
    %sub3A_1724 = arith.subf %get3A_1687, %max3A_1719 : vector<16xf32>
    %exp3A_1725 = math.exp %sub3A_1724 : vector<16xf32>
    %sub3A_1726 = arith.subf %get3A_1692, %max3A_1719 : vector<16xf32>
    %exp3A_1727 = math.exp %sub3A_1726 : vector<16xf32>
    %sub3A_1728 = arith.subf %get3A_1697, %max3A_1719 : vector<16xf32>
    %exp3A_1729 = math.exp %sub3A_1728 : vector<16xf32>
    %sub3A_1730 = arith.subf %get3A_1702, %max3A_1719 : vector<16xf32>
    %exp3A_1731 = math.exp %sub3A_1730 : vector<16xf32>
    %sub3A_1732 = arith.subf %get3A_1707, %max3A_1719 : vector<16xf32>
    %exp3A_1733 = math.exp %sub3A_1732 : vector<16xf32>
    %sub3A_1734 = arith.subf %get3A_1712, %max3A_1719 : vector<16xf32>
    %exp3A_1735 = math.exp %sub3A_1734 : vector<16xf32>
    %add3A_1736 = arith.addf %exp3A_1721, %exp3A_1723 : vector<16xf32>
    %add3A_1737 = arith.addf %add3A_1736, %exp3A_1725 : vector<16xf32>
    %add3A_1738 = arith.addf %add3A_1737, %exp3A_1727 : vector<16xf32>
    %add3A_1739 = arith.addf %add3A_1738, %exp3A_1729 : vector<16xf32>
    %add3A_1740 = arith.addf %add3A_1739, %exp3A_1731 : vector<16xf32>
    %add3A_1741 = arith.addf %add3A_1740, %exp3A_1733 : vector<16xf32>
    %add3A_1742 = arith.addf %add3A_1741, %exp3A_1735 : vector<16xf32>
    %div3A_1743 = arith.divf %exp3A_1721, %add3A_1742 : vector<16xf32>
    %div3A_1744 = arith.divf %exp3A_1723, %add3A_1742 : vector<16xf32>
    %div3A_1745 = arith.divf %exp3A_1725, %add3A_1742 : vector<16xf32>
    %div3A_1746 = arith.divf %exp3A_1727, %add3A_1742 : vector<16xf32>
    %div3A_1747 = arith.divf %exp3A_1729, %add3A_1742 : vector<16xf32>
    %div3A_1748 = arith.divf %exp3A_1731, %add3A_1742 : vector<16xf32>
    %div3A_1749 = arith.divf %exp3A_1733, %add3A_1742 : vector<16xf32>
    %div3A_1750 = arith.divf %exp3A_1735, %add3A_1742 : vector<16xf32>
    %max3A_1751 = arith.maximumf %div3A_1743, %div3A_1744 : vector<16xf32>
    %max3A_1752 = arith.maximumf %max3A_1751, %div3A_1745 : vector<16xf32>
    %max3A_1753 = arith.maximumf %max3A_1752, %div3A_1746 : vector<16xf32>
    %max3A_1754 = arith.maximumf %max3A_1753, %div3A_1747 : vector<16xf32>
    %max3A_1755 = arith.maximumf %max3A_1754, %div3A_1748 : vector<16xf32>
    %max3A_1756 = arith.maximumf %max3A_1755, %div3A_1749 : vector<16xf32>
    %max3A_1757 = arith.maximumf %max3A_1756, %div3A_1750 : vector<16xf32>
    %broadcast_in_dim3A_1758 = arith.constant 8 : i32
    %broadcast_in_dim3A_1759 = vector.broadcast %broadcast_in_dim3A_1758 : i32 to vector<16xi32>
    %eq3A_1760 = arith.cmpf oeq, %div3A_1750, %max3A_1757 : vector<16xf32>
    %jit3A_1761 = arith.constant 7 : i32
    %broadcast_in_dim3A_1762 = vector.broadcast %jit3A_1761 : i32 to vector<16xi32>
    %select_n3A_1763 = arith.select %eq3A_1760, %broadcast_in_dim3A_1762, %broadcast_in_dim3A_1759 : vector<16xi1>, vector<16xi32>
    %eq3A_1764 = arith.cmpf oeq, %div3A_1749, %max3A_1757 : vector<16xf32>
    %jit3A_1765 = arith.constant 6 : i32
    %broadcast_in_dim3A_1766 = vector.broadcast %jit3A_1765 : i32 to vector<16xi32>
    %select_n3A_1767 = arith.select %eq3A_1764, %broadcast_in_dim3A_1766, %select_n3A_1763 : vector<16xi1>, vector<16xi32>
    %eq3A_1768 = arith.cmpf oeq, %div3A_1748, %max3A_1757 : vector<16xf32>
    %jit3A_1769 = arith.constant 5 : i32
    %broadcast_in_dim3A_1770 = vector.broadcast %jit3A_1769 : i32 to vector<16xi32>
    %select_n3A_1771 = arith.select %eq3A_1768, %broadcast_in_dim3A_1770, %select_n3A_1767 : vector<16xi1>, vector<16xi32>
    %eq3A_1772 = arith.cmpf oeq, %div3A_1747, %max3A_1757 : vector<16xf32>
    %jit3A_1773 = arith.constant 4 : i32
    %broadcast_in_dim3A_1774 = vector.broadcast %jit3A_1773 : i32 to vector<16xi32>
    %select_n3A_1775 = arith.select %eq3A_1772, %broadcast_in_dim3A_1774, %select_n3A_1771 : vector<16xi1>, vector<16xi32>
    %eq3A_1776 = arith.cmpf oeq, %div3A_1746, %max3A_1757 : vector<16xf32>
    %jit3A_1777 = arith.constant 3 : i32
    %broadcast_in_dim3A_1778 = vector.broadcast %jit3A_1777 : i32 to vector<16xi32>
    %select_n3A_1779 = arith.select %eq3A_1776, %broadcast_in_dim3A_1778, %select_n3A_1775 : vector<16xi1>, vector<16xi32>
    %eq3A_1780 = arith.cmpf oeq, %div3A_1745, %max3A_1757 : vector<16xf32>
    %jit3A_1781 = arith.constant 2 : i32
    %broadcast_in_dim3A_1782 = vector.broadcast %jit3A_1781 : i32 to vector<16xi32>
    %select_n3A_1783 = arith.select %eq3A_1780, %broadcast_in_dim3A_1782, %select_n3A_1779 : vector<16xi1>, vector<16xi32>
    %eq3A_1784 = arith.cmpf oeq, %div3A_1744, %max3A_1757 : vector<16xf32>
    %jit3A_1785 = arith.constant 1 : i32
    %broadcast_in_dim3A_1786 = vector.broadcast %jit3A_1785 : i32 to vector<16xi32>
    %select_n3A_1787 = arith.select %eq3A_1784, %broadcast_in_dim3A_1786, %select_n3A_1783 : vector<16xi1>, vector<16xi32>
    %eq3A_1788 = arith.cmpf oeq, %div3A_1743, %max3A_1757 : vector<16xf32>
    %jit3A_1789 = arith.constant 0 : i32
    %broadcast_in_dim3A_1790 = vector.broadcast %jit3A_1789 : i32 to vector<16xi32>
    %select_n3A_1791 = arith.select %eq3A_1788, %broadcast_in_dim3A_1790, %select_n3A_1787 : vector<16xi1>, vector<16xi32>
    %eq3A_1792 = arith.constant 0 : i32
    %eq3A_1793 = vector.broadcast %eq3A_1792 : i32 to vector<16xi32>
    %eq3A_1794 = arith.cmpi eq, %select_n3A_1791, %eq3A_1793 : vector<16xi32>
    %jit3A_1795 = arith.constant -1.000000e+00 : f32
    %broadcast_in_dim3A_1796 = vector.broadcast %jit3A_1795 : f32 to vector<16xf32>
    %select_n3A_1797 = arith.select %eq3A_1794, %broadcast_in_dim3A_1796, %div3A_1743 : vector<16xi1>, vector<16xf32>
    %eq3A_1798 = arith.constant 1 : i32
    %eq3A_1799 = vector.broadcast %eq3A_1798 : i32 to vector<16xi32>
    %eq3A_1800 = arith.cmpi eq, %select_n3A_1791, %eq3A_1799 : vector<16xi32>
    %jit3A_1801 = arith.constant -1.000000e+00 : f32
    %broadcast_in_dim3A_1802 = vector.broadcast %jit3A_1801 : f32 to vector<16xf32>
    %select_n3A_1803 = arith.select %eq3A_1800, %broadcast_in_dim3A_1802, %div3A_1744 : vector<16xi1>, vector<16xf32>
    %eq3A_1804 = arith.constant 2 : i32
    %eq3A_1805 = vector.broadcast %eq3A_1804 : i32 to vector<16xi32>
    %eq3A_1806 = arith.cmpi eq, %select_n3A_1791, %eq3A_1805 : vector<16xi32>
    %jit3A_1807 = arith.constant -1.000000e+00 : f32
    %broadcast_in_dim3A_1808 = vector.broadcast %jit3A_1807 : f32 to vector<16xf32>
    %select_n3A_1809 = arith.select %eq3A_1806, %broadcast_in_dim3A_1808, %div3A_1745 : vector<16xi1>, vector<16xf32>
    %eq3A_1810 = arith.constant 3 : i32
    %eq3A_1811 = vector.broadcast %eq3A_1810 : i32 to vector<16xi32>
    %eq3A_1812 = arith.cmpi eq, %select_n3A_1791, %eq3A_1811 : vector<16xi32>
    %jit3A_1813 = arith.constant -1.000000e+00 : f32
    %broadcast_in_dim3A_1814 = vector.broadcast %jit3A_1813 : f32 to vector<16xf32>
    %select_n3A_1815 = arith.select %eq3A_1812, %broadcast_in_dim3A_1814, %div3A_1746 : vector<16xi1>, vector<16xf32>
    %eq3A_1816 = arith.constant 4 : i32
    %eq3A_1817 = vector.broadcast %eq3A_1816 : i32 to vector<16xi32>
    %eq3A_1818 = arith.cmpi eq, %select_n3A_1791, %eq3A_1817 : vector<16xi32>
    %jit3A_1819 = arith.constant -1.000000e+00 : f32
    %broadcast_in_dim3A_1820 = vector.broadcast %jit3A_1819 : f32 to vector<16xf32>
    %select_n3A_1821 = arith.select %eq3A_1818, %broadcast_in_dim3A_1820, %div3A_1747 : vector<16xi1>, vector<16xf32>
    %eq3A_1822 = arith.constant 5 : i32
    %eq3A_1823 = vector.broadcast %eq3A_1822 : i32 to vector<16xi32>
    %eq3A_1824 = arith.cmpi eq, %select_n3A_1791, %eq3A_1823 : vector<16xi32>
    %jit3A_1825 = arith.constant -1.000000e+00 : f32
    %broadcast_in_dim3A_1826 = vector.broadcast %jit3A_1825 : f32 to vector<16xf32>
    %select_n3A_1827 = arith.select %eq3A_1824, %broadcast_in_dim3A_1826, %div3A_1748 : vector<16xi1>, vector<16xf32>
    %eq3A_1828 = arith.constant 6 : i32
    %eq3A_1829 = vector.broadcast %eq3A_1828 : i32 to vector<16xi32>
    %eq3A_1830 = arith.cmpi eq, %select_n3A_1791, %eq3A_1829 : vector<16xi32>
    %jit3A_1831 = arith.constant -1.000000e+00 : f32
    %broadcast_in_dim3A_1832 = vector.broadcast %jit3A_1831 : f32 to vector<16xf32>
    %select_n3A_1833 = arith.select %eq3A_1830, %broadcast_in_dim3A_1832, %div3A_1749 : vector<16xi1>, vector<16xf32>
    %eq3A_1834 = arith.constant 7 : i32
    %eq3A_1835 = vector.broadcast %eq3A_1834 : i32 to vector<16xi32>
    %eq3A_1836 = arith.cmpi eq, %select_n3A_1791, %eq3A_1835 : vector<16xi32>
    %jit3A_1837 = arith.constant -1.000000e+00 : f32
    %broadcast_in_dim3A_1838 = vector.broadcast %jit3A_1837 : f32 to vector<16xf32>
    %select_n3A_1839 = arith.select %eq3A_1836, %broadcast_in_dim3A_1838, %div3A_1750 : vector<16xi1>, vector<16xf32>
    %max3A_1840 = arith.maximumf %select_n3A_1797, %select_n3A_1803 : vector<16xf32>
    %max3A_1841 = arith.maximumf %max3A_1840, %select_n3A_1809 : vector<16xf32>
    %max3A_1842 = arith.maximumf %max3A_1841, %select_n3A_1815 : vector<16xf32>
    %max3A_1843 = arith.maximumf %max3A_1842, %select_n3A_1821 : vector<16xf32>
    %max3A_1844 = arith.maximumf %max3A_1843, %select_n3A_1827 : vector<16xf32>
    %max3A_1845 = arith.maximumf %max3A_1844, %select_n3A_1833 : vector<16xf32>
    %max3A_1846 = arith.maximumf %max3A_1845, %select_n3A_1839 : vector<16xf32>
    %broadcast_in_dim3A_1847 = arith.constant 8 : i32
    %broadcast_in_dim3A_1848 = vector.broadcast %broadcast_in_dim3A_1847 : i32 to vector<16xi32>
    %eq3A_1849 = arith.cmpf oeq, %select_n3A_1839, %max3A_1846 : vector<16xf32>
    %jit3A_1850 = arith.constant 7 : i32
    %broadcast_in_dim3A_1851 = vector.broadcast %jit3A_1850 : i32 to vector<16xi32>
    %select_n3A_1852 = arith.select %eq3A_1849, %broadcast_in_dim3A_1851, %broadcast_in_dim3A_1848 : vector<16xi1>, vector<16xi32>
    %eq3A_1853 = arith.cmpf oeq, %select_n3A_1833, %max3A_1846 : vector<16xf32>
    %jit3A_1854 = arith.constant 6 : i32
    %broadcast_in_dim3A_1855 = vector.broadcast %jit3A_1854 : i32 to vector<16xi32>
    %select_n3A_1856 = arith.select %eq3A_1853, %broadcast_in_dim3A_1855, %select_n3A_1852 : vector<16xi1>, vector<16xi32>
    %eq3A_1857 = arith.cmpf oeq, %select_n3A_1827, %max3A_1846 : vector<16xf32>
    %jit3A_1858 = arith.constant 5 : i32
    %broadcast_in_dim3A_1859 = vector.broadcast %jit3A_1858 : i32 to vector<16xi32>
    %select_n3A_1860 = arith.select %eq3A_1857, %broadcast_in_dim3A_1859, %select_n3A_1856 : vector<16xi1>, vector<16xi32>
    %eq3A_1861 = arith.cmpf oeq, %select_n3A_1821, %max3A_1846 : vector<16xf32>
    %jit3A_1862 = arith.constant 4 : i32
    %broadcast_in_dim3A_1863 = vector.broadcast %jit3A_1862 : i32 to vector<16xi32>
    %select_n3A_1864 = arith.select %eq3A_1861, %broadcast_in_dim3A_1863, %select_n3A_1860 : vector<16xi1>, vector<16xi32>
    %eq3A_1865 = arith.cmpf oeq, %select_n3A_1815, %max3A_1846 : vector<16xf32>
    %jit3A_1866 = arith.constant 3 : i32
    %broadcast_in_dim3A_1867 = vector.broadcast %jit3A_1866 : i32 to vector<16xi32>
    %select_n3A_1868 = arith.select %eq3A_1865, %broadcast_in_dim3A_1867, %select_n3A_1864 : vector<16xi1>, vector<16xi32>
    %eq3A_1869 = arith.cmpf oeq, %select_n3A_1809, %max3A_1846 : vector<16xf32>
    %jit3A_1870 = arith.constant 2 : i32
    %broadcast_in_dim3A_1871 = vector.broadcast %jit3A_1870 : i32 to vector<16xi32>
    %select_n3A_1872 = arith.select %eq3A_1869, %broadcast_in_dim3A_1871, %select_n3A_1868 : vector<16xi1>, vector<16xi32>
    %eq3A_1873 = arith.cmpf oeq, %select_n3A_1803, %max3A_1846 : vector<16xf32>
    %jit3A_1874 = arith.constant 1 : i32
    %broadcast_in_dim3A_1875 = vector.broadcast %jit3A_1874 : i32 to vector<16xi32>
    %select_n3A_1876 = arith.select %eq3A_1873, %broadcast_in_dim3A_1875, %select_n3A_1872 : vector<16xi1>, vector<16xi32>
    %eq3A_1877 = arith.cmpf oeq, %select_n3A_1797, %max3A_1846 : vector<16xf32>
    %jit3A_1878 = arith.constant 0 : i32
    %broadcast_in_dim3A_1879 = vector.broadcast %jit3A_1878 : i32 to vector<16xi32>
    %select_n3A_1880 = arith.select %eq3A_1877, %broadcast_in_dim3A_1879, %select_n3A_1876 : vector<16xi1>, vector<16xi32>
    %add3A_1881 = arith.addf %max3A_1757, %max3A_1846 : vector<16xf32>
    %add3A_1882 = arith.constant 9.99999971E-10 : f32
    %add3A_1883 = vector.broadcast %add3A_1882 : f32 to vector<16xf32>
    %add3A_1884 = arith.addf %add3A_1881, %add3A_1883 : vector<16xf32>
    %div3A_1885 = arith.divf %max3A_1757, %add3A_1884 : vector<16xf32>
    %div3A_1886 = arith.divf %max3A_1846, %add3A_1884 : vector<16xf32>
    %broadcast_in_dim3A_1887 = arith.constant 0.000000e+00 : f32
    %broadcast_in_dim3A_1888 = vector.broadcast %broadcast_in_dim3A_1887 : f32 to vector<16xf32>
    %eq3A_1889 = arith.constant 0 : i32
    %eq3A_1890 = vector.broadcast %eq3A_1889 : i32 to vector<16xi32>
    %eq3A_1891 = arith.cmpi eq, %select_n3A_1791, %eq3A_1890 : vector<16xi32>
    %select_n3A_1892 = arith.select %eq3A_1891, %div3A_1885, %broadcast_in_dim3A_1888 : vector<16xi1>, vector<16xf32>
    %eq3A_1893 = arith.constant 0 : i32
    %eq3A_1894 = vector.broadcast %eq3A_1893 : i32 to vector<16xi32>
    %eq3A_1895 = arith.cmpi eq, %select_n3A_1880, %eq3A_1894 : vector<16xi32>
    %select_n3A_1896 = arith.select %eq3A_1895, %div3A_1886, %broadcast_in_dim3A_1888 : vector<16xi1>, vector<16xf32>
    %add3A_1897 = arith.addf %select_n3A_1892, %select_n3A_1896 : vector<16xf32>
    %swap3A_1898 = arith.constant 0 : i32
    %swap3A_1899 = arith.index_cast %swap3A_1898 : i32 to index
    %swap3A_1900 = arith.constant 80 : index
    %swap3A_1901 = tpu.vector_load %arg5[%swap3A_1899, %swap3A_1900] {strides = array<i32>} : memref<8x128xf32, #tpu.memory_space<vmem>>, vector<1x16xf32>,
    %swap3A_1902 = vector.shape_cast %swap3A_1901 : vector<1x16xf32> to vector<16xf32>
    %swap3A_1903 = vector.shape_cast %add3A_1897 : vector<16xf32> to vector<1x16xf32>
    tpu.vector_store %arg5[%swap3A_1899, %swap3A_1900], %swap3A_1903 {strides = array<i32>} : memref<8x128xf32, #tpu.memory_space<vmem>>, vector<1x16xf32>,
    %eq3A_1904 = arith.constant 1 : i32
    %eq3A_1905 = vector.broadcast %eq3A_1904 : i32 to vector<16xi32>
    %eq3A_1906 = arith.cmpi eq, %select_n3A_1791, %eq3A_1905 : vector<16xi32>
    %select_n3A_1907 = arith.select %eq3A_1906, %div3A_1885, %broadcast_in_dim3A_1888 : vector<16xi1>, vector<16xf32>
    %eq3A_1908 = arith.constant 1 : i32
    %eq3A_1909 = vector.broadcast %eq3A_1908 : i32 to vector<16xi32>
    %eq3A_1910 = arith.cmpi eq, %select_n3A_1880, %eq3A_1909 : vector<16xi32>
    %select_n3A_1911 = arith.select %eq3A_1910, %div3A_1886, %broadcast_in_dim3A_1888 : vector<16xi1>, vector<16xf32>
    %add3A_1912 = arith.addf %select_n3A_1907, %select_n3A_1911 : vector<16xf32>
    %swap3A_1913 = arith.constant 1 : i32
    %swap3A_1914 = arith.index_cast %swap3A_1913 : i32 to index
    %swap3A_1915 = arith.constant 80 : index
    %swap3A_1916 = tpu.vector_load %arg5[%swap3A_1914, %swap3A_1915] {strides = array<i32>} : memref<8x128xf32, #tpu.memory_space<vmem>>, vector<1x16xf32>,
    %swap3A_1917 = vector.shape_cast %swap3A_1916 : vector<1x16xf32> to vector<16xf32>
    %swap3A_1918 = vector.shape_cast %add3A_1912 : vector<16xf32> to vector<1x16xf32>
    tpu.vector_store %arg5[%swap3A_1914, %swap3A_1915], %swap3A_1918 {strides = array<i32>} : memref<8x128xf32, #tpu.memory_space<vmem>>, vector<1x16xf32>,
    %eq3A_1919 = arith.constant 2 : i32
    %eq3A_1920 = vector.broadcast %eq3A_1919 : i32 to vector<16xi32>
    %eq3A_1921 = arith.cmpi eq, %select_n3A_1791, %eq3A_1920 : vector<16xi32>
    %select_n3A_1922 = arith.select %eq3A_1921, %div3A_1885, %broadcast_in_dim3A_1888 : vector<16xi1>, vector<16xf32>
    %eq3A_1923 = arith.constant 2 : i32
    %eq3A_1924 = vector.broadcast %eq3A_1923 : i32 to vector<16xi32>
    %eq3A_1925 = arith.cmpi eq, %select_n3A_1880, %eq3A_1924 : vector<16xi32>
    %select_n3A_1926 = arith.select %eq3A_1925, %div3A_1886, %broadcast_in_dim3A_1888 : vector<16xi1>, vector<16xf32>
    %add3A_1927 = arith.addf %select_n3A_1922, %select_n3A_1926 : vector<16xf32>
    %swap3A_1928 = arith.constant 2 : i32
    %swap3A_1929 = arith.index_cast %swap3A_1928 : i32 to index
    %swap3A_1930 = arith.constant 80 : index
    %swap3A_1931 = tpu.vector_load %arg5[%swap3A_1929, %swap3A_1930] {strides = array<i32>} : memref<8x128xf32, #tpu.memory_space<vmem>>, vector<1x16xf32>,
    %swap3A_1932 = vector.shape_cast %swap3A_1931 : vector<1x16xf32> to vector<16xf32>
    %swap3A_1933 = vector.shape_cast %add3A_1927 : vector<16xf32> to vector<1x16xf32>
    tpu.vector_store %arg5[%swap3A_1929, %swap3A_1930], %swap3A_1933 {strides = array<i32>} : memref<8x128xf32, #tpu.memory_space<vmem>>, vector<1x16xf32>,
    %eq3A_1934 = arith.constant 3 : i32
    %eq3A_1935 = vector.broadcast %eq3A_1934 : i32 to vector<16xi32>
    %eq3A_1936 = arith.cmpi eq, %select_n3A_1791, %eq3A_1935 : vector<16xi32>
    %select_n3A_1937 = arith.select %eq3A_1936, %div3A_1885, %broadcast_in_dim3A_1888 : vector<16xi1>, vector<16xf32>
    %eq3A_1938 = arith.constant 3 : i32
    %eq3A_1939 = vector.broadcast %eq3A_1938 : i32 to vector<16xi32>
    %eq3A_1940 = arith.cmpi eq, %select_n3A_1880, %eq3A_1939 : vector<16xi32>
    %select_n3A_1941 = arith.select %eq3A_1940, %div3A_1886, %broadcast_in_dim3A_1888 : vector<16xi1>, vector<16xf32>
    %add3A_1942 = arith.addf %select_n3A_1937, %select_n3A_1941 : vector<16xf32>
    %swap3A_1943 = arith.constant 3 : i32
    %swap3A_1944 = arith.index_cast %swap3A_1943 : i32 to index
    %swap3A_1945 = arith.constant 80 : index
    %swap3A_1946 = tpu.vector_load %arg5[%swap3A_1944, %swap3A_1945] {strides = array<i32>} : memref<8x128xf32, #tpu.memory_space<vmem>>, vector<1x16xf32>,
    %swap3A_1947 = vector.shape_cast %swap3A_1946 : vector<1x16xf32> to vector<16xf32>
    %swap3A_1948 = vector.shape_cast %add3A_1942 : vector<16xf32> to vector<1x16xf32>
    tpu.vector_store %arg5[%swap3A_1944, %swap3A_1945], %swap3A_1948 {strides = array<i32>} : memref<8x128xf32, #tpu.memory_space<vmem>>, vector<1x16xf32>,
    %eq3A_1949 = arith.constant 4 : i32
    %eq3A_1950 = vector.broadcast %eq3A_1949 : i32 to vector<16xi32>
    %eq3A_1951 = arith.cmpi eq, %select_n3A_1791, %eq3A_1950 : vector<16xi32>
    %select_n3A_1952 = arith.select %eq3A_1951, %div3A_1885, %broadcast_in_dim3A_1888 : vector<16xi1>, vector<16xf32>
    %eq3A_1953 = arith.constant 4 : i32
    %eq3A_1954 = vector.broadcast %eq3A_1953 : i32 to vector<16xi32>
    %eq3A_1955 = arith.cmpi eq, %select_n3A_1880, %eq3A_1954 : vector<16xi32>
    %select_n3A_1956 = arith.select %eq3A_1955, %div3A_1886, %broadcast_in_dim3A_1888 : vector<16xi1>, vector<16xf32>
    %add3A_1957 = arith.addf %select_n3A_1952, %select_n3A_1956 : vector<16xf32>
    %swap3A_1958 = arith.constant 4 : i32
    %swap3A_1959 = arith.index_cast %swap3A_1958 : i32 to index
    %swap3A_1960 = arith.constant 80 : index
    %swap3A_1961 = tpu.vector_load %arg5[%swap3A_1959, %swap3A_1960] {strides = array<i32>} : memref<8x128xf32, #tpu.memory_space<vmem>>, vector<1x16xf32>,
    %swap3A_1962 = vector.shape_cast %swap3A_1961 : vector<1x16xf32> to vector<16xf32>
    %swap3A_1963 = vector.shape_cast %add3A_1957 : vector<16xf32> to vector<1x16xf32>
    tpu.vector_store %arg5[%swap3A_1959, %swap3A_1960], %swap3A_1963 {strides = array<i32>} : memref<8x128xf32, #tpu.memory_space<vmem>>, vector<1x16xf32>,
    %eq3A_1964 = arith.constant 5 : i32
    %eq3A_1965 = vector.broadcast %eq3A_1964 : i32 to vector<16xi32>
    %eq3A_1966 = arith.cmpi eq, %select_n3A_1791, %eq3A_1965 : vector<16xi32>
    %select_n3A_1967 = arith.select %eq3A_1966, %div3A_1885, %broadcast_in_dim3A_1888 : vector<16xi1>, vector<16xf32>
    %eq3A_1968 = arith.constant 5 : i32
    %eq3A_1969 = vector.broadcast %eq3A_1968 : i32 to vector<16xi32>
    %eq3A_1970 = arith.cmpi eq, %select_n3A_1880, %eq3A_1969 : vector<16xi32>
    %select_n3A_1971 = arith.select %eq3A_1970, %div3A_1886, %broadcast_in_dim3A_1888 : vector<16xi1>, vector<16xf32>
    %add3A_1972 = arith.addf %select_n3A_1967, %select_n3A_1971 : vector<16xf32>
    %swap3A_1973 = arith.constant 5 : i32
    %swap3A_1974 = arith.index_cast %swap3A_1973 : i32 to index
    %swap3A_1975 = arith.constant 80 : index
    %swap3A_1976 = tpu.vector_load %arg5[%swap3A_1974, %swap3A_1975] {strides = array<i32>} : memref<8x128xf32, #tpu.memory_space<vmem>>, vector<1x16xf32>,
    %swap3A_1977 = vector.shape_cast %swap3A_1976 : vector<1x16xf32> to vector<16xf32>
    %swap3A_1978 = vector.shape_cast %add3A_1972 : vector<16xf32> to vector<1x16xf32>
    tpu.vector_store %arg5[%swap3A_1974, %swap3A_1975], %swap3A_1978 {strides = array<i32>} : memref<8x128xf32, #tpu.memory_space<vmem>>, vector<1x16xf32>,
    %eq3A_1979 = arith.constant 6 : i32
    %eq3A_1980 = vector.broadcast %eq3A_1979 : i32 to vector<16xi32>
    %eq3A_1981 = arith.cmpi eq, %select_n3A_1791, %eq3A_1980 : vector<16xi32>
    %select_n3A_1982 = arith.select %eq3A_1981, %div3A_1885, %broadcast_in_dim3A_1888 : vector<16xi1>, vector<16xf32>
    %eq3A_1983 = arith.constant 6 : i32
    %eq3A_1984 = vector.broadcast %eq3A_1983 : i32 to vector<16xi32>
    %eq3A_1985 = arith.cmpi eq, %select_n3A_1880, %eq3A_1984 : vector<16xi32>
    %select_n3A_1986 = arith.select %eq3A_1985, %div3A_1886, %broadcast_in_dim3A_1888 : vector<16xi1>, vector<16xf32>
    %add3A_1987 = arith.addf %select_n3A_1982, %select_n3A_1986 : vector<16xf32>
    %swap3A_1988 = arith.constant 6 : i32
    %swap3A_1989 = arith.index_cast %swap3A_1988 : i32 to index
    %swap3A_1990 = arith.constant 80 : index
    %swap3A_1991 = tpu.vector_load %arg5[%swap3A_1989, %swap3A_1990] {strides = array<i32>} : memref<8x128xf32, #tpu.memory_space<vmem>>, vector<1x16xf32>,
    %swap3A_1992 = vector.shape_cast %swap3A_1991 : vector<1x16xf32> to vector<16xf32>
    %swap3A_1993 = vector.shape_cast %add3A_1987 : vector<16xf32> to vector<1x16xf32>
    tpu.vector_store %arg5[%swap3A_1989, %swap3A_1990], %swap3A_1993 {strides = array<i32>} : memref<8x128xf32, #tpu.memory_space<vmem>>, vector<1x16xf32>,
    %eq3A_1994 = arith.constant 7 : i32
    %eq3A_1995 = vector.broadcast %eq3A_1994 : i32 to vector<16xi32>
    %eq3A_1996 = arith.cmpi eq, %select_n3A_1791, %eq3A_1995 : vector<16xi32>
    %select_n3A_1997 = arith.select %eq3A_1996, %div3A_1885, %broadcast_in_dim3A_1888 : vector<16xi1>, vector<16xf32>
    %eq3A_1998 = arith.constant 7 : i32
    %eq3A_1999 = vector.broadcast %eq3A_1998 : i32 to vector<16xi32>
    %eq3A_2000 = arith.cmpi eq, %select_n3A_1880, %eq3A_1999 : vector<16xi32>
    %select_n3A_2001 = arith.select %eq3A_2000, %div3A_1886, %broadcast_in_dim3A_1888 : vector<16xi1>, vector<16xf32>
    %add3A_2002 = arith.addf %select_n3A_1997, %select_n3A_2001 : vector<16xf32>
    %swap3A_2003 = arith.constant 7 : i32
    %swap3A_2004 = arith.index_cast %swap3A_2003 : i32 to index
    %swap3A_2005 = arith.constant 80 : index
    %swap3A_2006 = tpu.vector_load %arg5[%swap3A_2004, %swap3A_2005] {strides = array<i32>} : memref<8x128xf32, #tpu.memory_space<vmem>>, vector<1x16xf32>,
    %swap3A_2007 = vector.shape_cast %swap3A_2006 : vector<1x16xf32> to vector<16xf32>
    %swap3A_2008 = vector.shape_cast %add3A_2002 : vector<16xf32> to vector<1x16xf32>
    tpu.vector_store %arg5[%swap3A_2004, %swap3A_2005], %swap3A_2008 {strides = array<i32>} : memref<8x128xf32, #tpu.memory_space<vmem>>, vector<1x16xf32>,
    %get3A_2009 = arith.constant 0 : i32
    %get3A_2010 = arith.index_cast %get3A_2009 : i32 to index
    %get3A_2011 = arith.constant 96 : index
    %get3A_2012 = tpu.vector_load %arg4[%get3A_2010, %get3A_2011] {strides = array<i32>} : memref<8x128xf32, #tpu.memory_space<vmem>>, vector<1x16xf32>,
    %get3A_2013 = vector.shape_cast %get3A_2012 : vector<1x16xf32> to vector<16xf32>
    %get3A_2014 = arith.constant 1 : i32
    %get3A_2015 = arith.index_cast %get3A_2014 : i32 to index
    %get3A_2016 = arith.constant 96 : index
    %get3A_2017 = tpu.vector_load %arg4[%get3A_2015, %get3A_2016] {strides = array<i32>} : memref<8x128xf32, #tpu.memory_space<vmem>>, vector<1x16xf32>,
    %get3A_2018 = vector.shape_cast %get3A_2017 : vector<1x16xf32> to vector<16xf32>
    %get3A_2019 = arith.constant 2 : i32
    %get3A_2020 = arith.index_cast %get3A_2019 : i32 to index
    %get3A_2021 = arith.constant 96 : index
    %get3A_2022 = tpu.vector_load %arg4[%get3A_2020, %get3A_2021] {strides = array<i32>} : memref<8x128xf32, #tpu.memory_space<vmem>>, vector<1x16xf32>,
    %get3A_2023 = vector.shape_cast %get3A_2022 : vector<1x16xf32> to vector<16xf32>
    %get3A_2024 = arith.constant 3 : i32
    %get3A_2025 = arith.index_cast %get3A_2024 : i32 to index
    %get3A_2026 = arith.constant 96 : index
    %get3A_2027 = tpu.vector_load %arg4[%get3A_2025, %get3A_2026] {strides = array<i32>} : memref<8x128xf32, #tpu.memory_space<vmem>>, vector<1x16xf32>,
    %get3A_2028 = vector.shape_cast %get3A_2027 : vector<1x16xf32> to vector<16xf32>
    %get3A_2029 = arith.constant 4 : i32
    %get3A_2030 = arith.index_cast %get3A_2029 : i32 to index
    %get3A_2031 = arith.constant 96 : index
    %get3A_2032 = tpu.vector_load %arg4[%get3A_2030, %get3A_2031] {strides = array<i32>} : memref<8x128xf32, #tpu.memory_space<vmem>>, vector<1x16xf32>,
    %get3A_2033 = vector.shape_cast %get3A_2032 : vector<1x16xf32> to vector<16xf32>
    %get3A_2034 = arith.constant 5 : i32
    %get3A_2035 = arith.index_cast %get3A_2034 : i32 to index
    %get3A_2036 = arith.constant 96 : index
    %get3A_2037 = tpu.vector_load %arg4[%get3A_2035, %get3A_2036] {strides = array<i32>} : memref<8x128xf32, #tpu.memory_space<vmem>>, vector<1x16xf32>,
    %get3A_2038 = vector.shape_cast %get3A_2037 : vector<1x16xf32> to vector<16xf32>
    %get3A_2039 = arith.constant 6 : i32
    %get3A_2040 = arith.index_cast %get3A_2039 : i32 to index
    %get3A_2041 = arith.constant 96 : index
    %get3A_2042 = tpu.vector_load %arg4[%get3A_2040, %get3A_2041] {strides = array<i32>} : memref<8x128xf32, #tpu.memory_space<vmem>>, vector<1x16xf32>,
    %get3A_2043 = vector.shape_cast %get3A_2042 : vector<1x16xf32> to vector<16xf32>
    %get3A_2044 = arith.constant 7 : i32
    %get3A_2045 = arith.index_cast %get3A_2044 : i32 to index
    %get3A_2046 = arith.constant 96 : index
    %get3A_2047 = tpu.vector_load %arg4[%get3A_2045, %get3A_2046] {strides = array<i32>} : memref<8x128xf32, #tpu.memory_space<vmem>>, vector<1x16xf32>,
    %get3A_2048 = vector.shape_cast %get3A_2047 : vector<1x16xf32> to vector<16xf32>
    %max3A_2049 = arith.maximumf %get3A_2013, %get3A_2018 : vector<16xf32>
    %max3A_2050 = arith.maximumf %max3A_2049, %get3A_2023 : vector<16xf32>
    %max3A_2051 = arith.maximumf %max3A_2050, %get3A_2028 : vector<16xf32>
    %max3A_2052 = arith.maximumf %max3A_2051, %get3A_2033 : vector<16xf32>
    %max3A_2053 = arith.maximumf %max3A_2052, %get3A_2038 : vector<16xf32>
    %max3A_2054 = arith.maximumf %max3A_2053, %get3A_2043 : vector<16xf32>
    %max3A_2055 = arith.maximumf %max3A_2054, %get3A_2048 : vector<16xf32>
    %sub3A_2056 = arith.subf %get3A_2013, %max3A_2055 : vector<16xf32>
    %exp3A_2057 = math.exp %sub3A_2056 : vector<16xf32>
    %sub3A_2058 = arith.subf %get3A_2018, %max3A_2055 : vector<16xf32>
    %exp3A_2059 = math.exp %sub3A_2058 : vector<16xf32>
    %sub3A_2060 = arith.subf %get3A_2023, %max3A_2055 : vector<16xf32>
    %exp3A_2061 = math.exp %sub3A_2060 : vector<16xf32>
    %sub3A_2062 = arith.subf %get3A_2028, %max3A_2055 : vector<16xf32>
    %exp3A_2063 = math.exp %sub3A_2062 : vector<16xf32>
    %sub3A_2064 = arith.subf %get3A_2033, %max3A_2055 : vector<16xf32>
    %exp3A_2065 = math.exp %sub3A_2064 : vector<16xf32>
    %sub3A_2066 = arith.subf %get3A_2038, %max3A_2055 : vector<16xf32>
    %exp3A_2067 = math.exp %sub3A_2066 : vector<16xf32>
    %sub3A_2068 = arith.subf %get3A_2043, %max3A_2055 : vector<16xf32>
    %exp3A_2069 = math.exp %sub3A_2068 : vector<16xf32>
    %sub3A_2070 = arith.subf %get3A_2048, %max3A_2055 : vector<16xf32>
    %exp3A_2071 = math.exp %sub3A_2070 : vector<16xf32>
    %add3A_2072 = arith.addf %exp3A_2057, %exp3A_2059 : vector<16xf32>
    %add3A_2073 = arith.addf %add3A_2072, %exp3A_2061 : vector<16xf32>
    %add3A_2074 = arith.addf %add3A_2073, %exp3A_2063 : vector<16xf32>
    %add3A_2075 = arith.addf %add3A_2074, %exp3A_2065 : vector<16xf32>
    %add3A_2076 = arith.addf %add3A_2075, %exp3A_2067 : vector<16xf32>
    %add3A_2077 = arith.addf %add3A_2076, %exp3A_2069 : vector<16xf32>
    %add3A_2078 = arith.addf %add3A_2077, %exp3A_2071 : vector<16xf32>
    %div3A_2079 = arith.divf %exp3A_2057, %add3A_2078 : vector<16xf32>
    %div3A_2080 = arith.divf %exp3A_2059, %add3A_2078 : vector<16xf32>
    %div3A_2081 = arith.divf %exp3A_2061, %add3A_2078 : vector<16xf32>
    %div3A_2082 = arith.divf %exp3A_2063, %add3A_2078 : vector<16xf32>
    %div3A_2083 = arith.divf %exp3A_2065, %add3A_2078 : vector<16xf32>
    %div3A_2084 = arith.divf %exp3A_2067, %add3A_2078 : vector<16xf32>
    %div3A_2085 = arith.divf %exp3A_2069, %add3A_2078 : vector<16xf32>
    %div3A_2086 = arith.divf %exp3A_2071, %add3A_2078 : vector<16xf32>
    %max3A_2087 = arith.maximumf %div3A_2079, %div3A_2080 : vector<16xf32>
    %max3A_2088 = arith.maximumf %max3A_2087, %div3A_2081 : vector<16xf32>
    %max3A_2089 = arith.maximumf %max3A_2088, %div3A_2082 : vector<16xf32>
    %max3A_2090 = arith.maximumf %max3A_2089, %div3A_2083 : vector<16xf32>
    %max3A_2091 = arith.maximumf %max3A_2090, %div3A_2084 : vector<16xf32>
    %max3A_2092 = arith.maximumf %max3A_2091, %div3A_2085 : vector<16xf32>
    %max3A_2093 = arith.maximumf %max3A_2092, %div3A_2086 : vector<16xf32>
    %broadcast_in_dim3A_2094 = arith.constant 8 : i32
    %broadcast_in_dim3A_2095 = vector.broadcast %broadcast_in_dim3A_2094 : i32 to vector<16xi32>
    %eq3A_2096 = arith.cmpf oeq, %div3A_2086, %max3A_2093 : vector<16xf32>
    %jit3A_2097 = arith.constant 7 : i32
    %broadcast_in_dim3A_2098 = vector.broadcast %jit3A_2097 : i32 to vector<16xi32>
    %select_n3A_2099 = arith.select %eq3A_2096, %broadcast_in_dim3A_2098, %broadcast_in_dim3A_2095 : vector<16xi1>, vector<16xi32>
    %eq3A_2100 = arith.cmpf oeq, %div3A_2085, %max3A_2093 : vector<16xf32>
    %jit3A_2101 = arith.constant 6 : i32
    %broadcast_in_dim3A_2102 = vector.broadcast %jit3A_2101 : i32 to vector<16xi32>
    %select_n3A_2103 = arith.select %eq3A_2100, %broadcast_in_dim3A_2102, %select_n3A_2099 : vector<16xi1>, vector<16xi32>
    %eq3A_2104 = arith.cmpf oeq, %div3A_2084, %max3A_2093 : vector<16xf32>
    %jit3A_2105 = arith.constant 5 : i32
    %broadcast_in_dim3A_2106 = vector.broadcast %jit3A_2105 : i32 to vector<16xi32>
    %select_n3A_2107 = arith.select %eq3A_2104, %broadcast_in_dim3A_2106, %select_n3A_2103 : vector<16xi1>, vector<16xi32>
    %eq3A_2108 = arith.cmpf oeq, %div3A_2083, %max3A_2093 : vector<16xf32>
    %jit3A_2109 = arith.constant 4 : i32
    %broadcast_in_dim3A_2110 = vector.broadcast %jit3A_2109 : i32 to vector<16xi32>
    %select_n3A_2111 = arith.select %eq3A_2108, %broadcast_in_dim3A_2110, %select_n3A_2107 : vector<16xi1>, vector<16xi32>
    %eq3A_2112 = arith.cmpf oeq, %div3A_2082, %max3A_2093 : vector<16xf32>
    %jit3A_2113 = arith.constant 3 : i32
    %broadcast_in_dim3A_2114 = vector.broadcast %jit3A_2113 : i32 to vector<16xi32>
    %select_n3A_2115 = arith.select %eq3A_2112, %broadcast_in_dim3A_2114, %select_n3A_2111 : vector<16xi1>, vector<16xi32>
    %eq3A_2116 = arith.cmpf oeq, %div3A_2081, %max3A_2093 : vector<16xf32>
    %jit3A_2117 = arith.constant 2 : i32
    %broadcast_in_dim3A_2118 = vector.broadcast %jit3A_2117 : i32 to vector<16xi32>
    %select_n3A_2119 = arith.select %eq3A_2116, %broadcast_in_dim3A_2118, %select_n3A_2115 : vector<16xi1>, vector<16xi32>
    %eq3A_2120 = arith.cmpf oeq, %div3A_2080, %max3A_2093 : vector<16xf32>
    %jit3A_2121 = arith.constant 1 : i32
    %broadcast_in_dim3A_2122 = vector.broadcast %jit3A_2121 : i32 to vector<16xi32>
    %select_n3A_2123 = arith.select %eq3A_2120, %broadcast_in_dim3A_2122, %select_n3A_2119 : vector<16xi1>, vector<16xi32>
    %eq3A_2124 = arith.cmpf oeq, %div3A_2079, %max3A_2093 : vector<16xf32>
    %jit3A_2125 = arith.constant 0 : i32
    %broadcast_in_dim3A_2126 = vector.broadcast %jit3A_2125 : i32 to vector<16xi32>
    %select_n3A_2127 = arith.select %eq3A_2124, %broadcast_in_dim3A_2126, %select_n3A_2123 : vector<16xi1>, vector<16xi32>
    %eq3A_2128 = arith.constant 0 : i32
    %eq3A_2129 = vector.broadcast %eq3A_2128 : i32 to vector<16xi32>
    %eq3A_2130 = arith.cmpi eq, %select_n3A_2127, %eq3A_2129 : vector<16xi32>
    %jit3A_2131 = arith.constant -1.000000e+00 : f32
    %broadcast_in_dim3A_2132 = vector.broadcast %jit3A_2131 : f32 to vector<16xf32>
    %select_n3A_2133 = arith.select %eq3A_2130, %broadcast_in_dim3A_2132, %div3A_2079 : vector<16xi1>, vector<16xf32>
    %eq3A_2134 = arith.constant 1 : i32
    %eq3A_2135 = vector.broadcast %eq3A_2134 : i32 to vector<16xi32>
    %eq3A_2136 = arith.cmpi eq, %select_n3A_2127, %eq3A_2135 : vector<16xi32>
    %jit3A_2137 = arith.constant -1.000000e+00 : f32
    %broadcast_in_dim3A_2138 = vector.broadcast %jit3A_2137 : f32 to vector<16xf32>
    %select_n3A_2139 = arith.select %eq3A_2136, %broadcast_in_dim3A_2138, %div3A_2080 : vector<16xi1>, vector<16xf32>
    %eq3A_2140 = arith.constant 2 : i32
    %eq3A_2141 = vector.broadcast %eq3A_2140 : i32 to vector<16xi32>
    %eq3A_2142 = arith.cmpi eq, %select_n3A_2127, %eq3A_2141 : vector<16xi32>
    %jit3A_2143 = arith.constant -1.000000e+00 : f32
    %broadcast_in_dim3A_2144 = vector.broadcast %jit3A_2143 : f32 to vector<16xf32>
    %select_n3A_2145 = arith.select %eq3A_2142, %broadcast_in_dim3A_2144, %div3A_2081 : vector<16xi1>, vector<16xf32>
    %eq3A_2146 = arith.constant 3 : i32
    %eq3A_2147 = vector.broadcast %eq3A_2146 : i32 to vector<16xi32>
    %eq3A_2148 = arith.cmpi eq, %select_n3A_2127, %eq3A_2147 : vector<16xi32>
    %jit3A_2149 = arith.constant -1.000000e+00 : f32
    %broadcast_in_dim3A_2150 = vector.broadcast %jit3A_2149 : f32 to vector<16xf32>
    %select_n3A_2151 = arith.select %eq3A_2148, %broadcast_in_dim3A_2150, %div3A_2082 : vector<16xi1>, vector<16xf32>
    %eq3A_2152 = arith.constant 4 : i32
    %eq3A_2153 = vector.broadcast %eq3A_2152 : i32 to vector<16xi32>
    %eq3A_2154 = arith.cmpi eq, %select_n3A_2127, %eq3A_2153 : vector<16xi32>
    %jit3A_2155 = arith.constant -1.000000e+00 : f32
    %broadcast_in_dim3A_2156 = vector.broadcast %jit3A_2155 : f32 to vector<16xf32>
    %select_n3A_2157 = arith.select %eq3A_2154, %broadcast_in_dim3A_2156, %div3A_2083 : vector<16xi1>, vector<16xf32>
    %eq3A_2158 = arith.constant 5 : i32
    %eq3A_2159 = vector.broadcast %eq3A_2158 : i32 to vector<16xi32>
    %eq3A_2160 = arith.cmpi eq, %select_n3A_2127, %eq3A_2159 : vector<16xi32>
    %jit3A_2161 = arith.constant -1.000000e+00 : f32
    %broadcast_in_dim3A_2162 = vector.broadcast %jit3A_2161 : f32 to vector<16xf32>
    %select_n3A_2163 = arith.select %eq3A_2160, %broadcast_in_dim3A_2162, %div3A_2084 : vector<16xi1>, vector<16xf32>
    %eq3A_2164 = arith.constant 6 : i32
    %eq3A_2165 = vector.broadcast %eq3A_2164 : i32 to vector<16xi32>
    %eq3A_2166 = arith.cmpi eq, %select_n3A_2127, %eq3A_2165 : vector<16xi32>
    %jit3A_2167 = arith.constant -1.000000e+00 : f32
    %broadcast_in_dim3A_2168 = vector.broadcast %jit3A_2167 : f32 to vector<16xf32>
    %select_n3A_2169 = arith.select %eq3A_2166, %broadcast_in_dim3A_2168, %div3A_2085 : vector<16xi1>, vector<16xf32>
    %eq3A_2170 = arith.constant 7 : i32
    %eq3A_2171 = vector.broadcast %eq3A_2170 : i32 to vector<16xi32>
    %eq3A_2172 = arith.cmpi eq, %select_n3A_2127, %eq3A_2171 : vector<16xi32>
    %jit3A_2173 = arith.constant -1.000000e+00 : f32
    %broadcast_in_dim3A_2174 = vector.broadcast %jit3A_2173 : f32 to vector<16xf32>
    %select_n3A_2175 = arith.select %eq3A_2172, %broadcast_in_dim3A_2174, %div3A_2086 : vector<16xi1>, vector<16xf32>
    %max3A_2176 = arith.maximumf %select_n3A_2133, %select_n3A_2139 : vector<16xf32>
    %max3A_2177 = arith.maximumf %max3A_2176, %select_n3A_2145 : vector<16xf32>
    %max3A_2178 = arith.maximumf %max3A_2177, %select_n3A_2151 : vector<16xf32>
    %max3A_2179 = arith.maximumf %max3A_2178, %select_n3A_2157 : vector<16xf32>
    %max3A_2180 = arith.maximumf %max3A_2179, %select_n3A_2163 : vector<16xf32>
    %max3A_2181 = arith.maximumf %max3A_2180, %select_n3A_2169 : vector<16xf32>
    %max3A_2182 = arith.maximumf %max3A_2181, %select_n3A_2175 : vector<16xf32>
    %broadcast_in_dim3A_2183 = arith.constant 8 : i32
    %broadcast_in_dim3A_2184 = vector.broadcast %broadcast_in_dim3A_2183 : i32 to vector<16xi32>
    %eq3A_2185 = arith.cmpf oeq, %select_n3A_2175, %max3A_2182 : vector<16xf32>
    %jit3A_2186 = arith.constant 7 : i32
    %broadcast_in_dim3A_2187 = vector.broadcast %jit3A_2186 : i32 to vector<16xi32>
    %select_n3A_2188 = arith.select %eq3A_2185, %broadcast_in_dim3A_2187, %broadcast_in_dim3A_2184 : vector<16xi1>, vector<16xi32>
    %eq3A_2189 = arith.cmpf oeq, %select_n3A_2169, %max3A_2182 : vector<16xf32>
    %jit3A_2190 = arith.constant 6 : i32
    %broadcast_in_dim3A_2191 = vector.broadcast %jit3A_2190 : i32 to vector<16xi32>
    %select_n3A_2192 = arith.select %eq3A_2189, %broadcast_in_dim3A_2191, %select_n3A_2188 : vector<16xi1>, vector<16xi32>
    %eq3A_2193 = arith.cmpf oeq, %select_n3A_2163, %max3A_2182 : vector<16xf32>
    %jit3A_2194 = arith.constant 5 : i32
    %broadcast_in_dim3A_2195 = vector.broadcast %jit3A_2194 : i32 to vector<16xi32>
    %select_n3A_2196 = arith.select %eq3A_2193, %broadcast_in_dim3A_2195, %select_n3A_2192 : vector<16xi1>, vector<16xi32>
    %eq3A_2197 = arith.cmpf oeq, %select_n3A_2157, %max3A_2182 : vector<16xf32>
    %jit3A_2198 = arith.constant 4 : i32
    %broadcast_in_dim3A_2199 = vector.broadcast %jit3A_2198 : i32 to vector<16xi32>
    %select_n3A_2200 = arith.select %eq3A_2197, %broadcast_in_dim3A_2199, %select_n3A_2196 : vector<16xi1>, vector<16xi32>
    %eq3A_2201 = arith.cmpf oeq, %select_n3A_2151, %max3A_2182 : vector<16xf32>
    %jit3A_2202 = arith.constant 3 : i32
    %broadcast_in_dim3A_2203 = vector.broadcast %jit3A_2202 : i32 to vector<16xi32>
    %select_n3A_2204 = arith.select %eq3A_2201, %broadcast_in_dim3A_2203, %select_n3A_2200 : vector<16xi1>, vector<16xi32>
    %eq3A_2205 = arith.cmpf oeq, %select_n3A_2145, %max3A_2182 : vector<16xf32>
    %jit3A_2206 = arith.constant 2 : i32
    %broadcast_in_dim3A_2207 = vector.broadcast %jit3A_2206 : i32 to vector<16xi32>
    %select_n3A_2208 = arith.select %eq3A_2205, %broadcast_in_dim3A_2207, %select_n3A_2204 : vector<16xi1>, vector<16xi32>
    %eq3A_2209 = arith.cmpf oeq, %select_n3A_2139, %max3A_2182 : vector<16xf32>
    %jit3A_2210 = arith.constant 1 : i32
    %broadcast_in_dim3A_2211 = vector.broadcast %jit3A_2210 : i32 to vector<16xi32>
    %select_n3A_2212 = arith.select %eq3A_2209, %broadcast_in_dim3A_2211, %select_n3A_2208 : vector<16xi1>, vector<16xi32>
    %eq3A_2213 = arith.cmpf oeq, %select_n3A_2133, %max3A_2182 : vector<16xf32>
    %jit3A_2214 = arith.constant 0 : i32
    %broadcast_in_dim3A_2215 = vector.broadcast %jit3A_2214 : i32 to vector<16xi32>
    %select_n3A_2216 = arith.select %eq3A_2213, %broadcast_in_dim3A_2215, %select_n3A_2212 : vector<16xi1>, vector<16xi32>
    %add3A_2217 = arith.addf %max3A_2093, %max3A_2182 : vector<16xf32>
    %add3A_2218 = arith.constant 9.99999971E-10 : f32
    %add3A_2219 = vector.broadcast %add3A_2218 : f32 to vector<16xf32>
    %add3A_2220 = arith.addf %add3A_2217, %add3A_2219 : vector<16xf32>
    %div3A_2221 = arith.divf %max3A_2093, %add3A_2220 : vector<16xf32>
    %div3A_2222 = arith.divf %max3A_2182, %add3A_2220 : vector<16xf32>
    %broadcast_in_dim3A_2223 = arith.constant 0.000000e+00 : f32
    %broadcast_in_dim3A_2224 = vector.broadcast %broadcast_in_dim3A_2223 : f32 to vector<16xf32>
    %eq3A_2225 = arith.constant 0 : i32
    %eq3A_2226 = vector.broadcast %eq3A_2225 : i32 to vector<16xi32>
    %eq3A_2227 = arith.cmpi eq, %select_n3A_2127, %eq3A_2226 : vector<16xi32>
    %select_n3A_2228 = arith.select %eq3A_2227, %div3A_2221, %broadcast_in_dim3A_2224 : vector<16xi1>, vector<16xf32>
    %eq3A_2229 = arith.constant 0 : i32
    %eq3A_2230 = vector.broadcast %eq3A_2229 : i32 to vector<16xi32>
    %eq3A_2231 = arith.cmpi eq, %select_n3A_2216, %eq3A_2230 : vector<16xi32>
    %select_n3A_2232 = arith.select %eq3A_2231, %div3A_2222, %broadcast_in_dim3A_2224 : vector<16xi1>, vector<16xf32>
    %add3A_2233 = arith.addf %select_n3A_2228, %select_n3A_2232 : vector<16xf32>
    %swap3A_2234 = arith.constant 0 : i32
    %swap3A_2235 = arith.index_cast %swap3A_2234 : i32 to index
    %swap3A_2236 = arith.constant 96 : index
    %swap3A_2237 = tpu.vector_load %arg5[%swap3A_2235, %swap3A_2236] {strides = array<i32>} : memref<8x128xf32, #tpu.memory_space<vmem>>, vector<1x16xf32>,
    %swap3A_2238 = vector.shape_cast %swap3A_2237 : vector<1x16xf32> to vector<16xf32>
    %swap3A_2239 = vector.shape_cast %add3A_2233 : vector<16xf32> to vector<1x16xf32>
    tpu.vector_store %arg5[%swap3A_2235, %swap3A_2236], %swap3A_2239 {strides = array<i32>} : memref<8x128xf32, #tpu.memory_space<vmem>>, vector<1x16xf32>,
    %eq3A_2240 = arith.constant 1 : i32
    %eq3A_2241 = vector.broadcast %eq3A_2240 : i32 to vector<16xi32>
    %eq3A_2242 = arith.cmpi eq, %select_n3A_2127, %eq3A_2241 : vector<16xi32>
    %select_n3A_2243 = arith.select %eq3A_2242, %div3A_2221, %broadcast_in_dim3A_2224 : vector<16xi1>, vector<16xf32>
    %eq3A_2244 = arith.constant 1 : i32
    %eq3A_2245 = vector.broadcast %eq3A_2244 : i32 to vector<16xi32>
    %eq3A_2246 = arith.cmpi eq, %select_n3A_2216, %eq3A_2245 : vector<16xi32>
    %select_n3A_2247 = arith.select %eq3A_2246, %div3A_2222, %broadcast_in_dim3A_2224 : vector<16xi1>, vector<16xf32>
    %add3A_2248 = arith.addf %select_n3A_2243, %select_n3A_2247 : vector<16xf32>
    %swap3A_2249 = arith.constant 1 : i32
    %swap3A_2250 = arith.index_cast %swap3A_2249 : i32 to index
    %swap3A_2251 = arith.constant 96 : index
    %swap3A_2252 = tpu.vector_load %arg5[%swap3A_2250, %swap3A_2251] {strides = array<i32>} : memref<8x128xf32, #tpu.memory_space<vmem>>, vector<1x16xf32>,
    %swap3A_2253 = vector.shape_cast %swap3A_2252 : vector<1x16xf32> to vector<16xf32>
    %swap3A_2254 = vector.shape_cast %add3A_2248 : vector<16xf32> to vector<1x16xf32>
    tpu.vector_store %arg5[%swap3A_2250, %swap3A_2251], %swap3A_2254 {strides = array<i32>} : memref<8x128xf32, #tpu.memory_space<vmem>>, vector<1x16xf32>,
    %eq3A_2255 = arith.constant 2 : i32
    %eq3A_2256 = vector.broadcast %eq3A_2255 : i32 to vector<16xi32>
    %eq3A_2257 = arith.cmpi eq, %select_n3A_2127, %eq3A_2256 : vector<16xi32>
    %select_n3A_2258 = arith.select %eq3A_2257, %div3A_2221, %broadcast_in_dim3A_2224 : vector<16xi1>, vector<16xf32>
    %eq3A_2259 = arith.constant 2 : i32
    %eq3A_2260 = vector.broadcast %eq3A_2259 : i32 to vector<16xi32>
    %eq3A_2261 = arith.cmpi eq, %select_n3A_2216, %eq3A_2260 : vector<16xi32>
    %select_n3A_2262 = arith.select %eq3A_2261, %div3A_2222, %broadcast_in_dim3A_2224 : vector<16xi1>, vector<16xf32>
    %add3A_2263 = arith.addf %select_n3A_2258, %select_n3A_2262 : vector<16xf32>
    %swap3A_2264 = arith.constant 2 : i32
    %swap3A_2265 = arith.index_cast %swap3A_2264 : i32 to index
    %swap3A_2266 = arith.constant 96 : index
    %swap3A_2267 = tpu.vector_load %arg5[%swap3A_2265, %swap3A_2266] {strides = array<i32>} : memref<8x128xf32, #tpu.memory_space<vmem>>, vector<1x16xf32>,
    %swap3A_2268 = vector.shape_cast %swap3A_2267 : vector<1x16xf32> to vector<16xf32>
    %swap3A_2269 = vector.shape_cast %add3A_2263 : vector<16xf32> to vector<1x16xf32>
    tpu.vector_store %arg5[%swap3A_2265, %swap3A_2266], %swap3A_2269 {strides = array<i32>} : memref<8x128xf32, #tpu.memory_space<vmem>>, vector<1x16xf32>,
    %eq3A_2270 = arith.constant 3 : i32
    %eq3A_2271 = vector.broadcast %eq3A_2270 : i32 to vector<16xi32>
    %eq3A_2272 = arith.cmpi eq, %select_n3A_2127, %eq3A_2271 : vector<16xi32>
    %select_n3A_2273 = arith.select %eq3A_2272, %div3A_2221, %broadcast_in_dim3A_2224 : vector<16xi1>, vector<16xf32>
    %eq3A_2274 = arith.constant 3 : i32
    %eq3A_2275 = vector.broadcast %eq3A_2274 : i32 to vector<16xi32>
    %eq3A_2276 = arith.cmpi eq, %select_n3A_2216, %eq3A_2275 : vector<16xi32>
    %select_n3A_2277 = arith.select %eq3A_2276, %div3A_2222, %broadcast_in_dim3A_2224 : vector<16xi1>, vector<16xf32>
    %add3A_2278 = arith.addf %select_n3A_2273, %select_n3A_2277 : vector<16xf32>
    %swap3A_2279 = arith.constant 3 : i32
    %swap3A_2280 = arith.index_cast %swap3A_2279 : i32 to index
    %swap3A_2281 = arith.constant 96 : index
    %swap3A_2282 = tpu.vector_load %arg5[%swap3A_2280, %swap3A_2281] {strides = array<i32>} : memref<8x128xf32, #tpu.memory_space<vmem>>, vector<1x16xf32>,
    %swap3A_2283 = vector.shape_cast %swap3A_2282 : vector<1x16xf32> to vector<16xf32>
    %swap3A_2284 = vector.shape_cast %add3A_2278 : vector<16xf32> to vector<1x16xf32>
    tpu.vector_store %arg5[%swap3A_2280, %swap3A_2281], %swap3A_2284 {strides = array<i32>} : memref<8x128xf32, #tpu.memory_space<vmem>>, vector<1x16xf32>,
    %eq3A_2285 = arith.constant 4 : i32
    %eq3A_2286 = vector.broadcast %eq3A_2285 : i32 to vector<16xi32>
    %eq3A_2287 = arith.cmpi eq, %select_n3A_2127, %eq3A_2286 : vector<16xi32>
    %select_n3A_2288 = arith.select %eq3A_2287, %div3A_2221, %broadcast_in_dim3A_2224 : vector<16xi1>, vector<16xf32>
    %eq3A_2289 = arith.constant 4 : i32
    %eq3A_2290 = vector.broadcast %eq3A_2289 : i32 to vector<16xi32>
    %eq3A_2291 = arith.cmpi eq, %select_n3A_2216, %eq3A_2290 : vector<16xi32>
    %select_n3A_2292 = arith.select %eq3A_2291, %div3A_2222, %broadcast_in_dim3A_2224 : vector<16xi1>, vector<16xf32>
    %add3A_2293 = arith.addf %select_n3A_2288, %select_n3A_2292 : vector<16xf32>
    %swap3A_2294 = arith.constant 4 : i32
    %swap3A_2295 = arith.index_cast %swap3A_2294 : i32 to index
    %swap3A_2296 = arith.constant 96 : index
    %swap3A_2297 = tpu.vector_load %arg5[%swap3A_2295, %swap3A_2296] {strides = array<i32>} : memref<8x128xf32, #tpu.memory_space<vmem>>, vector<1x16xf32>,
    %swap3A_2298 = vector.shape_cast %swap3A_2297 : vector<1x16xf32> to vector<16xf32>
    %swap3A_2299 = vector.shape_cast %add3A_2293 : vector<16xf32> to vector<1x16xf32>
    tpu.vector_store %arg5[%swap3A_2295, %swap3A_2296], %swap3A_2299 {strides = array<i32>} : memref<8x128xf32, #tpu.memory_space<vmem>>, vector<1x16xf32>,
    %eq3A_2300 = arith.constant 5 : i32
    %eq3A_2301 = vector.broadcast %eq3A_2300 : i32 to vector<16xi32>
    %eq3A_2302 = arith.cmpi eq, %select_n3A_2127, %eq3A_2301 : vector<16xi32>
    %select_n3A_2303 = arith.select %eq3A_2302, %div3A_2221, %broadcast_in_dim3A_2224 : vector<16xi1>, vector<16xf32>
    %eq3A_2304 = arith.constant 5 : i32
    %eq3A_2305 = vector.broadcast %eq3A_2304 : i32 to vector<16xi32>
    %eq3A_2306 = arith.cmpi eq, %select_n3A_2216, %eq3A_2305 : vector<16xi32>
    %select_n3A_2307 = arith.select %eq3A_2306, %div3A_2222, %broadcast_in_dim3A_2224 : vector<16xi1>, vector<16xf32>
    %add3A_2308 = arith.addf %select_n3A_2303, %select_n3A_2307 : vector<16xf32>
    %swap3A_2309 = arith.constant 5 : i32
    %swap3A_2310 = arith.index_cast %swap3A_2309 : i32 to index
    %swap3A_2311 = arith.constant 96 : index
    %swap3A_2312 = tpu.vector_load %arg5[%swap3A_2310, %swap3A_2311] {strides = array<i32>} : memref<8x128xf32, #tpu.memory_space<vmem>>, vector<1x16xf32>,
    %swap3A_2313 = vector.shape_cast %swap3A_2312 : vector<1x16xf32> to vector<16xf32>
    %swap3A_2314 = vector.shape_cast %add3A_2308 : vector<16xf32> to vector<1x16xf32>
    tpu.vector_store %arg5[%swap3A_2310, %swap3A_2311], %swap3A_2314 {strides = array<i32>} : memref<8x128xf32, #tpu.memory_space<vmem>>, vector<1x16xf32>,
    %eq3A_2315 = arith.constant 6 : i32
    %eq3A_2316 = vector.broadcast %eq3A_2315 : i32 to vector<16xi32>
    %eq3A_2317 = arith.cmpi eq, %select_n3A_2127, %eq3A_2316 : vector<16xi32>
    %select_n3A_2318 = arith.select %eq3A_2317, %div3A_2221, %broadcast_in_dim3A_2224 : vector<16xi1>, vector<16xf32>
    %eq3A_2319 = arith.constant 6 : i32
    %eq3A_2320 = vector.broadcast %eq3A_2319 : i32 to vector<16xi32>
    %eq3A_2321 = arith.cmpi eq, %select_n3A_2216, %eq3A_2320 : vector<16xi32>
    %select_n3A_2322 = arith.select %eq3A_2321, %div3A_2222, %broadcast_in_dim3A_2224 : vector<16xi1>, vector<16xf32>
    %add3A_2323 = arith.addf %select_n3A_2318, %select_n3A_2322 : vector<16xf32>
    %swap3A_2324 = arith.constant 6 : i32
    %swap3A_2325 = arith.index_cast %swap3A_2324 : i32 to index
    %swap3A_2326 = arith.constant 96 : index
    %swap3A_2327 = tpu.vector_load %arg5[%swap3A_2325, %swap3A_2326] {strides = array<i32>} : memref<8x128xf32, #tpu.memory_space<vmem>>, vector<1x16xf32>,
    %swap3A_2328 = vector.shape_cast %swap3A_2327 : vector<1x16xf32> to vector<16xf32>
    %swap3A_2329 = vector.shape_cast %add3A_2323 : vector<16xf32> to vector<1x16xf32>
    tpu.vector_store %arg5[%swap3A_2325, %swap3A_2326], %swap3A_2329 {strides = array<i32>} : memref<8x128xf32, #tpu.memory_space<vmem>>, vector<1x16xf32>,
    %eq3A_2330 = arith.constant 7 : i32
    %eq3A_2331 = vector.broadcast %eq3A_2330 : i32 to vector<16xi32>
    %eq3A_2332 = arith.cmpi eq, %select_n3A_2127, %eq3A_2331 : vector<16xi32>
    %select_n3A_2333 = arith.select %eq3A_2332, %div3A_2221, %broadcast_in_dim3A_2224 : vector<16xi1>, vector<16xf32>
    %eq3A_2334 = arith.constant 7 : i32
    %eq3A_2335 = vector.broadcast %eq3A_2334 : i32 to vector<16xi32>
    %eq3A_2336 = arith.cmpi eq, %select_n3A_2216, %eq3A_2335 : vector<16xi32>
    %select_n3A_2337 = arith.select %eq3A_2336, %div3A_2222, %broadcast_in_dim3A_2224 : vector<16xi1>, vector<16xf32>
    %add3A_2338 = arith.addf %select_n3A_2333, %select_n3A_2337 : vector<16xf32>
    %swap3A_2339 = arith.constant 7 : i32
    %swap3A_2340 = arith.index_cast %swap3A_2339 : i32 to index
    %swap3A_2341 = arith.constant 96 : index
    %swap3A_2342 = tpu.vector_load %arg5[%swap3A_2340, %swap3A_2341] {strides = array<i32>} : memref<8x128xf32, #tpu.memory_space<vmem>>, vector<1x16xf32>,
    %swap3A_2343 = vector.shape_cast %swap3A_2342 : vector<1x16xf32> to vector<16xf32>
    %swap3A_2344 = vector.shape_cast %add3A_2338 : vector<16xf32> to vector<1x16xf32>
    tpu.vector_store %arg5[%swap3A_2340, %swap3A_2341], %swap3A_2344 {strides = array<i32>} : memref<8x128xf32, #tpu.memory_space<vmem>>, vector<1x16xf32>,
    %get3A_2345 = arith.constant 0 : i32
    %get3A_2346 = arith.index_cast %get3A_2345 : i32 to index
    %get3A_2347 = arith.constant 112 : index
    %get3A_2348 = tpu.vector_load %arg4[%get3A_2346, %get3A_2347] {strides = array<i32>} : memref<8x128xf32, #tpu.memory_space<vmem>>, vector<1x16xf32>,
    %get3A_2349 = vector.shape_cast %get3A_2348 : vector<1x16xf32> to vector<16xf32>
    %get3A_2350 = arith.constant 1 : i32
    %get3A_2351 = arith.index_cast %get3A_2350 : i32 to index
    %get3A_2352 = arith.constant 112 : index
    %get3A_2353 = tpu.vector_load %arg4[%get3A_2351, %get3A_2352] {strides = array<i32>} : memref<8x128xf32, #tpu.memory_space<vmem>>, vector<1x16xf32>,
    %get3A_2354 = vector.shape_cast %get3A_2353 : vector<1x16xf32> to vector<16xf32>
    %get3A_2355 = arith.constant 2 : i32
    %get3A_2356 = arith.index_cast %get3A_2355 : i32 to index
    %get3A_2357 = arith.constant 112 : index
    %get3A_2358 = tpu.vector_load %arg4[%get3A_2356, %get3A_2357] {strides = array<i32>} : memref<8x128xf32, #tpu.memory_space<vmem>>, vector<1x16xf32>,
    %get3A_2359 = vector.shape_cast %get3A_2358 : vector<1x16xf32> to vector<16xf32>
    %get3A_2360 = arith.constant 3 : i32
    %get3A_2361 = arith.index_cast %get3A_2360 : i32 to index
    %get3A_2362 = arith.constant 112 : index
    %get3A_2363 = tpu.vector_load %arg4[%get3A_2361, %get3A_2362] {strides = array<i32>} : memref<8x128xf32, #tpu.memory_space<vmem>>, vector<1x16xf32>,
    %get3A_2364 = vector.shape_cast %get3A_2363 : vector<1x16xf32> to vector<16xf32>
    %get3A_2365 = arith.constant 4 : i32
    %get3A_2366 = arith.index_cast %get3A_2365 : i32 to index
    %get3A_2367 = arith.constant 112 : index
    %get3A_2368 = tpu.vector_load %arg4[%get3A_2366, %get3A_2367] {strides = array<i32>} : memref<8x128xf32, #tpu.memory_space<vmem>>, vector<1x16xf32>,
    %get3A_2369 = vector.shape_cast %get3A_2368 : vector<1x16xf32> to vector<16xf32>
    %get3A_2370 = arith.constant 5 : i32
    %get3A_2371 = arith.index_cast %get3A_2370 : i32 to index
    %get3A_2372 = arith.constant 112 : index
    %get3A_2373 = tpu.vector_load %arg4[%get3A_2371, %get3A_2372] {strides = array<i32>} : memref<8x128xf32, #tpu.memory_space<vmem>>, vector<1x16xf32>,
    %get3A_2374 = vector.shape_cast %get3A_2373 : vector<1x16xf32> to vector<16xf32>
    %get3A_2375 = arith.constant 6 : i32
    %get3A_2376 = arith.index_cast %get3A_2375 : i32 to index
    %get3A_2377 = arith.constant 112 : index
    %get3A_2378 = tpu.vector_load %arg4[%get3A_2376, %get3A_2377] {strides = array<i32>} : memref<8x128xf32, #tpu.memory_space<vmem>>, vector<1x16xf32>,
    %get3A_2379 = vector.shape_cast %get3A_2378 : vector<1x16xf32> to vector<16xf32>
    %get3A_2380 = arith.constant 7 : i32
    %get3A_2381 = arith.index_cast %get3A_2380 : i32 to index
    %get3A_2382 = arith.constant 112 : index
    %get3A_2383 = tpu.vector_load %arg4[%get3A_2381, %get3A_2382] {strides = array<i32>} : memref<8x128xf32, #tpu.memory_space<vmem>>, vector<1x16xf32>,
    %get3A_2384 = vector.shape_cast %get3A_2383 : vector<1x16xf32> to vector<16xf32>
    %max3A_2385 = arith.maximumf %get3A_2349, %get3A_2354 : vector<16xf32>
    %max3A_2386 = arith.maximumf %max3A_2385, %get3A_2359 : vector<16xf32>
    %max3A_2387 = arith.maximumf %max3A_2386, %get3A_2364 : vector<16xf32>
    %max3A_2388 = arith.maximumf %max3A_2387, %get3A_2369 : vector<16xf32>
    %max3A_2389 = arith.maximumf %max3A_2388, %get3A_2374 : vector<16xf32>
    %max3A_2390 = arith.maximumf %max3A_2389, %get3A_2379 : vector<16xf32>
    %max3A_2391 = arith.maximumf %max3A_2390, %get3A_2384 : vector<16xf32>
    %sub3A_2392 = arith.subf %get3A_2349, %max3A_2391 : vector<16xf32>
    %exp3A_2393 = math.exp %sub3A_2392 : vector<16xf32>
    %sub3A_2394 = arith.subf %get3A_2354, %max3A_2391 : vector<16xf32>
    %exp3A_2395 = math.exp %sub3A_2394 : vector<16xf32>
    %sub3A_2396 = arith.subf %get3A_2359, %max3A_2391 : vector<16xf32>
    %exp3A_2397 = math.exp %sub3A_2396 : vector<16xf32>
    %sub3A_2398 = arith.subf %get3A_2364, %max3A_2391 : vector<16xf32>
    %exp3A_2399 = math.exp %sub3A_2398 : vector<16xf32>
    %sub3A_2400 = arith.subf %get3A_2369, %max3A_2391 : vector<16xf32>
    %exp3A_2401 = math.exp %sub3A_2400 : vector<16xf32>
    %sub3A_2402 = arith.subf %get3A_2374, %max3A_2391 : vector<16xf32>
    %exp3A_2403 = math.exp %sub3A_2402 : vector<16xf32>
    %sub3A_2404 = arith.subf %get3A_2379, %max3A_2391 : vector<16xf32>
    %exp3A_2405 = math.exp %sub3A_2404 : vector<16xf32>
    %sub3A_2406 = arith.subf %get3A_2384, %max3A_2391 : vector<16xf32>
    %exp3A_2407 = math.exp %sub3A_2406 : vector<16xf32>
    %add3A_2408 = arith.addf %exp3A_2393, %exp3A_2395 : vector<16xf32>
    %add3A_2409 = arith.addf %add3A_2408, %exp3A_2397 : vector<16xf32>
    %add3A_2410 = arith.addf %add3A_2409, %exp3A_2399 : vector<16xf32>
    %add3A_2411 = arith.addf %add3A_2410, %exp3A_2401 : vector<16xf32>
    %add3A_2412 = arith.addf %add3A_2411, %exp3A_2403 : vector<16xf32>
    %add3A_2413 = arith.addf %add3A_2412, %exp3A_2405 : vector<16xf32>
    %add3A_2414 = arith.addf %add3A_2413, %exp3A_2407 : vector<16xf32>
    %div3A_2415 = arith.divf %exp3A_2393, %add3A_2414 : vector<16xf32>
    %div3A_2416 = arith.divf %exp3A_2395, %add3A_2414 : vector<16xf32>
    %div3A_2417 = arith.divf %exp3A_2397, %add3A_2414 : vector<16xf32>
    %div3A_2418 = arith.divf %exp3A_2399, %add3A_2414 : vector<16xf32>
    %div3A_2419 = arith.divf %exp3A_2401, %add3A_2414 : vector<16xf32>
    %div3A_2420 = arith.divf %exp3A_2403, %add3A_2414 : vector<16xf32>
    %div3A_2421 = arith.divf %exp3A_2405, %add3A_2414 : vector<16xf32>
    %div3A_2422 = arith.divf %exp3A_2407, %add3A_2414 : vector<16xf32>
    %max3A_2423 = arith.maximumf %div3A_2415, %div3A_2416 : vector<16xf32>
    %max3A_2424 = arith.maximumf %max3A_2423, %div3A_2417 : vector<16xf32>
    %max3A_2425 = arith.maximumf %max3A_2424, %div3A_2418 : vector<16xf32>
    %max3A_2426 = arith.maximumf %max3A_2425, %div3A_2419 : vector<16xf32>
    %max3A_2427 = arith.maximumf %max3A_2426, %div3A_2420 : vector<16xf32>
    %max3A_2428 = arith.maximumf %max3A_2427, %div3A_2421 : vector<16xf32>
    %max3A_2429 = arith.maximumf %max3A_2428, %div3A_2422 : vector<16xf32>
    %broadcast_in_dim3A_2430 = arith.constant 8 : i32
    %broadcast_in_dim3A_2431 = vector.broadcast %broadcast_in_dim3A_2430 : i32 to vector<16xi32>
    %eq3A_2432 = arith.cmpf oeq, %div3A_2422, %max3A_2429 : vector<16xf32>
    %jit3A_2433 = arith.constant 7 : i32
    %broadcast_in_dim3A_2434 = vector.broadcast %jit3A_2433 : i32 to vector<16xi32>
    %select_n3A_2435 = arith.select %eq3A_2432, %broadcast_in_dim3A_2434, %broadcast_in_dim3A_2431 : vector<16xi1>, vector<16xi32>
    %eq3A_2436 = arith.cmpf oeq, %div3A_2421, %max3A_2429 : vector<16xf32>
    %jit3A_2437 = arith.constant 6 : i32
    %broadcast_in_dim3A_2438 = vector.broadcast %jit3A_2437 : i32 to vector<16xi32>
    %select_n3A_2439 = arith.select %eq3A_2436, %broadcast_in_dim3A_2438, %select_n3A_2435 : vector<16xi1>, vector<16xi32>
    %eq3A_2440 = arith.cmpf oeq, %div3A_2420, %max3A_2429 : vector<16xf32>
    %jit3A_2441 = arith.constant 5 : i32
    %broadcast_in_dim3A_2442 = vector.broadcast %jit3A_2441 : i32 to vector<16xi32>
    %select_n3A_2443 = arith.select %eq3A_2440, %broadcast_in_dim3A_2442, %select_n3A_2439 : vector<16xi1>, vector<16xi32>
    %eq3A_2444 = arith.cmpf oeq, %div3A_2419, %max3A_2429 : vector<16xf32>
    %jit3A_2445 = arith.constant 4 : i32
    %broadcast_in_dim3A_2446 = vector.broadcast %jit3A_2445 : i32 to vector<16xi32>
    %select_n3A_2447 = arith.select %eq3A_2444, %broadcast_in_dim3A_2446, %select_n3A_2443 : vector<16xi1>, vector<16xi32>
    %eq3A_2448 = arith.cmpf oeq, %div3A_2418, %max3A_2429 : vector<16xf32>
    %jit3A_2449 = arith.constant 3 : i32
    %broadcast_in_dim3A_2450 = vector.broadcast %jit3A_2449 : i32 to vector<16xi32>
    %select_n3A_2451 = arith.select %eq3A_2448, %broadcast_in_dim3A_2450, %select_n3A_2447 : vector<16xi1>, vector<16xi32>
    %eq3A_2452 = arith.cmpf oeq, %div3A_2417, %max3A_2429 : vector<16xf32>
    %jit3A_2453 = arith.constant 2 : i32
    %broadcast_in_dim3A_2454 = vector.broadcast %jit3A_2453 : i32 to vector<16xi32>
    %select_n3A_2455 = arith.select %eq3A_2452, %broadcast_in_dim3A_2454, %select_n3A_2451 : vector<16xi1>, vector<16xi32>
    %eq3A_2456 = arith.cmpf oeq, %div3A_2416, %max3A_2429 : vector<16xf32>
    %jit3A_2457 = arith.constant 1 : i32
    %broadcast_in_dim3A_2458 = vector.broadcast %jit3A_2457 : i32 to vector<16xi32>
    %select_n3A_2459 = arith.select %eq3A_2456, %broadcast_in_dim3A_2458, %select_n3A_2455 : vector<16xi1>, vector<16xi32>
    %eq3A_2460 = arith.cmpf oeq, %div3A_2415, %max3A_2429 : vector<16xf32>
    %jit3A_2461 = arith.constant 0 : i32
    %broadcast_in_dim3A_2462 = vector.broadcast %jit3A_2461 : i32 to vector<16xi32>
    %select_n3A_2463 = arith.select %eq3A_2460, %broadcast_in_dim3A_2462, %select_n3A_2459 : vector<16xi1>, vector<16xi32>
    %eq3A_2464 = arith.constant 0 : i32
    %eq3A_2465 = vector.broadcast %eq3A_2464 : i32 to vector<16xi32>
    %eq3A_2466 = arith.cmpi eq, %select_n3A_2463, %eq3A_2465 : vector<16xi32>
    %jit3A_2467 = arith.constant -1.000000e+00 : f32
    %broadcast_in_dim3A_2468 = vector.broadcast %jit3A_2467 : f32 to vector<16xf32>
    %select_n3A_2469 = arith.select %eq3A_2466, %broadcast_in_dim3A_2468, %div3A_2415 : vector<16xi1>, vector<16xf32>
    %eq3A_2470 = arith.constant 1 : i32
    %eq3A_2471 = vector.broadcast %eq3A_2470 : i32 to vector<16xi32>
    %eq3A_2472 = arith.cmpi eq, %select_n3A_2463, %eq3A_2471 : vector<16xi32>
    %jit3A_2473 = arith.constant -1.000000e+00 : f32
    %broadcast_in_dim3A_2474 = vector.broadcast %jit3A_2473 : f32 to vector<16xf32>
    %select_n3A_2475 = arith.select %eq3A_2472, %broadcast_in_dim3A_2474, %div3A_2416 : vector<16xi1>, vector<16xf32>
    %eq3A_2476 = arith.constant 2 : i32
    %eq3A_2477 = vector.broadcast %eq3A_2476 : i32 to vector<16xi32>
    %eq3A_2478 = arith.cmpi eq, %select_n3A_2463, %eq3A_2477 : vector<16xi32>
    %jit3A_2479 = arith.constant -1.000000e+00 : f32
    %broadcast_in_dim3A_2480 = vector.broadcast %jit3A_2479 : f32 to vector<16xf32>
    %select_n3A_2481 = arith.select %eq3A_2478, %broadcast_in_dim3A_2480, %div3A_2417 : vector<16xi1>, vector<16xf32>
    %eq3A_2482 = arith.constant 3 : i32
    %eq3A_2483 = vector.broadcast %eq3A_2482 : i32 to vector<16xi32>
    %eq3A_2484 = arith.cmpi eq, %select_n3A_2463, %eq3A_2483 : vector<16xi32>
    %jit3A_2485 = arith.constant -1.000000e+00 : f32
    %broadcast_in_dim3A_2486 = vector.broadcast %jit3A_2485 : f32 to vector<16xf32>
    %select_n3A_2487 = arith.select %eq3A_2484, %broadcast_in_dim3A_2486, %div3A_2418 : vector<16xi1>, vector<16xf32>
    %eq3A_2488 = arith.constant 4 : i32
    %eq3A_2489 = vector.broadcast %eq3A_2488 : i32 to vector<16xi32>
    %eq3A_2490 = arith.cmpi eq, %select_n3A_2463, %eq3A_2489 : vector<16xi32>
    %jit3A_2491 = arith.constant -1.000000e+00 : f32
    %broadcast_in_dim3A_2492 = vector.broadcast %jit3A_2491 : f32 to vector<16xf32>
    %select_n3A_2493 = arith.select %eq3A_2490, %broadcast_in_dim3A_2492, %div3A_2419 : vector<16xi1>, vector<16xf32>
    %eq3A_2494 = arith.constant 5 : i32
    %eq3A_2495 = vector.broadcast %eq3A_2494 : i32 to vector<16xi32>
    %eq3A_2496 = arith.cmpi eq, %select_n3A_2463, %eq3A_2495 : vector<16xi32>
    %jit3A_2497 = arith.constant -1.000000e+00 : f32
    %broadcast_in_dim3A_2498 = vector.broadcast %jit3A_2497 : f32 to vector<16xf32>
    %select_n3A_2499 = arith.select %eq3A_2496, %broadcast_in_dim3A_2498, %div3A_2420 : vector<16xi1>, vector<16xf32>
    %eq3A_2500 = arith.constant 6 : i32
    %eq3A_2501 = vector.broadcast %eq3A_2500 : i32 to vector<16xi32>
    %eq3A_2502 = arith.cmpi eq, %select_n3A_2463, %eq3A_2501 : vector<16xi32>
    %jit3A_2503 = arith.constant -1.000000e+00 : f32
    %broadcast_in_dim3A_2504 = vector.broadcast %jit3A_2503 : f32 to vector<16xf32>
    %select_n3A_2505 = arith.select %eq3A_2502, %broadcast_in_dim3A_2504, %div3A_2421 : vector<16xi1>, vector<16xf32>
    %eq3A_2506 = arith.constant 7 : i32
    %eq3A_2507 = vector.broadcast %eq3A_2506 : i32 to vector<16xi32>
    %eq3A_2508 = arith.cmpi eq, %select_n3A_2463, %eq3A_2507 : vector<16xi32>
    %jit3A_2509 = arith.constant -1.000000e+00 : f32
    %broadcast_in_dim3A_2510 = vector.broadcast %jit3A_2509 : f32 to vector<16xf32>
    %select_n3A_2511 = arith.select %eq3A_2508, %broadcast_in_dim3A_2510, %div3A_2422 : vector<16xi1>, vector<16xf32>
    %max3A_2512 = arith.maximumf %select_n3A_2469, %select_n3A_2475 : vector<16xf32>
    %max3A_2513 = arith.maximumf %max3A_2512, %select_n3A_2481 : vector<16xf32>
    %max3A_2514 = arith.maximumf %max3A_2513, %select_n3A_2487 : vector<16xf32>
    %max3A_2515 = arith.maximumf %max3A_2514, %select_n3A_2493 : vector<16xf32>
    %max3A_2516 = arith.maximumf %max3A_2515, %select_n3A_2499 : vector<16xf32>
    %max3A_2517 = arith.maximumf %max3A_2516, %select_n3A_2505 : vector<16xf32>
    %max3A_2518 = arith.maximumf %max3A_2517, %select_n3A_2511 : vector<16xf32>
    %broadcast_in_dim3A_2519 = arith.constant 8 : i32
    %broadcast_in_dim3A_2520 = vector.broadcast %broadcast_in_dim3A_2519 : i32 to vector<16xi32>
    %eq3A_2521 = arith.cmpf oeq, %select_n3A_2511, %max3A_2518 : vector<16xf32>
    %jit3A_2522 = arith.constant 7 : i32
    %broadcast_in_dim3A_2523 = vector.broadcast %jit3A_2522 : i32 to vector<16xi32>
    %select_n3A_2524 = arith.select %eq3A_2521, %broadcast_in_dim3A_2523, %broadcast_in_dim3A_2520 : vector<16xi1>, vector<16xi32>
    %eq3A_2525 = arith.cmpf oeq, %select_n3A_2505, %max3A_2518 : vector<16xf32>
    %jit3A_2526 = arith.constant 6 : i32
    %broadcast_in_dim3A_2527 = vector.broadcast %jit3A_2526 : i32 to vector<16xi32>
    %select_n3A_2528 = arith.select %eq3A_2525, %broadcast_in_dim3A_2527, %select_n3A_2524 : vector<16xi1>, vector<16xi32>
    %eq3A_2529 = arith.cmpf oeq, %select_n3A_2499, %max3A_2518 : vector<16xf32>
    %jit3A_2530 = arith.constant 5 : i32
    %broadcast_in_dim3A_2531 = vector.broadcast %jit3A_2530 : i32 to vector<16xi32>
    %select_n3A_2532 = arith.select %eq3A_2529, %broadcast_in_dim3A_2531, %select_n3A_2528 : vector<16xi1>, vector<16xi32>
    %eq3A_2533 = arith.cmpf oeq, %select_n3A_2493, %max3A_2518 : vector<16xf32>
    %jit3A_2534 = arith.constant 4 : i32
    %broadcast_in_dim3A_2535 = vector.broadcast %jit3A_2534 : i32 to vector<16xi32>
    %select_n3A_2536 = arith.select %eq3A_2533, %broadcast_in_dim3A_2535, %select_n3A_2532 : vector<16xi1>, vector<16xi32>
    %eq3A_2537 = arith.cmpf oeq, %select_n3A_2487, %max3A_2518 : vector<16xf32>
    %jit3A_2538 = arith.constant 3 : i32
    %broadcast_in_dim3A_2539 = vector.broadcast %jit3A_2538 : i32 to vector<16xi32>
    %select_n3A_2540 = arith.select %eq3A_2537, %broadcast_in_dim3A_2539, %select_n3A_2536 : vector<16xi1>, vector<16xi32>
    %eq3A_2541 = arith.cmpf oeq, %select_n3A_2481, %max3A_2518 : vector<16xf32>
    %jit3A_2542 = arith.constant 2 : i32
    %broadcast_in_dim3A_2543 = vector.broadcast %jit3A_2542 : i32 to vector<16xi32>
    %select_n3A_2544 = arith.select %eq3A_2541, %broadcast_in_dim3A_2543, %select_n3A_2540 : vector<16xi1>, vector<16xi32>
    %eq3A_2545 = arith.cmpf oeq, %select_n3A_2475, %max3A_2518 : vector<16xf32>
    %jit3A_2546 = arith.constant 1 : i32
    %broadcast_in_dim3A_2547 = vector.broadcast %jit3A_2546 : i32 to vector<16xi32>
    %select_n3A_2548 = arith.select %eq3A_2545, %broadcast_in_dim3A_2547, %select_n3A_2544 : vector<16xi1>, vector<16xi32>
    %eq3A_2549 = arith.cmpf oeq, %select_n3A_2469, %max3A_2518 : vector<16xf32>
    %jit3A_2550 = arith.constant 0 : i32
    %broadcast_in_dim3A_2551 = vector.broadcast %jit3A_2550 : i32 to vector<16xi32>
    %select_n3A_2552 = arith.select %eq3A_2549, %broadcast_in_dim3A_2551, %select_n3A_2548 : vector<16xi1>, vector<16xi32>
    %add3A_2553 = arith.addf %max3A_2429, %max3A_2518 : vector<16xf32>
    %add3A_2554 = arith.constant 9.99999971E-10 : f32
    %add3A_2555 = vector.broadcast %add3A_2554 : f32 to vector<16xf32>
    %add3A_2556 = arith.addf %add3A_2553, %add3A_2555 : vector<16xf32>
    %div3A_2557 = arith.divf %max3A_2429, %add3A_2556 : vector<16xf32>
    %div3A_2558 = arith.divf %max3A_2518, %add3A_2556 : vector<16xf32>
    %broadcast_in_dim3A_2559 = arith.constant 0.000000e+00 : f32
    %broadcast_in_dim3A_2560 = vector.broadcast %broadcast_in_dim3A_2559 : f32 to vector<16xf32>
    %eq3A_2561 = arith.constant 0 : i32
    %eq3A_2562 = vector.broadcast %eq3A_2561 : i32 to vector<16xi32>
    %eq3A_2563 = arith.cmpi eq, %select_n3A_2463, %eq3A_2562 : vector<16xi32>
    %select_n3A_2564 = arith.select %eq3A_2563, %div3A_2557, %broadcast_in_dim3A_2560 : vector<16xi1>, vector<16xf32>
    %eq3A_2565 = arith.constant 0 : i32
    %eq3A_2566 = vector.broadcast %eq3A_2565 : i32 to vector<16xi32>
    %eq3A_2567 = arith.cmpi eq, %select_n3A_2552, %eq3A_2566 : vector<16xi32>
    %select_n3A_2568 = arith.select %eq3A_2567, %div3A_2558, %broadcast_in_dim3A_2560 : vector<16xi1>, vector<16xf32>
    %add3A_2569 = arith.addf %select_n3A_2564, %select_n3A_2568 : vector<16xf32>
    %swap3A_2570 = arith.constant 0 : i32
    %swap3A_2571 = arith.index_cast %swap3A_2570 : i32 to index
    %swap3A_2572 = arith.constant 112 : index
    %swap3A_2573 = tpu.vector_load %arg5[%swap3A_2571, %swap3A_2572] {strides = array<i32>} : memref<8x128xf32, #tpu.memory_space<vmem>>, vector<1x16xf32>,
    %swap3A_2574 = vector.shape_cast %swap3A_2573 : vector<1x16xf32> to vector<16xf32>
    %swap3A_2575 = vector.shape_cast %add3A_2569 : vector<16xf32> to vector<1x16xf32>
    tpu.vector_store %arg5[%swap3A_2571, %swap3A_2572], %swap3A_2575 {strides = array<i32>} : memref<8x128xf32, #tpu.memory_space<vmem>>, vector<1x16xf32>,
    %eq3A_2576 = arith.constant 1 : i32
    %eq3A_2577 = vector.broadcast %eq3A_2576 : i32 to vector<16xi32>
    %eq3A_2578 = arith.cmpi eq, %select_n3A_2463, %eq3A_2577 : vector<16xi32>
    %select_n3A_2579 = arith.select %eq3A_2578, %div3A_2557, %broadcast_in_dim3A_2560 : vector<16xi1>, vector<16xf32>
    %eq3A_2580 = arith.constant 1 : i32
    %eq3A_2581 = vector.broadcast %eq3A_2580 : i32 to vector<16xi32>
    %eq3A_2582 = arith.cmpi eq, %select_n3A_2552, %eq3A_2581 : vector<16xi32>
    %select_n3A_2583 = arith.select %eq3A_2582, %div3A_2558, %broadcast_in_dim3A_2560 : vector<16xi1>, vector<16xf32>
    %add3A_2584 = arith.addf %select_n3A_2579, %select_n3A_2583 : vector<16xf32>
    %swap3A_2585 = arith.constant 1 : i32
    %swap3A_2586 = arith.index_cast %swap3A_2585 : i32 to index
    %swap3A_2587 = arith.constant 112 : index
    %swap3A_2588 = tpu.vector_load %arg5[%swap3A_2586, %swap3A_2587] {strides = array<i32>} : memref<8x128xf32, #tpu.memory_space<vmem>>, vector<1x16xf32>,
    %swap3A_2589 = vector.shape_cast %swap3A_2588 : vector<1x16xf32> to vector<16xf32>
    %swap3A_2590 = vector.shape_cast %add3A_2584 : vector<16xf32> to vector<1x16xf32>
    tpu.vector_store %arg5[%swap3A_2586, %swap3A_2587], %swap3A_2590 {strides = array<i32>} : memref<8x128xf32, #tpu.memory_space<vmem>>, vector<1x16xf32>,
    %eq3A_2591 = arith.constant 2 : i32
    %eq3A_2592 = vector.broadcast %eq3A_2591 : i32 to vector<16xi32>
    %eq3A_2593 = arith.cmpi eq, %select_n3A_2463, %eq3A_2592 : vector<16xi32>
    %select_n3A_2594 = arith.select %eq3A_2593, %div3A_2557, %broadcast_in_dim3A_2560 : vector<16xi1>, vector<16xf32>
    %eq3A_2595 = arith.constant 2 : i32
    %eq3A_2596 = vector.broadcast %eq3A_2595 : i32 to vector<16xi32>
    %eq3A_2597 = arith.cmpi eq, %select_n3A_2552, %eq3A_2596 : vector<16xi32>
    %select_n3A_2598 = arith.select %eq3A_2597, %div3A_2558, %broadcast_in_dim3A_2560 : vector<16xi1>, vector<16xf32>
    %add3A_2599 = arith.addf %select_n3A_2594, %select_n3A_2598 : vector<16xf32>
    %swap3A_2600 = arith.constant 2 : i32
    %swap3A_2601 = arith.index_cast %swap3A_2600 : i32 to index
    %swap3A_2602 = arith.constant 112 : index
    %swap3A_2603 = tpu.vector_load %arg5[%swap3A_2601, %swap3A_2602] {strides = array<i32>} : memref<8x128xf32, #tpu.memory_space<vmem>>, vector<1x16xf32>,
    %swap3A_2604 = vector.shape_cast %swap3A_2603 : vector<1x16xf32> to vector<16xf32>
    %swap3A_2605 = vector.shape_cast %add3A_2599 : vector<16xf32> to vector<1x16xf32>
    tpu.vector_store %arg5[%swap3A_2601, %swap3A_2602], %swap3A_2605 {strides = array<i32>} : memref<8x128xf32, #tpu.memory_space<vmem>>, vector<1x16xf32>,
    %eq3A_2606 = arith.constant 3 : i32
    %eq3A_2607 = vector.broadcast %eq3A_2606 : i32 to vector<16xi32>
    %eq3A_2608 = arith.cmpi eq, %select_n3A_2463, %eq3A_2607 : vector<16xi32>
    %select_n3A_2609 = arith.select %eq3A_2608, %div3A_2557, %broadcast_in_dim3A_2560 : vector<16xi1>, vector<16xf32>
    %eq3A_2610 = arith.constant 3 : i32
    %eq3A_2611 = vector.broadcast %eq3A_2610 : i32 to vector<16xi32>
    %eq3A_2612 = arith.cmpi eq, %select_n3A_2552, %eq3A_2611 : vector<16xi32>
    %select_n3A_2613 = arith.select %eq3A_2612, %div3A_2558, %broadcast_in_dim3A_2560 : vector<16xi1>, vector<16xf32>
    %add3A_2614 = arith.addf %select_n3A_2609, %select_n3A_2613 : vector<16xf32>
    %swap3A_2615 = arith.constant 3 : i32
    %swap3A_2616 = arith.index_cast %swap3A_2615 : i32 to index
    %swap3A_2617 = arith.constant 112 : index
    %swap3A_2618 = tpu.vector_load %arg5[%swap3A_2616, %swap3A_2617] {strides = array<i32>} : memref<8x128xf32, #tpu.memory_space<vmem>>, vector<1x16xf32>,
    %swap3A_2619 = vector.shape_cast %swap3A_2618 : vector<1x16xf32> to vector<16xf32>
    %swap3A_2620 = vector.shape_cast %add3A_2614 : vector<16xf32> to vector<1x16xf32>
    tpu.vector_store %arg5[%swap3A_2616, %swap3A_2617], %swap3A_2620 {strides = array<i32>} : memref<8x128xf32, #tpu.memory_space<vmem>>, vector<1x16xf32>,
    %eq3A_2621 = arith.constant 4 : i32
    %eq3A_2622 = vector.broadcast %eq3A_2621 : i32 to vector<16xi32>
    %eq3A_2623 = arith.cmpi eq, %select_n3A_2463, %eq3A_2622 : vector<16xi32>
    %select_n3A_2624 = arith.select %eq3A_2623, %div3A_2557, %broadcast_in_dim3A_2560 : vector<16xi1>, vector<16xf32>
    %eq3A_2625 = arith.constant 4 : i32
    %eq3A_2626 = vector.broadcast %eq3A_2625 : i32 to vector<16xi32>
    %eq3A_2627 = arith.cmpi eq, %select_n3A_2552, %eq3A_2626 : vector<16xi32>
    %select_n3A_2628 = arith.select %eq3A_2627, %div3A_2558, %broadcast_in_dim3A_2560 : vector<16xi1>, vector<16xf32>
    %add3A_2629 = arith.addf %select_n3A_2624, %select_n3A_2628 : vector<16xf32>
    %swap3A_2630 = arith.constant 4 : i32
    %swap3A_2631 = arith.index_cast %swap3A_2630 : i32 to index
    %swap3A_2632 = arith.constant 112 : index
    %swap3A_2633 = tpu.vector_load %arg5[%swap3A_2631, %swap3A_2632] {strides = array<i32>} : memref<8x128xf32, #tpu.memory_space<vmem>>, vector<1x16xf32>,
    %swap3A_2634 = vector.shape_cast %swap3A_2633 : vector<1x16xf32> to vector<16xf32>
    %swap3A_2635 = vector.shape_cast %add3A_2629 : vector<16xf32> to vector<1x16xf32>
    tpu.vector_store %arg5[%swap3A_2631, %swap3A_2632], %swap3A_2635 {strides = array<i32>} : memref<8x128xf32, #tpu.memory_space<vmem>>, vector<1x16xf32>,
    %eq3A_2636 = arith.constant 5 : i32
    %eq3A_2637 = vector.broadcast %eq3A_2636 : i32 to vector<16xi32>
    %eq3A_2638 = arith.cmpi eq, %select_n3A_2463, %eq3A_2637 : vector<16xi32>
    %select_n3A_2639 = arith.select %eq3A_2638, %div3A_2557, %broadcast_in_dim3A_2560 : vector<16xi1>, vector<16xf32>
    %eq3A_2640 = arith.constant 5 : i32
    %eq3A_2641 = vector.broadcast %eq3A_2640 : i32 to vector<16xi32>
    %eq3A_2642 = arith.cmpi eq, %select_n3A_2552, %eq3A_2641 : vector<16xi32>
    %select_n3A_2643 = arith.select %eq3A_2642, %div3A_2558, %broadcast_in_dim3A_2560 : vector<16xi1>, vector<16xf32>
    %add3A_2644 = arith.addf %select_n3A_2639, %select_n3A_2643 : vector<16xf32>
    %swap3A_2645 = arith.constant 5 : i32
    %swap3A_2646 = arith.index_cast %swap3A_2645 : i32 to index
    %swap3A_2647 = arith.constant 112 : index
    %swap3A_2648 = tpu.vector_load %arg5[%swap3A_2646, %swap3A_2647] {strides = array<i32>} : memref<8x128xf32, #tpu.memory_space<vmem>>, vector<1x16xf32>,
    %swap3A_2649 = vector.shape_cast %swap3A_2648 : vector<1x16xf32> to vector<16xf32>
    %swap3A_2650 = vector.shape_cast %add3A_2644 : vector<16xf32> to vector<1x16xf32>
    tpu.vector_store %arg5[%swap3A_2646, %swap3A_2647], %swap3A_2650 {strides = array<i32>} : memref<8x128xf32, #tpu.memory_space<vmem>>, vector<1x16xf32>,
    %eq3A_2651 = arith.constant 6 : i32
    %eq3A_2652 = vector.broadcast %eq3A_2651 : i32 to vector<16xi32>
    %eq3A_2653 = arith.cmpi eq, %select_n3A_2463, %eq3A_2652 : vector<16xi32>
    %select_n3A_2654 = arith.select %eq3A_2653, %div3A_2557, %broadcast_in_dim3A_2560 : vector<16xi1>, vector<16xf32>
    %eq3A_2655 = arith.constant 6 : i32
    %eq3A_2656 = vector.broadcast %eq3A_2655 : i32 to vector<16xi32>
    %eq3A_2657 = arith.cmpi eq, %select_n3A_2552, %eq3A_2656 : vector<16xi32>
    %select_n3A_2658 = arith.select %eq3A_2657, %div3A_2558, %broadcast_in_dim3A_2560 : vector<16xi1>, vector<16xf32>
    %add3A_2659 = arith.addf %select_n3A_2654, %select_n3A_2658 : vector<16xf32>
    %swap3A_2660 = arith.constant 6 : i32
    %swap3A_2661 = arith.index_cast %swap3A_2660 : i32 to index
    %swap3A_2662 = arith.constant 112 : index
    %swap3A_2663 = tpu.vector_load %arg5[%swap3A_2661, %swap3A_2662] {strides = array<i32>} : memref<8x128xf32, #tpu.memory_space<vmem>>, vector<1x16xf32>,
    %swap3A_2664 = vector.shape_cast %swap3A_2663 : vector<1x16xf32> to vector<16xf32>
    %swap3A_2665 = vector.shape_cast %add3A_2659 : vector<16xf32> to vector<1x16xf32>
    tpu.vector_store %arg5[%swap3A_2661, %swap3A_2662], %swap3A_2665 {strides = array<i32>} : memref<8x128xf32, #tpu.memory_space<vmem>>, vector<1x16xf32>,
    %eq3A_2666 = arith.constant 7 : i32
    %eq3A_2667 = vector.broadcast %eq3A_2666 : i32 to vector<16xi32>
    %eq3A_2668 = arith.cmpi eq, %select_n3A_2463, %eq3A_2667 : vector<16xi32>
    %select_n3A_2669 = arith.select %eq3A_2668, %div3A_2557, %broadcast_in_dim3A_2560 : vector<16xi1>, vector<16xf32>
    %eq3A_2670 = arith.constant 7 : i32
    %eq3A_2671 = vector.broadcast %eq3A_2670 : i32 to vector<16xi32>
    %eq3A_2672 = arith.cmpi eq, %select_n3A_2552, %eq3A_2671 : vector<16xi32>
    %select_n3A_2673 = arith.select %eq3A_2672, %div3A_2558, %broadcast_in_dim3A_2560 : vector<16xi1>, vector<16xf32>
    %add3A_2674 = arith.addf %select_n3A_2669, %select_n3A_2673 : vector<16xf32>
    %swap3A_2675 = arith.constant 7 : i32
    %swap3A_2676 = arith.index_cast %swap3A_2675 : i32 to index
    %swap3A_2677 = arith.constant 112 : index
    %swap3A_2678 = tpu.vector_load %arg5[%swap3A_2676, %swap3A_2677] {strides = array<i32>} : memref<8x128xf32, #tpu.memory_space<vmem>>, vector<1x16xf32>,
    %swap3A_2679 = vector.shape_cast %swap3A_2678 : vector<1x16xf32> to vector<16xf32>
    %swap3A_2680 = vector.shape_cast %add3A_2674 : vector<16xf32> to vector<1x16xf32>
    tpu.vector_store %arg5[%swap3A_2676, %swap3A_2677], %swap3A_2680 {strides = array<i32>} : memref<8x128xf32, #tpu.memory_space<vmem>>, vector<1x16xf32>,
    "tpu.region"() ({
      %run_scoped3A = tpu.sem_alloc : memref<!tpu.dma_semaphore, #tpu.memory_space<semaphore_mem>>
      %dma_start3A = arith.constant 0 : i32
      %dma_start3A_2681 = tpu.memref_slice %arg3[%dma_start3A, %mul3A_2] : memref<8x4096xf32, #tpu.memory_space<hbm>> -> memref<8x128xf32, #tpu.memory_space<hbm>>
      %dma_start3A_2682 = arith.constant 0 : i32
      %dma_start3A_2683 = tpu.memref_slice %arg3[%dma_start3A_2682, %mul3A_2] : memref<8x4096xf32, #tpu.memory_space<hbm>> -> memref<8x128xf32, #tpu.memory_space<hbm>>
      tpu.enqueue_dma source(%arg5 : memref<8x128xf32, #tpu.memory_space<vmem>>) target(%dma_start3A_2683 : memref<8x128xf32, #tpu.memory_space<hbm>>) target_semaphore(%run_scoped3A : memref<!tpu.dma_semaphore, #tpu.memory_space<semaphore_mem>>)
      %dma_wait3A = arith.constant 0 : i32
      %dma_wait3A_2684 = tpu.memref_slice %arg3[%dma_wait3A, %mul3A_2] : memref<8x4096xf32, #tpu.memory_space<hbm>> -> memref<8x128xf32, #tpu.memory_space<hbm>>
      %dma_wait3A_2685 = arith.constant 0 : i32
      %dma_wait3A_2686 = tpu.memref_slice %arg3[%dma_wait3A_2685, %mul3A_2] : memref<8x4096xf32, #tpu.memory_space<hbm>> -> memref<8x128xf32, #tpu.memory_space<hbm>>
      tpu.wait_dma2 semaphore(%run_scoped3A : memref<!tpu.dma_semaphore, #tpu.memory_space<semaphore_mem>>) src(%arg5 : memref<8x128xf32, #tpu.memory_space<vmem>>) dst(%dma_wait3A_2686 : memref<8x128xf32, #tpu.memory_space<hbm>>)
      tpu.yield
    }) : () -> ()
    return
  }
}

module attributes {stable_mosaic.version = 14 : i64} {
  func.func @_haux_kernel(%arg0: i32, %arg1: memref<512x2048xf32, #tpu.memory_space<vmem>>, %arg2: memref<136x2048xf32, #tpu.memory_space<vmem>>, %arg3: memref<512x128xf32, #tpu.memory_space<vmem>>, %arg4: memref<512x8xf32, #tpu.memory_space<vmem>>, %arg5: memref<8x512xf32, #tpu.memory_space<vmem>>) attributes {dimension_semantics = [#tpu.dimension_semantics<parallel>], iteration_bounds = array<i64: 8>, scalar_prefetch = 0 : i64, scratch_operands = 0 : i64, tpu.core_type = #tpu.core_type<tc>, window_params = [{transform_indices = @transform_0, window_bounds = array<i64: 512, 2048>}, {pipeline_mode = #tpu.pipeline_mode<synchronous>, transform_indices = @transform_1, window_bounds = array<i64: 136, 2048>}, {transform_indices = @transform_2, window_bounds = array<i64: 512, 128>}, {transform_indices = @transform_3, window_bounds = array<i64: 512, 8>}, {transform_indices = @transform_4, window_bounds = array<i64: 8, 512>}]} {
    %get3A = arith.constant 0 : index
    %get3A_0 = arith.constant 0 : index
    %get3A_1 = vector.load %arg1[%get3A, %get3A_0] : memref<512x2048xf32, #tpu.memory_space<vmem>>, vector<512x2048xf32>
    %get3A_2 = arith.constant 0 : index
    %get3A_3 = arith.constant 0 : index
    %get3A_4 = vector.load %arg2[%get3A_2, %get3A_3] : memref<136x2048xf32, #tpu.memory_space<vmem>>, vector<136x2048xf32>
    %dot_general3A = arith.constant dense<0.000000e+00> : vector<512x136xf32>
    %dot_general3A_5 = tpu.matmul %get3A_1, %get3A_4, %dot_general3A {dimension_numbers = #tpu.dot_dimension_numbers<[1], [1], [0], [0], [0, 0, 1, 0], [], []>, transpose_lhs_hint = false} : vector<512x2048xf32>, vector<136x2048xf32>, vector<512x136xf32> -> vector<512x136xf32>
    %slice3A = vector.extract_strided_slice %dot_general3A_5 {offsets = [0, 0], sizes = [512, 128], strides = [1, 1]} : vector<512x136xf32> to vector<512x128xf32>
    %swap3A = arith.constant 0 : index
    %swap3A_6 = arith.constant 0 : index
    %swap3A_7 = vector.load %arg3[%swap3A, %swap3A_6] : memref<512x128xf32, #tpu.memory_space<vmem>>, vector<512x128xf32>
    tpu.vector_store %arg3[%swap3A, %swap3A_6], %slice3A {strides = array<i32>} : memref<512x128xf32, #tpu.memory_space<vmem>>, vector<512x128xf32>,
    %slice3A_8 = vector.extract_strided_slice %dot_general3A_5 {offsets = [0, 128], sizes = [512, 8], strides = [1, 1]} : vector<512x136xf32> to vector<512x8xf32>
    %swap3A_9 = arith.constant 0 : index
    %swap3A_10 = arith.constant 0 : index
    %swap3A_11 = vector.load %arg4[%swap3A_9, %swap3A_10] : memref<512x8xf32, #tpu.memory_space<vmem>>, vector<512x8xf32>
    tpu.vector_store %arg4[%swap3A_9, %swap3A_10], %slice3A_8 {strides = array<i32>} : memref<512x8xf32, #tpu.memory_space<vmem>>, vector<512x8xf32>,
    %get3A_12 = arith.constant 128 : index
    %get3A_13 = arith.constant 0 : index
    %get3A_14 = vector.load %arg2[%get3A_12, %get3A_13] : memref<136x2048xf32, #tpu.memory_space<vmem>>, vector<8x2048xf32>
    %dot_general3A_15 = arith.constant dense<0.000000e+00> : vector<8x512xf32>
    %dot_general3A_16 = tpu.matmul %get3A_14, %get3A_1, %dot_general3A_15 {dimension_numbers = #tpu.dot_dimension_numbers<[1], [1], [0], [0], [0, 0, 1, 0], [], []>, transpose_lhs_hint = false} : vector<8x2048xf32>, vector<512x2048xf32>, vector<8x512xf32> -> vector<8x512xf32>
    %swap3A_17 = arith.constant 0 : index
    %swap3A_18 = arith.constant 0 : index
    %swap3A_19 = vector.load %arg5[%swap3A_17, %swap3A_18] : memref<8x512xf32, #tpu.memory_space<vmem>>, vector<8x512xf32>
    tpu.vector_store %arg5[%swap3A_17, %swap3A_18], %dot_general3A_16 {strides = array<i32>} : memref<8x512xf32, #tpu.memory_space<vmem>>, vector<8x512xf32>,
    return
  }
  func.func @transform_0(%arg0: i32) -> (i32, i32) {
    %c0_i32 = arith.constant 0 : i32
    %c0_i32_0 = arith.constant 0 : i32
    return %arg0, %c0_i32 : i32, i32
  }
  func.func @transform_1(%arg0: i32) -> (i32, i32) {
    %c0_i32 = arith.constant 0 : i32
    %c0_i32_0 = arith.constant 0 : i32
    %c0_i32_1 = arith.constant 0 : i32
    return %c0_i32, %c0_i32_0 : i32, i32
  }
  func.func @transform_2(%arg0: i32) -> (i32, i32) {
    %c0_i32 = arith.constant 0 : i32
    %c0_i32_0 = arith.constant 0 : i32
    return %arg0, %c0_i32 : i32, i32
  }
  func.func @transform_3(%arg0: i32) -> (i32, i32) {
    %c0_i32 = arith.constant 0 : i32
    %c0_i32_0 = arith.constant 0 : i32
    return %arg0, %c0_i32 : i32, i32
  }
  func.func @transform_4(%arg0: i32) -> (i32, i32) {
    %c0_i32 = arith.constant 0 : i32
    %c0_i32_0 = arith.constant 0 : i32
    return %c0_i32, %arg0 : i32, i32
  }
}

module attributes {stable_mosaic.version = 14 : i64} {
  func.func @_main_kernel(%arg0: i32, %arg1: memref<512x2048xf32, #tpu.memory_space<vmem>>, %arg2: memref<2048x2048xf32, #tpu.memory_space<vmem>>, %arg3: memref<1x2048xf32, #tpu.memory_space<vmem>>, %arg4: memref<512x128xf32, #tpu.memory_space<vmem>>, %arg5: memref<8x512xf32, #tpu.memory_space<vmem>>, %arg6: memref<128x2048xf32, #tpu.memory_space<vmem>>, %arg7: memref<512x2048xf32, #tpu.memory_space<vmem>>, %arg8: memref<512x8xf32, #tpu.memory_space<vmem>>) attributes {dimension_semantics = [#tpu.dimension_semantics<parallel>], iteration_bounds = array<i64: 8>, scalar_prefetch = 0 : i64, scratch_operands = 0 : i64, tpu.core_type = #tpu.core_type<tc>, window_params = [{transform_indices = @transform_0, window_bounds = array<i64: 512, 2048>}, {pipeline_mode = #tpu.pipeline_mode<synchronous>, transform_indices = @transform_1, window_bounds = array<i64: 2048, 2048>}, {pipeline_mode = #tpu.pipeline_mode<synchronous>, transform_indices = @transform_2, window_bounds = array<i64: 1, 2048>}, {transform_indices = @transform_3, window_bounds = array<i64: 512, 128>}, {transform_indices = @transform_4, window_bounds = array<i64: 8, 512>}, {pipeline_mode = #tpu.pipeline_mode<synchronous>, transform_indices = @transform_5, window_bounds = array<i64: 128, 2048>}, {transform_indices = @transform_6, window_bounds = array<i64: 512, 2048>}, {transform_indices = @transform_7, window_bounds = array<i64: 512, 8>}]} {
    %get3A = arith.constant 0 : index
    %get3A_0 = arith.constant 0 : index
    %get3A_1 = vector.load %arg5[%get3A, %get3A_0] : memref<8x512xf32, #tpu.memory_space<vmem>>, vector<8x512xf32>
    %iota3A = tpu.iota {dimensions = array<i32: 1>} : vector<8x136xi32>
    %iota3A_2 = tpu.iota {dimensions = array<i32: 0>} : vector<8x136xi32>
    %lt3A = arith.constant 128 : i32
    %lt3A_3 = vector.broadcast %lt3A : i32 to vector<8x136xi32>
    %lt3A_4 = arith.cmpi slt, %iota3A, %lt3A_3 : vector<8x136xi32>
    %jit3A = arith.constant 16 : i32
    %div3A = vector.broadcast %jit3A : i32 to vector<8x136xi32>
    %div3A_5 = arith.divsi %iota3A, %div3A : vector<8x136xi32>
    %sign3A = arith.constant 0 : i32
    %sign3A_6 = vector.broadcast %sign3A : i32 to vector<8x136xi32>
    %sign3A_7 = arith.cmpi sgt, %iota3A, %sign3A_6 : vector<8x136xi32>
    %sign3A_8 = arith.extui %sign3A_7 : vector<8x136xi1> to vector<8x136xi32>
    %sign3A_9 = arith.constant 0 : i32
    %sign3A_10 = vector.broadcast %sign3A_9 : i32 to vector<8x136xi32>
    %sign3A_11 = arith.cmpi slt, %iota3A, %sign3A_10 : vector<8x136xi32>
    %sign3A_12 = arith.extui %sign3A_11 : vector<8x136xi1> to vector<8x136xi32>
    %sign3A_13 = arith.subi %sign3A_8, %sign3A_12 : vector<8x136xi32>
    %sign3A_14 = arith.constant 0 : i32
    %sign3A_15 = arith.cmpi sgt, %jit3A, %sign3A_14 : i32
    %sign3A_16 = arith.extui %sign3A_15 : i1 to i32
    %sign3A_17 = arith.constant 0 : i32
    %sign3A_18 = arith.cmpi slt, %jit3A, %sign3A_17 : i32
    %sign3A_19 = arith.extui %sign3A_18 : i1 to i32
    %sign3A_20 = arith.subi %sign3A_16, %sign3A_19 : i32
    %ne3A = vector.broadcast %sign3A_20 : i32 to vector<8x136xi32>
    %ne3A_21 = arith.cmpi ne, %sign3A_13, %ne3A : vector<8x136xi32>
    %rem3A = vector.broadcast %jit3A : i32 to vector<8x136xi32>
    %rem3A_22 = arith.remsi %iota3A, %rem3A : vector<8x136xi32>
    %ne3A_23 = arith.constant 0 : i32
    %ne3A_24 = vector.broadcast %ne3A_23 : i32 to vector<8x136xi32>
    %ne3A_25 = arith.cmpi ne, %rem3A_22, %ne3A_24 : vector<8x136xi32>
    %and3A = arith.andi %ne3A_21, %ne3A_25 : vector<8x136xi1>
    %sub3A = arith.constant 1 : i32
    %sub3A_26 = vector.broadcast %sub3A : i32 to vector<8x136xi32>
    %sub3A_27 = arith.subi %div3A_5, %sub3A_26 : vector<8x136xi32>
    %select_n3A = arith.select %and3A, %sub3A_27, %div3A_5 : vector<8x136xi1>, vector<8x136xi32>
    %eq3A = arith.cmpi eq, %select_n3A, %iota3A_2 : vector<8x136xi32>
    %and3A_28 = arith.andi %lt3A_4, %eq3A : vector<8x136xi1>
    %sub3A_29 = arith.constant 128 : i32
    %sub3A_30 = vector.broadcast %sub3A_29 : i32 to vector<8x136xi32>
    %sub3A_31 = arith.subi %iota3A, %sub3A_30 : vector<8x136xi32>
    %eq3A_32 = arith.cmpi eq, %sub3A_31, %iota3A_2 : vector<8x136xi32>
    %or3A = arith.ori %and3A_28, %eq3A_32 : vector<8x136xi1>
    %convert_element_type3A = arith.extui %or3A : vector<8x136xi1> to vector<8x136xi32>
    %convert_element_type3A_33 = arith.sitofp %convert_element_type3A : vector<8x136xi32> to vector<8x136xf32>
    %dot_general3A = arith.constant dense<0.000000e+00> : vector<512x136xf32>
    %dot_general3A_34 = tpu.matmul %get3A_1, %convert_element_type3A_33, %dot_general3A {dimension_numbers = #tpu.dot_dimension_numbers<[0], [0], [1], [1], [0, 1, 1, 1], [], []>, transpose_lhs_hint = false} : vector<8x512xf32>, vector<8x136xf32>, vector<512x136xf32> -> vector<512x136xf32>
    %slice3A = vector.extract_strided_slice %dot_general3A_34 {offsets = [0, 128], sizes = [512, 8], strides = [1, 1]} : vector<512x136xf32> to vector<512x8xf32>
    %swap3A = arith.constant 0 : index
    %swap3A_35 = arith.constant 0 : index
    %swap3A_36 = vector.load %arg8[%swap3A, %swap3A_35] : memref<512x8xf32, #tpu.memory_space<vmem>>, vector<512x8xf32>
    tpu.vector_store %arg8[%swap3A, %swap3A_35], %slice3A {strides = array<i32>} : memref<512x8xf32, #tpu.memory_space<vmem>>, vector<512x8xf32>,
    %get3A_37 = arith.constant 0 : index
    %get3A_38 = arith.constant 0 : index
    %get3A_39 = vector.load %arg4[%get3A_37, %get3A_38] : memref<512x128xf32, #tpu.memory_space<vmem>>, vector<512x128xf32>
    %slice3A_40 = vector.extract_strided_slice %dot_general3A_34 {offsets = [0, 0], sizes = [512, 128], strides = [1, 1]} : vector<512x136xf32> to vector<512x128xf32>
    %mul3A = arith.mulf %get3A_39, %slice3A_40 : vector<512x128xf32>
    %mul3A_41 = arith.constant 2.000000e+00 : f32
    %mul3A_42 = vector.broadcast %mul3A_41 : f32 to vector<512x128xf32>
    %mul3A_43 = arith.mulf %mul3A, %mul3A_42 : vector<512x128xf32>
    %get3A_44 = arith.constant 0 : index
    %get3A_45 = arith.constant 0 : index
    %get3A_46 = vector.load %arg1[%get3A_44, %get3A_45] : memref<512x2048xf32, #tpu.memory_space<vmem>>, vector<512x2048xf32>
    %get3A_47 = arith.constant 0 : index
    %get3A_48 = arith.constant 0 : index
    %get3A_49 = vector.load %arg2[%get3A_47, %get3A_48] : memref<2048x2048xf32, #tpu.memory_space<vmem>>, vector<2048x2048xf32>
    %dot_general3A_50 = arith.constant dense<0.000000e+00> : vector<512x2048xf32>
    %dot_general3A_51 = tpu.matmul %get3A_46, %get3A_49, %dot_general3A_50 {dimension_numbers = #tpu.dot_dimension_numbers<[1], [1], [0], [0], [0, 0, 1, 0], [], []>, transpose_lhs_hint = false} : vector<512x2048xf32>, vector<2048x2048xf32>, vector<512x2048xf32> -> vector<512x2048xf32>
    %get3A_52 = arith.constant 0 : index
    %get3A_53 = arith.constant 0 : index
    %get3A_54 = vector.load %arg3[%get3A_52, %get3A_53] : memref<1x2048xf32, #tpu.memory_space<vmem>>, vector<1x2048xf32>
    %add3A = vector.broadcast %get3A_54 : vector<1x2048xf32> to vector<512x2048xf32>
    %add3A_55 = arith.addf %dot_general3A_51, %add3A : vector<512x2048xf32>
    %get3A_56 = arith.constant 0 : index
    %get3A_57 = arith.constant 0 : index
    %get3A_58 = vector.load %arg6[%get3A_56, %get3A_57] : memref<128x2048xf32, #tpu.memory_space<vmem>>, vector<128x2048xf32>
    %dot_general3A_59 = arith.constant dense<0.000000e+00> : vector<512x2048xf32>
    %dot_general3A_60 = tpu.matmul %mul3A_43, %get3A_58, %dot_general3A_59 {dimension_numbers = #tpu.dot_dimension_numbers<[1], [0], [0], [1], [0, 0, 1, 1], [], []>, transpose_lhs_hint = false} : vector<512x128xf32>, vector<128x2048xf32>, vector<512x2048xf32> -> vector<512x2048xf32>
    %add3A_61 = arith.addf %add3A_55, %dot_general3A_60 : vector<512x2048xf32>
    %swap3A_62 = arith.constant 0 : index
    %swap3A_63 = arith.constant 0 : index
    %swap3A_64 = vector.load %arg7[%swap3A_62, %swap3A_63] : memref<512x2048xf32, #tpu.memory_space<vmem>>, vector<512x2048xf32>
    tpu.vector_store %arg7[%swap3A_62, %swap3A_63], %add3A_61 {strides = array<i32>} : memref<512x2048xf32, #tpu.memory_space<vmem>>, vector<512x2048xf32>,
    return
  }
  func.func @transform_0(%arg0: i32) -> (i32, i32) {
    %c0_i32 = arith.constant 0 : i32
    %c0_i32_0 = arith.constant 0 : i32
    return %arg0, %c0_i32 : i32, i32
  }
  func.func @transform_1(%arg0: i32) -> (i32, i32) {
    %c0_i32 = arith.constant 0 : i32
    %c0_i32_0 = arith.constant 0 : i32
    %c0_i32_1 = arith.constant 0 : i32
    return %c0_i32, %c0_i32_0 : i32, i32
  }
  func.func @transform_2(%arg0: i32) -> (i32, i32) {
    %c0_i32 = arith.constant 0 : i32
    %c0_i32_0 = arith.constant 0 : i32
    %c0_i32_1 = arith.constant 0 : i32
    return %c0_i32, %c0_i32_0 : i32, i32
  }
  func.func @transform_3(%arg0: i32) -> (i32, i32) {
    %c0_i32 = arith.constant 0 : i32
    %c0_i32_0 = arith.constant 0 : i32
    return %arg0, %c0_i32 : i32, i32
  }
  func.func @transform_4(%arg0: i32) -> (i32, i32) {
    %c0_i32 = arith.constant 0 : i32
    %c0_i32_0 = arith.constant 0 : i32
    return %c0_i32, %arg0 : i32, i32
  }
  func.func @transform_5(%arg0: i32) -> (i32, i32) {
    %c0_i32 = arith.constant 0 : i32
    %c0_i32_0 = arith.constant 0 : i32
    %c0_i32_1 = arith.constant 0 : i32
    return %c0_i32, %c0_i32_0 : i32, i32
  }
  func.func @transform_6(%arg0: i32) -> (i32, i32) {
    %c0_i32 = arith.constant 0 : i32
    %c0_i32_0 = arith.constant 0 : i32
    return %arg0, %c0_i32 : i32, i32
  }
  func.func @transform_7(%arg0: i32) -> (i32, i32) {
    %c0_i32 = arith.constant 0 : i32
    %c0_i32_0 = arith.constant 0 : i32
    return %arg0, %c0_i32 : i32, i32
  }
}

</mosaic_0001>

<sc_bundles>
// kernel: kernel.5.cloned.1.call-start
scs
__scs_entry_jumppad:
0x0: {  	(pc) =	sbr.rel $0x88, $3  }
0x1: {  	(tag) =	ssettag $0x0;
	lr =	simm.s32 $0x1  }
0x2: {  	[smem:$0x3F9B] =	sst lr;
	_ =	strace $0xD0000000  }
0x3: {  	_ = 	snop  }
0x4: {  	_ = 	snop  }
0x5: {  	_ = 	snop  }
0x6: {  	_ = 	snop  }
0x7: {  	_ = 	snop  }
__scs_overlays_trampoline_lowered:
0x8: {  	[smem:$0x3FAA] =	sst s0  }
0x9: {  	[smem:$0x3FAB] =	sst s1  }
0xa: {  	[smem:$0x3FAC] =	sst s2  }
0xb: {  	[smem:$0x3FAD] =	sst s3  }
0xc: {  	[smem:$0x3FAE] =	sst s4  }
0xd: {  	[smem:$0x3FAF] =	sst s5  }
0xe: {  	[smem:$0x3FB0] =	sst s6  }
0xf: {  	[smem:$0x3FB1] =	sst s7  }
0x10: {  	[smem:$0x3FB2] =	sst s8  }
0x11: {  	[smem:$0x3FB3] =	sst s9;
	s0 =	simm.s32 @!p0 $0x0  }
0x12: {  	s1 =	sld [smem:$0x3F99];
	s0 =	simm.s32 @p0 $0x1  }
0x13: {  	[smem:$0x3FB4] =	sst s0;
	s0 =	simm.s32 @!p1 $0x0  }
0x14: {  	s2 =	sld [smem:$0x3F98];
	s0 =	simm.s32 @p1 $0x1  }
0x15: {  	[smem:$0x3FB5] =	sst s0;
	s0 =	simm.s32 @!p2 $0x0  }
0x16: {  	s3 =	sld [smem:$0x3FDB];
	s0 =	simm.s32 @p2 $0x1  }
0x17: {  	s4 =	simm.s32 $0x1BF5;
	[smem:$0x3FB7] =	sst s0  }
0x18: {  	s0 =	sld [smem:$0x3F9A];
	_ =	swait.ge [sflag:s4], $0x0  }
0x19: {  	s7 =	sld [smem:$0x3F9B]  }
0x1a: {  	s8 =	sadd.s32 $0xFFFFE003, lr  }
0x1b: {  	s9 =	sadd.s32 $0xFFFFFEF7, lr;
	s5 =	simm.s32 $0xFFFFFFFF;
	p2 =	slt.u32 s8, $0xFFFFF086  }
0x1c: {  	p1 =	slt.u32 s9, $0xF7A;
	s5 =	simm.s32 @!p2 $0x0  }
0x1d: {  	s5 =	simm.s32 @p1 $0x1;
	p0 =	seq.s32 s7, s2  }
0x1e: {  	s7 =	smul.u32 @!p0 $0xF7A, s2;
	p2 =	seq.s32 @!p0 s5, $0x0  }
0x1f: {  	s9 =	smul.u32 $0xF7A, s1;
	s8 =	simm.s32 @!p0 $0x1BF5;
	p2 =	por !p2, p0  }
0x20: {  	[sflag:s8] =	ssyncset.s32 @!p0 $0xFFFFF086;
	s6 =	sadd.s32 @!p0 s3, s7;
	s7 =	simm.s32 @!p0 $0x108  }
0x21: {  	s3 =	sadd.s32 s3, s9;
	s6 =	sadd.s32 @!p0 $0x88, s6;
	s7 =	simm.s32 @p2 $0x1082  }
0x22: {  	[simem:s7], [sflag:s8] =	dma.local @!p0 [hbm:s6], $0xF7A  }
0x23: {  	s9 =	sor.u32 $0xD0000000, s2;
	s6 =	simm.s32 $0x108;
	_ =	swait.ge @!p0 [sflag:s8], $0x0  }
0x24: {  	s3 =	sadd.s32 $0x88, s3;
	s6 =	simm.s32 @!p1 $0x1082;
	[sflag:s4] =	ssyncset.s32 $0xFFFFF086  }
0x25: {  	[simem:s6], [sflag:s4] =	dma.local [hbm:s3], $0xF7A  }
0x26: {  	[smem:$0x3F9B] =	sst s1;
	(tag) =	ssettag s2;
	_ =	strace s9  }
0x27: {  	s1 =	sld [smem:$0x3FAB]  }
0x28: {  	s2 =	sld [smem:$0x3FAC]  }
0x29: {  	s4 =	sld [smem:$0x3FAE]  }
0x2a: {  	p0 =	seq.s32 s5, $0x0;
	s5 =	sld [smem:$0x3FAF]  }
0x2b: {  	s6 =	sld [smem:$0x3FB0]  }
0x2c: {  	s7 =	sld [smem:$0x3FB1]  }
0x2d: {  	s3 =	simm.s32 $0x108;
	s8 =	sld [smem:$0x3FB2]  }
0x2e: {  	s3 =	simm.s32 @!p0 $0x1082;
	s9 =	sld [smem:$0x3FB3]  }
0x2f: {  	lr =	sadd.s32 s0, s3;
	s0 =	sld [smem:$0x3FAA]  }
0x30: {  	s3 =	sld [smem:$0x3FAD]  }
0x31: {  	[smem:$0x3FB6] =	sst s10  }
0x32: {  	s10 =	sld [smem:$0x3FB4];
	_ =	sdelay $0x3  }
0x33: {  	p0 =	seq.s32 s10, $0x1;
	s10 =	sld [smem:$0x3FB6];
	_ =	sdelay $0x3  }
0x34: {  	[smem:$0x3FB6] =	sst s10  }
0x35: {  	s10 =	sld [smem:$0x3FB5];
	_ =	sdelay $0x3  }
0x36: {  	p1 =	seq.s32 s10, $0x1;
	s10 =	sld [smem:$0x3FB6];
	_ =	sdelay $0x3  }
0x37: {  	[smem:$0x3FB6] =	sst s10  }
0x38: {  	s10 =	sld [smem:$0x3FB7]  }
0x39: {  	_ = 	snop;
	(pc) =	sbr.ind lr, $3  }
0x3a: {  	_ = 	snop  }
0x3b: {  	_ = 	snop  }
0x3c: {  	p2 =	seq.s32 s10, $0x1;
	s10 =	sld [smem:$0x3FB6]  }
0x3d: {  	_ =	shalt  }
0x3e: {  	_ =	shalt  }
0x3f: {  	_ =	shalt  }
0x40: {  	_ =	shalt  }
0x41: {  	_ =	shalt  }
0x42: {  	_ =	shalt  }
0x43: {  	_ =	shalt  }
0x44: {  	_ =	shalt  }
0x45: {  	_ =	shalt  }
0x46: {  	_ =	shalt  }
0x47: {  	_ =	shalt  }
0x48: {  	_ =	shalt  }
0x49: {  	_ =	shalt  }
0x4a: {  	_ =	shalt  }
0x4b: {  	_ =	shalt  }
0x4c: {  	_ =	shalt  }
0x4d: {  	_ =	shalt  }
0x4e: {  	_ =	shalt  }
0x4f: {  	_ =	shalt  }
0x50: {  	_ =	shalt  }
0x51: {  	_ =	shalt  }
0x52: {  	_ =	shalt  }
0x53: {  	_ =	shalt  }
0x54: {  	_ =	shalt  }
0x55: {  	_ =	shalt  }
0x56: {  	_ =	shalt  }
0x57: {  	_ =	shalt  }
0x58: {  	_ =	shalt  }
0x59: {  	_ =	shalt  }
0x5a: {  	_ =	shalt  }
0x5b: {  	_ =	shalt  }
0x5c: {  	_ =	shalt  }
0x5d: {  	_ =	shalt  }
0x5e: {  	_ =	shalt  }
0x5f: {  	_ =	shalt  }
0x60: {  	_ =	shalt  }
0x61: {  	_ =	shalt  }
0x62: {  	_ =	shalt  }
0x63: {  	_ =	shalt  }
0x64: {  	_ =	shalt  }
0x65: {  	_ =	shalt  }
0x66: {  	_ =	shalt  }
0x67: {  	_ =	shalt  }
0x68: {  	_ =	shalt  }
0x69: {  	_ =	shalt  }
0x6a: {  	_ =	shalt  }
0x6b: {  	_ =	shalt  }
0x6c: {  	_ =	shalt  }
0x6d: {  	_ =	shalt  }
0x6e: {  	_ =	shalt  }
0x6f: {  	_ =	shalt  }
0x70: {  	_ =	shalt  }
0x71: {  	_ =	shalt  }
0x72: {  	_ =	shalt  }
0x73: {  	_ =	shalt  }
0x74: {  	_ =	shalt  }
0x75: {  	_ =	shalt  }
0x76: {  	_ =	shalt  }
0x77: {  	_ =	shalt  }
0x78: {  	_ =	shalt  }
0x79: {  	_ =	shalt  }
0x7a: {  	_ =	shalt  }
0x7b: {  	_ =	shalt  }
0x7c: {  	_ =	shalt  }
0x7d: {  	_ =	shalt  }
0x7e: {  	_ =	shalt  }
0x7f: {  	_ =	shalt  }
0x80: {  	_ =	shalt  }
0x81: {  	_ =	shalt  }
0x82: {  	_ =	shalt  }
0x83: {  	_ =	shalt  }
0x84: {  	_ =	shalt  }
0x85: {  	_ =	shalt  }
0x86: {  	_ =	shalt  }
0x87: {  	_ =	shalt  }
.Lfunc_end0:
.L_simem_size_0:
called_computation_lowered:
.L_overlay_start_0:
0x88: {  	s2 =	sld [smem:$0x3FD9]  }
0x89: {  	s3 =	sld [smem:$0x3FFE];
	_ =	sdelay $0x1  }
0x8a: {  	s1 =	srdreg.scid  }
0x8b: {  	s0 =	sand.u32 $0x1, s1  }
0x8c: {  	s15 =	sshll.u32 s0, $0xA;
	s2 =	sadd.s32 s3, s2  }
0x8d: {  	s2 =	sadd.s32 s2, s15  }
0x8e: {  	[smem:$0x3FC2] =	sst s2  }
0x8f: {  	_ = 	snop  }
0x90: {  	s2 =	sld [smem:$0x3FD0];
	_ =	sdelay $0x2  }
0x91: {  	s16 =	simm.s32 $0xA;
	s4 =	simm.s32 $0x10  }
0x92: {  	[smem:s4], [sflag:s16] =	dma.local [hbm:s2], $0x1  }
0x93: {  	_ =	swait.eq [sflag:s16], $0x1  }
0x94: {  	[sflag:s16] =	ssyncset.done $0x0  }
0x95: {  	s17 =	sld [smem:$0x10];
	[sflag:s16] =	ssyncadd.s32 $0xFFFFFFFF  }
0x96: {  	s18 =	sld [smem:$0x11];
	(tm) =	ssettm $0x1  }
0x97: {  	s19 =	sld [smem:$0x3FFB];
	_ =	sdelay $0x3  }
0x98: {  	_ =	strace s19  }
0x99: {  	s4 =	sld [smem:$0x3FFC];
	_ =	sdelay $0x3  }
0x9a: {  	_ =	strace s4  }
0x9b: {  	s4 =	sld [smem:$0x3FFD];
	_ =	sdelay $0x3  }
0x9c: {  	_ =	strace s4  }
0x9d: {  	_ =	strace $0x8FFFFFFF  }
0x9e: {  	s20 =	sld [smem:$0x3FDB];
	_ =	sdelay $0x1  }
0x9f: {  	s5 =	simm.s32 $_scs_section_size  }
0xa0: {  	s6 =	simm.s32 $_size__tile_overlayer_lowered;
	s7 =	simm.s32 $_tile_overlayer_lowered  }
0xa1: {  	s23 =	simm.s32 $0x1BFF;
	s22 =	sshll.u32 s7, $0x1;
	s4 =	sadd.s32 s5, s20  }
0xa2: {  	s8 =	simm.s32 $0x0;
	s21 =	sshll.u32 s6, $0x1;
	s6 =	sadd.s32 s22, s4  }
0xa3: {  	[timem:s8], [sflag:s23] =	dma.local [hbm:s6], s21  }
0xa4: {  	_ =	swait.ge [sflag:s23], s21  }
0xa5: {  	s5 =	ssub.s32 $0x0, s21;
	[sflag:s23] =	ssyncset.done $0x0  }
0xa6: {  	[sflag:s23] =	ssyncadd.s32 s5;
	_ =	sdelay $0x1  }
0xa7: {  	s24 =	simm.s32 $0x1B8B  }
0xa8: {  	_ =	swait.ge [sflag:s24], $0x1  }
0xa9: {  	[sflag:s24] =	ssyncset.done $0x0  }
0xaa: {  	s25 =	simm.s32 $0x1B8E;
	[sflag:s24] =	ssyncadd.s32 $0xFFFFFFFF  }
0xab: {  	s26 =	simm.s32 $execute0_lowered;
	[smem:$0x3FD2] =	sst s25  }
0xac: {  	s5 =	sshll.u32 s26, $0x1;
	_ =	strace $0x80000046;
	[dreg:$0x1] =	wrdreg $0xFFFFFFFF  }
0xad: {  	s28 =	simm.s32 $_size_execute0_lowered;
	s4 =	sadd.s32 s4, s5;
	[dreg:$0x0] =	wrdreg $0x0  }
0xae: {  	s5 =	sshll.u32 s28, $0x1;
	[dreg:$0x2] =	wrdreg s4  }
0xaf: {  	[dreg:$0x3] =	wrdreg s5  }
0xb0: {  	[dreg:$0x4] =	wrdreg $0xC0  }
0xb1: {  	_ =	task [dreg:s8], $0x5FFFF  }
0xb2: {  	[dreg:$0x1] =	wrdreg $0xFFFFFFFF  }
0xb3: {  	[dreg:$0x0] =	wrdreg $0x60  }
0xb4: {  	[dreg:$0x2] =	wrdreg s18  }
0xb5: {  	[dreg:$0x3] =	wrdreg s17  }
0xb6: {  	[dreg:$0x4] =	wrdreg $0x9  }
0xb7: {  	_ =	task.clear_ibuf [dreg:s8], $0x5FFFF;
	_ =	strace $0x90000046  }
0xb8: {  	s29 =	simm.s32 $0x9;
	_ =	strace $0x80000048  }
0xb9: {  	_ =	swait.ge [sflag:s29], $0x1  }
0xba: {  	[sflag:s29] =	ssyncadd.s32 $0xFFFFFFFF  }
0xbb: {  	_ =	strace $0x90000048  }
0xbc: {  	_ =	sfence  }
0xbd: {  	s30 =	sld [smem:$0x0];
	_ =	sdelay $0x2  }
0xbe: {  	s31 =	sshll.u32 s1, $0xD;
	s1 =	sshrl.u32 s1, $0x2  }
0xbf: {  	s3 =	sand.u32 $0x4000, s31;
	s1 =	sadd.s32 s1, s30  }
0xc0: {  	s0 =	sor.u32 s3, s0;
	s1 =	sshll.u32 s1, $0x11  }
0xc1: {  	s0 =	sor.u32 s1, s0  }
0xc2: {  	s0 =	sadd.s32 $0x8F2B, s0  }
0xc3: {  	[sflag:s0] =	ssyncadd.remote.s32 $0x1  }
0xc4: {  	_ =	sfence.sel $0xFFFF  }
0xc5: {  	[dreg:$0x0] =	wrdreg $0xFFFFFFFF;
	(pc) =	sbr.abs _section_cstart, $3  }
0xc6: {  	[dreg:$0x1] =	wrdreg $0xFFFFFFFF  }
0xc7: {  	_ =	task.clear_ibuf [dreg:s8], $0x2FFFF;
	_ =	strace $0x9FFFFFFF  }
0xc8: {  	(tm) =	ssettm $0x7FFFFFFF  }
0xc9: {  	_ =	shalt  }
tec
execute0_lowered:
.L_overlay_start_1:
0x0: {  	(tag) =	ssettag $0x1  }
0x1: {  	s3 =	rddreg [dreg:$0x0]  }
0x2: {  	s4 =	rddreg [dreg:$0x1]  }
0x3: {  	s0 =	rddreg [dreg:$0x2];
	s2 =	simm.s32 $0x0;
	s5 =	srdreg.scid  }
0x4: {  	s1 =	stileid.u32;
	[smem:$0x7FF] =	sst s2;
	s5 =	sand.u32 $0x1, s5  }
0x5: {  	s7 =	sshll.u32 s1, $0x8;
	s6 =	ssub.s32 $0x2, s5;
	s5 =	sshll.u32 s5, $0x7  }
0x6: {  	_ =	strace $0x80000047;
	s5 =	sor.u32 s5, s7;
	s31 =	sshrl.u32 s6, $0x1  }
0x7: {  	s7 =	simm.s32 $0x400;
	s6 =	ssub.s32 s6, s31;
	s3 =	sadd.s32 s3, s5  }
0x8: {  	s4 =	sadd.s32 s4, s5;
	s5 =	smax.u32 s6, $0x1;
	s6 =	simm.s32 $0x1  }
.LBB2_1:
0x9: {  	[tilespmem:s2], [sflag:$0x1] =	stream.linear.gather [hbm4b:s3+s2], $0x400, $0x38;
	[tilespmem:$0x800] =	vst v63  }
0xa: {  	_ =	swait.ge [sflag:s6], $0x400  }
0xb: {  	[sflag:s6] =	ssyncset.done $0x0  }
0xc: {  	[sflag:s6] =	ssyncadd.s32 $0xFFFFFC00  }
0xd: {  	v0 =	vld [tilespmem:$0x0]  }
0xe: {  	v1 =	vld [tilespmem:$0x80]  }
0xf: {  	v2 =	vld [tilespmem:$0x100]  }
0x10: {  	v3 =	vld [tilespmem:$0x180]  }
0x11: {  	v4 =	vld [tilespmem:$0x200]  }
0x12: {  	v5 =	vld [tilespmem:$0x280]  }
0x13: {  	v6 =	vld [tilespmem:$0x300];
	v7 =	vmax.f32 v0, v1  }
0x14: {  	v8 =	vld [tilespmem:$0x380];
	v7 =	vmax.f32 v7, v2  }
0x15: {  	v7 =	vmax.f32 v7, v3  }
0x16: {  	v7 =	vmax.f32 v7, v4  }
0x17: {  	v7 =	vmax.f32 v7, v5  }
0x18: {  	v7 =	vmax.f32 v7, v6  }
0x19: {  	v7 =	vmax.f32 v7, v8  }
0x1a: {  	v0 =	vsub.f32 v0, v7  }
0x1b: {  	v1 =	vsub.f32 v1, v7  }
0x1c: {  	v0 =	vmul.f32 $1.442695020e+00, v0  }
0x1d: {  	v2 =	vsub.f32 v2, v7;
	v1 =	vmul.f32 $1.442695020e+00, v1  }
0x1e: {  	(erf) = vpow2.f32 v0  }
0x1f: {  	v38 =	vsub.f32 v3, v7;
	v37 =	vmul.f32 $1.442695020e+00, v2;
	(erf) = vpow2.f32 v1;
	_ =	sdelay $0x1  }
0x20: {  	v40 =	vsub.f32 v4, v7;
	v39 =	vmul.f32 $1.442695020e+00, v38;
	(erf) = vpow2.f32 v37;
	_ =	sdelay $0x1  }
0x21: {  	v42 =	vsub.f32 v5, v7;
	v41 =	vmul.f32 $1.442695020e+00, v40;
	(erf) = vpow2.f32 v39;
	_ =	sdelay $0x1  }
0x22: {  	v44 =	vsub.f32 v6, v7;
	v43 =	vmul.f32 $1.442695020e+00, v42;
	(erf) = vpow2.f32 v41;
	_ =	sdelay $0x1  }
0x23: {  	v47 =	vsub.f32 v8, v7;
	v46 =	vmul.f32 $1.442695020e+00, v44;
	v45 =	vpop (erf);
	(erf) = vpow2.f32 v43  }
0x24: {  	v48 =	vpop (erf)  }
0x25: {  	v49 =	vmul.f32 $1.442695020e+00, v47;
	(erf) = vpow2.f32 v46;
	v50 =	vadd.f32 v48, v45  }
0x26: {  	v51 =	vpop (erf)  }
0x27: {  	(erf) = vpow2.f32 v49;
	v52 =	vadd.f32 v50, v51  }
0x28: {  	v53 =	vpop (erf)  }
0x29: {  	v0 =	vadd.f32 v52, v53  }
0x2a: {  	v54 =	vpop (erf)  }
0x2b: {  	v0 =	vadd.f32 v0, v54  }
0x2c: {  	v55 =	vpop (erf)  }
0x2d: {  	v0 =	vadd.f32 v0, v55  }
0x2e: {  	v56 =	vpop (erf)  }
0x2f: {  	v0 =	vadd.f32 v0, v56  }
0x30: {  	v57 =	vpop (erf)  }
0x31: {  	v0 =	vadd.f32 v0, v57;
	_ =	sdelay $0x1  }
0x32: {  	(erf) = vrcp.f32 v0;
	_ =	sdelay $0x8  }
0x33: {  	v0 =	vpop (erf)  }
0x34: {  	v2 =	vmul.f32 v0, v45;
	v3 =	vmul.f32 v0, v48  }
0x35: {  	v4 =	vmul.f32 v0, v51  }
0x36: {  	v9 =	vmul.f32 v0, v53;
	v58 =	vmax.f32 v2, v3  }
0x37: {  	v5 =	vmul.f32 v0, v54;
	v1 =	vmax.f32 v58, v4  }
0x38: {  	v6 =	vmul.f32 v0, v55;
	v1 =	vmax.f32 v1, v9  }
0x39: {  	v7 =	vmul.f32 v0, v56;
	v1 =	vmax.f32 v1, v5  }
0x3a: {  	v8 =	vmul.f32 v0, v57;
	v59 =	vmax.f32 v1, v6  }
0x3b: {  	v0 =	vmax.f32 v59, v7  }
0x3c: {  	v1 =	vmax.f32 v0, v8  }
0x3d: {  	v22 =	vimm.s32 $0x8;
	v10 =	vld [tilespmem:$0x10];
	vm0 =	veq.f32 v8, v1  }
0x3e: {  	v12 =	vld [tilespmem:$0x90];
	vm7 =	veq.f32 v7, v1;
	v60 =	vsel vm0, $0x7, v22  }
0x3f: {  	v13 =	vld [tilespmem:$0x110];
	vm8 =	veq.f32 v6, v1;
	v0 =	vsel vm7, $0x6, v60  }
0x40: {  	v14 =	vld [tilespmem:$0x190];
	vm9 =	veq.f32 v5, v1;
	v0 =	vsel vm8, $0x5, v0  }
0x41: {  	v62 =	vimm.s32 $0x0;
	vm10 =	veq.f32 v9, v1;
	v0 =	vsel vm9, $0x4, v0  }
0x42: {  	v19 =	vimm.s32 $0x0;
	vm11 =	veq.f32 v4, v1;
	v0 =	vsel vm10, $0x3, v0  }
0x43: {  	v18 =	vmax.f32 v10, v12;
	vm12 =	veq.f32 v3, v1;
	v0 =	vsel vm11, $0x2, v0  }
0x44: {  	v18 =	vmax.f32 v18, v13;
	vm1 =	vne.f32 v2, v1;
	v0 =	vsel vm12, $0x1, v0  }
0x45: {  	v18 =	vmax.f32 v18, v14;
	vm11 =	vmand vm1, vm12;
	v11 =	vnsel vm1, $0x0, v0  }
0x46: {  	v63 =	vld [tilespmem:$0x210];
	v61 =	vnsel vm1, $0xBF800000, v2;
	v2 =	vsel vm11, $0xBF800000, v3;
	vm13 =	veq.s32 v11, $0x2  }
0x47: {  	v15 =	vmax.f32 v61, v2;
	vm9 =	veq.s32 v11, $0x3;
	v3 =	vsel vm13, $0xFFFFFFFF, v62  }
0x48: {  	v16 =	vld [tilespmem:$0x290];
	vm15 =	veq.s32 v11, $0x4;
	vm10 =	veq.s32 v11, $0x5;
	[tilespmem:$0x1F990] =	vst v3;
	v3 =	vsel vm13, $0xBF800000, v4  }
0x49: {  	v17 =	vld [tilespmem:$0x310];
	vm14 =	veq.s32 v11, $0x6;
	v4 =	vsel vm9, $0xBF800000, v9;
	v15 =	vmax.f32 v15, v3  }
0x4a: {  	v5 =	vsel vm15, $0xBF800000, v5;
	v0 =	vsel vm14, $0xFFFFFFFF, v19;
	v19 =	vld [tilespmem:$0x390];
	v15 =	vmax.f32 v15, v4  }
0x4b: {  	v18 =	vmax.f32 v18, v63;
	v6 =	vsel vm10, $0xBF800000, v6;
	v15 =	vmax.f32 v15, v5  }
0x4c: {  	vm6 =	veq.s32 v11, $0x7;
	v7 =	vsel vm14, $0xBF800000, v7;
	v15 =	vmax.f32 v15, v6  }
0x4d: {  	v21 =	vmax.f32 v18, v16;
	v11 =	vsel vm6, $0xBF800000, v8;
	v20 =	vmax.f32 v15, v7  }
0x4e: {  	v15 =	vmax.f32 v21, v17;
	v8 =	vmax.f32 v20, v11  }
0x4f: {  	v15 =	vmax.f32 v15, v19;
	v23 =	vadd.f32 v8, v1  }
0x50: {  	v10 =	vsub.f32 v10, v15  }
0x51: {  	v12 =	vsub.f32 v12, v15;
	v18 =	vadd.f32 $9.999999710e-10, v23  }
0x52: {  	v10 =	vmul.f32 $1.442695020e+00, v10  }
0x53: {  	v13 =	vsub.f32 v13, v15;
	v12 =	vmul.f32 $1.442695020e+00, v12;
	(erf) = vrcp.f32 v18  }
0x54: {  	(erf) = vpow2.f32 v10  }
0x55: {  	v25 =	vsub.f32 v14, v15;
	v24 =	vmul.f32 $1.442695020e+00, v13;
	(erf) = vpow2.f32 v12;
	_ =	sdelay $0x1  }
0x56: {  	v9 =	vsub.f32 v63, v15;
	v26 =	vmul.f32 $1.442695020e+00, v25;
	(erf) = vpow2.f32 v24;
	_ =	sdelay $0x1  }
0x57: {  	v27 =	vsub.f32 v16, v15;
	v9 =	vmul.f32 $1.442695020e+00, v9;
	(erf) = vpow2.f32 v26;
	_ =	sdelay $0x1  }
0x58: {  	v29 =	vsub.f32 v17, v15;
	v28 =	vmul.f32 $1.442695020e+00, v27;
	(erf) = vpow2.f32 v9  }
0x59: {  	v17 =	vpop (erf)  }
0x5a: {  	v32 =	vsub.f32 v19, v15;
	v31 =	vmul.f32 $1.442695020e+00, v29;
	(erf) = vpow2.f32 v28;
	v30 =	vpop (erf)  }
0x5b: {  	v33 =	vpop (erf)  }
0x5c: {  	v34 =	vmul.f32 $1.442695020e+00, v32;
	(erf) = vpow2.f32 v31;
	v35 =	vadd.f32 v33, v30  }
0x5d: {  	v36 =	vpop (erf)  }
0x5e: {  	(erf) = vpow2.f32 v34;
	v37 =	vadd.f32 v35, v36  }
0x5f: {  	v38 =	vpop (erf)  }
0x60: {  	v9 =	vadd.f32 v37, v38  }
0x61: {  	v39 =	vpop (erf)  }
0x62: {  	v9 =	vadd.f32 v9, v39  }
0x63: {  	v40 =	vpop (erf)  }
0x64: {  	v9 =	vadd.f32 v9, v40  }
0x65: {  	v41 =	vpop (erf)  }
0x66: {  	v9 =	vadd.f32 v9, v41  }
0x67: {  	v42 =	vpop (erf)  }
0x68: {  	v9 =	vadd.f32 v9, v42;
	_ =	sdelay $0x1  }
0x69: {  	(erf) = vrcp.f32 v9;
	_ =	sdelay $0x8  }
0x6a: {  	v9 =	vpop (erf)  }
0x6b: {  	v20 =	vmul.f32 v9, v30;
	v13 =	vmul.f32 v9, v33  }
0x6c: {  	v21 =	vmul.f32 v9, v36  }
0x6d: {  	v10 =	vmul.f32 v9, v38;
	v12 =	vmax.f32 v20, v13  }
0x6e: {  	v15 =	vmul.f32 v9, v39;
	v12 =	vmax.f32 v12, v21  }
0x6f: {  	v23 =	vmul.f32 v9, v40;
	v12 =	vmax.f32 v12, v10  }
0x70: {  	v18 =	vmul.f32 v9, v41;
	v12 =	vmax.f32 v12, v15  }
0x71: {  	v9 =	vmul.f32 v9, v42;
	v12 =	vmax.f32 v12, v23  }
0x72: {  	v12 =	vmax.f32 v12, v18  }
0x73: {  	v12 =	vmax.f32 v12, v9  }
0x74: {  	vm4 =	veq.f32 v9, v12  }
0x75: {  	v26 =	vld [tilespmem:$0x20];
	vm5 =	veq.f32 v18, v12;
	v43 =	vsel vm4, $0x7, v22  }
0x76: {  	v28 =	vld [tilespmem:$0xA0];
	vm7 =	veq.f32 v23, v12;
	v14 =	vsel vm5, $0x6, v43  }
0x77: {  	vm8 =	veq.f32 v15, v12;
	v14 =	vsel vm7, $0x5, v14  }
0x78: {  	v52 =	vimm.s32 $0x0;
	vm12 =	veq.f32 v10, v12;
	v14 =	vsel vm8, $0x4, v14  }
0x79: {  	v45 =	vimm.s32 $0x0;
	vm13 =	veq.f32 v21, v12;
	v14 =	vsel vm12, $0x3, v14  }
0x7a: {  	vm14 =	veq.f32 v13, v12;
	vm3 =	vne.f32 v20, v12;
	v14 =	vsel vm13, $0x2, v14  }
0x7b: {  	v46 =	vld [tilespmem:$0x120];
	v29 =	vmax.f32 v26, v28;
	vm0 =	vmand vm3, vm14;
	v14 =	vsel vm14, $0x1, v14  }
0x7c: {  	v49 =	vld [tilespmem:$0x1A0];
	v44 =	vnsel vm3, $0xBF800000, v20;
	v16 =	vsel vm0, $0xBF800000, v13;
	v24 =	vnsel vm3, $0x0, v14  }
0x7d: {  	v53 =	vmax.f32 v44, v16;
	v14 =	vsel vm0, $0xFFFFFFFF, v45;
	vm2 =	veq.s32 v24, $0x2  }
0x7e: {  	v51 =	vld [tilespmem:$0x220];
	vm5 =	veq.s32 v24, $0x3;
	vm7 =	veq.s32 v24, $0x4;
	vm8 =	veq.s32 v24, $0x5  }
0x7f: {  	v54 =	vld [tilespmem:$0x2A0];
	[tilespmem:$0x1F9B0] =	vst v14;
	v19 =	vsel vm2, $0xBF800000, v21;
	v25 =	vsel vm7, $0xBF800000, v15;
	v15 =	vsel vm8, $0xFFFFFFFF, v52  }
0x80: {  	v55 =	vld [tilespmem:$0x320];
	v29 =	vmax.f32 v29, v46;
	v14 =	vsel vm5, $0xBF800000, v10;
	[tilespmem:$0x1FA00] =	vst v15;
	v15 =	vmax.f32 v53, v19  }
0x81: {  	v56 =	vmax.f32 v29, v49;
	v30 =	vld [tilespmem:$0x3A0];
	vm14 =	veq.s32 v24, $0x6;
	v15 =	vmax.f32 v15, v14  }
0x82: {  	vm12 =	veq.s32 v24, $0x7;
	v27 =	vsel vm8, $0xBF800000, v23;
	v15 =	vmax.f32 v15, v25  }
0x83: {  	v31 =	vsel vm14, $0xBF800000, v18;
	v18 =	vmax.f32 v56, v51;
	v15 =	vmax.f32 v15, v27  }
0x84: {  	v36 =	vsel vm12, $0xBF800000, v9;
	v59 =	vmax.f32 v18, v54;
	v58 =	vmax.f32 v15, v31  }
0x85: {  	v60 =	vmax.f32 v59, v55;
	v24 =	vmax.f32 v58, v36  }
0x86: {  	[tilespmem:$0x1F980] =	vst v61;
	v9 =	vmax.f32 v60, v30;
	v61 =	vadd.f32 v24, v12  }
0x87: {  	v47 =	vimm.s32 $0x0;
	v48 =	vimm.s32 $0x0;
	v62 =	vsub.f32 v26, v9  }
0x88: {  	v57 =	vimm.s32 $0x0;
	v63 =	vsub.f32 v28, v9;
	v15 =	vadd.f32 $9.999999710e-10, v61  }
0x89: {  	[tilespmem:$0x1F9A0] =	vst v0;
	v13 =	vsel vm2, $0xFFFFFFFF, v47;
	v0 =	vsel vm12, $0xFFFFFFFF, v57;
	v18 =	vmul.f32 $1.442695020e+00, v62  }
0x8a: {  	[tilespmem:$0x1FA30] =	vst v0;
	v20 =	vsub.f32 v46, v9;
	v0 =	vmul.f32 $1.442695020e+00, v63;
	(erf) = vrcp.f32 v15  }
0x8b: {  	v50 =	vimm.s32 $0x0;
	[tilespmem:$0x1F9D0] =	vst v13;
	v13 =	vsel vm5, $0xFFFFFFFF, v48;
	(erf) = vpow2.f32 v18  }
0x8c: {  	[tilespmem:$0x1F9E0] =	vst v13;
	v13 =	vsub.f32 v49, v9;
	v20 =	vmul.f32 $1.442695020e+00, v20;
	(erf) = vpow2.f32 v0  }
0x8d: {  	v10 =	vsel vm7, $0xFFFFFFFF, v50  }
0x8e: {  	[tilespmem:$0x1F9F0] =	vst v10;
	v10 =	vsub.f32 v51, v9;
	v13 =	vmul.f32 $1.442695020e+00, v13;
	(erf) = vpow2.f32 v20;
	_ =	sdelay $0x1  }
0x8f: {  	v26 =	vsub.f32 v54, v9;
	v10 =	vmul.f32 $1.442695020e+00, v10;
	(erf) = vpow2.f32 v13;
	_ =	sdelay $0x1  }
0x90: {  	v29 =	vsub.f32 v55, v9;
	v28 =	vmul.f32 $1.442695020e+00, v26;
	(erf) = vpow2.f32 v10  }
0x91: {  	v33 =	vpop (erf)  }
0x92: {  	v9 =	vsub.f32 v30, v9;
	v35 =	vmul.f32 $1.442695020e+00, v29;
	(erf) = vpow2.f32 v28;
	v34 =	vpop (erf)  }
0x93: {  	v37 =	vpop (erf)  }
0x94: {  	v9 =	vmul.f32 $1.442695020e+00, v9;
	(erf) = vpow2.f32 v35;
	v38 =	vadd.f32 v37, v34  }
0x95: {  	v39 =	vpop (erf)  }
0x96: {  	(erf) = vpow2.f32 v9;
	v40 =	vadd.f32 v38, v39  }
0x97: {  	v41 =	vpop (erf)  }
0x98: {  	v9 =	vadd.f32 v40, v41  }
0x99: {  	v42 =	vpop (erf)  }
0x9a: {  	v9 =	vadd.f32 v9, v42  }
0x9b: {  	v43 =	vpop (erf)  }
0x9c: {  	v9 =	vadd.f32 v9, v43  }
0x9d: {  	[tilespmem:$0x1F9C0] =	vst v44;
	v44 =	vpop (erf)  }
0x9e: {  	v9 =	vadd.f32 v9, v44  }
0x9f: {  	v45 =	vpop (erf)  }
0xa0: {  	v9 =	vadd.f32 v9, v45;
	_ =	sdelay $0x1  }
0xa1: {  	(erf) = vrcp.f32 v9;
	_ =	sdelay $0x8  }
0xa2: {  	v9 =	vpop (erf)  }
0xa3: {  	v15 =	vmul.f32 v9, v34;
	v13 =	vmul.f32 v9, v37  }
0xa4: {  	v18 =	vmul.f32 v9, v39  }
0xa5: {  	v46 =	vmul.f32 v9, v41;
	v47 =	vmax.f32 v15, v13  }
0xa6: {  	v20 =	vmul.f32 v9, v42;
	v10 =	vmax.f32 v47, v18  }
0xa7: {  	v21 =	vmul.f32 v9, v43;
	v10 =	vmax.f32 v10, v46  }
0xa8: {  	v23 =	vmul.f32 v9, v44;
	v10 =	vmax.f32 v10, v20  }
0xa9: {  	v48 =	vmul.f32 v9, v45;
	v49 =	vmax.f32 v10, v21  }
0xaa: {  	v9 =	vmax.f32 v49, v23  }
0xab: {  	v9 =	vmax.f32 v9, v48  }
0xac: {  	vm13 =	veq.f32 v48, v9  }
0xad: {  	vm4 =	veq.f32 v23, v9;
	v50 =	vsel vm13, $0x7, v22  }
0xae: {  	v32 =	vld [tilespmem:$0xB0];
	v56 =	vimm.s32 $0x0;
	vm5 =	veq.f32 v21, v9;
	v10 =	vsel vm4, $0x6, v50  }
0xaf: {  	v53 =	vimm.s32 $0x0;
	v51 =	vld [tilespmem:$0x30];
	vm7 =	veq.f32 v20, v9;
	v10 =	vsel vm5, $0x5, v10  }
0xb0: {  	v55 =	vimm.s32 $0x0;
	vm8 =	veq.f32 v46, v9;
	v10 =	vsel vm7, $0x4, v10  }
0xb1: {  	v63 =	vimm.s32 $0x0;
	vm12 =	veq.f32 v18, v9;
	v10 =	vsel vm8, $0x3, v10  }
0xb2: {  	vm13 =	veq.f32 v13, v9;
	vm7 =	vne.f32 v15, v9;
	v10 =	vsel vm12, $0x2, v10  }
0xb3: {  	v26 =	vimm.s32 $0x0;
	v52 =	vnsel vm7, $0xBF800000, v15;
	v10 =	vsel vm13, $0x1, v10  }
0xb4: {  	vm0 =	vmand vm7, vm13;
	v15 =	vmax.f32 v51, v32;
	v34 =	vnsel vm7, $0x0, v10  }
0xb5: {  	v54 =	vsel vm0, $0xBF800000, v13;
	v10 =	vsel vm0, $0xFFFFFFFF, v53;
	vm5 =	veq.s32 v34, $0x2  }
0xb6: {  	v35 =	vld [tilespmem:$0x130];
	[tilespmem:$0x1FA40] =	vst v10;
	vm8 =	veq.s32 v34, $0x3;
	vm12 =	veq.s32 v34, $0x4;
	v10 =	vmax.f32 v52, v54  }
0xb7: {  	v37 =	vld [tilespmem:$0x1B0];
	vm13 =	veq.s32 v34, $0x5;
	vm4 =	veq.s32 v34, $0x6;
	v13 =	vsel vm5, $0xFFFFFFFF, v55  }
0xb8: {  	v59 =	vld [tilespmem:$0x230];
	v57 =	vsel vm5, $0xBF800000, v18;
	v58 =	vsel vm8, $0xBF800000, v46;
	[tilespmem:$0x1FA70] =	vst v13;
	v13 =	vsel vm8, $0xFFFFFFFF, v56  }
0xb9: {  	v38 =	vld [tilespmem:$0x2B0];
	v60 =	vsel vm12, $0xBF800000, v20;
	v20 =	vmax.f32 v10, v57;
	[tilespmem:$0x1FA80] =	vst v13;
	v13 =	vsel vm12, $0xFFFFFFFF, v63  }
0xba: {  	v39 =	vld [tilespmem:$0x330];
	vm5 =	veq.s32 v34, $0x7;
	v40 =	vmax.f32 v20, v58;
	[tilespmem:$0x1FA90] =	vst v13;
	v13 =	vimm.s32 $0x0  }
0xbb: {  	v41 =	vld [tilespmem:$0x3B0];
	v0 =	vsel vm13, $0xFFFFFFFF, v13;
	v13 =	vsel vm13, $0xBF800000, v21;
	v21 =	vmax.f32 v15, v35  }
0xbc: {  	v40 =	vmax.f32 v40, v60;
	[tilespmem:$0x1FAA0] =	vst v0;
	v0 =	vsel vm4, $0xFFFFFFFF, v26;
	v21 =	vmax.f32 v21, v37  }
0xbd: {  	v26 =	vsel vm4, $0xBF800000, v23;
	v23 =	vmax.f32 v40, v13;
	v21 =	vmax.f32 v21, v59  }
0xbe: {  	v10 =	vsel vm5, $0xBF800000, v48;
	v23 =	vmax.f32 v23, v26;
	v43 =	vmax.f32 v21, v38  }
0xbf: {  	v21 =	vmax.f32 v23, v10;
	v44 =	vmax.f32 v43, v39  }
0xc0: {  	v45 =	vadd.f32 v21, v9;
	v23 =	vmax.f32 v44, v41  }
0xc1: {  	v30 =	vsub.f32 v51, v23  }
0xc2: {  	v29 =	vadd.f32 $9.999999710e-10, v45;
	v32 =	vsub.f32 v32, v23  }
0xc3: {  	v30 =	vmul.f32 $1.442695020e+00, v30  }
0xc4: {  	v47 =	vsub.f32 v35, v23;
	(erf) = vrcp.f32 v29;
	v46 =	vmul.f32 $1.442695020e+00, v32  }
0xc5: {  	(erf) = vpow2.f32 v30  }
0xc6: {  	v49 =	vsub.f32 v37, v23;
	v48 =	vmul.f32 $1.442695020e+00, v47;
	(erf) = vpow2.f32 v46;
	_ =	sdelay $0x1  }
0xc7: {  	v28 =	vsub.f32 v59, v23;
	v50 =	vmul.f32 $1.442695020e+00, v49;
	(erf) = vpow2.f32 v48;
	_ =	sdelay $0x1  }
0xc8: {  	v51 =	vsub.f32 v38, v23;
	v28 =	vmul.f32 $1.442695020e+00, v28;
	(erf) = vpow2.f32 v50;
	_ =	sdelay $0x1  }
0xc9: {  	[tilespmem:$0x1FA60] =	vst v52;
	v53 =	vsub.f32 v39, v23;
	v52 =	vmul.f32 $1.442695020e+00, v51;
	(erf) = vpow2.f32 v28  }
0xca: {  	v20 =	vpop (erf)  }
0xcb: {  	[tilespmem:$0x1FA50] =	vst v54;
	v23 =	vsub.f32 v41, v23;
	v55 =	vmul.f32 $1.442695020e+00, v53;
	(erf) = vpow2.f32 v52;
	v54 =	vpop (erf)  }
0xcc: {  	v56 =	vpop (erf)  }
0xcd: {  	[tilespmem:$0x1FA20] =	vst v57;
	v23 =	vmul.f32 $1.442695020e+00, v23;
	(erf) = vpow2.f32 v55;
	v57 =	vadd.f32 v56, v54  }
0xce: {  	[tilespmem:$0x1FA10] =	vst v58;
	v58 =	vpop (erf)  }
0xcf: {  	(erf) = vpow2.f32 v23;
	v59 =	vadd.f32 v57, v58  }
0xd0: {  	v61 =	vpop (erf)  }
0xd1: {  	v23 =	vadd.f32 v59, v61  }
0xd2: {  	v42 =	vimm.s32 $0x0;
	v62 =	vpop (erf)  }
0xd3: {  	[tilespmem:$0x1FAB0] =	vst v0;
	v0 =	vsel vm5, $0xFFFFFFFF, v42;
	v23 =	vadd.f32 v23, v62  }
0xd4: {  	v63 =	vpop (erf)  }
0xd5: {  	v23 =	vadd.f32 v23, v63  }
0xd6: {  	[tilespmem:$0x1FAC0] =	vst v0;
	v0 =	vpop (erf)  }
0xd7: {  	v23 =	vadd.f32 v23, v0  }
0xd8: {  	v15 =	vpop (erf)  }
0xd9: {  	v23 =	vadd.f32 v23, v15;
	_ =	sdelay $0x1  }
0xda: {  	(erf) = vrcp.f32 v23;
	_ =	sdelay $0x8  }
0xdb: {  	v23 =	vpop (erf)  }
0xdc: {  	v32 =	vmul.f32 v23, v54;
	v29 =	vmul.f32 v23, v56  }
0xdd: {  	v18 =	vmul.f32 v23, v58  }
0xde: {  	v42 =	vmul.f32 v23, v61;
	v50 =	vmax.f32 v32, v29  }
0xdf: {  	v43 =	vmul.f32 v23, v62;
	v28 =	vmax.f32 v50, v18  }
0xe0: {  	v47 =	vld [tilespmem:$0xC0];
	v44 =	vmul.f32 v23, v63;
	v28 =	vmax.f32 v28, v42  }
0xe1: {  	v46 =	vld [tilespmem:$0x40];
	v45 =	vmul.f32 v23, v0;
	v28 =	vmax.f32 v28, v43  }
0xe2: {  	v23 =	vmul.f32 v23, v15;
	v28 =	vmax.f32 v28, v44  }
0xe3: {  	v28 =	vmax.f32 v28, v45  }
0xe4: {  	v53 =	vimm.s32 $0x0;
	v52 =	vimm.s32 $0x0;
	v28 =	vmax.f32 v28, v23  }
0xe5: {  	v55 =	vimm.s32 $0x0;
	v57 =	vimm.s32 $0x0;
	vm8 =	veq.f32 v23, v28  }
0xe6: {  	v59 =	vmax.f32 v46, v47;
	vm12 =	veq.f32 v45, v28;
	v51 =	vsel vm8, $0x7, v22  }
0xe7: {  	v54 =	vimm.s32 $0x0;
	vm13 =	veq.f32 v44, v28;
	v35 =	vsel vm12, $0x6, v51  }
0xe8: {  	v49 =	vld [tilespmem:$0x140];
	v61 =	vimm.s32 $0x0;
	vm4 =	veq.f32 v43, v28;
	v35 =	vsel vm13, $0x5, v35  }
0xe9: {  	vm5 =	veq.f32 v42, v28;
	vm8 =	veq.f32 v18, v28;
	v35 =	vsel vm4, $0x4, v35  }
0xea: {  	vm12 =	veq.f32 v29, v28;
	vm4 =	vne.f32 v32, v28;
	v35 =	vsel vm5, $0x3, v35  }
0xeb: {  	v63 =	vimm.s32 $0x0;
	vm0 =	vmand vm4, vm12;
	v35 =	vsel vm8, $0x2, v35  }
0xec: {  	v30 =	vnsel vm4, $0xBF800000, v32;
	v0 =	vsel vm0, $0xFFFFFFFF, v52;
	v35 =	vsel vm12, $0x1, v35  }
0xed: {  	v15 =	vsel vm0, $0xBF800000, v29;
	v52 =	vmax.f32 v59, v49;
	v48 =	vnsel vm4, $0x0, v35  }
0xee: {  	v29 =	vld [tilespmem:$0x1C0];
	v56 =	vmax.f32 v30, v15;
	vm13 =	veq.s32 v48, $0x2;
	vm5 =	veq.s32 v48, $0x3  }
0xef: {  	[tilespmem:$0x1FAD0] =	vst v0;
	vm8 =	veq.s32 v48, $0x4;
	vm12 =	veq.s32 v48, $0x5;
	v0 =	vsel vm13, $0xFFFFFFFF, v53  }
0xf0: {  	v35 =	vsel vm13, $0xBF800000, v18;
	v38 =	vsel vm5, $0xBF800000, v42;
	v42 =	vld [tilespmem:$0x240];
	v39 =	vsel vm8, $0xBF800000, v43  }
0xf1: {  	v50 =	vld [tilespmem:$0x2C0];
	v40 =	vsel vm12, $0xBF800000, v44;
	vm13 =	veq.s32 v48, $0x6;
	[tilespmem:$0x1FAE0] =	vst v0;
	v0 =	vsel vm5, $0xFFFFFFFF, v54  }
0xf2: {  	v58 =	vld [tilespmem:$0x340];
	v41 =	vmax.f32 v56, v35;
	v32 =	vsel vm13, $0xBF800000, v45;
	[tilespmem:$0x1FAF0] =	vst v0;
	v0 =	vsel vm8, $0xFFFFFFFF, v55  }
0xf3: {  	v51 =	vld [tilespmem:$0x3C0];
	v62 =	vmax.f32 v52, v29;
	v41 =	vmax.f32 v41, v38;
	[tilespmem:$0x1FB00] =	vst v0;
	v0 =	vsel vm12, $0xFFFFFFFF, v57  }
0xf4: {  	vm5 =	veq.s32 v48, $0x7;
	v41 =	vmax.f32 v41, v39;
	[tilespmem:$0x1FB10] =	vst v0;
	v0 =	vsel vm13, $0xFFFFFFFF, v61  }
0xf5: {  	v41 =	vmax.f32 v41, v40;
	[tilespmem:$0x1FB20] =	vst v0;
	v52 =	vmax.f32 v62, v42;
	v0 =	vsel vm5, $0xFFFFFFFF, v63  }
0xf6: {  	v43 =	vsel vm5, $0xBF800000, v23;
	[tilespmem:$0x1FB30] =	vst v0;
	v0 =	vmax.f32 v41, v32;
	v18 =	vmax.f32 v52, v50  }
0xf7: {  	v41 =	vmax.f32 v0, v43;
	v34 =	vmax.f32 v18, v58  }
0xf8: {  	v37 =	vadd.f32 v41, v28;
	v23 =	vmax.f32 v34, v51  }
0xf9: {  	v46 =	vsub.f32 v46, v23  }
0xfa: {  	v47 =	vsub.f32 v47, v23;
	v48 =	vadd.f32 $9.999999710e-10, v37  }
0xfb: {  	v46 =	vmul.f32 $1.442695020e+00, v46  }
0xfc: {  	v45 =	vsub.f32 v49, v23;
	v47 =	vmul.f32 $1.442695020e+00, v47;
	(erf) = vrcp.f32 v48  }
0xfd: {  	(erf) = vpow2.f32 v46  }
0xfe: {  	v29 =	vsub.f32 v29, v23;
	v48 =	vmul.f32 $1.442695020e+00, v45;
	(erf) = vpow2.f32 v47;
	_ =	sdelay $0x1  }
0xff: {  	v42 =	vsub.f32 v42, v23;
	v29 =	vmul.f32 $1.442695020e+00, v29;
	(erf) = vpow2.f32 v48;
	_ =	sdelay $0x1  }
0x100: {  	v50 =	vsub.f32 v50, v23;
	v49 =	vmul.f32 $1.442695020e+00, v42;
	(erf) = vpow2.f32 v29;
	_ =	sdelay $0x1  }
0x101: {  	v53 =	vsub.f32 v58, v23;
	v52 =	vmul.f32 $1.442695020e+00, v50;
	(erf) = vpow2.f32 v49  }
0x102: {  	v37 =	vpop (erf)  }
0x103: {  	v23 =	vsub.f32 v51, v23;
	v55 =	vmul.f32 $1.442695020e+00, v53;
	(erf) = vpow2.f32 v52;
	v54 =	vpop (erf)  }
0x104: {  	v56 =	vpop (erf)  }
0x105: {  	v23 =	vmul.f32 $1.442695020e+00, v23;
	(erf) = vpow2.f32 v55;
	v57 =	vadd.f32 v56, v54  }
0x106: {  	v46 =	vpop (erf)  }
0x107: {  	(erf) = vpow2.f32 v23;
	v58 =	vadd.f32 v57, v46  }
0x108: {  	v59 =	vpop (erf)  }
0x109: {  	v23 =	vadd.f32 v58, v59  }
0x10a: {  	v61 =	vpop (erf)  }
0x10b: {  	v23 =	vadd.f32 v23, v61  }
0x10c: {  	v62 =	vpop (erf)  }
0x10d: {  	v23 =	vadd.f32 v23, v62  }
0x10e: {  	v63 =	vpop (erf)  }
0x10f: {  	v23 =	vadd.f32 v23, v63  }
0x110: {  	v0 =	vpop (erf)  }
0x111: {  	v23 =	vadd.f32 v23, v0;
	_ =	sdelay $0x1  }
0x112: {  	(erf) = vrcp.f32 v23;
	_ =	sdelay $0x8  }
0x113: {  	v23 =	vpop (erf)  }
0x114: {  	v44 =	vmul.f32 v23, v54;
	v18 =	vmul.f32 v23, v56  }
0x115: {  	v53 =	vmul.f32 v23, v46  }
0x116: {  	v29 =	vmul.f32 v23, v59;
	v42 =	vmax.f32 v44, v18  }
0x117: {  	v54 =	vmul.f32 v23, v61;
	v42 =	vmax.f32 v42, v53  }
0x118: {  	v55 =	vmul.f32 v23, v62;
	v42 =	vmax.f32 v42, v29  }
0x119: {  	v50 =	vmul.f32 v23, v63;
	v42 =	vmax.f32 v42, v54  }
0x11a: {  	v23 =	vmul.f32 v23, v0;
	v42 =	vmax.f32 v42, v55  }
0x11b: {  	v42 =	vmax.f32 v42, v50  }
0x11c: {  	v51 =	vld [tilespmem:$0x50];
	v42 =	vmax.f32 v42, v23  }
0x11d: {  	v58 =	vld [tilespmem:$0xD0];
	vm8 =	veq.f32 v23, v42  }
0x11e: {  	vm12 =	veq.f32 v50, v42;
	v0 =	vsel vm8, $0x7, v22  }
0x11f: {  	vm13 =	veq.f32 v55, v42;
	v46 =	vsel vm12, $0x6, v0  }
0x120: {  	v45 =	vimm.s32 $0x0;
	vm5 =	veq.f32 v54, v42;
	v46 =	vsel vm13, $0x5, v46  }
0x121: {  	v57 =	vimm.s32 $0x0;
	vm8 =	veq.f32 v29, v42;
	v46 =	vsel vm5, $0x4, v46  }
0x122: {  	v47 =	vmax.f32 v51, v58;
	vm12 =	veq.f32 v53, v42;
	v46 =	vsel vm8, $0x3, v46  }
0x123: {  	vm2 =	vne.f32 v44, v42;
	vm13 =	veq.f32 v18, v42;
	v46 =	vsel vm12, $0x2, v46  }
0x124: {  	v34 =	vnsel vm2, $0xBF800000, v44;
	vm8 =	vmand vm2, vm13;
	v46 =	vsel vm13, $0x1, v46  }
0x125: {  	v61 =	vld [tilespmem:$0x150];
	v59 =	vnsel vm2, $0x0, v46;
	v46 =	vsel vm8, $0xBF800000, v18;
	v18 =	vimm.s32 $0x0  }
0x126: {  	vm12 =	veq.s32 v59, $0x2;
	vm13 =	veq.s32 v59, $0x3;
	vm5 =	veq.s32 v59, $0x4  }
0x127: {  	v52 =	vld [tilespmem:$0x1D0];
	v44 =	vmax.f32 v34, v46;
	v48 =	vsel vm12, $0xBF800000, v53;
	v49 =	vsel vm13, $0xBF800000, v29  }
0x128: {  	v29 =	vld [tilespmem:$0x250];
	v0 =	vsel vm5, $0xFFFFFFFF, v18;
	v54 =	vsel vm5, $0xBF800000, v54;
	vm5 =	veq.s32 v59, $0x5  }
0x129: {  	v62 =	vld [tilespmem:$0x2D0];
	[tilespmem:$0x1FB40] =	vst v0;
	v0 =	vsel vm5, $0xFFFFFFFF, v45;
	v56 =	vsel vm5, $0xBF800000, v55;
	v53 =	vmax.f32 v44, v48  }
0x12a: {  	v63 =	vld [tilespmem:$0x350];
	v55 =	vmax.f32 v47, v61;
	vm5 =	veq.s32 v59, $0x6;
	v47 =	vimm.s32 $0x0  }
0x12b: {  	[tilespmem:$0x1FB50] =	vst v0;
	v53 =	vmax.f32 v53, v49;
	v0 =	vld [tilespmem:$0x3D0];
	v18 =	vsel vm5, $0xFFFFFFFF, v57;
	v57 =	vsel vm5, $0xBF800000, v50  }
0x12c: {  	v45 =	vmax.f32 v55, v52;
	vm5 =	veq.s32 v59, $0x7;
	v44 =	vmax.f32 v53, v54  }
0x12d: {  	[tilespmem:$0x1FB60] =	vst v18;
	v18 =	vsel vm5, $0xFFFFFFFF, v47;
	v50 =	vmax.f32 v44, v56;
	v53 =	vmax.f32 v45, v29  }
0x12e: {  	v59 =	vsel vm5, $0xBF800000, v23;
	[tilespmem:$0x1FB70] =	vst v18;
	v55 =	vmax.f32 v50, v57;
	v18 =	vmax.f32 v53, v62  }
0x12f: {  	v55 =	vmax.f32 v55, v59;
	v44 =	vmax.f32 v18, v63  }
0x130: {  	v45 =	vadd.f32 v55, v42;
	v23 =	vmax.f32 v44, v0  }
0x131: {  	v51 =	vsub.f32 v51, v23  }
0x132: {  	v50 =	vadd.f32 $9.999999710e-10, v45;
	v47 =	vsub.f32 v58, v23  }
0x133: {  	v51 =	vmul.f32 $1.442695020e+00, v51  }
0x134: {  	v61 =	vsub.f32 v61, v23;
	(erf) = vrcp.f32 v50;
	v58 =	vmul.f32 $1.442695020e+00, v47  }
0x135: {  	(erf) = vpow2.f32 v51  }
0x136: {  	v44 =	vsub.f32 v52, v23;
	v18 =	vmul.f32 $1.442695020e+00, v61;
	(erf) = vpow2.f32 v58;
	_ =	sdelay $0x1  }
0x137: {  	v29 =	vsub.f32 v29, v23;
	v45 =	vmul.f32 $1.442695020e+00, v44;
	(erf) = vpow2.f32 v18;
	_ =	sdelay $0x1  }
0x138: {  	v29 =	vmul.f32 $1.442695020e+00, v29;
	v47 =	vsub.f32 v62, v23;
	(erf) = vpow2.f32 v45;
	_ =	sdelay $0x1  }
0x139: {  	v53 =	vsub.f32 v63, v23;
	v52 =	vmul.f32 $1.442695020e+00, v47;
	(erf) = vpow2.f32 v29  }
0x13a: {  	v58 =	vpop (erf)  }
0x13b: {  	v0 =	vsub.f32 v0, v23;
	v61 =	vmul.f32 $1.442695020e+00, v53;
	(erf) = vpow2.f32 v52;
	v29 =	vpop (erf)  }
0x13c: {  	v50 =	vpop (erf)  }
0x13d: {  	v0 =	vmul.f32 $1.442695020e+00, v0;
	(erf) = vpow2.f32 v61;
	v62 =	vadd.f32 v50, v29  }
0x13e: {  	v51 =	vpop (erf)  }
0x13f: {  	(erf) = vpow2.f32 v0;
	v63 =	vadd.f32 v62, v51  }
0x140: {  	v23 =	vpop (erf)  }
0x141: {  	v1 =	vmul.f32 v17, v1;
	v0 =	vadd.f32 v63, v23  }
0x142: {  	vm0 =	veq.f32 v2, v8;
	v52 =	vpop (erf)  }
0x143: {  	v2 =	vmul.f32 v17, v8;
	v17 =	vsel vm1, $0x0, v1;
	v0 =	vadd.f32 v0, v52  }
0x144: {  	[tilespmem:$0x1FB80] =	vst v17;
	v17 =	vnsel vm10, $0x0, v1;
	v53 =	vpop (erf)  }
0x145: {  	[tilespmem:$0x1FC20] =	vst v17;
	v17 =	vld [tilespmem:$0x1F9A0];
	vm5 =	veq.f32 v11, v8;
	v0 =	vadd.f32 v0, v53  }
0x146: {  	v11 =	vsel vm5, $0x7, v22;
	vm5 =	veq.f32 v7, v8;
	v61 =	vpop (erf)  }
0x147: {  	v7 =	vsel vm5, $0x6, v11;
	vm5 =	veq.f32 v6, v8;
	v11 =	vld [tilespmem:$0x1F980];
	v0 =	vadd.f32 v0, v61  }
0x148: {  	v6 =	vsel vm5, $0x5, v7;
	vm5 =	veq.f32 v5, v8;
	v62 =	vpop (erf)  }
0x149: {  	vm10 =	veq.f32 v36, v24;
	v5 =	vsel vm5, $0x4, v6;
	v47 =	vld [tilespmem:$0x1F990];
	v0 =	vadd.f32 v0, v62  }
0x14a: {  	vm5 =	veq.f32 v4, v8;
	v6 =	vnsel vm9, $0x0, v1;
	vm9 =	vnez.u8 v17  }
0x14b: {  	v7 =	vsel vm5, $0x3, v5;
	vm5 =	veq.f32 v3, v8;
	(erf) = vrcp.f32 v0  }
0x14c: {  	[tilespmem:$0x1FBE0] =	vst v6;
	v6 =	vnsel vm9, $0x0, v1;
	v0 =	vsel vm5, $0x2, v7;
	vm5 =	vne.f32 v11, v8  }
0x14d: {  	v44 =	vnsel vm11, $0x0, v1;
	v0 =	vsel vm0, $0x1, v0;
	vm0 =	vmand vm5, vm0  }
0x14e: {  	v18 =	vsel vm5, $0x0, v2;
	v0 =	vnsel vm5, $0x0, v0;
	vm5 =	vnez.u8 v47  }
0x14f: {  	v8 =	vnsel vm15, $0x0, v1;
	v45 =	vnsel vm0, $0x0, v2;
	v3 =	vnsel vm5, $0x0, v1  }
0x150: {  	vm0 =	veq.s32 v0, $0x2;
	vm11 =	veq.s32 v0, $0x3;
	vm15 =	veq.s32 v0, $0x4  }
0x151: {  	vm1 =	veq.s32 v0, $0x5;
	vm5 =	veq.s32 v0, $0x6;
	vm9 =	veq.s32 v0, $0x7  }
0x152: {  	[tilespmem:$0x1FBB0] =	vst v44;
	v63 =	vnsel vm0, $0x0, v2;
	v7 =	vnsel vm11, $0x0, v2;
	v11 =	vnsel vm15, $0x0, v2  }
0x153: {  	[tilespmem:$0x1FB90] =	vst v18;
	v18 =	vnsel vm1, $0x0, v2;
	vm11 =	veq.f32 v31, v24;
	vm15 =	veq.f32 v27, v24  }
0x154: {  	v27 =	vnsel vm6, $0x0, v1;
	v31 =	vnsel vm9, $0x0, v2;
	[tilespmem:$0x1FC30] =	vst v18;
	v18 =	vnsel vm5, $0x0, v2;
	v44 =	vpop (erf)  }
0x155: {  	[tilespmem:$0x1FBA0] =	vst v45;
	vm5 =	veq.f32 v25, v24;
	v45 =	vmul.f32 v44, v29;
	v47 =	vmul.f32 v44, v50  }
0x156: {  	[tilespmem:$0x1FC40] =	vst v6;
	v6 =	vmul.f32 v44, v51;
	v23 =	vmul.f32 v44, v23;
	v51 =	vsel vm10, $0x7, v22  }
0x157: {  	[tilespmem:$0x1FC10] =	vst v11;
	v17 =	vmul.f32 v44, v52;
	v11 =	vsel vm11, $0x6, v51;
	v50 =	vmax.f32 v45, v47  }
0x158: {  	[tilespmem:$0x1FC00] =	vst v8;
	v29 =	vmul.f32 v44, v53;
	v11 =	vsel vm15, $0x5, v11;
	v8 =	vmax.f32 v50, v6  }
0x159: {  	vm10 =	veq.f32 v14, v24;
	v11 =	vsel vm5, $0x4, v11;
	v8 =	vmax.f32 v8, v23  }
0x15a: {  	v36 =	vmul.f32 v44, v61;
	v61 =	vsel vm10, $0x3, v11;
	v11 =	vld [tilespmem:$0x1F9B0];
	v8 =	vmax.f32 v8, v17  }
0x15b: {  	[tilespmem:$0x1FBD0] =	vst v3;
	v3 =	vmul.f32 v44, v62;
	vm15 =	veq.f32 v19, v24;
	v8 =	vmax.f32 v8, v29  }
0x15c: {  	vm9 =	veq.f32 v16, v24;
	v0 =	vsel vm15, $0x2, v61;
	v8 =	vmax.f32 v8, v36  }
0x15d: {  	[tilespmem:$0x1FC50] =	vst v18;
	v19 =	vimm.s32 $0x0;
	v0 =	vsel vm9, $0x1, v0;
	v18 =	vmax.f32 v8, v3  }
0x15e: {  	v8 =	vmul.f32 v33, v12;
	v12 =	vld [tilespmem:$0x1F9C0];
	vm11 =	veq.f32 v3, v18;
	vm1 =	veq.f32 v36, v18  }
0x15f: {  	v16 =	vld [tilespmem:$0x1F9D0];
	vm5 =	veq.f32 v29, v18;
	vm6 =	vnez.u8 v11;
	v11 =	vmul.f32 v33, v24  }
0x160: {  	vm10 =	veq.f32 v17, v18;
	vm15 =	veq.f32 v23, v18;
	v62 =	vsel vm11, $0x7, v22  }
0x161: {  	[tilespmem:$0x1FBC0] =	vst v63;
	v63 =	vsel vm3, $0x0, v8;
	v1 =	vnsel vm6, $0x0, v8;
	v2 =	vsel vm1, $0x6, v62  }
0x162: {  	vm6 =	veq.f32 v6, v18;
	vm1 =	vne.f32 v45, v18;
	v2 =	vsel vm5, $0x5, v2  }
0x163: {  	v51 =	vnsel vm1, $0xBF800000, v45;
	v2 =	vsel vm10, $0x4, v2;
	vm11 =	vne.f32 v12, v24  }
0x164: {  	vm10 =	vnez.u8 v16;
	v24 =	vimm.s32 $0x0;
	v0 =	vnsel vm11, $0x0, v0  }
0x165: {  	[tilespmem:$0x1FC80] =	vst v1;
	v1 =	vsel vm11, $0x0, v11;
	vm0 =	vmand vm11, vm9;
	v2 =	vsel vm15, $0x3, v2  }
0x166: {  	vm9 =	veq.f32 v47, v18;
	v14 =	vnsel vm0, $0x0, v11;
	v2 =	vsel vm6, $0x2, v2  }
0x167: {  	v4 =	vld [tilespmem:$0xE0];
	[tilespmem:$0x1FC70] =	vst v1;
	v1 =	vnsel vm10, $0x0, v8;
	vm5 =	vmand vm1, vm9;
	v2 =	vsel vm9, $0x1, v2  }
0x168: {  	vm0 =	veq.s32 v0, $0x2;
	[tilespmem:$0x1FC90] =	vst v14;
	v14 =	vld [tilespmem:$0x60];
	v45 =	vsel vm5, $0xBF800000, v47;
	v2 =	vnsel vm1, $0x0, v2  }
0x169: {  	v5 =	vld [tilespmem:$0x160];
	v61 =	vnsel vm0, $0x0, v11;
	v25 =	vmax.f32 v51, v45;
	vm6 =	veq.s32 v2, $0x2  }
0x16a: {  	vm11 =	veq.s32 v2, $0x3;
	vm15 =	veq.s32 v2, $0x4;
	v44 =	vsel vm6, $0xBF800000, v6;
	v6 =	vld [tilespmem:$0x1E0]  }
0x16b: {  	[tilespmem:$0x1FBF0] =	vst v7;
	v16 =	vld [tilespmem:$0x260];
	vm10 =	veq.s32 v2, $0x5;
	vm9 =	veq.s32 v2, $0x6;
	vm3 =	veq.s32 v2, $0x7  }
0x16c: {  	[tilespmem:$0x1FCA0] =	vst v1;
	v1 =	vsel vm11, $0xFFFFFFFF, v19;
	v7 =	vsel vm15, $0xFFFFFFFF, v24;
	v33 =	vsel vm15, $0xBF800000, v17;
	v17 =	vld [tilespmem:$0x2E0]  }
0x16d: {  	v23 =	vsel vm11, $0xBF800000, v23;
	v19 =	vld [tilespmem:$0x360];
	[tilespmem:$0x1FFC0] =	vst v7;
	v7 =	vmax.f32 v25, v44;
	v47 =	vmax.f32 v14, v4  }
0x16e: {  	v62 =	vsel vm10, $0xBF800000, v29;
	v25 =	vld [tilespmem:$0x3E0];
	v7 =	vmax.f32 v7, v23;
	v50 =	vmax.f32 v47, v5  }
0x16f: {  	[tilespmem:$0x1FC60] =	vst v63;
	v63 =	vsel vm9, $0xBF800000, v36;
	v7 =	vmax.f32 v7, v33;
	v53 =	vmax.f32 v50, v6  }
0x170: {  	v29 =	vsel vm3, $0xBF800000, v3;
	v36 =	vmovc v23;
	v23 =	vld [tilespmem:$0x1F9E0];
	v52 =	vmax.f32 v7, v62;
	v3 =	vmax.f32 v53, v16  }
0x171: {  	[tilespmem:$0x1FCB0] =	vst v61;
	v61 =	vld [tilespmem:$0x1FA00];
	vm15 =	veq.s32 v0, $0x3;
	v2 =	vmax.f32 v52, v63;
	v7 =	vmax.f32 v3, v17  }
0x172: {  	v47 =	vnsel vm15, $0x0, v11;
	v24 =	vmax.f32 v2, v29;
	v2 =	vmax.f32 v7, v19  }
0x173: {  	vm15 =	veq.s32 v0, $0x4;
	v52 =	vld [tilespmem:$0x1F9F0];
	v12 =	vadd.f32 v24, v18;
	v2 =	vmax.f32 v2, v25  }
0x174: {  	vm0 =	veq.s32 v0, $0x5;
	v53 =	vnsel vm15, $0x0, v11;
	v50 =	vsub.f32 v14, v2  }
0x175: {  	vm11 =	vnez.u8 v23;
	v3 =	vadd.f32 $9.999999710e-10, v12;
	v4 =	vsub.f32 v4, v2  }
0x176: {  	[tilespmem:$0x1FFB0] =	vst v1;
	vm15 =	vnez.u8 v61;
	v1 =	vnsel vm11, $0x0, v8;
	v12 =	vmul.f32 $1.442695020e+00, v50  }
0x177: {  	v5 =	vsub.f32 v5, v2;
	(erf) = vrcp.f32 v3;
	v4 =	vmul.f32 $1.442695020e+00, v4  }
0x178: {  	[tilespmem:$0x1FCD0] =	vst v47;
	vm11 =	vnez.u8 v52;
	v14 =	vnsel vm0, $0x0, v11;
	(erf) = vpow2.f32 v12  }
0x179: {  	[tilespmem:$0x1FCF0] =	vst v53;
	v23 =	vsub.f32 v6, v2;
	v47 =	vmul.f32 $1.442695020e+00, v5;
	(erf) = vpow2.f32 v4  }
0x17a: {  	[tilespmem:$0x1FCC0] =	vst v1;
	v53 =	vsub.f32 v16, v2;
	vm0 =	veq.f32 v10, v21;
	v1 =	vnsel vm11, $0x0, v8  }
0x17b: {  	v16 =	vld [tilespmem:$0x1FA10];
	vm11 =	veq.s32 v0, $0x6;
	v3 =	vmul.f32 $1.442695020e+00, v23;
	(erf) = vpow2.f32 v47  }
0x17c: {  	v10 =	vsub.f32 v17, v2;
	v61 =	vsel vm0, $0x7, v22;
	v52 =	vnsel vm11, $0x0, v11  }
0x17d: {  	vm11 =	veq.f32 v26, v21;
	v4 =	vmul.f32 $1.442695020e+00, v53;
	(erf) = vpow2.f32 v3  }
0x17e: {  	vm0 =	veq.f32 v13, v21;
	v5 =	vsel vm11, $0x6, v61;
	v12 =	vsub.f32 v19, v2;
	v19 =	vld [tilespmem:$0x1FA20]  }
0x17f: {  	vm11 =	veq.f32 v60, v21;
	v5 =	vsel vm0, $0x5, v5;
	v3 =	vmul.f32 $1.442695020e+00, v10  }
0x180: {  	[tilespmem:$0x1FD10] =	vst v14;
	v23 =	vld [tilespmem:$0x1FA30];
	v14 =	vsel vm11, $0x4, v5;
	vm0 =	veq.f32 v16, v21;
	(erf) = vpow2.f32 v4;
	v53 =	vpop (erf)  }
0x181: {  	[tilespmem:$0x1FCE0] =	vst v1;
	v1 =	vnsel vm15, $0x0, v8;
	(erf) = vpow2.f32 v3;
	v3 =	vsel vm0, $0x3, v14;
	v4 =	vpop (erf)  }
0x182: {  	v50 =	vnsel vm14, $0x0, v8;
	v60 =	vmul.f32 v20, v21;
	v2 =	vsub.f32 v25, v2;
	v6 =	vpop (erf)  }
0x183: {  	v5 =	vmul.f32 v20, v9;
	vm0 =	veq.f32 v19, v21;
	v17 =	vadd.f32 v6, v4  }
0x184: {  	[tilespmem:$0x1FD30] =	vst v52;
	v52 =	vld [tilespmem:$0x1FA40];
	v13 =	vmul.f32 $1.442695020e+00, v12;
	v2 =	vmul.f32 $1.442695020e+00, v2;
	v26 =	vsel vm0, $0x2, v3;
	v3 =	vpop (erf)  }
0x185: {  	[tilespmem:$0x1FD20] =	vst v50;
	v20 =	vld [tilespmem:$0x1FAB0];
	vm11 =	vnez.u8 v23;
	v47 =	vsel vm7, $0x0, v5;
	v50 =	vadd.f32 v17, v3  }
0x186: {  	vm15 =	veq.s32 v0, $0x7;
	v0 =	vnsel vm11, $0x0, v8;
	[tilespmem:$0x1FD60] =	vst v47;
	v47 =	vld [tilespmem:$0x1FA50];
	(erf) = vpow2.f32 v13;
	v8 =	vpop (erf)  }
0x187: {  	(erf) = vpow2.f32 v2;
	v2 =	vadd.f32 v50, v8;
	v50 =	vld [tilespmem:$0x1FA60]  }
0x188: {  	v12 =	vld [tilespmem:$0x1FA80]  }
0x189: {  	v10 =	vld [tilespmem:$0x1FA70]  }
0x18a: {  	v42 =	vmul.f32 v58, v42;
	v25 =	vnsel vm15, $0x0, v11;
	vm14 =	vnez.u8 v52  }
0x18b: {  	[tilespmem:$0x1FD00] =	vst v1;
	v1 =	vnsel vm14, $0x0, v5;
	vm7 =	vnez.u8 v20;
	vm15 =	veq.f32 v47, v21;
	v52 =	vpop (erf)  }
0x18c: {  	[tilespmem:$0x1FD40] =	vst v0;
	v14 =	vld [tilespmem:$0x1FA90];
	v0 =	vsel vm15, $0x1, v26;
	v2 =	vadd.f32 v2, v52;
	vm11 =	vne.f32 v50, v21  }
0x18d: {  	[tilespmem:$0x1FD80] =	vst v1;
	v50 =	vmul.f32 v37, v28;
	v0 =	vnsel vm11, $0x0, v0;
	v1 =	vsel vm11, $0x0, v60  }
0x18e: {  	[tilespmem:$0x1FD50] =	vst v25;
	v17 =	vld [tilespmem:$0x1FAA0];
	vm0 =	vmand vm11, vm15;
	vm15 =	vnez.u8 v10;
	vm11 =	vnez.u8 v12  }
0x18f: {  	v25 =	vld [tilespmem:$0x1FAC0];
	v10 =	vpop (erf);
	[tilespmem:$0x1FD70] =	vst v1;
	v61 =	vnsel vm0, $0x0, v60;
	vm14 =	veq.s32 v0, $0x2;
	v1 =	vnsel vm15, $0x0, v5  }
0x190: {  	v2 =	vadd.f32 v2, v10;
	vm15 =	veq.s32 v0, $0x4;
	v11 =	vnsel vm14, $0x0, v60  }
0x191: {  	[tilespmem:$0x1FDA0] =	vst v1;
	v1 =	vnsel vm11, $0x0, v5;
	vm14 =	veq.s32 v0, $0x3;
	vm11 =	vnez.u8 v14  }
0x192: {  	v16 =	vnsel vm15, $0x0, v60;
	vm15 =	veq.s32 v0, $0x5;
	v13 =	vnsel vm14, $0x0, v60  }
0x193: {  	[tilespmem:$0x1FDC0] =	vst v1;
	v1 =	vnsel vm11, $0x0, v5;
	vm14 =	vnez.u8 v17;
	v19 =	vnsel vm15, $0x0, v60  }
0x194: {  	vm11 =	veq.s32 v0, $0x6;
	vm15 =	vnez.u8 v25;
	[tilespmem:$0x1FDE0] =	vst v1;
	v1 =	vnsel vm14, $0x0, v5  }
0x195: {  	v23 =	vnsel vm11, $0x0, v60;
	vm14 =	veq.f32 v43, v41;
	vm11 =	veq.f32 v40, v41  }
0x196: {  	[tilespmem:$0x1FE00] =	vst v1;
	v1 =	vnsel vm7, $0x0, v5;
	v5 =	vnsel vm15, $0x0, v5;
	v26 =	vsel vm14, $0x7, v22  }
0x197: {  	[tilespmem:$0x1FDB0] =	vst v11;
	v11 =	vpop (erf);
	vm7 =	veq.f32 v32, v41;
	vm14 =	veq.s32 v0, $0x7;
	vm15 =	veq.f32 v39, v41  }
0x198: {  	v12 =	vld [tilespmem:$0x1FB10];
	v39 =	vsel vm4, $0x0, v50;
	v2 =	vadd.f32 v2, v11;
	[tilespmem:$0x1FE40] =	vst v5;
	v5 =	vsel vm7, $0x6, v26  }
0x199: {  	[tilespmem:$0x1FE30] =	vst v23;
	v23 =	vld [tilespmem:$0x1FAD0];
	v0 =	vnsel vm14, $0x0, v60;
	vm7 =	veq.f32 v38, v41;
	v60 =	vmul.f32 v37, v41  }
0x19a: {  	v21 =	vpop (erf);
	vm14 =	veq.f32 v15, v41;
	v26 =	vld [tilespmem:$0x1FAE0];
	v43 =	vsel vm11, $0x5, v5;
	vm11 =	veq.f32 v35, v41  }
0x19b: {  	v2 =	vadd.f32 v2, v21;
	v47 =	vsel vm15, $0x4, v43;
	vm15 =	vne.f32 v30, v41  }
0x19c: {  	[tilespmem:$0x1FE50] =	vst v0;
	v35 =	vld [tilespmem:$0x1FB00];
	v0 =	vsel vm7, $0x3, v47;
	v22 =	vsel vm15, $0x0, v60;
	vm0 =	vmand vm15, vm14  }
0x19d: {  	v30 =	vld [tilespmem:$0x1FAF0];
	vm7 =	vnez.u8 v12;
	(erf) = vrcp.f32 v2;
	v0 =	vsel vm11, $0x2, v0  }
0x19e: {  	v20 =	vld [tilespmem:$0x1FB30];
	vm11 =	vnez.u8 v23;
	v25 =	vnsel vm0, $0x0, v60;
	v0 =	vsel vm14, $0x1, v0  }
0x19f: {  	[tilespmem:$0x1FE60] =	vst v22;
	v7 =	vnsel vm11, $0x0, v50;
	v0 =	vnsel vm15, $0x0, v0;
	vm15 =	vnez.u8 v26  }
0x1a0: {  	v15 =	vld [tilespmem:$0x1FB20];
	v22 =	vimm.s32 $0x8;
	[tilespmem:$0x1FE70] =	vst v7;
	vm14 =	veq.s32 v0, $0x2;
	v7 =	vnsel vm15, $0x0, v50  }
0x1a1: {  	[tilespmem:$0x1FD90] =	vst v61;
	vm11 =	veq.s32 v0, $0x3;
	vm15 =	vnez.u8 v35;
	vm4 =	veq.s32 v0, $0x4  }
0x1a2: {  	[tilespmem:$0x1FDF0] =	vst v16;
	v28 =	vnsel vm14, $0x0, v60;
	vm14 =	vnez.u8 v30;
	v32 =	vnsel vm11, $0x0, v60  }
0x1a3: {  	[tilespmem:$0x1FE20] =	vst v1;
	v61 =	vnsel vm4, $0x0, v60;
	vm11 =	veq.s32 v0, $0x5;
	vm4 =	vnez.u8 v20  }
0x1a4: {  	[tilespmem:$0x1FE90] =	vst v7;
	v30 =	vsel vm2, $0x0, v42;
	v7 =	vnsel vm14, $0x0, v50;
	v14 =	vnsel vm11, $0x0, v60  }
0x1a5: {  	[tilespmem:$0x1FEC0] =	vst v32;
	vm14 =	vnez.u8 v15;
	v1 =	vnsel vm4, $0x0, v50;
	vm11 =	veq.f32 v57, v55  }
0x1a6: {  	v32 =	vnsel vm8, $0x0, v42;
	[tilespmem:$0x1FEB0] =	vst v7;
	v7 =	vnsel vm15, $0x0, v50;
	vm15 =	veq.s32 v0, $0x6;
	v37 =	vpop (erf)  }
0x1a7: {  	[tilespmem:$0x1FE10] =	vst v19;
	v19 =	vnsel vm15, $0x0, v60;
	v38 =	vmul.f32 v37, v4;
	v6 =	vmul.f32 v37, v6  }
0x1a8: {  	[tilespmem:$0x1FF20] =	vst v19;
	v19 =	vimm.s32 $0x8;
	v4 =	vnsel vm7, $0x0, v50;
	v16 =	vmul.f32 v37, v3  }
0x1a9: {  	[tilespmem:$0x1FDD0] =	vst v13;
	v40 =	vld [tilespmem:$0x70];
	v12 =	vmul.f32 v37, v8;
	v52 =	vmul.f32 v37, v52;
	v13 =	vmax.f32 v38, v6  }
0x1aa: {  	v43 =	vld [tilespmem:$0xF0];
	v3 =	vnsel vm14, $0x0, v50;
	v9 =	vmul.f32 v37, v10;
	v8 =	vmax.f32 v13, v16  }
0x1ab: {  	[tilespmem:$0x1FF00] =	vst v14;
	v14 =	vmul.f32 v37, v11;
	v15 =	vmul.f32 v37, v21;
	v8 =	vmax.f32 v8, v12  }
0x1ac: {  	vm7 =	veq.f32 v59, v55;
	vm14 =	veq.f32 v56, v55;
	v8 =	vmax.f32 v8, v52  }
0x1ad: {  	v37 =	vnsel vm12, $0x0, v42;
	v23 =	vsel vm7, $0x7, v22;
	v8 =	vmax.f32 v8, v9  }
0x1ae: {  	[tilespmem:$0x1FEF0] =	vst v4;
	v4 =	vmul.f32 v58, v55;
	v21 =	vmax.f32 v8, v14;
	v8 =	vsel vm11, $0x6, v23  }
0x1af: {  	v41 =	vld [tilespmem:$0x1FB40];
	v23 =	vmax.f32 v40, v43;
	v13 =	vmax.f32 v21, v15;
	v8 =	vsel vm14, $0x5, v8  }
0x1b0: {  	vm14 =	veq.f32 v54, v55;
	vm15 =	veq.f32 v15, v13;
	vm11 =	veq.f32 v14, v13  }
0x1b1: {  	v8 =	vsel vm14, $0x4, v8;
	vm14 =	veq.f32 v49, v55;
	vm4 =	vne.f32 v38, v13  }
0x1b2: {  	[tilespmem:$0x1FE80] =	vst v25;
	v25 =	vsel vm15, $0x7, v22;
	vm15 =	veq.f32 v9, v13;
	v8 =	vsel vm14, $0x3, v8  }
0x1b3: {  	vm14 =	veq.f32 v48, v55;
	v54 =	vnsel vm4, $0xBF800000, v38;
	v38 =	vnsel vm13, $0x0, v42  }
0x1b4: {  	vm13 =	vnez.u8 v41;
	v11 =	vsel vm11, $0x6, v25;
	vm11 =	veq.f32 v52, v13  }
0x1b5: {  	v26 =	vsel vm14, $0x2, v8;
	vm14 =	vne.f32 v34, v55;
	v11 =	vsel vm15, $0x5, v11  }
0x1b6: {  	v17 =	vld [tilespmem:$0x1FB50];
	v59 =	vnsel vm13, $0x0, v42;
	vm15 =	veq.f32 v12, v13;
	v11 =	vsel vm11, $0x4, v11  }
0x1b7: {  	v22 =	vld [tilespmem:$0x1FB60];
	v34 =	vsel vm14, $0x0, v4;
	vm11 =	veq.s32 v0, $0x7;
	v11 =	vsel vm15, $0x3, v11  }
0x1b8: {  	vm15 =	veq.f32 v16, v13;
	v47 =	vnsel vm11, $0x0, v60;
	vm11 =	veq.f32 v46, v55  }
0x1b9: {  	[tilespmem:$0x1FEA0] =	vst v28;
	v28 =	vsel vm15, $0x2, v11;
	v0 =	vsel vm11, $0x1, v26;
	vm15 =	veq.f32 v6, v13  }
0x1ba: {  	[tilespmem:$0x1FEE0] =	vst v61;
	vm0 =	vmand vm14, vm11;
	v0 =	vnsel vm14, $0x0, v0;
	v5 =	vsel vm15, $0x1, v28  }
0x1bb: {  	[tilespmem:$0x1FF40] =	vst v30;
	v30 =	vld [tilespmem:$0x1FB70];
	v61 =	vnsel vm0, $0x0, v4;
	vm0 =	vmand vm4, vm15;
	vm14 =	vnez.u8 v17  }
0x1bc: {  	[tilespmem:$0x1FED0] =	vst v7;
	v7 =	vld [tilespmem:$0x170];
	vm15 =	vnez.u8 v22;
	v35 =	vnsel vm4, $0x0, v5;
	vm8 =	veq.s32 v0, $0x2  }
0x1bd: {  	[tilespmem:$0x1FF30] =	vst v1;
	v10 =	vld [tilespmem:$0x370];
	v50 =	vsel vm0, $0xBF800000, v6;
	vm11 =	veq.s32 v0, $0x3;
	vm12 =	veq.s32 v0, $0x4  }
0x1be: {  	[tilespmem:$0x1FF70] =	vst v37;
	v37 =	vld [tilespmem:$0x1FB90];
	vm7 =	veq.s32 v0, $0x5;
	v1 =	vnsel vm14, $0x0, v42;
	v58 =	vnsel vm15, $0x0, v42  }
0x1bf: {  	v41 =	vld [tilespmem:$0x1FBA0];
	v60 =	vnsel vm8, $0x0, v4;
	v57 =	vnsel vm11, $0x0, v4;
	vm2 =	veq.s32 v35, $0x2  }
0x1c0: {  	v8 =	vld [tilespmem:$0x270];
	vm8 =	veq.s32 v35, $0x3;
	v56 =	vnsel vm12, $0x0, v4;
	vm12 =	veq.s32 v35, $0x4  }
0x1c1: {  	v11 =	vld [tilespmem:$0x3F0];
	v20 =	vnsel vm7, $0x0, v4;
	vm13 =	veq.s32 v35, $0x5;
	v21 =	vmax.f32 v54, v50  }
0x1c2: {  	v6 =	vld [tilespmem:$0x1F0];
	vm14 =	veq.s32 v35, $0x6;
	vm15 =	veq.s32 v35, $0x7;
	vm11 =	veq.s32 v0, $0x6  }
0x1c3: {  	vm7 =	veq.s32 v0, $0x7;
	v35 =	vld [tilespmem:$0x1FB80];
	v48 =	vsel vm2, $0xBF800000, v16;
	v55 =	vsel vm8, $0xBF800000, v12  }
0x1c4: {  	v17 =	vsel vm12, $0xBF800000, v52;
	v16 =	vsel vm13, $0xBF800000, v9;
	v9 =	vld [tilespmem:$0x2F0];
	v12 =	vsel vm14, $0xBF800000, v14  }
0x1c5: {  	[tilespmem:$0x1FF60] =	vst v32;
	v52 =	vmax.f32 v23, v7;
	v46 =	vnsel vm11, $0x0, v4;
	vm11 =	vnez.u8 v30;
	v30 =	vld [tilespmem:$0x1FBE0]  }
0x1c6: {  	[tilespmem:$0x1FF90] =	vst v1;
	v32 =	vnsel vm7, $0x0, v4;
	v1 =	vmax.f32 v21, v48;
	v0 =	vnsel vm11, $0x0, v42;
	v42 =	vld [tilespmem:$0x1FBB0]  }
0x1c7: {  	v14 =	vsel vm15, $0xBF800000, v15;
	[tilespmem:$0x1FFE0] =	vst v32;
	vm11 =	veq.f32 v29, v24;
	v32 =	vld [tilespmem:$0x1FBF0];
	v1 =	vmax.f32 v1, v55  }
0x1c8: {  	v4 =	vsel vm11, $0x7, v19;
	vm11 =	veq.f32 v63, v24;
	v15 =	vadd.f32 v37, v35;
	v35 =	vld [tilespmem:$0x1FC10]  }
0x1c9: {  	v52 =	vmax.f32 v52, v6;
	v4 =	vsel vm11, $0x6, v4;
	vm11 =	veq.f32 v62, v24;
	v37 =	vld [tilespmem:$0x1FC20]  }
0x1ca: {  	v25 =	vmax.f32 v52, v8;
	v4 =	vsel vm11, $0x5, v4;
	vm11 =	veq.f32 v33, v24;
	v33 =	vld [tilespmem:$0x1FD80]  }
0x1cb: {  	v1 =	vmax.f32 v1, v17;
	v52 =	vmax.f32 v25, v9;
	v25 =	vld [tilespmem:$0x1FBC0]  }
0x1cc: {  	v1 =	vmax.f32 v1, v16;
	v29 =	vadd.f32 v41, v42;
	v41 =	vld [tilespmem:$0x1FC40]  }
0x1cd: {  	v1 =	vmax.f32 v1, v12;
	v42 =	vld [tilespmem:$0x1FC50]  }
0x1ce: {  	[tilespmem:$0x1FFA0] =	vst v20;
	v49 =	vmax.f32 v1, v14;
	v26 =	vmax.f32 v52, v10;
	v20 =	vadd.f32 v32, v30;
	v32 =	vld [tilespmem:$0x1FC70]  }
0x1cf: {  	v1 =	vmax.f32 v26, v11;
	v28 =	vadd.f32 v49, v13;
	v26 =	vld [tilespmem:$0x1FBD0]  }
0x1d0: {  	[tilespmem:$0x1FF50] =	vst v34;
	v34 =	vsub.f32 v40, v1;
	v52 =	vsub.f32 v6, v1;
	v6 =	vld [tilespmem:$0x1FCF0]  }
0x1d1: {  	[tilespmem:$0x1FF10] =	vst v3;
	v3 =	vsub.f32 v43, v1;
	v30 =	vsub.f32 v9, v1;
	v9 =	vld [tilespmem:$0x1FD00]  }
0x1d2: {  	[tilespmem:$0x1FFD0] =	vst v0;
	v40 =	vsub.f32 v7, v1;
	v2 =	vadd.f32 $9.999999710e-10, v28;
	v0 =	vmul.f32 $1.442695020e+00, v34;
	v34 =	vld [tilespmem:$0x1FC00]  }
0x1d3: {  	[tilespmem:$0x1FF80] =	vst v38;
	v38 =	vmul.f32 $1.442695020e+00, v3;
	v23 =	vadd.f32 v42, v41;
	v41 =	vld [tilespmem:$0x1FCC0]  }
0x1d4: {  	v28 =	vmul.f32 $1.442695020e+00, v40;
	v40 =	vsub.f32 v8, v1;
	(erf) = vrcp.f32 v2;
	v42 =	vld [tilespmem:$0x1FCD0]  }
0x1d5: {  	(erf) = vpow2.f32 v0;
	v19 =	vadd.f32 v25, v26;
	v26 =	vadd.f32 v31, v27;
	v31 =	vld [tilespmem:$0x1FC60]  }
0x1d6: {  	v0 =	vmul.f32 $1.442695020e+00, v52;
	v52 =	vmul.f32 $1.442695020e+00, v40;
	v40 =	vld [tilespmem:$0x1FCB0]  }
0x1d7: {  	(erf) = vpow2.f32 v38;
	v38 =	vld [tilespmem:$0x1FC30]  }
0x1d8: {  	(erf) = vpow2.f32 v28;
	v21 =	vadd.f32 v35, v34;
	v34 =	vld [tilespmem:$0x1FC80]  }
0x1d9: {  	(erf) = vpow2.f32 v0;
	v35 =	vld [tilespmem:$0x1FC90]  }
0x1da: {  	(erf) = vpow2.f32 v52;
	v52 =	vld [tilespmem:$0x1FCE0]  }
0x1db: {  	v10 =	vsub.f32 v10, v1;
	v25 =	vadd.f32 v32, v31;
	v32 =	vld [tilespmem:$0x1FD10]  }
0x1dc: {  	v22 =	vadd.f32 v38, v37;
	v38 =	vld [tilespmem:$0x1FCA0]  }
0x1dd: {  	v10 =	vmul.f32 $1.442695020e+00, v10;
	v37 =	vmul.f32 $1.442695020e+00, v30;
	v30 =	vadd.f32 v42, v41;
	v41 =	vld [tilespmem:$0x1FD60]  }
0x1de: {  	v42 =	vld [tilespmem:$0x1FD70]  }
0x1df: {  	v27 =	vadd.f32 v35, v34;
	v63 =	vpop (erf);
	v34 =	vld [tilespmem:$0x1FD20]  }
0x1e0: {  	v7 =	vsub.f32 v11, v1;
	(erf) = vpow2.f32 v37;
	v35 =	vld [tilespmem:$0x1FD30];
	v11 =	vpop (erf)  }
0x1e1: {  	(erf) = vpow2.f32 v10;
	v10 =	vpop (erf);
	v28 =	vadd.f32 v40, v38;
	v38 =	vld [tilespmem:$0x1FD40]  }
0x1e2: {  	v0 =	vmul.f32 $1.442695020e+00, v7;
	v37 =	vadd.f32 v10, v11;
	v40 =	vld [tilespmem:$0x1FD50]  }
0x1e3: {  	v31 =	vadd.f32 v6, v52;
	v6 =	vld [tilespmem:$0x1FDF0];
	v32 =	vadd.f32 v32, v9;
	v9 =	vpop (erf)  }
0x1e4: {  	(erf) = vpow2.f32 v0;
	v0 =	vadd.f32 v37, v9;
	v37 =	vld [tilespmem:$0x1FD90]  }
0x1e5: {  	v35 =	vadd.f32 v35, v34;
	v34 =	vadd.f32 v42, v41;
	v41 =	vld [tilespmem:$0x1FDC0]  }
0x1e6: {  	v42 =	vld [tilespmem:$0x1FDD0]  }
0x1e7: {  	v62 =	vadd.f32 v40, v38;
	v38 =	vld [tilespmem:$0x1FDA0]  }
0x1e8: {  	v52 =	vsel vm11, $0x4, v4;
	vm11 =	veq.f32 v36, v24;
	v40 =	vld [tilespmem:$0x1FDB0]  }
0x1e9: {  	v1 =	vsel vm11, $0x3, v52;
	v52 =	vld [tilespmem:$0x1FDE0]  }
0x1ea: {  	v7 =	vld [tilespmem:$0x1FE00]  }
0x1eb: {  	v36 =	vld [tilespmem:$0x1FE10]  }
0x1ec: {  	vm11 =	veq.f32 v44, v24;
	v44 =	vld [tilespmem:$0x1FE30];
	v33 =	vadd.f32 v37, v33  }
0x1ed: {  	v37 =	vadd.f32 v40, v38;
	v40 =	vadd.f32 v42, v41;
	v41 =	vld [tilespmem:$0x1FE20]  }
0x1ee: {  	v38 =	vadd.f32 v6, v52;
	v52 =	vld [tilespmem:$0x1FE40]  }
0x1ef: {  	v6 =	vld [tilespmem:$0x1FE50]  }
0x1f0: {  	v8 =	vpop (erf)  }
0x1f1: {  	v0 =	vadd.f32 v0, v8  }
0x1f2: {  	v18 =	vmul.f32 v53, v18;
	v42 =	vadd.f32 v36, v7;
	v7 =	vpop (erf)  }
0x1f3: {  	v1 =	vsel vm11, $0x2, v1;
	vm11 =	vne.f32 v51, v24;
	v0 =	vadd.f32 v0, v7  }
0x1f4: {  	v36 =	vsel vm1, $0x0, v18;
	v41 =	vadd.f32 v44, v41;
	v44 =	vadd.f32 v6, v52;
	v6 =	vpop (erf)  }
0x1f5: {  	vm1 =	veq.f32 v45, v24;
	v52 =	vadd.f32 v0, v6;
	v0 =	vmul.f32 v53, v24;
	v24 =	vld [tilespmem:$0x1FE60];
	_ =	sdelay $0x1  }
0x1f6: {  	v51 =	vld [tilespmem:$0x1FEA0]  }
0x1f7: {  	v45 =	vld [tilespmem:$0x1FE90]  }
0x1f8: {  	[tilespmem:$0x1FFF0] =	vst v36;
	v36 =	vld [tilespmem:$0x1FE70]  }
0x1f9: {  	v24 =	vadd.f32 v24, v39;
	v39 =	vld [tilespmem:$0x1FE80];
	_ =	sdelay $0x3  }
0x1fa: {  	v53 =	vld [tilespmem:$0x1FEB0]  }
0x1fb: {  	v36 =	vadd.f32 v39, v36;
	v39 =	vadd.f32 v51, v45;
	v45 =	vld [tilespmem:$0x1FEC0];
	_ =	sdelay $0x2  }
0x1fc: {  	v1 =	vsel vm1, $0x1, v1;
	v5 =	vpop (erf)  }
0x1fd: {  	vm1 =	vmand vm11, vm1;
	v1 =	vnsel vm11, $0x0, v1;
	v2 =	vadd.f32 v52, v5;
	v51 =	vld [tilespmem:$0x1FED0]  }
0x1fe: {  	v52 =	vsel vm11, $0x0, v0;
	vm11 =	veq.f32 v14, v49;
	v14 =	vadd.f32 v45, v53;
	v53 =	vld [tilespmem:$0x1FEE0];
	_ =	sdelay $0x2  }
0x1ff: {  	v4 =	vpop (erf)  }
0x200: {  	v43 =	vimm.s32 $0x8;
	v2 =	vadd.f32 v2, v4;
	v45 =	vld [tilespmem:$0x1FEF0]  }
0x201: {  	v3 =	vsel vm11, $0x7, v43;
	v43 =	vadd.f32 v53, v51;
	v51 =	vld [tilespmem:$0x1FF00]  }
0x202: {  	(erf) = vrcp.f32 v2  }
0x203: {  	v56 =	vadd.f32 v56, v59;
	v59 =	vld [tilespmem:$0x1FFA0]  }
0x204: {  	[tilespmem:$0x400] =	vst v15;
	v15 =	vld [tilespmem:$0x1FF80]  }
0x205: {  	v53 =	vld [tilespmem:$0x1FF20]  }
0x206: {  	v45 =	vadd.f32 v51, v45;
	v51 =	vld [tilespmem:$0x1FF10]  }
0x207: {  	[tilespmem:$0x500] =	vst v19;
	v19 =	vld [tilespmem:$0x1FF90];
	_ =	sdelay $0x1  }
0x208: {  	vm7 =	veq.f32 v55, v49;
	[tilespmem:$0x780] =	vst v26;
	vm11 =	veq.f32 v12, v49;
	v12 =	vld [tilespmem:$0x1FF60]  }
0x209: {  	v57 =	vadd.f32 v57, v15;
	v15 =	vnsel vm10, $0x0, v18;
	[tilespmem:$0x600] =	vst v21;
	v21 =	vadd.f32 v46, v58  }
0x20a: {  	[tilespmem:$0x680] =	vst v22;
	v13 =	vmul.f32 v63, v13;
	v26 =	vmul.f32 v63, v49;
	v58 =	vpop (erf);
	v53 =	vadd.f32 v53, v51;
	v51 =	vld [tilespmem:$0x1FF30]  }
0x20b: {  	v59 =	vadd.f32 v59, v19;
	[tilespmem:$0x490] =	vst v27;
	v11 =	vmul.f32 v58, v11;
	v10 =	vmul.f32 v58, v10  }
0x20c: {  	[tilespmem:$0x610] =	vst v31;
	v27 =	vsel vm4, $0x0, v13;
	v31 =	vnsel vm0, $0x0, v13;
	v22 =	vmul.f32 v58, v9  }
0x20d: {  	v61 =	vadd.f32 v61, v12;
	v12 =	vld [tilespmem:$0x1FF70];
	v8 =	vmul.f32 v58, v8;
	v55 =	vmax.f32 v11, v10  }
0x20e: {  	v63 =	vnsel vm2, $0x0, v13;
	v2 =	vld [tilespmem:$0x1FF40];
	v7 =	vmul.f32 v58, v7;
	v9 =	vmax.f32 v55, v22  }
0x20f: {  	v6 =	vmul.f32 v58, v6;
	v9 =	vmax.f32 v9, v8;
	v47 =	vadd.f32 v47, v51;
	v51 =	vld [tilespmem:$0x1FF50]  }
0x210: {  	[tilespmem:$0x5C0] =	vst v57;
	v57 =	vnsel vm12, $0x0, v13;
	v5 =	vmul.f32 v58, v5;
	v9 =	vmax.f32 v9, v7  }
0x211: {  	v19 =	vld [tilespmem:$0x1FFC0];
	[tilespmem:$0x4A0] =	vst v33;
	v33 =	vnsel vm15, $0x0, v13;
	v4 =	vmul.f32 v58, v4;
	v9 =	vmax.f32 v9, v6  }
0x212: {  	vm10 =	veq.s32 v1, $0x3;
	v12 =	vadd.f32 v60, v12;
	v9 =	vmax.f32 v9, v5  }
0x213: {  	v60 =	vnsel vm5, $0x0, v18;
	v9 =	vmax.f32 v9, v4;
	[tilespmem:$0x730] =	vst v53;
	v53 =	vnsel vm8, $0x0, v13  }
0x214: {  	v51 =	vadd.f32 v51, v2;
	v2 =	vsel vm11, $0x6, v3;
	vm11 =	veq.f32 v16, v49  }
0x215: {  	[tilespmem:$0x640] =	vst v56;
	v16 =	vnsel vm1, $0x0, v0;
	vm1 =	veq.f32 v17, v49;
	v3 =	vnsel vm6, $0x0, v18;
	v17 =	vld [tilespmem:$0x1FFB0]  }
0x216: {  	[tilespmem:$0x480] =	vst v29;
	vm6 =	vnez.u8 v19;
	v2 =	vsel vm11, $0x5, v2;
	vm11 =	veq.s32 v1, $0x2  }
0x217: {  	[tilespmem:$0x580] =	vst v20;
	v19 =	vnsel vm6, $0x0, v18;
	vm6 =	veq.s32 v1, $0x6;
	v16 =	vadd.f32 v16, v60  }
0x218: {  	[tilespmem:$0x700] =	vst v23;
	v60 =	vnsel vm13, $0x0, v13;
	v29 =	vnsel vm11, $0x0, v0;
	v20 =	vsel vm1, $0x4, v2  }
0x219: {  	[tilespmem:$0x410] =	vst v25;
	v2 =	vnsel vm9, $0x0, v18;
	vm11 =	veq.s32 v1, $0x4;
	vm9 =	veq.s32 v1, $0x7  }
0x21a: {  	[tilespmem:$0x740] =	vst v21;
	v25 =	vnsel vm6, $0x0, v0;
	vm6 =	veq.f32 v7, v9;
	vm5 =	vnez.u8 v17  }
0x21b: {  	[tilespmem:$0x590] =	vst v30;
	v3 =	vadd.f32 v29, v3;
	v17 =	vnsel vm3, $0x0, v18;
	v46 =	vnsel vm5, $0x0, v18  }
0x21c: {  	[tilespmem:$0x6C0] =	vst v59;
	v18 =	vsel vm7, $0x3, v20;
	vm5 =	veq.s32 v1, $0x5;
	v1 =	vnsel vm10, $0x0, v0  }
0x21d: {  	[tilespmem:$0x690] =	vst v32;
	vm10 =	veq.f32 v48, v49;
	v20 =	vnsel vm11, $0x0, v0;
	vm11 =	veq.f32 v50, v49  }
0x21e: {  	[tilespmem:$0x440] =	vst v51;
	v51 =	vld [tilespmem:$0x1FFF0];
	v48 =	vimm.s32 $0x8;
	v23 =	vnsel vm5, $0x0, v0;
	vm5 =	vne.f32 v54, v49  }
0x21f: {  	[tilespmem:$0x510] =	vst v28;
	v0 =	vnsel vm9, $0x0, v0;
	v18 =	vsel vm10, $0x2, v18;
	vm9 =	veq.f32 v4, v9  }
0x220: {  	[tilespmem:$0x710] =	vst v35;
	vm10 =	veq.f32 v5, v9;
	v18 =	vsel vm11, $0x1, v18;
	v58 =	vsel vm9, $0x7, v48  }
0x221: {  	[tilespmem:$0x420] =	vst v34;
	vm1 =	vmand vm5, vm11;
	vm11 =	veq.f32 v6, v9;
	v28 =	vsel vm10, $0x6, v58  }
0x222: {  	[tilespmem:$0x790] =	vst v62;
	v2 =	vadd.f32 v25, v2;
	vm7 =	veq.f32 v8, v9;
	v28 =	vsel vm11, $0x5, v28  }
0x223: {  	[tilespmem:$0x520] =	vst v37;
	v34 =	vadd.f32 v52, v51;
	v1 =	vadd.f32 v1, v46;
	v28 =	vsel vm6, $0x4, v28  }
0x224: {  	[tilespmem:$0x5A0] =	vst v40;
	v19 =	vadd.f32 v20, v19;
	vm9 =	veq.f32 v22, v9;
	v28 =	vsel vm7, $0x3, v28  }
0x225: {  	[tilespmem:$0x620] =	vst v38;
	v30 =	vsel vm5, $0x0, v26;
	vm10 =	veq.f32 v10, v9;
	v28 =	vsel vm9, $0x2, v28  }
0x226: {  	[tilespmem:$0x6A0] =	vst v42;
	v18 =	vnsel vm5, $0x0, v18;
	vm6 =	vne.f32 v11, v9;
	v40 =	vsel vm10, $0x1, v28  }
0x227: {  	[tilespmem:$0x430] =	vst v24;
	v62 =	vnsel vm1, $0x0, v26;
	vm7 =	vmand vm6, vm10;
	v24 =	vnsel vm6, $0x0, v40  }
0x228: {  	[tilespmem:$0x720] =	vst v41;
	v11 =	vnsel vm6, $0xBF800000, v11;
	v10 =	vsel vm7, $0xBF800000, v10;
	vm5 =	veq.s32 v24, $0x2  }
0x229: {  	[tilespmem:$0x7A0] =	vst v44;
	v44 =	vmax.f32 v11, v10;
	vm4 =	veq.s32 v24, $0x3;
	v42 =	vsel vm5, $0xBF800000, v22  }
0x22a: {  	[tilespmem:$0x4C0] =	vst v61;
	vm3 =	veq.s32 v24, $0x4;
	v8 =	vsel vm4, $0xBF800000, v8;
	v22 =	vmax.f32 v44, v42  }
0x22b: {  	[tilespmem:$0x4B0] =	vst v36;
	vm2 =	veq.s32 v24, $0x5;
	v7 =	vsel vm3, $0xBF800000, v7;
	v22 =	vmax.f32 v22, v8  }
0x22c: {  	[tilespmem:$0x530] =	vst v39;
	vm1 =	veq.s32 v24, $0x6;
	v6 =	vsel vm2, $0xBF800000, v6;
	v22 =	vmax.f32 v22, v7  }
0x22d: {  	[tilespmem:$0x540] =	vst v12;
	vm0 =	veq.s32 v24, $0x7;
	v5 =	vsel vm1, $0xBF800000, v5;
	v22 =	vmax.f32 v22, v6  }
0x22e: {  	[tilespmem:$0x5B0] =	vst v14;
	v15 =	vadd.f32 v23, v15;
	v4 =	vsel vm0, $0xBF800000, v4;
	v22 =	vmax.f32 v22, v5  }
0x22f: {  	[tilespmem:$0x630] =	vst v43;
	v0 =	vadd.f32 v0, v17;
	v59 =	vadd.f32 v30, v27;
	v22 =	vmax.f32 v22, v4  }
0x230: {  	[tilespmem:$0x6B0] =	vst v45;
	vm11 =	veq.s32 v18, $0x2;
	vm8 =	veq.s32 v18, $0x3;
	v54 =	vadd.f32 v22, v9  }
0x231: {  	[tilespmem:$0x7B0] =	vst v47;
	vm12 =	veq.s32 v18, $0x4;
	v62 =	vadd.f32 v62, v31;
	vm13 =	veq.s32 v18, $0x6  }
0x232: {  	[tilespmem:$0x4D0] =	vst v16;
	v41 =	vnsel vm11, $0x0, v26;
	v55 =	vnsel vm8, $0x0, v26;
	v35 =	vadd.f32 $9.999999710e-10, v54  }
0x233: {  	[tilespmem:$0x550] =	vst v3;
	v58 =	vnsel vm12, $0x0, v26;
	vm12 =	veq.s32 v18, $0x5;
	v31 =	vnsel vm13, $0x0, v26  }
0x234: {  	[tilespmem:$0x750] =	vst v2;
	v28 =	vnsel vm14, $0x0, v13;
	vm14 =	veq.f32 v4, v22;
	(erf) = vrcp.f32 v35  }
0x235: {  	[tilespmem:$0x450] =	vst v34;
	v61 =	vnsel vm12, $0x0, v26;
	vm13 =	veq.f32 v5, v22;
	v34 =	vsel vm14, $0x7, v48  }
0x236: {  	v50 =	vld [tilespmem:$0x1FFE0];
	[tilespmem:$0x5D0] =	vst v1;
	v63 =	vadd.f32 v41, v63;
	vm14 =	veq.f32 v6, v22;
	v36 =	vsel vm13, $0x6, v34  }
0x237: {  	v49 =	vld [tilespmem:$0x1FFD0];
	[tilespmem:$0x650] =	vst v19;
	vm12 =	veq.s32 v18, $0x7;
	vm15 =	veq.f32 v7, v22;
	v38 =	vsel vm14, $0x5, v36  }
0x238: {  	[tilespmem:$0x6D0] =	vst v15;
	v35 =	vnsel vm12, $0x0, v26;
	vm12 =	veq.f32 v8, v22;
	v39 =	vsel vm15, $0x4, v38  }
0x239: {  	[tilespmem:$0x7D0] =	vst v0;
	v12 =	vadd.f32 v55, v53;
	vm13 =	veq.f32 v42, v22;
	v0 =	vsel vm12, $0x3, v39  }
0x23a: {  	[tilespmem:$0x460] =	vst v59;
	v30 =	vadd.f32 v58, v57;
	vm14 =	veq.f32 v10, v22;
	v0 =	vsel vm13, $0x2, v0  }
0x23b: {  	[tilespmem:$0x4E0] =	vst v62;
	v20 =	vadd.f32 v61, v60;
	vm15 =	vne.f32 v11, v22;
	v0 =	vsel vm14, $0x1, v0  }
0x23c: {  	[tilespmem:$0x560] =	vst v63;
	v32 =	vadd.f32 v31, v28;
	v24 =	vadd.f32 v50, v49;
	v0 =	vnsel vm15, $0x0, v0  }
0x23d: {  	[tilespmem:$0x5E0] =	vst v12;
	v37 =	vadd.f32 v35, v33;
	vm9 =	vmand vm15, vm14;
	vm10 =	veq.s32 v0, $0x2;
	v40 =	vpop (erf)  }
0x23e: {  	[tilespmem:$0x660] =	vst v30;
	vm11 =	veq.s32 v0, $0x3;
	v41 =	vmul.f32 v40, v9;
	v4 =	vmul.f32 v40, v22  }
0x23f: {  	[tilespmem:$0x6E0] =	vst v20;
	vm12 =	veq.s32 v0, $0x4;
	vm13 =	veq.s32 v0, $0x5;
	vm14 =	veq.s32 v0, $0x6  }
0x240: {  	[tilespmem:$0x760] =	vst v32;
	v42 =	vsel vm6, $0x0, v41;
	v43 =	vsel vm15, $0x0, v4;
	v44 =	vnsel vm7, $0x0, v41  }
0x241: {  	[tilespmem:$0x7C0] =	vst v24;
	v45 =	vnsel vm9, $0x0, v4;
	v48 =	vnsel vm5, $0x0, v41;
	v46 =	vadd.f32 v43, v42  }
0x242: {  	[tilespmem:$0x7E0] =	vst v37;
	v49 =	vnsel vm10, $0x0, v4;
	v50 =	vnsel vm4, $0x0, v41;
	v47 =	vadd.f32 v45, v44  }
0x243: {  	v51 =	vnsel vm11, $0x0, v4;
	v53 =	vnsel vm3, $0x0, v41;
	v1 =	vadd.f32 v49, v48;
	[tilespmem:$0x470] =	vst v46  }
0x244: {  	v54 =	vnsel vm12, $0x0, v4;
	v55 =	vnsel vm2, $0x0, v41;
	v52 =	vadd.f32 v51, v50;
	[tilespmem:$0x4F0] =	vst v47  }
0x245: {  	v56 =	vnsel vm13, $0x0, v4;
	v59 =	vnsel vm1, $0x0, v41;
	v57 =	vadd.f32 v54, v53;
	[tilespmem:$0x570] =	vst v1  }
0x246: {  	v60 =	vnsel vm14, $0x0, v4;
	vm15 =	veq.s32 v0, $0x7;
	v58 =	vadd.f32 v56, v55;
	[tilespmem:$0x5F0] =	vst v52  }
0x247: {  	v62 =	vnsel vm0, $0x0, v41;
	v61 =	vadd.f32 v60, v59;
	v63 =	vnsel vm15, $0x0, v4;
	[tilespmem:$0x670] =	vst v57  }
0x248: {  	[tilespmem:$0x6F0] =	vst v58;
	v1 =	vadd.f32 v63, v62  }
0x249: {  	p0 =	sne.s32 s5, $0x1;
	[tilespmem:$0x770] =	vst v61  }
.Ltmp0:
0x24a: {  	[tilespmem:$0x7F0] =	vst v1;
	(pc) =	sbr.rel @p0 .LBB2_1-.Ltmp0, $4  }
0x24b: {  	[hbm4b:s4+s2] =	stream.linear.scatter [tilespmem:s7], [sflag:$0x1], $0x400, $0x38;
	[tilespmem:$0x800] =	vst v63  }
0x24c: {  	_ =	swait.ge [sflag:s6], $0x400  }
0x24d: {  	[sflag:s6] =	ssyncset.done $0x0  }
0x24e: {  	s5 =	sadd.s32 $0xFFFFFFFF, s5;
	[sflag:s6] =	ssyncadd.s32 $0xFFFFFC00  }
0x24f: {  	_ =	sfence.sel $0x180000  }
0x250: {  	[bflag:$0x0] =	sbarrier.arrive $0xFFFF  }
0x251: {  	p0 =	sne.s32 s1, $0x0;
	_ =	strace $0x90000047  }
0x252: {  	s0 =	sadd.s32 @!p0 $0x100000, s0;
	[bflag:$0x2] =	sbarrier.arrive $0xFFFF  }
0x253: {  	[sflag:s0] =	ssyncadd.tile.s32 @!p0 $0x1;
	_ =	shalt  }
.Lfunc_end2:
_tile_overlayer_lowered:
.L_overlay_start_2:
0x254: {  	(tag) =	ssettag $0x2  }
0x255: {  	s0 =	rddreg [dreg:$0x0];
	s2 =	stileid.u32  }
0x256: {  	s1 =	rddreg [dreg:$0x1];
	p0 =	sne.s32 s2, $0x0  }
0x257: {  	s3 =	rddreg [dreg:$0x2];
	[bflag:$0x3] =	sbarrier.arrive $0xFFFF;
	s2 =	simm.s32 @!p0 $0x1C01  }
0x258: {  	[timem:s3], [sflag:s2] =	dma.local @!p0 [hbm:s0], s1  }
0x259: {  	s0 =	simm.s32 @!p0 $0x1  }
0x25a: {  	_ =	swait.ge @!p0 [sflag:s0], s1  }
0x25b: {  	s1 =	ssub.s32 @!p0 $0x0, s1;
	[sflag:s0] =	ssyncset.done @!p0 $0x0  }
0x25c: {  	[sflag:s0] =	ssyncadd.s32 @!p0 s1  }
0x25d: {  	[bflag:$0x3] =	sbarrier.arrive $0xFFFF  }
0x25e: {  	_ =	shalt  }

</sc_bundles>
